<compile_context>
chip_gen: v7x
topology: tpu7x:2x2x1
jax: 0.10.2.dev20260603
libtpu: 0.0.44.dev20260713+nightly
codegen_flags: <defaults>
</compile_context>

<pallas_src>
import functools

import jax
import jax.numpy as jnp
from jax import lax
from jax.experimental import pallas as pl
from jax.experimental.pallas import tpu as pltpu
from jax.experimental.pallas import tpu_sc as plsc

_NC = 2
_NS = 16
_NW = _NC * _NS

_USER_DIM = 64
_GENDER_DIM = 8
_AGE_DIM = 16
_OCC_DIM = 32
_ATTR_DIM = _GENDER_DIM + _AGE_DIM + _OCC_DIM
_IN_SIZE = _USER_DIM + _ATTR_DIM
_FINAL = 128


def _sc_gather_user(sample, user_id_emb):
    batch = sample.shape[0]
    bpw = batch // _NW

    mesh = plsc.VectorSubcoreMesh(core_axis_name="c", subcore_axis_name="s")

    @functools.partial(
        pl.kernel,
        out_type=jax.ShapeDtypeStruct((batch, _USER_DIM), jnp.float32),
        mesh=mesh,
        compiler_params=pltpu.CompilerParams(use_tc_tiling_on_sc=True),
        scratch_types=[
            pltpu.VMEM((bpw,), jnp.int32),
            pltpu.VMEM((bpw, _USER_DIM), jnp.float32),
            pltpu.SemaphoreType.DMA,
        ],
    )
    def user_kernel(sample_h, ue_h, out_h, idx_v, fu_v, sem_u):
        wid = lax.axis_index("s") * _NC + lax.axis_index("c")
        base = wid * bpw
        pltpu.sync_copy(sample_h.at[pl.ds(base, bpw)], idx_v)
        cps = []
        for g in range(bpw // 16):
            vg = idx_v[pl.ds(g * 16, 16)]
            for j in range(16):
                r = vg[j]
                cps.append(pltpu.async_copy(
                    ue_h.at[pl.ds(r, 1), :],
                    fu_v.at[pl.ds(g * 16 + j, 1), :],
                    sem_u))
        for cp in cps:
            cp.wait()
        pltpu.sync_copy(fu_v, out_h.at[pl.ds(base, bpw), :])

    return user_kernel(sample, user_id_emb)


def _sc_gather_attrs(sample, map_gender, map_age, map_occupation,
                     gender_emb, age_emb, occupation_emb):
    batch = sample.shape[0]
    bpw = batch // _NW

    mesh = plsc.VectorSubcoreMesh(core_axis_name="c", subcore_axis_name="s")

    @functools.partial(
        pl.kernel,
        out_type=jax.ShapeDtypeStruct((batch, _FINAL), jnp.float32),
        mesh=mesh,
        compiler_params=pltpu.CompilerParams(use_tc_tiling_on_sc=False),
        scratch_types=[
            pltpu.VMEM((bpw,), jnp.int32),
            pltpu.VMEM((bpw,), jnp.int32),
            pltpu.VMEM((bpw,), jnp.int32),
            pltpu.VMEM((bpw,), jnp.int32),
            pltpu.VMEM((bpw, _GENDER_DIM), jnp.float32),
            pltpu.VMEM((bpw, _AGE_DIM), jnp.float32),
            pltpu.VMEM((bpw, _OCC_DIM), jnp.float32),
            pltpu.SemaphoreType.DMA,
            pltpu.SemaphoreType.DMA,
            pltpu.SemaphoreType.DMA,
        ],
    )
    def attr_kernel(sample_h, mg_h, ma_h, mo_h, ge_h, ae_h, oe_h,
                    feats_o,
                    idx_v, gid_v, aid_v, oid_v, fg_v, fa_v, fo_v,
                    sem_g, sem_a, sem_o):
        wid = lax.axis_index("s") * _NC + lax.axis_index("c")
        base = wid * bpw
        pltpu.sync_copy(sample_h.at[pl.ds(base, bpw)], idx_v)
        cp_g = pltpu.async_copy(mg_h.at[idx_v], gid_v, sem_g)
        cp_a = pltpu.async_copy(ma_h.at[idx_v], aid_v, sem_a)
        cp_o = pltpu.async_copy(mo_h.at[idx_v], oid_v, sem_o)
        cp_g.wait()
        cp_g2 = pltpu.async_copy(ge_h.at[gid_v], fg_v, sem_g)
        cp_a.wait()
        cp_a2 = pltpu.async_copy(ae_h.at[aid_v], fa_v, sem_a)
        cp_o.wait()
        cp_o2 = pltpu.async_copy(oe_h.at[oid_v], fo_v, sem_o)
        cp_g2.wait()
        wr_g = pltpu.async_copy(
            fg_v, feats_o.at[pl.ds(base, bpw), pl.ds(0, _GENDER_DIM)], sem_g)
        cp_a2.wait()
        wr_a = pltpu.async_copy(
            fa_v, feats_o.at[pl.ds(base, bpw), pl.ds(_GENDER_DIM, _AGE_DIM)],
            sem_a)
        cp_o2.wait()
        wr_o = pltpu.async_copy(
            fo_v, feats_o.at[pl.ds(base, bpw), pl.ds(24, _OCC_DIM)], sem_o)
        wr_g.wait()
        wr_a.wait()
        wr_o.wait()

    return attr_kernel(sample, map_gender, map_age, map_occupation,
                       gender_emb, age_emb, occupation_emb)


def _tc_mlp(f_user, f_attr, W, b):
    batch = f_user.shape[0]
    bm = 1024

    def body(fu_r, fa_r, w_r, b_r, o_r):
        xu = fu_r[...]
        xa = fa_r[...][:, :_ATTR_DIM]
        w = w_r[...]
        acc = jnp.dot(xu, w[:_USER_DIM], preferred_element_type=jnp.float32)
        acc += jnp.dot(xa, w[_USER_DIM:_IN_SIZE],
                       preferred_element_type=jnp.float32)
        o_r[...] = jnp.maximum(acc + b_r[...].reshape(1, _FINAL), 0.0)

    return pl.pallas_call(
        body,
        grid=(batch // bm,),
        in_specs=[
            pl.BlockSpec((bm, _USER_DIM), lambda i: (i, 0)),
            pl.BlockSpec((bm, _FINAL), lambda i: (i, 0)),
            pl.BlockSpec((_IN_SIZE, _FINAL), lambda i: (0, 0)),
            pl.BlockSpec((_FINAL,), lambda i: (0,)),
        ],
        out_specs=pl.BlockSpec((bm, _FINAL), lambda i: (i, 0)),
        out_shape=jax.ShapeDtypeStruct((batch, _FINAL), jnp.float32),
    )(f_user, f_attr, W, b)


def kernel(sample, map_gender, map_age, map_occupation, user_id_emb,
           gender_emb, age_emb, occupation_emb, W, b):
    f_user = _sc_gather_user(sample, user_id_emb)
    f_attr = _sc_gather_attrs(sample, map_gender, map_age, map_occupation,
                              gender_emb, age_emb, occupation_emb)
    return _tc_mlp(f_user, f_attr, W, b)

# --- scband reference (transcript-rebuilt; emitter-appended) ---
"""Pipeline reference for scband-user-feat-30150670418290 (READ-ONLY COPY).

The authoritative reference and input builder live on the scoring server;
editing this copy changes nothing except your own understanding.
"""

import jax, jax.numpy as jnp
import numpy as np

USER_NUM = 100000
USER_DIM = 64
GENDER_NUM = 3
GENDER_DIM = 8
AGE_NUM = 100
AGE_DIM = 16
OCC_NUM = 1000
OCC_DIM = 32
IN_SIZE = USER_DIM + GENDER_DIM + AGE_DIM + OCC_DIM  # 120
FINAL = 128
BATCH = 4096


def _xavier(key, shape):
    fan_in, fan_out = shape[0], shape[1]
    std = np.sqrt(2.0 / (fan_in + fan_out))
    return jax.random.normal(key, shape, dtype=jnp.float32) * std


def setup_inputs(seed: int = 0) -> dict:
    key = jax.random.key(seed)
    ks = jax.random.split(key, 11)
    sample = jax.random.randint(ks[0], (BATCH,), 0, USER_NUM, dtype=jnp.int32)
    # map_vocab: per-user attribute ids (built from user_vocab in the original)
    map_gender = jax.random.randint(ks[1], (USER_NUM,), 0, GENDER_NUM, dtype=jnp.int32)
    map_age = jax.random.randint(ks[2], (USER_NUM,), 0, AGE_NUM, dtype=jnp.int32)
    map_occupation = jax.random.randint(ks[3], (USER_NUM,), 0, OCC_NUM, dtype=jnp.int32)
    # embedding tables (xavier_normal init)
    user_id_emb = _xavier(ks[4], (USER_NUM, USER_DIM))
    gender_emb = _xavier(ks[5], (GENDER_NUM, GENDER_DIM))
    age_emb = _xavier(ks[6], (AGE_NUM, AGE_DIM))
    occupation_emb = _xavier(ks[7], (OCC_NUM, OCC_DIM))
    # user_trans MLP (size 120 != final_emb_size 128 -> FullyConnectedLayer with relu)
    W = _xavier(ks[8], (IN_SIZE, FINAL))
    b = jnp.zeros((FINAL,), dtype=jnp.float32)
    return {
        "sample": sample,
        "map_gender": map_gender,
        "map_age": map_age,
        "map_occupation": map_occupation,
        "user_id_emb": user_id_emb,
        "gender_emb": gender_emb,
        "age_emb": age_emb,
        "occupation_emb": occupation_emb,
        "W": W,
        "b": b,
    }


def reference(sample, map_gender, map_age, map_occupation, user_id_emb, gender_emb, age_emb, occupation_emb, W, b):
    # attr 'user_id': index = sample directly
    f_user = jnp.take(user_id_emb, sample, axis=0)
    # other attrs: index = map_vocab[attr][sample]
    f_gender = jnp.take(gender_emb, jnp.take(map_gender, sample, axis=0), axis=0)
    f_age = jnp.take(age_emb, jnp.take(map_age, sample, axis=0), axis=0)
    f_occ = jnp.take(occupation_emb, jnp.take(map_occupation, sample, axis=0), axis=0)
    feats = jnp.concatenate([f_user, f_gender, f_age, f_occ], axis=-1)
    # user_trans: Linear(120 -> 128) + relu (dropout is identity in eval)
    out = jax.nn.relu(feats @ W + b)
    return out

if __name__ == "__main__":
    import jax
    _d = setup_inputs()
    print(jax.jit(kernel)(*tuple(_d.values())))

</pallas_src>

<mosaic_0001>
#map = affine_map<(d0, d1) -> (0)>
#map1 = affine_map<(d0, d1) -> (0, 0)>
module attributes {stable_mosaic.version = 14 : i64} {
  func.func @attr_kernel(%arg0: i32, %arg1: i32, %arg2: memref<4096xi32, #tpu.memory_space<hbm>>, %arg3: memref<100000xi32, #tpu.memory_space<hbm>>, %arg4: memref<100000xi32, #tpu.memory_space<hbm>>, %arg5: memref<100000xi32, #tpu.memory_space<hbm>>, %arg6: memref<3x8xf32, #tpu.memory_space<hbm>>, %arg7: memref<100x16xf32, #tpu.memory_space<hbm>>, %arg8: memref<1000x32xf32, #tpu.memory_space<hbm>>, %arg9: memref<4096x128xf32, #tpu.memory_space<hbm>>, %arg10: memref<128xi32, #tpu.memory_space<vmem>>, %arg11: memref<128xi32, #tpu.memory_space<vmem>>, %arg12: memref<128xi32, #tpu.memory_space<vmem>>, %arg13: memref<128xi32, #tpu.memory_space<vmem>>, %arg14: memref<128x8xf32, #tpu.memory_space<vmem>>, %arg15: memref<128x16xf32, #tpu.memory_space<vmem>>, %arg16: memref<128x32xf32, #tpu.memory_space<vmem>>, %arg17: memref<!tpu.dma_semaphore, #tpu.memory_space<semaphore_mem>>, %arg18: memref<!tpu.dma_semaphore, #tpu.memory_space<semaphore_mem>>, %arg19: memref<!tpu.dma_semaphore, #tpu.memory_space<semaphore_mem>>) attributes {dimension_semantics = [#tpu.dimension_semantics<core_parallel>, #tpu.dimension_semantics<subcore_parallel>], iteration_bounds = array<i64: 2, 16>, scalar_prefetch = 0 : i64, scratch_operands = 10 : i64, tpu.core_type = #tpu.core_type<sc_vector_subcore>, window_params = [{transform_indices = #map}, {transform_indices = #map}, {transform_indices = #map}, {transform_indices = #map}, {transform_indices = #map1}, {transform_indices = #map1}, {transform_indices = #map1}, {transform_indices = #map1}]} {
    %mul3A = arith.constant 2 : i32
    %mul3A_0 = arith.muli %arg1, %mul3A : i32
    %add3A = arith.addi %mul3A_0, %arg0 : i32
    %mul3A_1 = arith.constant 128 : i32
    %mul3A_2 = arith.muli %add3A, %mul3A_1 : i32
    "tpu.region"() ({
      %run_scoped3A = tpu.sem_alloc : memref<!tpu.dma_semaphore, #tpu.memory_space<semaphore_mem>>
      %dma_start3A_55 = tpu.memref_slice %arg2[%mul3A_2] : memref<4096xi32, #tpu.memory_space<hbm>> -> memref<128xi32, #tpu.memory_space<hbm>>
      %dma_start3A_56 = tpu.memref_slice %arg2[%mul3A_2] : memref<4096xi32, #tpu.memory_space<hbm>> -> memref<128xi32, #tpu.memory_space<hbm>>
      tpu.enqueue_dma source(%dma_start3A_56 : memref<128xi32, #tpu.memory_space<hbm>>) target(%arg10 : memref<128xi32, #tpu.memory_space<vmem>>) target_semaphore(%run_scoped3A : memref<!tpu.dma_semaphore, #tpu.memory_space<semaphore_mem>>)
      %dma_wait3A_57 = tpu.memref_slice %arg2[%mul3A_2] : memref<4096xi32, #tpu.memory_space<hbm>> -> memref<128xi32, #tpu.memory_space<hbm>>
      %dma_wait3A_58 = tpu.memref_slice %arg2[%mul3A_2] : memref<4096xi32, #tpu.memory_space<hbm>> -> memref<128xi32, #tpu.memory_space<hbm>>
      tpu.wait_dma2 semaphore(%run_scoped3A : memref<!tpu.dma_semaphore, #tpu.memory_space<semaphore_mem>>) src(%dma_wait3A_58 : memref<128xi32, #tpu.memory_space<hbm>>) dst(%arg10 : memref<128xi32, #tpu.memory_space<vmem>>)
      tpu.yield
    }) : () -> ()
    %dma_start3A = arith.constant 0 : i32
    %dma_start3A_3 = tpu.memref_slice %arg3[%dma_start3A] : memref<100000xi32, #tpu.memory_space<hbm>> -> memref<100000xi32, #tpu.memory_space<hbm>>
    tpu.enqueue_indirect_dma source(%dma_start3A_3 : memref<100000xi32, #tpu.memory_space<hbm>>) target(%arg11 : memref<128xi32, #tpu.memory_space<vmem>>) offsets(%arg10 : memref<128xi32, #tpu.memory_space<vmem>>) semaphore(%arg17 : memref<!tpu.dma_semaphore, #tpu.memory_space<semaphore_mem>>)
    %dma_start3A_4 = arith.constant 0 : i32
    %dma_start3A_5 = tpu.memref_slice %arg4[%dma_start3A_4] : memref<100000xi32, #tpu.memory_space<hbm>> -> memref<100000xi32, #tpu.memory_space<hbm>>
    tpu.enqueue_indirect_dma source(%dma_start3A_5 : memref<100000xi32, #tpu.memory_space<hbm>>) target(%arg12 : memref<128xi32, #tpu.memory_space<vmem>>) offsets(%arg10 : memref<128xi32, #tpu.memory_space<vmem>>) semaphore(%arg18 : memref<!tpu.dma_semaphore, #tpu.memory_space<semaphore_mem>>)
    %dma_start3A_6 = arith.constant 0 : i32
    %dma_start3A_7 = tpu.memref_slice %arg5[%dma_start3A_6] : memref<100000xi32, #tpu.memory_space<hbm>> -> memref<100000xi32, #tpu.memory_space<hbm>>
    tpu.enqueue_indirect_dma source(%dma_start3A_7 : memref<100000xi32, #tpu.memory_space<hbm>>) target(%arg13 : memref<128xi32, #tpu.memory_space<vmem>>) offsets(%arg10 : memref<128xi32, #tpu.memory_space<vmem>>) semaphore(%arg19 : memref<!tpu.dma_semaphore, #tpu.memory_space<semaphore_mem>>)
    %dma_wait3A = arith.constant 0 : i32
    %dma_wait3A_8 = tpu.memref_slice %arg3[%dma_wait3A] : memref<100000xi32, #tpu.memory_space<hbm>> -> memref<100000xi32, #tpu.memory_space<hbm>>
    tpu.wait_indirect_dma semaphore(%arg17 : memref<!tpu.dma_semaphore, #tpu.memory_space<semaphore_mem>>) src(%dma_wait3A_8 : memref<100000xi32, #tpu.memory_space<hbm>>) dst(%arg11 : memref<128xi32, #tpu.memory_space<vmem>>)
    %dma_start3A_9 = arith.constant 0 : i32
    %dma_start3A_10 = arith.constant 0 : i32
    %dma_start3A_11 = tpu.memref_slice %arg6[%dma_start3A_9, %dma_start3A_10] : memref<3x8xf32, #tpu.memory_space<hbm>> -> memref<3x8xf32, #tpu.memory_space<hbm>>
    tpu.enqueue_indirect_dma source(%dma_start3A_11 : memref<3x8xf32, #tpu.memory_space<hbm>>) target(%arg14 : memref<128x8xf32, #tpu.memory_space<vmem>>) offsets(%arg11 : memref<128xi32, #tpu.memory_space<vmem>>) semaphore(%arg17 : memref<!tpu.dma_semaphore, #tpu.memory_space<semaphore_mem>>)
    %dma_wait3A_12 = arith.constant 0 : i32
    %dma_wait3A_13 = tpu.memref_slice %arg4[%dma_wait3A_12] : memref<100000xi32, #tpu.memory_space<hbm>> -> memref<100000xi32, #tpu.memory_space<hbm>>
    tpu.wait_indirect_dma semaphore(%arg18 : memref<!tpu.dma_semaphore, #tpu.memory_space<semaphore_mem>>) src(%dma_wait3A_13 : memref<100000xi32, #tpu.memory_space<hbm>>) dst(%arg12 : memref<128xi32, #tpu.memory_space<vmem>>)
    %dma_start3A_14 = arith.constant 0 : i32
    %dma_start3A_15 = arith.constant 0 : i32
    %dma_start3A_16 = tpu.memref_slice %arg7[%dma_start3A_14, %dma_start3A_15] : memref<100x16xf32, #tpu.memory_space<hbm>> -> memref<100x16xf32, #tpu.memory_space<hbm>>
    tpu.enqueue_indirect_dma source(%dma_start3A_16 : memref<100x16xf32, #tpu.memory_space<hbm>>) target(%arg15 : memref<128x16xf32, #tpu.memory_space<vmem>>) offsets(%arg12 : memref<128xi32, #tpu.memory_space<vmem>>) semaphore(%arg18 : memref<!tpu.dma_semaphore, #tpu.memory_space<semaphore_mem>>)
    %dma_wait3A_17 = arith.constant 0 : i32
    %dma_wait3A_18 = tpu.memref_slice %arg5[%dma_wait3A_17] : memref<100000xi32, #tpu.memory_space<hbm>> -> memref<100000xi32, #tpu.memory_space<hbm>>
    tpu.wait_indirect_dma semaphore(%arg19 : memref<!tpu.dma_semaphore, #tpu.memory_space<semaphore_mem>>) src(%dma_wait3A_18 : memref<100000xi32, #tpu.memory_space<hbm>>) dst(%arg13 : memref<128xi32, #tpu.memory_space<vmem>>)
    %dma_start3A_19 = arith.constant 0 : i32
    %dma_start3A_20 = arith.constant 0 : i32
    %dma_start3A_21 = tpu.memref_slice %arg8[%dma_start3A_19, %dma_start3A_20] : memref<1000x32xf32, #tpu.memory_space<hbm>> -> memref<1000x32xf32, #tpu.memory_space<hbm>>
    tpu.enqueue_indirect_dma source(%dma_start3A_21 : memref<1000x32xf32, #tpu.memory_space<hbm>>) target(%arg16 : memref<128x32xf32, #tpu.memory_space<vmem>>) offsets(%arg13 : memref<128xi32, #tpu.memory_space<vmem>>) semaphore(%arg19 : memref<!tpu.dma_semaphore, #tpu.memory_space<semaphore_mem>>)
    %dma_wait3A_22 = arith.constant 0 : i32
    %dma_wait3A_23 = arith.constant 0 : i32
    %dma_wait3A_24 = tpu.memref_slice %arg6[%dma_wait3A_22, %dma_wait3A_23] : memref<3x8xf32, #tpu.memory_space<hbm>> -> memref<3x8xf32, #tpu.memory_space<hbm>>
    tpu.wait_indirect_dma semaphore(%arg17 : memref<!tpu.dma_semaphore, #tpu.memory_space<semaphore_mem>>) src(%dma_wait3A_24 : memref<3x8xf32, #tpu.memory_space<hbm>>) dst(%arg14 : memref<128x8xf32, #tpu.memory_space<vmem>>)
    %dma_start3A_25 = arith.constant 0 : i32
    %dma_start3A_26 = tpu.memref_slice %arg9[%mul3A_2, %dma_start3A_25] : memref<4096x128xf32, #tpu.memory_space<hbm>> -> memref<128x8xf32, #tpu.memory_space<hbm>>
    %dma_start3A_27 = arith.constant 0 : i32
    %dma_start3A_28 = tpu.memref_slice %arg9[%mul3A_2, %dma_start3A_27] : memref<4096x128xf32, #tpu.memory_space<hbm>> -> memref<128x8xf32, #tpu.memory_space<hbm>>
    tpu.enqueue_dma source(%arg14 : memref<128x8xf32, #tpu.memory_space<vmem>>) target(%dma_start3A_28 : memref<128x8xf32, #tpu.memory_space<hbm>>) target_semaphore(%arg17 : memref<!tpu.dma_semaphore, #tpu.memory_space<semaphore_mem>>)
    %dma_wait3A_29 = arith.constant 0 : i32
    %dma_wait3A_30 = arith.constant 0 : i32
    %dma_wait3A_31 = tpu.memref_slice %arg7[%dma_wait3A_29, %dma_wait3A_30] : memref<100x16xf32, #tpu.memory_space<hbm>> -> memref<100x16xf32, #tpu.memory_space<hbm>>
    tpu.wait_indirect_dma semaphore(%arg18 : memref<!tpu.dma_semaphore, #tpu.memory_space<semaphore_mem>>) src(%dma_wait3A_31 : memref<100x16xf32, #tpu.memory_space<hbm>>) dst(%arg15 : memref<128x16xf32, #tpu.memory_space<vmem>>)
    %dma_start3A_32 = arith.constant 8 : i32
    %dma_start3A_33 = tpu.memref_slice %arg9[%mul3A_2, %dma_start3A_32] : memref<4096x128xf32, #tpu.memory_space<hbm>> -> memref<128x16xf32, #tpu.memory_space<hbm>>
    %dma_start3A_34 = arith.constant 8 : i32
    %dma_start3A_35 = tpu.memref_slice %arg9[%mul3A_2, %dma_start3A_34] : memref<4096x128xf32, #tpu.memory_space<hbm>> -> memref<128x16xf32, #tpu.memory_space<hbm>>
    tpu.enqueue_dma source(%arg15 : memref<128x16xf32, #tpu.memory_space<vmem>>) target(%dma_start3A_35 : memref<128x16xf32, #tpu.memory_space<hbm>>) target_semaphore(%arg18 : memref<!tpu.dma_semaphore, #tpu.memory_space<semaphore_mem>>)
    %dma_wait3A_36 = arith.constant 0 : i32
    %dma_wait3A_37 = arith.constant 0 : i32
    %dma_wait3A_38 = tpu.memref_slice %arg8[%dma_wait3A_36, %dma_wait3A_37] : memref<1000x32xf32, #tpu.memory_space<hbm>> -> memref<1000x32xf32, #tpu.memory_space<hbm>>
    tpu.wait_indirect_dma semaphore(%arg19 : memref<!tpu.dma_semaphore, #tpu.memory_space<semaphore_mem>>) src(%dma_wait3A_38 : memref<1000x32xf32, #tpu.memory_space<hbm>>) dst(%arg16 : memref<128x32xf32, #tpu.memory_space<vmem>>)
    %dma_start3A_39 = arith.constant 24 : i32
    %dma_start3A_40 = tpu.memref_slice %arg9[%mul3A_2, %dma_start3A_39] : memref<4096x128xf32, #tpu.memory_space<hbm>> -> memref<128x32xf32, #tpu.memory_space<hbm>>
    %dma_start3A_41 = arith.constant 24 : i32
    %dma_start3A_42 = tpu.memref_slice %arg9[%mul3A_2, %dma_start3A_41] : memref<4096x128xf32, #tpu.memory_space<hbm>> -> memref<128x32xf32, #tpu.memory_space<hbm>>
    tpu.enqueue_dma source(%arg16 : memref<128x32xf32, #tpu.memory_space<vmem>>) target(%dma_start3A_42 : memref<128x32xf32, #tpu.memory_space<hbm>>) target_semaphore(%arg19 : memref<!tpu.dma_semaphore, #tpu.memory_space<semaphore_mem>>)
    %dma_wait3A_43 = arith.constant 0 : i32
    %dma_wait3A_44 = tpu.memref_slice %arg9[%mul3A_2, %dma_wait3A_43] : memref<4096x128xf32, #tpu.memory_space<hbm>> -> memref<128x8xf32, #tpu.memory_space<hbm>>
    %dma_wait3A_45 = arith.constant 0 : i32
    %dma_wait3A_46 = tpu.memref_slice %arg9[%mul3A_2, %dma_wait3A_45] : memref<4096x128xf32, #tpu.memory_space<hbm>> -> memref<128x8xf32, #tpu.memory_space<hbm>>
    tpu.wait_dma2 semaphore(%arg17 : memref<!tpu.dma_semaphore, #tpu.memory_space<semaphore_mem>>) src(%arg14 : memref<128x8xf32, #tpu.memory_space<vmem>>) dst(%dma_wait3A_46 : memref<128x8xf32, #tpu.memory_space<hbm>>)
    %dma_wait3A_47 = arith.constant 8 : i32
    %dma_wait3A_48 = tpu.memref_slice %arg9[%mul3A_2, %dma_wait3A_47] : memref<4096x128xf32, #tpu.memory_space<hbm>> -> memref<128x16xf32, #tpu.memory_space<hbm>>
    %dma_wait3A_49 = arith.constant 8 : i32
    %dma_wait3A_50 = tpu.memref_slice %arg9[%mul3A_2, %dma_wait3A_49] : memref<4096x128xf32, #tpu.memory_space<hbm>> -> memref<128x16xf32, #tpu.memory_space<hbm>>
    tpu.wait_dma2 semaphore(%arg18 : memref<!tpu.dma_semaphore, #tpu.memory_space<semaphore_mem>>) src(%arg15 : memref<128x16xf32, #tpu.memory_space<vmem>>) dst(%dma_wait3A_50 : memref<128x16xf32, #tpu.memory_space<hbm>>)
    %dma_wait3A_51 = arith.constant 24 : i32
    %dma_wait3A_52 = tpu.memref_slice %arg9[%mul3A_2, %dma_wait3A_51] : memref<4096x128xf32, #tpu.memory_space<hbm>> -> memref<128x32xf32, #tpu.memory_space<hbm>>
    %dma_wait3A_53 = arith.constant 24 : i32
    %dma_wait3A_54 = tpu.memref_slice %arg9[%mul3A_2, %dma_wait3A_53] : memref<4096x128xf32, #tpu.memory_space<hbm>> -> memref<128x32xf32, #tpu.memory_space<hbm>>
    tpu.wait_dma2 semaphore(%arg19 : memref<!tpu.dma_semaphore, #tpu.memory_space<semaphore_mem>>) src(%arg16 : memref<128x32xf32, #tpu.memory_space<vmem>>) dst(%dma_wait3A_54 : memref<128x32xf32, #tpu.memory_space<hbm>>)
    return
  }
}

#map = affine_map<(d0, d1) -> (0)>
#map1 = affine_map<(d0, d1) -> (0, 0)>
module attributes {stable_mosaic.version = 14 : i64} {
  func.func @user_kernel(%arg0: i32, %arg1: i32, %arg2: memref<4096xi32, #tpu.memory_space<hbm>>, %arg3: memref<100000x64xf32, #tpu.memory_space<hbm>>, %arg4: memref<4096x64xf32, #tpu.memory_space<hbm>>, %arg5: memref<128xi32, #tpu.memory_space<vmem>>, %arg6: memref<128x64xf32, #tpu.memory_space<vmem>>, %arg7: memref<!tpu.dma_semaphore, #tpu.memory_space<semaphore_mem>>) attributes {dimension_semantics = [#tpu.dimension_semantics<core_parallel>, #tpu.dimension_semantics<subcore_parallel>], iteration_bounds = array<i64: 2, 16>, scalar_prefetch = 0 : i64, scratch_operands = 3 : i64, tpu.core_type = #tpu.core_type<sc_vector_subcore>, window_params = [{transform_indices = #map}, {transform_indices = #map1}, {transform_indices = #map1}]} {
    %mul3A = arith.constant 2 : i32
    %mul3A_0 = arith.muli %arg1, %mul3A : i32
    %add3A = arith.addi %mul3A_0, %arg0 : i32
    %mul3A_1 = arith.constant 128 : i32
    %mul3A_2 = arith.muli %add3A, %mul3A_1 : i32
    "tpu.region"() ({
      %run_scoped3A = tpu.sem_alloc : memref<!tpu.dma_semaphore, #tpu.memory_space<semaphore_mem>>
      %dma_start3A_2838 = tpu.memref_slice %arg2[%mul3A_2] : memref<4096xi32, #tpu.memory_space<hbm>> -> memref<128xi32, #tpu.memory_space<hbm>>
      %dma_start3A_2839 = tpu.memref_slice %arg2[%mul3A_2] : memref<4096xi32, #tpu.memory_space<hbm>> -> memref<128xi32, #tpu.memory_space<hbm>>
      tpu.enqueue_dma source(%dma_start3A_2839 : memref<128xi32, #tpu.memory_space<hbm>>) target(%arg5 : memref<128xi32, #tpu.memory_space<vmem>>) target_semaphore(%run_scoped3A : memref<!tpu.dma_semaphore, #tpu.memory_space<semaphore_mem>>)
      %dma_wait3A_2840 = tpu.memref_slice %arg2[%mul3A_2] : memref<4096xi32, #tpu.memory_space<hbm>> -> memref<128xi32, #tpu.memory_space<hbm>>
      %dma_wait3A_2841 = tpu.memref_slice %arg2[%mul3A_2] : memref<4096xi32, #tpu.memory_space<hbm>> -> memref<128xi32, #tpu.memory_space<hbm>>
      tpu.wait_dma2 semaphore(%run_scoped3A : memref<!tpu.dma_semaphore, #tpu.memory_space<semaphore_mem>>) src(%dma_wait3A_2841 : memref<128xi32, #tpu.memory_space<hbm>>) dst(%arg5 : memref<128xi32, #tpu.memory_space<vmem>>)
      tpu.yield
    }) : () -> ()
    %get3A = arith.constant 0 : index
    %get3A_3 = tpu.vector_load %arg5[%get3A] {strides = array<i32>} : memref<128xi32, #tpu.memory_space<vmem>>, vector<16xi32>,
    %get3A_4 = vector.shape_cast %get3A_3 : vector<16xi32> to vector<16xi32>
    %slice3A = vector.extract_strided_slice %get3A_4 {offsets = [0], sizes = [1], strides = [1]} : vector<16xi32> to vector<1xi32>
    %squeeze3A = vector.extract %slice3A[0] : i32 from vector<1xi32>
    %dma_start3A = arith.constant 0 : i32
    %dma_start3A_5 = arith.constant 0 : i32
    %dma_start3A_6 = tpu.memref_slice %arg6[%dma_start3A, %dma_start3A_5] : memref<128x64xf32, #tpu.memory_space<vmem>> -> memref<1x64xf32, #tpu.memory_space<vmem>>
    %dma_start3A_7 = arith.constant 0 : i32
    %dma_start3A_8 = tpu.memref_slice %arg3[%squeeze3A, %dma_start3A_7] : memref<100000x64xf32, #tpu.memory_space<hbm>> -> memref<1x64xf32, #tpu.memory_space<hbm>>
    %dma_start3A_9 = arith.constant 0 : i32
    %dma_start3A_10 = arith.constant 0 : i32
    %dma_start3A_11 = tpu.memref_slice %arg6[%dma_start3A_9, %dma_start3A_10] : memref<128x64xf32, #tpu.memory_space<vmem>> -> memref<1x64xf32, #tpu.memory_space<vmem>>
    %dma_start3A_12 = arith.constant 0 : i32
    %dma_start3A_13 = tpu.memref_slice %arg3[%squeeze3A, %dma_start3A_12] : memref<100000x64xf32, #tpu.memory_space<hbm>> -> memref<1x64xf32, #tpu.memory_space<hbm>>
    tpu.enqueue_dma source(%dma_start3A_13 : memref<1x64xf32, #tpu.memory_space<hbm>>) target(%dma_start3A_11 : memref<1x64xf32, #tpu.memory_space<vmem>>) target_semaphore(%arg7 : memref<!tpu.dma_semaphore, #tpu.memory_space<semaphore_mem>>)
    %slice3A_14 = vector.extract_strided_slice %get3A_4 {offsets = [1], sizes = [1], strides = [1]} : vector<16xi32> to vector<1xi32>
    %squeeze3A_15 = vector.extract %slice3A_14[0] : i32 from vector<1xi32>
    %dma_start3A_16 = arith.constant 1 : i32
    %dma_start3A_17 = arith.constant 0 : i32
    %dma_start3A_18 = tpu.memref_slice %arg6[%dma_start3A_16, %dma_start3A_17] : memref<128x64xf32, #tpu.memory_space<vmem>> -> memref<1x64xf32, #tpu.memory_space<vmem>>
    %dma_start3A_19 = arith.constant 0 : i32
    %dma_start3A_20 = tpu.memref_slice %arg3[%squeeze3A_15, %dma_start3A_19] : memref<100000x64xf32, #tpu.memory_space<hbm>> -> memref<1x64xf32, #tpu.memory_space<hbm>>
    %dma_start3A_21 = arith.constant 1 : i32
    %dma_start3A_22 = arith.constant 0 : i32
    %dma_start3A_23 = tpu.memref_slice %arg6[%dma_start3A_21, %dma_start3A_22] : memref<128x64xf32, #tpu.memory_space<vmem>> -> memref<1x64xf32, #tpu.memory_space<vmem>>
    %dma_start3A_24 = arith.constant 0 : i32
    %dma_start3A_25 = tpu.memref_slice %arg3[%squeeze3A_15, %dma_start3A_24] : memref<100000x64xf32, #tpu.memory_space<hbm>> -> memref<1x64xf32, #tpu.memory_space<hbm>>
    tpu.enqueue_dma source(%dma_start3A_25 : memref<1x64xf32, #tpu.memory_space<hbm>>) target(%dma_start3A_23 : memref<1x64xf32, #tpu.memory_space<vmem>>) target_semaphore(%arg7 : memref<!tpu.dma_semaphore, #tpu.memory_space<semaphore_mem>>)
    %slice3A_26 = vector.extract_strided_slice %get3A_4 {offsets = [2], sizes = [1], strides = [1]} : vector<16xi32> to vector<1xi32>
    %squeeze3A_27 = vector.extract %slice3A_26[0] : i32 from vector<1xi32>
    %dma_start3A_28 = arith.constant 2 : i32
    %dma_start3A_29 = arith.constant 0 : i32
    %dma_start3A_30 = tpu.memref_slice %arg6[%dma_start3A_28, %dma_start3A_29] : memref<128x64xf32, #tpu.memory_space<vmem>> -> memref<1x64xf32, #tpu.memory_space<vmem>>
    %dma_start3A_31 = arith.constant 0 : i32
    %dma_start3A_32 = tpu.memref_slice %arg3[%squeeze3A_27, %dma_start3A_31] : memref<100000x64xf32, #tpu.memory_space<hbm>> -> memref<1x64xf32, #tpu.memory_space<hbm>>
    %dma_start3A_33 = arith.constant 2 : i32
    %dma_start3A_34 = arith.constant 0 : i32
    %dma_start3A_35 = tpu.memref_slice %arg6[%dma_start3A_33, %dma_start3A_34] : memref<128x64xf32, #tpu.memory_space<vmem>> -> memref<1x64xf32, #tpu.memory_space<vmem>>
    %dma_start3A_36 = arith.constant 0 : i32
    %dma_start3A_37 = tpu.memref_slice %arg3[%squeeze3A_27, %dma_start3A_36] : memref<100000x64xf32, #tpu.memory_space<hbm>> -> memref<1x64xf32, #tpu.memory_space<hbm>>
    tpu.enqueue_dma source(%dma_start3A_37 : memref<1x64xf32, #tpu.memory_space<hbm>>) target(%dma_start3A_35 : memref<1x64xf32, #tpu.memory_space<vmem>>) target_semaphore(%arg7 : memref<!tpu.dma_semaphore, #tpu.memory_space<semaphore_mem>>)
    %slice3A_38 = vector.extract_strided_slice %get3A_4 {offsets = [3], sizes = [1], strides = [1]} : vector<16xi32> to vector<1xi32>
    %squeeze3A_39 = vector.extract %slice3A_38[0] : i32 from vector<1xi32>
    %dma_start3A_40 = arith.constant 3 : i32
    %dma_start3A_41 = arith.constant 0 : i32
    %dma_start3A_42 = tpu.memref_slice %arg6[%dma_start3A_40, %dma_start3A_41] : memref<128x64xf32, #tpu.memory_space<vmem>> -> memref<1x64xf32, #tpu.memory_space<vmem>>
    %dma_start3A_43 = arith.constant 0 : i32
    %dma_start3A_44 = tpu.memref_slice %arg3[%squeeze3A_39, %dma_start3A_43] : memref<100000x64xf32, #tpu.memory_space<hbm>> -> memref<1x64xf32, #tpu.memory_space<hbm>>
    %dma_start3A_45 = arith.constant 3 : i32
    %dma_start3A_46 = arith.constant 0 : i32
    %dma_start3A_47 = tpu.memref_slice %arg6[%dma_start3A_45, %dma_start3A_46] : memref<128x64xf32, #tpu.memory_space<vmem>> -> memref<1x64xf32, #tpu.memory_space<vmem>>
    %dma_start3A_48 = arith.constant 0 : i32
    %dma_start3A_49 = tpu.memref_slice %arg3[%squeeze3A_39, %dma_start3A_48] : memref<100000x64xf32, #tpu.memory_space<hbm>> -> memref<1x64xf32, #tpu.memory_space<hbm>>
    tpu.enqueue_dma source(%dma_start3A_49 : memref<1x64xf32, #tpu.memory_space<hbm>>) target(%dma_start3A_47 : memref<1x64xf32, #tpu.memory_space<vmem>>) target_semaphore(%arg7 : memref<!tpu.dma_semaphore, #tpu.memory_space<semaphore_mem>>)
    %slice3A_50 = vector.extract_strided_slice %get3A_4 {offsets = [4], sizes = [1], strides = [1]} : vector<16xi32> to vector<1xi32>
    %squeeze3A_51 = vector.extract %slice3A_50[0] : i32 from vector<1xi32>
    %dma_start3A_52 = arith.constant 4 : i32
    %dma_start3A_53 = arith.constant 0 : i32
    %dma_start3A_54 = tpu.memref_slice %arg6[%dma_start3A_52, %dma_start3A_53] : memref<128x64xf32, #tpu.memory_space<vmem>> -> memref<1x64xf32, #tpu.memory_space<vmem>>
    %dma_start3A_55 = arith.constant 0 : i32
    %dma_start3A_56 = tpu.memref_slice %arg3[%squeeze3A_51, %dma_start3A_55] : memref<100000x64xf32, #tpu.memory_space<hbm>> -> memref<1x64xf32, #tpu.memory_space<hbm>>
    %dma_start3A_57 = arith.constant 4 : i32
    %dma_start3A_58 = arith.constant 0 : i32
    %dma_start3A_59 = tpu.memref_slice %arg6[%dma_start3A_57, %dma_start3A_58] : memref<128x64xf32, #tpu.memory_space<vmem>> -> memref<1x64xf32, #tpu.memory_space<vmem>>
    %dma_start3A_60 = arith.constant 0 : i32
    %dma_start3A_61 = tpu.memref_slice %arg3[%squeeze3A_51, %dma_start3A_60] : memref<100000x64xf32, #tpu.memory_space<hbm>> -> memref<1x64xf32, #tpu.memory_space<hbm>>
    tpu.enqueue_dma source(%dma_start3A_61 : memref<1x64xf32, #tpu.memory_space<hbm>>) target(%dma_start3A_59 : memref<1x64xf32, #tpu.memory_space<vmem>>) target_semaphore(%arg7 : memref<!tpu.dma_semaphore, #tpu.memory_space<semaphore_mem>>)
    %slice3A_62 = vector.extract_strided_slice %get3A_4 {offsets = [5], sizes = [1], strides = [1]} : vector<16xi32> to vector<1xi32>
    %squeeze3A_63 = vector.extract %slice3A_62[0] : i32 from vector<1xi32>
    %dma_start3A_64 = arith.constant 5 : i32
    %dma_start3A_65 = arith.constant 0 : i32
    %dma_start3A_66 = tpu.memref_slice %arg6[%dma_start3A_64, %dma_start3A_65] : memref<128x64xf32, #tpu.memory_space<vmem>> -> memref<1x64xf32, #tpu.memory_space<vmem>>
    %dma_start3A_67 = arith.constant 0 : i32
    %dma_start3A_68 = tpu.memref_slice %arg3[%squeeze3A_63, %dma_start3A_67] : memref<100000x64xf32, #tpu.memory_space<hbm>> -> memref<1x64xf32, #tpu.memory_space<hbm>>
    %dma_start3A_69 = arith.constant 5 : i32
    %dma_start3A_70 = arith.constant 0 : i32
    %dma_start3A_71 = tpu.memref_slice %arg6[%dma_start3A_69, %dma_start3A_70] : memref<128x64xf32, #tpu.memory_space<vmem>> -> memref<1x64xf32, #tpu.memory_space<vmem>>
    %dma_start3A_72 = arith.constant 0 : i32
    %dma_start3A_73 = tpu.memref_slice %arg3[%squeeze3A_63, %dma_start3A_72] : memref<100000x64xf32, #tpu.memory_space<hbm>> -> memref<1x64xf32, #tpu.memory_space<hbm>>
    tpu.enqueue_dma source(%dma_start3A_73 : memref<1x64xf32, #tpu.memory_space<hbm>>) target(%dma_start3A_71 : memref<1x64xf32, #tpu.memory_space<vmem>>) target_semaphore(%arg7 : memref<!tpu.dma_semaphore, #tpu.memory_space<semaphore_mem>>)
    %slice3A_74 = vector.extract_strided_slice %get3A_4 {offsets = [6], sizes = [1], strides = [1]} : vector<16xi32> to vector<1xi32>
    %squeeze3A_75 = vector.extract %slice3A_74[0] : i32 from vector<1xi32>
    %dma_start3A_76 = arith.constant 6 : i32
    %dma_start3A_77 = arith.constant 0 : i32
    %dma_start3A_78 = tpu.memref_slice %arg6[%dma_start3A_76, %dma_start3A_77] : memref<128x64xf32, #tpu.memory_space<vmem>> -> memref<1x64xf32, #tpu.memory_space<vmem>>
    %dma_start3A_79 = arith.constant 0 : i32
    %dma_start3A_80 = tpu.memref_slice %arg3[%squeeze3A_75, %dma_start3A_79] : memref<100000x64xf32, #tpu.memory_space<hbm>> -> memref<1x64xf32, #tpu.memory_space<hbm>>
    %dma_start3A_81 = arith.constant 6 : i32
    %dma_start3A_82 = arith.constant 0 : i32
    %dma_start3A_83 = tpu.memref_slice %arg6[%dma_start3A_81, %dma_start3A_82] : memref<128x64xf32, #tpu.memory_space<vmem>> -> memref<1x64xf32, #tpu.memory_space<vmem>>
    %dma_start3A_84 = arith.constant 0 : i32
    %dma_start3A_85 = tpu.memref_slice %arg3[%squeeze3A_75, %dma_start3A_84] : memref<100000x64xf32, #tpu.memory_space<hbm>> -> memref<1x64xf32, #tpu.memory_space<hbm>>
    tpu.enqueue_dma source(%dma_start3A_85 : memref<1x64xf32, #tpu.memory_space<hbm>>) target(%dma_start3A_83 : memref<1x64xf32, #tpu.memory_space<vmem>>) target_semaphore(%arg7 : memref<!tpu.dma_semaphore, #tpu.memory_space<semaphore_mem>>)
    %slice3A_86 = vector.extract_strided_slice %get3A_4 {offsets = [7], sizes = [1], strides = [1]} : vector<16xi32> to vector<1xi32>
    %squeeze3A_87 = vector.extract %slice3A_86[0] : i32 from vector<1xi32>
    %dma_start3A_88 = arith.constant 7 : i32
    %dma_start3A_89 = arith.constant 0 : i32
    %dma_start3A_90 = tpu.memref_slice %arg6[%dma_start3A_88, %dma_start3A_89] : memref<128x64xf32, #tpu.memory_space<vmem>> -> memref<1x64xf32, #tpu.memory_space<vmem>>
    %dma_start3A_91 = arith.constant 0 : i32
    %dma_start3A_92 = tpu.memref_slice %arg3[%squeeze3A_87, %dma_start3A_91] : memref<100000x64xf32, #tpu.memory_space<hbm>> -> memref<1x64xf32, #tpu.memory_space<hbm>>
    %dma_start3A_93 = arith.constant 7 : i32
    %dma_start3A_94 = arith.constant 0 : i32
    %dma_start3A_95 = tpu.memref_slice %arg6[%dma_start3A_93, %dma_start3A_94] : memref<128x64xf32, #tpu.memory_space<vmem>> -> memref<1x64xf32, #tpu.memory_space<vmem>>
    %dma_start3A_96 = arith.constant 0 : i32
    %dma_start3A_97 = tpu.memref_slice %arg3[%squeeze3A_87, %dma_start3A_96] : memref<100000x64xf32, #tpu.memory_space<hbm>> -> memref<1x64xf32, #tpu.memory_space<hbm>>
    tpu.enqueue_dma source(%dma_start3A_97 : memref<1x64xf32, #tpu.memory_space<hbm>>) target(%dma_start3A_95 : memref<1x64xf32, #tpu.memory_space<vmem>>) target_semaphore(%arg7 : memref<!tpu.dma_semaphore, #tpu.memory_space<semaphore_mem>>)
    %slice3A_98 = vector.extract_strided_slice %get3A_4 {offsets = [8], sizes = [1], strides = [1]} : vector<16xi32> to vector<1xi32>
    %squeeze3A_99 = vector.extract %slice3A_98[0] : i32 from vector<1xi32>
    %dma_start3A_100 = arith.constant 8 : i32
    %dma_start3A_101 = arith.constant 0 : i32
    %dma_start3A_102 = tpu.memref_slice %arg6[%dma_start3A_100, %dma_start3A_101] : memref<128x64xf32, #tpu.memory_space<vmem>> -> memref<1x64xf32, #tpu.memory_space<vmem>>
    %dma_start3A_103 = arith.constant 0 : i32
    %dma_start3A_104 = tpu.memref_slice %arg3[%squeeze3A_99, %dma_start3A_103] : memref<100000x64xf32, #tpu.memory_space<hbm>> -> memref<1x64xf32, #tpu.memory_space<hbm>>
    %dma_start3A_105 = arith.constant 8 : i32
    %dma_start3A_106 = arith.constant 0 : i32
    %dma_start3A_107 = tpu.memref_slice %arg6[%dma_start3A_105, %dma_start3A_106] : memref<128x64xf32, #tpu.memory_space<vmem>> -> memref<1x64xf32, #tpu.memory_space<vmem>>
    %dma_start3A_108 = arith.constant 0 : i32
    %dma_start3A_109 = tpu.memref_slice %arg3[%squeeze3A_99, %dma_start3A_108] : memref<100000x64xf32, #tpu.memory_space<hbm>> -> memref<1x64xf32, #tpu.memory_space<hbm>>
    tpu.enqueue_dma source(%dma_start3A_109 : memref<1x64xf32, #tpu.memory_space<hbm>>) target(%dma_start3A_107 : memref<1x64xf32, #tpu.memory_space<vmem>>) target_semaphore(%arg7 : memref<!tpu.dma_semaphore, #tpu.memory_space<semaphore_mem>>)
    %slice3A_110 = vector.extract_strided_slice %get3A_4 {offsets = [9], sizes = [1], strides = [1]} : vector<16xi32> to vector<1xi32>
    %squeeze3A_111 = vector.extract %slice3A_110[0] : i32 from vector<1xi32>
    %dma_start3A_112 = arith.constant 9 : i32
    %dma_start3A_113 = arith.constant 0 : i32
    %dma_start3A_114 = tpu.memref_slice %arg6[%dma_start3A_112, %dma_start3A_113] : memref<128x64xf32, #tpu.memory_space<vmem>> -> memref<1x64xf32, #tpu.memory_space<vmem>>
    %dma_start3A_115 = arith.constant 0 : i32
    %dma_start3A_116 = tpu.memref_slice %arg3[%squeeze3A_111, %dma_start3A_115] : memref<100000x64xf32, #tpu.memory_space<hbm>> -> memref<1x64xf32, #tpu.memory_space<hbm>>
    %dma_start3A_117 = arith.constant 9 : i32
    %dma_start3A_118 = arith.constant 0 : i32
    %dma_start3A_119 = tpu.memref_slice %arg6[%dma_start3A_117, %dma_start3A_118] : memref<128x64xf32, #tpu.memory_space<vmem>> -> memref<1x64xf32, #tpu.memory_space<vmem>>
    %dma_start3A_120 = arith.constant 0 : i32
    %dma_start3A_121 = tpu.memref_slice %arg3[%squeeze3A_111, %dma_start3A_120] : memref<100000x64xf32, #tpu.memory_space<hbm>> -> memref<1x64xf32, #tpu.memory_space<hbm>>
    tpu.enqueue_dma source(%dma_start3A_121 : memref<1x64xf32, #tpu.memory_space<hbm>>) target(%dma_start3A_119 : memref<1x64xf32, #tpu.memory_space<vmem>>) target_semaphore(%arg7 : memref<!tpu.dma_semaphore, #tpu.memory_space<semaphore_mem>>)
    %slice3A_122 = vector.extract_strided_slice %get3A_4 {offsets = [10], sizes = [1], strides = [1]} : vector<16xi32> to vector<1xi32>
    %squeeze3A_123 = vector.extract %slice3A_122[0] : i32 from vector<1xi32>
    %dma_start3A_124 = arith.constant 10 : i32
    %dma_start3A_125 = arith.constant 0 : i32
    %dma_start3A_126 = tpu.memref_slice %arg6[%dma_start3A_124, %dma_start3A_125] : memref<128x64xf32, #tpu.memory_space<vmem>> -> memref<1x64xf32, #tpu.memory_space<vmem>>
    %dma_start3A_127 = arith.constant 0 : i32
    %dma_start3A_128 = tpu.memref_slice %arg3[%squeeze3A_123, %dma_start3A_127] : memref<100000x64xf32, #tpu.memory_space<hbm>> -> memref<1x64xf32, #tpu.memory_space<hbm>>
    %dma_start3A_129 = arith.constant 10 : i32
    %dma_start3A_130 = arith.constant 0 : i32
    %dma_start3A_131 = tpu.memref_slice %arg6[%dma_start3A_129, %dma_start3A_130] : memref<128x64xf32, #tpu.memory_space<vmem>> -> memref<1x64xf32, #tpu.memory_space<vmem>>
    %dma_start3A_132 = arith.constant 0 : i32
    %dma_start3A_133 = tpu.memref_slice %arg3[%squeeze3A_123, %dma_start3A_132] : memref<100000x64xf32, #tpu.memory_space<hbm>> -> memref<1x64xf32, #tpu.memory_space<hbm>>
    tpu.enqueue_dma source(%dma_start3A_133 : memref<1x64xf32, #tpu.memory_space<hbm>>) target(%dma_start3A_131 : memref<1x64xf32, #tpu.memory_space<vmem>>) target_semaphore(%arg7 : memref<!tpu.dma_semaphore, #tpu.memory_space<semaphore_mem>>)
    %slice3A_134 = vector.extract_strided_slice %get3A_4 {offsets = [11], sizes = [1], strides = [1]} : vector<16xi32> to vector<1xi32>
    %squeeze3A_135 = vector.extract %slice3A_134[0] : i32 from vector<1xi32>
    %dma_start3A_136 = arith.constant 11 : i32
    %dma_start3A_137 = arith.constant 0 : i32
    %dma_start3A_138 = tpu.memref_slice %arg6[%dma_start3A_136, %dma_start3A_137] : memref<128x64xf32, #tpu.memory_space<vmem>> -> memref<1x64xf32, #tpu.memory_space<vmem>>
    %dma_start3A_139 = arith.constant 0 : i32
    %dma_start3A_140 = tpu.memref_slice %arg3[%squeeze3A_135, %dma_start3A_139] : memref<100000x64xf32, #tpu.memory_space<hbm>> -> memref<1x64xf32, #tpu.memory_space<hbm>>
    %dma_start3A_141 = arith.constant 11 : i32
    %dma_start3A_142 = arith.constant 0 : i32
    %dma_start3A_143 = tpu.memref_slice %arg6[%dma_start3A_141, %dma_start3A_142] : memref<128x64xf32, #tpu.memory_space<vmem>> -> memref<1x64xf32, #tpu.memory_space<vmem>>
    %dma_start3A_144 = arith.constant 0 : i32
    %dma_start3A_145 = tpu.memref_slice %arg3[%squeeze3A_135, %dma_start3A_144] : memref<100000x64xf32, #tpu.memory_space<hbm>> -> memref<1x64xf32, #tpu.memory_space<hbm>>
    tpu.enqueue_dma source(%dma_start3A_145 : memref<1x64xf32, #tpu.memory_space<hbm>>) target(%dma_start3A_143 : memref<1x64xf32, #tpu.memory_space<vmem>>) target_semaphore(%arg7 : memref<!tpu.dma_semaphore, #tpu.memory_space<semaphore_mem>>)
    %slice3A_146 = vector.extract_strided_slice %get3A_4 {offsets = [12], sizes = [1], strides = [1]} : vector<16xi32> to vector<1xi32>
    %squeeze3A_147 = vector.extract %slice3A_146[0] : i32 from vector<1xi32>
    %dma_start3A_148 = arith.constant 12 : i32
    %dma_start3A_149 = arith.constant 0 : i32
    %dma_start3A_150 = tpu.memref_slice %arg6[%dma_start3A_148, %dma_start3A_149] : memref<128x64xf32, #tpu.memory_space<vmem>> -> memref<1x64xf32, #tpu.memory_space<vmem>>
    %dma_start3A_151 = arith.constant 0 : i32
    %dma_start3A_152 = tpu.memref_slice %arg3[%squeeze3A_147, %dma_start3A_151] : memref<100000x64xf32, #tpu.memory_space<hbm>> -> memref<1x64xf32, #tpu.memory_space<hbm>>
    %dma_start3A_153 = arith.constant 12 : i32
    %dma_start3A_154 = arith.constant 0 : i32
    %dma_start3A_155 = tpu.memref_slice %arg6[%dma_start3A_153, %dma_start3A_154] : memref<128x64xf32, #tpu.memory_space<vmem>> -> memref<1x64xf32, #tpu.memory_space<vmem>>
    %dma_start3A_156 = arith.constant 0 : i32
    %dma_start3A_157 = tpu.memref_slice %arg3[%squeeze3A_147, %dma_start3A_156] : memref<100000x64xf32, #tpu.memory_space<hbm>> -> memref<1x64xf32, #tpu.memory_space<hbm>>
    tpu.enqueue_dma source(%dma_start3A_157 : memref<1x64xf32, #tpu.memory_space<hbm>>) target(%dma_start3A_155 : memref<1x64xf32, #tpu.memory_space<vmem>>) target_semaphore(%arg7 : memref<!tpu.dma_semaphore, #tpu.memory_space<semaphore_mem>>)
    %slice3A_158 = vector.extract_strided_slice %get3A_4 {offsets = [13], sizes = [1], strides = [1]} : vector<16xi32> to vector<1xi32>
    %squeeze3A_159 = vector.extract %slice3A_158[0] : i32 from vector<1xi32>
    %dma_start3A_160 = arith.constant 13 : i32
    %dma_start3A_161 = arith.constant 0 : i32
    %dma_start3A_162 = tpu.memref_slice %arg6[%dma_start3A_160, %dma_start3A_161] : memref<128x64xf32, #tpu.memory_space<vmem>> -> memref<1x64xf32, #tpu.memory_space<vmem>>
    %dma_start3A_163 = arith.constant 0 : i32
    %dma_start3A_164 = tpu.memref_slice %arg3[%squeeze3A_159, %dma_start3A_163] : memref<100000x64xf32, #tpu.memory_space<hbm>> -> memref<1x64xf32, #tpu.memory_space<hbm>>
    %dma_start3A_165 = arith.constant 13 : i32
    %dma_start3A_166 = arith.constant 0 : i32
    %dma_start3A_167 = tpu.memref_slice %arg6[%dma_start3A_165, %dma_start3A_166] : memref<128x64xf32, #tpu.memory_space<vmem>> -> memref<1x64xf32, #tpu.memory_space<vmem>>
    %dma_start3A_168 = arith.constant 0 : i32
    %dma_start3A_169 = tpu.memref_slice %arg3[%squeeze3A_159, %dma_start3A_168] : memref<100000x64xf32, #tpu.memory_space<hbm>> -> memref<1x64xf32, #tpu.memory_space<hbm>>
    tpu.enqueue_dma source(%dma_start3A_169 : memref<1x64xf32, #tpu.memory_space<hbm>>) target(%dma_start3A_167 : memref<1x64xf32, #tpu.memory_space<vmem>>) target_semaphore(%arg7 : memref<!tpu.dma_semaphore, #tpu.memory_space<semaphore_mem>>)
    %slice3A_170 = vector.extract_strided_slice %get3A_4 {offsets = [14], sizes = [1], strides = [1]} : vector<16xi32> to vector<1xi32>
    %squeeze3A_171 = vector.extract %slice3A_170[0] : i32 from vector<1xi32>
    %dma_start3A_172 = arith.constant 14 : i32
    %dma_start3A_173 = arith.constant 0 : i32
    %dma_start3A_174 = tpu.memref_slice %arg6[%dma_start3A_172, %dma_start3A_173] : memref<128x64xf32, #tpu.memory_space<vmem>> -> memref<1x64xf32, #tpu.memory_space<vmem>>
    %dma_start3A_175 = arith.constant 0 : i32
    %dma_start3A_176 = tpu.memref_slice %arg3[%squeeze3A_171, %dma_start3A_175] : memref<100000x64xf32, #tpu.memory_space<hbm>> -> memref<1x64xf32, #tpu.memory_space<hbm>>
    %dma_start3A_177 = arith.constant 14 : i32
    %dma_start3A_178 = arith.constant 0 : i32
    %dma_start3A_179 = tpu.memref_slice %arg6[%dma_start3A_177, %dma_start3A_178] : memref<128x64xf32, #tpu.memory_space<vmem>> -> memref<1x64xf32, #tpu.memory_space<vmem>>
    %dma_start3A_180 = arith.constant 0 : i32
    %dma_start3A_181 = tpu.memref_slice %arg3[%squeeze3A_171, %dma_start3A_180] : memref<100000x64xf32, #tpu.memory_space<hbm>> -> memref<1x64xf32, #tpu.memory_space<hbm>>
    tpu.enqueue_dma source(%dma_start3A_181 : memref<1x64xf32, #tpu.memory_space<hbm>>) target(%dma_start3A_179 : memref<1x64xf32, #tpu.memory_space<vmem>>) target_semaphore(%arg7 : memref<!tpu.dma_semaphore, #tpu.memory_space<semaphore_mem>>)
    %slice3A_182 = vector.extract_strided_slice %get3A_4 {offsets = [15], sizes = [1], strides = [1]} : vector<16xi32> to vector<1xi32>
    %squeeze3A_183 = vector.extract %slice3A_182[0] : i32 from vector<1xi32>
    %dma_start3A_184 = arith.constant 15 : i32
    %dma_start3A_185 = arith.constant 0 : i32
    %dma_start3A_186 = tpu.memref_slice %arg6[%dma_start3A_184, %dma_start3A_185] : memref<128x64xf32, #tpu.memory_space<vmem>> -> memref<1x64xf32, #tpu.memory_space<vmem>>
    %dma_start3A_187 = arith.constant 0 : i32
    %dma_start3A_188 = tpu.memref_slice %arg3[%squeeze3A_183, %dma_start3A_187] : memref<100000x64xf32, #tpu.memory_space<hbm>> -> memref<1x64xf32, #tpu.memory_space<hbm>>
    %dma_start3A_189 = arith.constant 15 : i32
    %dma_start3A_190 = arith.constant 0 : i32
    %dma_start3A_191 = tpu.memref_slice %arg6[%dma_start3A_189, %dma_start3A_190] : memref<128x64xf32, #tpu.memory_space<vmem>> -> memref<1x64xf32, #tpu.memory_space<vmem>>
    %dma_start3A_192 = arith.constant 0 : i32
    %dma_start3A_193 = tpu.memref_slice %arg3[%squeeze3A_183, %dma_start3A_192] : memref<100000x64xf32, #tpu.memory_space<hbm>> -> memref<1x64xf32, #tpu.memory_space<hbm>>
    tpu.enqueue_dma source(%dma_start3A_193 : memref<1x64xf32, #tpu.memory_space<hbm>>) target(%dma_start3A_191 : memref<1x64xf32, #tpu.memory_space<vmem>>) target_semaphore(%arg7 : memref<!tpu.dma_semaphore, #tpu.memory_space<semaphore_mem>>)
    %get3A_194 = arith.constant 16 : index
    %get3A_195 = tpu.vector_load %arg5[%get3A_194] {strides = array<i32>} : memref<128xi32, #tpu.memory_space<vmem>>, vector<16xi32>,
    %get3A_196 = vector.shape_cast %get3A_195 : vector<16xi32> to vector<16xi32>
    %slice3A_197 = vector.extract_strided_slice %get3A_196 {offsets = [0], sizes = [1], strides = [1]} : vector<16xi32> to vector<1xi32>
    %squeeze3A_198 = vector.extract %slice3A_197[0] : i32 from vector<1xi32>
    %dma_start3A_199 = arith.constant 16 : i32
    %dma_start3A_200 = arith.constant 0 : i32
    %dma_start3A_201 = tpu.memref_slice %arg6[%dma_start3A_199, %dma_start3A_200] : memref<128x64xf32, #tpu.memory_space<vmem>> -> memref<1x64xf32, #tpu.memory_space<vmem>>
    %dma_start3A_202 = arith.constant 0 : i32
    %dma_start3A_203 = tpu.memref_slice %arg3[%squeeze3A_198, %dma_start3A_202] : memref<100000x64xf32, #tpu.memory_space<hbm>> -> memref<1x64xf32, #tpu.memory_space<hbm>>
    %dma_start3A_204 = arith.constant 16 : i32
    %dma_start3A_205 = arith.constant 0 : i32
    %dma_start3A_206 = tpu.memref_slice %arg6[%dma_start3A_204, %dma_start3A_205] : memref<128x64xf32, #tpu.memory_space<vmem>> -> memref<1x64xf32, #tpu.memory_space<vmem>>
    %dma_start3A_207 = arith.constant 0 : i32
    %dma_start3A_208 = tpu.memref_slice %arg3[%squeeze3A_198, %dma_start3A_207] : memref<100000x64xf32, #tpu.memory_space<hbm>> -> memref<1x64xf32, #tpu.memory_space<hbm>>
    tpu.enqueue_dma source(%dma_start3A_208 : memref<1x64xf32, #tpu.memory_space<hbm>>) target(%dma_start3A_206 : memref<1x64xf32, #tpu.memory_space<vmem>>) target_semaphore(%arg7 : memref<!tpu.dma_semaphore, #tpu.memory_space<semaphore_mem>>)
    %slice3A_209 = vector.extract_strided_slice %get3A_196 {offsets = [1], sizes = [1], strides = [1]} : vector<16xi32> to vector<1xi32>
    %squeeze3A_210 = vector.extract %slice3A_209[0] : i32 from vector<1xi32>
    %dma_start3A_211 = arith.constant 17 : i32
    %dma_start3A_212 = arith.constant 0 : i32
    %dma_start3A_213 = tpu.memref_slice %arg6[%dma_start3A_211, %dma_start3A_212] : memref<128x64xf32, #tpu.memory_space<vmem>> -> memref<1x64xf32, #tpu.memory_space<vmem>>
    %dma_start3A_214 = arith.constant 0 : i32
    %dma_start3A_215 = tpu.memref_slice %arg3[%squeeze3A_210, %dma_start3A_214] : memref<100000x64xf32, #tpu.memory_space<hbm>> -> memref<1x64xf32, #tpu.memory_space<hbm>>
    %dma_start3A_216 = arith.constant 17 : i32
    %dma_start3A_217 = arith.constant 0 : i32
    %dma_start3A_218 = tpu.memref_slice %arg6[%dma_start3A_216, %dma_start3A_217] : memref<128x64xf32, #tpu.memory_space<vmem>> -> memref<1x64xf32, #tpu.memory_space<vmem>>
    %dma_start3A_219 = arith.constant 0 : i32
    %dma_start3A_220 = tpu.memref_slice %arg3[%squeeze3A_210, %dma_start3A_219] : memref<100000x64xf32, #tpu.memory_space<hbm>> -> memref<1x64xf32, #tpu.memory_space<hbm>>
    tpu.enqueue_dma source(%dma_start3A_220 : memref<1x64xf32, #tpu.memory_space<hbm>>) target(%dma_start3A_218 : memref<1x64xf32, #tpu.memory_space<vmem>>) target_semaphore(%arg7 : memref<!tpu.dma_semaphore, #tpu.memory_space<semaphore_mem>>)
    %slice3A_221 = vector.extract_strided_slice %get3A_196 {offsets = [2], sizes = [1], strides = [1]} : vector<16xi32> to vector<1xi32>
    %squeeze3A_222 = vector.extract %slice3A_221[0] : i32 from vector<1xi32>
    %dma_start3A_223 = arith.constant 18 : i32
    %dma_start3A_224 = arith.constant 0 : i32
    %dma_start3A_225 = tpu.memref_slice %arg6[%dma_start3A_223, %dma_start3A_224] : memref<128x64xf32, #tpu.memory_space<vmem>> -> memref<1x64xf32, #tpu.memory_space<vmem>>
    %dma_start3A_226 = arith.constant 0 : i32
    %dma_start3A_227 = tpu.memref_slice %arg3[%squeeze3A_222, %dma_start3A_226] : memref<100000x64xf32, #tpu.memory_space<hbm>> -> memref<1x64xf32, #tpu.memory_space<hbm>>
    %dma_start3A_228 = arith.constant 18 : i32
    %dma_start3A_229 = arith.constant 0 : i32
    %dma_start3A_230 = tpu.memref_slice %arg6[%dma_start3A_228, %dma_start3A_229] : memref<128x64xf32, #tpu.memory_space<vmem>> -> memref<1x64xf32, #tpu.memory_space<vmem>>
    %dma_start3A_231 = arith.constant 0 : i32
    %dma_start3A_232 = tpu.memref_slice %arg3[%squeeze3A_222, %dma_start3A_231] : memref<100000x64xf32, #tpu.memory_space<hbm>> -> memref<1x64xf32, #tpu.memory_space<hbm>>
    tpu.enqueue_dma source(%dma_start3A_232 : memref<1x64xf32, #tpu.memory_space<hbm>>) target(%dma_start3A_230 : memref<1x64xf32, #tpu.memory_space<vmem>>) target_semaphore(%arg7 : memref<!tpu.dma_semaphore, #tpu.memory_space<semaphore_mem>>)
    %slice3A_233 = vector.extract_strided_slice %get3A_196 {offsets = [3], sizes = [1], strides = [1]} : vector<16xi32> to vector<1xi32>
    %squeeze3A_234 = vector.extract %slice3A_233[0] : i32 from vector<1xi32>
    %dma_start3A_235 = arith.constant 19 : i32
    %dma_start3A_236 = arith.constant 0 : i32
    %dma_start3A_237 = tpu.memref_slice %arg6[%dma_start3A_235, %dma_start3A_236] : memref<128x64xf32, #tpu.memory_space<vmem>> -> memref<1x64xf32, #tpu.memory_space<vmem>>
    %dma_start3A_238 = arith.constant 0 : i32
    %dma_start3A_239 = tpu.memref_slice %arg3[%squeeze3A_234, %dma_start3A_238] : memref<100000x64xf32, #tpu.memory_space<hbm>> -> memref<1x64xf32, #tpu.memory_space<hbm>>
    %dma_start3A_240 = arith.constant 19 : i32
    %dma_start3A_241 = arith.constant 0 : i32
    %dma_start3A_242 = tpu.memref_slice %arg6[%dma_start3A_240, %dma_start3A_241] : memref<128x64xf32, #tpu.memory_space<vmem>> -> memref<1x64xf32, #tpu.memory_space<vmem>>
    %dma_start3A_243 = arith.constant 0 : i32
    %dma_start3A_244 = tpu.memref_slice %arg3[%squeeze3A_234, %dma_start3A_243] : memref<100000x64xf32, #tpu.memory_space<hbm>> -> memref<1x64xf32, #tpu.memory_space<hbm>>
    tpu.enqueue_dma source(%dma_start3A_244 : memref<1x64xf32, #tpu.memory_space<hbm>>) target(%dma_start3A_242 : memref<1x64xf32, #tpu.memory_space<vmem>>) target_semaphore(%arg7 : memref<!tpu.dma_semaphore, #tpu.memory_space<semaphore_mem>>)
    %slice3A_245 = vector.extract_strided_slice %get3A_196 {offsets = [4], sizes = [1], strides = [1]} : vector<16xi32> to vector<1xi32>
    %squeeze3A_246 = vector.extract %slice3A_245[0] : i32 from vector<1xi32>
    %dma_start3A_247 = arith.constant 20 : i32
    %dma_start3A_248 = arith.constant 0 : i32
    %dma_start3A_249 = tpu.memref_slice %arg6[%dma_start3A_247, %dma_start3A_248] : memref<128x64xf32, #tpu.memory_space<vmem>> -> memref<1x64xf32, #tpu.memory_space<vmem>>
    %dma_start3A_250 = arith.constant 0 : i32
    %dma_start3A_251 = tpu.memref_slice %arg3[%squeeze3A_246, %dma_start3A_250] : memref<100000x64xf32, #tpu.memory_space<hbm>> -> memref<1x64xf32, #tpu.memory_space<hbm>>
    %dma_start3A_252 = arith.constant 20 : i32
    %dma_start3A_253 = arith.constant 0 : i32
    %dma_start3A_254 = tpu.memref_slice %arg6[%dma_start3A_252, %dma_start3A_253] : memref<128x64xf32, #tpu.memory_space<vmem>> -> memref<1x64xf32, #tpu.memory_space<vmem>>
    %dma_start3A_255 = arith.constant 0 : i32
    %dma_start3A_256 = tpu.memref_slice %arg3[%squeeze3A_246, %dma_start3A_255] : memref<100000x64xf32, #tpu.memory_space<hbm>> -> memref<1x64xf32, #tpu.memory_space<hbm>>
    tpu.enqueue_dma source(%dma_start3A_256 : memref<1x64xf32, #tpu.memory_space<hbm>>) target(%dma_start3A_254 : memref<1x64xf32, #tpu.memory_space<vmem>>) target_semaphore(%arg7 : memref<!tpu.dma_semaphore, #tpu.memory_space<semaphore_mem>>)
    %slice3A_257 = vector.extract_strided_slice %get3A_196 {offsets = [5], sizes = [1], strides = [1]} : vector<16xi32> to vector<1xi32>
    %squeeze3A_258 = vector.extract %slice3A_257[0] : i32 from vector<1xi32>
    %dma_start3A_259 = arith.constant 21 : i32
    %dma_start3A_260 = arith.constant 0 : i32
    %dma_start3A_261 = tpu.memref_slice %arg6[%dma_start3A_259, %dma_start3A_260] : memref<128x64xf32, #tpu.memory_space<vmem>> -> memref<1x64xf32, #tpu.memory_space<vmem>>
    %dma_start3A_262 = arith.constant 0 : i32
    %dma_start3A_263 = tpu.memref_slice %arg3[%squeeze3A_258, %dma_start3A_262] : memref<100000x64xf32, #tpu.memory_space<hbm>> -> memref<1x64xf32, #tpu.memory_space<hbm>>
    %dma_start3A_264 = arith.constant 21 : i32
    %dma_start3A_265 = arith.constant 0 : i32
    %dma_start3A_266 = tpu.memref_slice %arg6[%dma_start3A_264, %dma_start3A_265] : memref<128x64xf32, #tpu.memory_space<vmem>> -> memref<1x64xf32, #tpu.memory_space<vmem>>
    %dma_start3A_267 = arith.constant 0 : i32
    %dma_start3A_268 = tpu.memref_slice %arg3[%squeeze3A_258, %dma_start3A_267] : memref<100000x64xf32, #tpu.memory_space<hbm>> -> memref<1x64xf32, #tpu.memory_space<hbm>>
    tpu.enqueue_dma source(%dma_start3A_268 : memref<1x64xf32, #tpu.memory_space<hbm>>) target(%dma_start3A_266 : memref<1x64xf32, #tpu.memory_space<vmem>>) target_semaphore(%arg7 : memref<!tpu.dma_semaphore, #tpu.memory_space<semaphore_mem>>)
    %slice3A_269 = vector.extract_strided_slice %get3A_196 {offsets = [6], sizes = [1], strides = [1]} : vector<16xi32> to vector<1xi32>
    %squeeze3A_270 = vector.extract %slice3A_269[0] : i32 from vector<1xi32>
    %dma_start3A_271 = arith.constant 22 : i32
    %dma_start3A_272 = arith.constant 0 : i32
    %dma_start3A_273 = tpu.memref_slice %arg6[%dma_start3A_271, %dma_start3A_272] : memref<128x64xf32, #tpu.memory_space<vmem>> -> memref<1x64xf32, #tpu.memory_space<vmem>>
    %dma_start3A_274 = arith.constant 0 : i32
    %dma_start3A_275 = tpu.memref_slice %arg3[%squeeze3A_270, %dma_start3A_274] : memref<100000x64xf32, #tpu.memory_space<hbm>> -> memref<1x64xf32, #tpu.memory_space<hbm>>
    %dma_start3A_276 = arith.constant 22 : i32
    %dma_start3A_277 = arith.constant 0 : i32
    %dma_start3A_278 = tpu.memref_slice %arg6[%dma_start3A_276, %dma_start3A_277] : memref<128x64xf32, #tpu.memory_space<vmem>> -> memref<1x64xf32, #tpu.memory_space<vmem>>
    %dma_start3A_279 = arith.constant 0 : i32
    %dma_start3A_280 = tpu.memref_slice %arg3[%squeeze3A_270, %dma_start3A_279] : memref<100000x64xf32, #tpu.memory_space<hbm>> -> memref<1x64xf32, #tpu.memory_space<hbm>>
    tpu.enqueue_dma source(%dma_start3A_280 : memref<1x64xf32, #tpu.memory_space<hbm>>) target(%dma_start3A_278 : memref<1x64xf32, #tpu.memory_space<vmem>>) target_semaphore(%arg7 : memref<!tpu.dma_semaphore, #tpu.memory_space<semaphore_mem>>)
    %slice3A_281 = vector.extract_strided_slice %get3A_196 {offsets = [7], sizes = [1], strides = [1]} : vector<16xi32> to vector<1xi32>
    %squeeze3A_282 = vector.extract %slice3A_281[0] : i32 from vector<1xi32>
    %dma_start3A_283 = arith.constant 23 : i32
    %dma_start3A_284 = arith.constant 0 : i32
    %dma_start3A_285 = tpu.memref_slice %arg6[%dma_start3A_283, %dma_start3A_284] : memref<128x64xf32, #tpu.memory_space<vmem>> -> memref<1x64xf32, #tpu.memory_space<vmem>>
    %dma_start3A_286 = arith.constant 0 : i32
    %dma_start3A_287 = tpu.memref_slice %arg3[%squeeze3A_282, %dma_start3A_286] : memref<100000x64xf32, #tpu.memory_space<hbm>> -> memref<1x64xf32, #tpu.memory_space<hbm>>
    %dma_start3A_288 = arith.constant 23 : i32
    %dma_start3A_289 = arith.constant 0 : i32
    %dma_start3A_290 = tpu.memref_slice %arg6[%dma_start3A_288, %dma_start3A_289] : memref<128x64xf32, #tpu.memory_space<vmem>> -> memref<1x64xf32, #tpu.memory_space<vmem>>
    %dma_start3A_291 = arith.constant 0 : i32
    %dma_start3A_292 = tpu.memref_slice %arg3[%squeeze3A_282, %dma_start3A_291] : memref<100000x64xf32, #tpu.memory_space<hbm>> -> memref<1x64xf32, #tpu.memory_space<hbm>>
    tpu.enqueue_dma source(%dma_start3A_292 : memref<1x64xf32, #tpu.memory_space<hbm>>) target(%dma_start3A_290 : memref<1x64xf32, #tpu.memory_space<vmem>>) target_semaphore(%arg7 : memref<!tpu.dma_semaphore, #tpu.memory_space<semaphore_mem>>)
    %slice3A_293 = vector.extract_strided_slice %get3A_196 {offsets = [8], sizes = [1], strides = [1]} : vector<16xi32> to vector<1xi32>
    %squeeze3A_294 = vector.extract %slice3A_293[0] : i32 from vector<1xi32>
    %dma_start3A_295 = arith.constant 24 : i32
    %dma_start3A_296 = arith.constant 0 : i32
    %dma_start3A_297 = tpu.memref_slice %arg6[%dma_start3A_295, %dma_start3A_296] : memref<128x64xf32, #tpu.memory_space<vmem>> -> memref<1x64xf32, #tpu.memory_space<vmem>>
    %dma_start3A_298 = arith.constant 0 : i32
    %dma_start3A_299 = tpu.memref_slice %arg3[%squeeze3A_294, %dma_start3A_298] : memref<100000x64xf32, #tpu.memory_space<hbm>> -> memref<1x64xf32, #tpu.memory_space<hbm>>
    %dma_start3A_300 = arith.constant 24 : i32
    %dma_start3A_301 = arith.constant 0 : i32
    %dma_start3A_302 = tpu.memref_slice %arg6[%dma_start3A_300, %dma_start3A_301] : memref<128x64xf32, #tpu.memory_space<vmem>> -> memref<1x64xf32, #tpu.memory_space<vmem>>
    %dma_start3A_303 = arith.constant 0 : i32
    %dma_start3A_304 = tpu.memref_slice %arg3[%squeeze3A_294, %dma_start3A_303] : memref<100000x64xf32, #tpu.memory_space<hbm>> -> memref<1x64xf32, #tpu.memory_space<hbm>>
    tpu.enqueue_dma source(%dma_start3A_304 : memref<1x64xf32, #tpu.memory_space<hbm>>) target(%dma_start3A_302 : memref<1x64xf32, #tpu.memory_space<vmem>>) target_semaphore(%arg7 : memref<!tpu.dma_semaphore, #tpu.memory_space<semaphore_mem>>)
    %slice3A_305 = vector.extract_strided_slice %get3A_196 {offsets = [9], sizes = [1], strides = [1]} : vector<16xi32> to vector<1xi32>
    %squeeze3A_306 = vector.extract %slice3A_305[0] : i32 from vector<1xi32>
    %dma_start3A_307 = arith.constant 25 : i32
    %dma_start3A_308 = arith.constant 0 : i32
    %dma_start3A_309 = tpu.memref_slice %arg6[%dma_start3A_307, %dma_start3A_308] : memref<128x64xf32, #tpu.memory_space<vmem>> -> memref<1x64xf32, #tpu.memory_space<vmem>>
    %dma_start3A_310 = arith.constant 0 : i32
    %dma_start3A_311 = tpu.memref_slice %arg3[%squeeze3A_306, %dma_start3A_310] : memref<100000x64xf32, #tpu.memory_space<hbm>> -> memref<1x64xf32, #tpu.memory_space<hbm>>
    %dma_start3A_312 = arith.constant 25 : i32
    %dma_start3A_313 = arith.constant 0 : i32
    %dma_start3A_314 = tpu.memref_slice %arg6[%dma_start3A_312, %dma_start3A_313] : memref<128x64xf32, #tpu.memory_space<vmem>> -> memref<1x64xf32, #tpu.memory_space<vmem>>
    %dma_start3A_315 = arith.constant 0 : i32
    %dma_start3A_316 = tpu.memref_slice %arg3[%squeeze3A_306, %dma_start3A_315] : memref<100000x64xf32, #tpu.memory_space<hbm>> -> memref<1x64xf32, #tpu.memory_space<hbm>>
    tpu.enqueue_dma source(%dma_start3A_316 : memref<1x64xf32, #tpu.memory_space<hbm>>) target(%dma_start3A_314 : memref<1x64xf32, #tpu.memory_space<vmem>>) target_semaphore(%arg7 : memref<!tpu.dma_semaphore, #tpu.memory_space<semaphore_mem>>)
    %slice3A_317 = vector.extract_strided_slice %get3A_196 {offsets = [10], sizes = [1], strides = [1]} : vector<16xi32> to vector<1xi32>
    %squeeze3A_318 = vector.extract %slice3A_317[0] : i32 from vector<1xi32>
    %dma_start3A_319 = arith.constant 26 : i32
    %dma_start3A_320 = arith.constant 0 : i32
    %dma_start3A_321 = tpu.memref_slice %arg6[%dma_start3A_319, %dma_start3A_320] : memref<128x64xf32, #tpu.memory_space<vmem>> -> memref<1x64xf32, #tpu.memory_space<vmem>>
    %dma_start3A_322 = arith.constant 0 : i32
    %dma_start3A_323 = tpu.memref_slice %arg3[%squeeze3A_318, %dma_start3A_322] : memref<100000x64xf32, #tpu.memory_space<hbm>> -> memref<1x64xf32, #tpu.memory_space<hbm>>
    %dma_start3A_324 = arith.constant 26 : i32
    %dma_start3A_325 = arith.constant 0 : i32
    %dma_start3A_326 = tpu.memref_slice %arg6[%dma_start3A_324, %dma_start3A_325] : memref<128x64xf32, #tpu.memory_space<vmem>> -> memref<1x64xf32, #tpu.memory_space<vmem>>
    %dma_start3A_327 = arith.constant 0 : i32
    %dma_start3A_328 = tpu.memref_slice %arg3[%squeeze3A_318, %dma_start3A_327] : memref<100000x64xf32, #tpu.memory_space<hbm>> -> memref<1x64xf32, #tpu.memory_space<hbm>>
    tpu.enqueue_dma source(%dma_start3A_328 : memref<1x64xf32, #tpu.memory_space<hbm>>) target(%dma_start3A_326 : memref<1x64xf32, #tpu.memory_space<vmem>>) target_semaphore(%arg7 : memref<!tpu.dma_semaphore, #tpu.memory_space<semaphore_mem>>)
    %slice3A_329 = vector.extract_strided_slice %get3A_196 {offsets = [11], sizes = [1], strides = [1]} : vector<16xi32> to vector<1xi32>
    %squeeze3A_330 = vector.extract %slice3A_329[0] : i32 from vector<1xi32>
    %dma_start3A_331 = arith.constant 27 : i32
    %dma_start3A_332 = arith.constant 0 : i32
    %dma_start3A_333 = tpu.memref_slice %arg6[%dma_start3A_331, %dma_start3A_332] : memref<128x64xf32, #tpu.memory_space<vmem>> -> memref<1x64xf32, #tpu.memory_space<vmem>>
    %dma_start3A_334 = arith.constant 0 : i32
    %dma_start3A_335 = tpu.memref_slice %arg3[%squeeze3A_330, %dma_start3A_334] : memref<100000x64xf32, #tpu.memory_space<hbm>> -> memref<1x64xf32, #tpu.memory_space<hbm>>
    %dma_start3A_336 = arith.constant 27 : i32
    %dma_start3A_337 = arith.constant 0 : i32
    %dma_start3A_338 = tpu.memref_slice %arg6[%dma_start3A_336, %dma_start3A_337] : memref<128x64xf32, #tpu.memory_space<vmem>> -> memref<1x64xf32, #tpu.memory_space<vmem>>
    %dma_start3A_339 = arith.constant 0 : i32
    %dma_start3A_340 = tpu.memref_slice %arg3[%squeeze3A_330, %dma_start3A_339] : memref<100000x64xf32, #tpu.memory_space<hbm>> -> memref<1x64xf32, #tpu.memory_space<hbm>>
    tpu.enqueue_dma source(%dma_start3A_340 : memref<1x64xf32, #tpu.memory_space<hbm>>) target(%dma_start3A_338 : memref<1x64xf32, #tpu.memory_space<vmem>>) target_semaphore(%arg7 : memref<!tpu.dma_semaphore, #tpu.memory_space<semaphore_mem>>)
    %slice3A_341 = vector.extract_strided_slice %get3A_196 {offsets = [12], sizes = [1], strides = [1]} : vector<16xi32> to vector<1xi32>
    %squeeze3A_342 = vector.extract %slice3A_341[0] : i32 from vector<1xi32>
    %dma_start3A_343 = arith.constant 28 : i32
    %dma_start3A_344 = arith.constant 0 : i32
    %dma_start3A_345 = tpu.memref_slice %arg6[%dma_start3A_343, %dma_start3A_344] : memref<128x64xf32, #tpu.memory_space<vmem>> -> memref<1x64xf32, #tpu.memory_space<vmem>>
    %dma_start3A_346 = arith.constant 0 : i32
    %dma_start3A_347 = tpu.memref_slice %arg3[%squeeze3A_342, %dma_start3A_346] : memref<100000x64xf32, #tpu.memory_space<hbm>> -> memref<1x64xf32, #tpu.memory_space<hbm>>
    %dma_start3A_348 = arith.constant 28 : i32
    %dma_start3A_349 = arith.constant 0 : i32
    %dma_start3A_350 = tpu.memref_slice %arg6[%dma_start3A_348, %dma_start3A_349] : memref<128x64xf32, #tpu.memory_space<vmem>> -> memref<1x64xf32, #tpu.memory_space<vmem>>
    %dma_start3A_351 = arith.constant 0 : i32
    %dma_start3A_352 = tpu.memref_slice %arg3[%squeeze3A_342, %dma_start3A_351] : memref<100000x64xf32, #tpu.memory_space<hbm>> -> memref<1x64xf32, #tpu.memory_space<hbm>>
    tpu.enqueue_dma source(%dma_start3A_352 : memref<1x64xf32, #tpu.memory_space<hbm>>) target(%dma_start3A_350 : memref<1x64xf32, #tpu.memory_space<vmem>>) target_semaphore(%arg7 : memref<!tpu.dma_semaphore, #tpu.memory_space<semaphore_mem>>)
    %slice3A_353 = vector.extract_strided_slice %get3A_196 {offsets = [13], sizes = [1], strides = [1]} : vector<16xi32> to vector<1xi32>
    %squeeze3A_354 = vector.extract %slice3A_353[0] : i32 from vector<1xi32>
    %dma_start3A_355 = arith.constant 29 : i32
    %dma_start3A_356 = arith.constant 0 : i32
    %dma_start3A_357 = tpu.memref_slice %arg6[%dma_start3A_355, %dma_start3A_356] : memref<128x64xf32, #tpu.memory_space<vmem>> -> memref<1x64xf32, #tpu.memory_space<vmem>>
    %dma_start3A_358 = arith.constant 0 : i32
    %dma_start3A_359 = tpu.memref_slice %arg3[%squeeze3A_354, %dma_start3A_358] : memref<100000x64xf32, #tpu.memory_space<hbm>> -> memref<1x64xf32, #tpu.memory_space<hbm>>
    %dma_start3A_360 = arith.constant 29 : i32
    %dma_start3A_361 = arith.constant 0 : i32
    %dma_start3A_362 = tpu.memref_slice %arg6[%dma_start3A_360, %dma_start3A_361] : memref<128x64xf32, #tpu.memory_space<vmem>> -> memref<1x64xf32, #tpu.memory_space<vmem>>
    %dma_start3A_363 = arith.constant 0 : i32
    %dma_start3A_364 = tpu.memref_slice %arg3[%squeeze3A_354, %dma_start3A_363] : memref<100000x64xf32, #tpu.memory_space<hbm>> -> memref<1x64xf32, #tpu.memory_space<hbm>>
    tpu.enqueue_dma source(%dma_start3A_364 : memref<1x64xf32, #tpu.memory_space<hbm>>) target(%dma_start3A_362 : memref<1x64xf32, #tpu.memory_space<vmem>>) target_semaphore(%arg7 : memref<!tpu.dma_semaphore, #tpu.memory_space<semaphore_mem>>)
    %slice3A_365 = vector.extract_strided_slice %get3A_196 {offsets = [14], sizes = [1], strides = [1]} : vector<16xi32> to vector<1xi32>
    %squeeze3A_366 = vector.extract %slice3A_365[0] : i32 from vector<1xi32>
    %dma_start3A_367 = arith.constant 30 : i32
    %dma_start3A_368 = arith.constant 0 : i32
    %dma_start3A_369 = tpu.memref_slice %arg6[%dma_start3A_367, %dma_start3A_368] : memref<128x64xf32, #tpu.memory_space<vmem>> -> memref<1x64xf32, #tpu.memory_space<vmem>>
    %dma_start3A_370 = arith.constant 0 : i32
    %dma_start3A_371 = tpu.memref_slice %arg3[%squeeze3A_366, %dma_start3A_370] : memref<100000x64xf32, #tpu.memory_space<hbm>> -> memref<1x64xf32, #tpu.memory_space<hbm>>
    %dma_start3A_372 = arith.constant 30 : i32
    %dma_start3A_373 = arith.constant 0 : i32
    %dma_start3A_374 = tpu.memref_slice %arg6[%dma_start3A_372, %dma_start3A_373] : memref<128x64xf32, #tpu.memory_space<vmem>> -> memref<1x64xf32, #tpu.memory_space<vmem>>
    %dma_start3A_375 = arith.constant 0 : i32
    %dma_start3A_376 = tpu.memref_slice %arg3[%squeeze3A_366, %dma_start3A_375] : memref<100000x64xf32, #tpu.memory_space<hbm>> -> memref<1x64xf32, #tpu.memory_space<hbm>>
    tpu.enqueue_dma source(%dma_start3A_376 : memref<1x64xf32, #tpu.memory_space<hbm>>) target(%dma_start3A_374 : memref<1x64xf32, #tpu.memory_space<vmem>>) target_semaphore(%arg7 : memref<!tpu.dma_semaphore, #tpu.memory_space<semaphore_mem>>)
    %slice3A_377 = vector.extract_strided_slice %get3A_196 {offsets = [15], sizes = [1], strides = [1]} : vector<16xi32> to vector<1xi32>
    %squeeze3A_378 = vector.extract %slice3A_377[0] : i32 from vector<1xi32>
    %dma_start3A_379 = arith.constant 31 : i32
    %dma_start3A_380 = arith.constant 0 : i32
    %dma_start3A_381 = tpu.memref_slice %arg6[%dma_start3A_379, %dma_start3A_380] : memref<128x64xf32, #tpu.memory_space<vmem>> -> memref<1x64xf32, #tpu.memory_space<vmem>>
    %dma_start3A_382 = arith.constant 0 : i32
    %dma_start3A_383 = tpu.memref_slice %arg3[%squeeze3A_378, %dma_start3A_382] : memref<100000x64xf32, #tpu.memory_space<hbm>> -> memref<1x64xf32, #tpu.memory_space<hbm>>
    %dma_start3A_384 = arith.constant 31 : i32
    %dma_start3A_385 = arith.constant 0 : i32
    %dma_start3A_386 = tpu.memref_slice %arg6[%dma_start3A_384, %dma_start3A_385] : memref<128x64xf32, #tpu.memory_space<vmem>> -> memref<1x64xf32, #tpu.memory_space<vmem>>
    %dma_start3A_387 = arith.constant 0 : i32
    %dma_start3A_388 = tpu.memref_slice %arg3[%squeeze3A_378, %dma_start3A_387] : memref<100000x64xf32, #tpu.memory_space<hbm>> -> memref<1x64xf32, #tpu.memory_space<hbm>>
    tpu.enqueue_dma source(%dma_start3A_388 : memref<1x64xf32, #tpu.memory_space<hbm>>) target(%dma_start3A_386 : memref<1x64xf32, #tpu.memory_space<vmem>>) target_semaphore(%arg7 : memref<!tpu.dma_semaphore, #tpu.memory_space<semaphore_mem>>)
    %get3A_389 = arith.constant 32 : index
    %get3A_390 = tpu.vector_load %arg5[%get3A_389] {strides = array<i32>} : memref<128xi32, #tpu.memory_space<vmem>>, vector<16xi32>,
    %get3A_391 = vector.shape_cast %get3A_390 : vector<16xi32> to vector<16xi32>
    %slice3A_392 = vector.extract_strided_slice %get3A_391 {offsets = [0], sizes = [1], strides = [1]} : vector<16xi32> to vector<1xi32>
    %squeeze3A_393 = vector.extract %slice3A_392[0] : i32 from vector<1xi32>
    %dma_start3A_394 = arith.constant 32 : i32
    %dma_start3A_395 = arith.constant 0 : i32
    %dma_start3A_396 = tpu.memref_slice %arg6[%dma_start3A_394, %dma_start3A_395] : memref<128x64xf32, #tpu.memory_space<vmem>> -> memref<1x64xf32, #tpu.memory_space<vmem>>
    %dma_start3A_397 = arith.constant 0 : i32
    %dma_start3A_398 = tpu.memref_slice %arg3[%squeeze3A_393, %dma_start3A_397] : memref<100000x64xf32, #tpu.memory_space<hbm>> -> memref<1x64xf32, #tpu.memory_space<hbm>>
    %dma_start3A_399 = arith.constant 32 : i32
    %dma_start3A_400 = arith.constant 0 : i32
    %dma_start3A_401 = tpu.memref_slice %arg6[%dma_start3A_399, %dma_start3A_400] : memref<128x64xf32, #tpu.memory_space<vmem>> -> memref<1x64xf32, #tpu.memory_space<vmem>>
    %dma_start3A_402 = arith.constant 0 : i32
    %dma_start3A_403 = tpu.memref_slice %arg3[%squeeze3A_393, %dma_start3A_402] : memref<100000x64xf32, #tpu.memory_space<hbm>> -> memref<1x64xf32, #tpu.memory_space<hbm>>
    tpu.enqueue_dma source(%dma_start3A_403 : memref<1x64xf32, #tpu.memory_space<hbm>>) target(%dma_start3A_401 : memref<1x64xf32, #tpu.memory_space<vmem>>) target_semaphore(%arg7 : memref<!tpu.dma_semaphore, #tpu.memory_space<semaphore_mem>>)
    %slice3A_404 = vector.extract_strided_slice %get3A_391 {offsets = [1], sizes = [1], strides = [1]} : vector<16xi32> to vector<1xi32>
    %squeeze3A_405 = vector.extract %slice3A_404[0] : i32 from vector<1xi32>
    %dma_start3A_406 = arith.constant 33 : i32
    %dma_start3A_407 = arith.constant 0 : i32
    %dma_start3A_408 = tpu.memref_slice %arg6[%dma_start3A_406, %dma_start3A_407] : memref<128x64xf32, #tpu.memory_space<vmem>> -> memref<1x64xf32, #tpu.memory_space<vmem>>
    %dma_start3A_409 = arith.constant 0 : i32
    %dma_start3A_410 = tpu.memref_slice %arg3[%squeeze3A_405, %dma_start3A_409] : memref<100000x64xf32, #tpu.memory_space<hbm>> -> memref<1x64xf32, #tpu.memory_space<hbm>>
    %dma_start3A_411 = arith.constant 33 : i32
    %dma_start3A_412 = arith.constant 0 : i32
    %dma_start3A_413 = tpu.memref_slice %arg6[%dma_start3A_411, %dma_start3A_412] : memref<128x64xf32, #tpu.memory_space<vmem>> -> memref<1x64xf32, #tpu.memory_space<vmem>>
    %dma_start3A_414 = arith.constant 0 : i32
    %dma_start3A_415 = tpu.memref_slice %arg3[%squeeze3A_405, %dma_start3A_414] : memref<100000x64xf32, #tpu.memory_space<hbm>> -> memref<1x64xf32, #tpu.memory_space<hbm>>
    tpu.enqueue_dma source(%dma_start3A_415 : memref<1x64xf32, #tpu.memory_space<hbm>>) target(%dma_start3A_413 : memref<1x64xf32, #tpu.memory_space<vmem>>) target_semaphore(%arg7 : memref<!tpu.dma_semaphore, #tpu.memory_space<semaphore_mem>>)
    %slice3A_416 = vector.extract_strided_slice %get3A_391 {offsets = [2], sizes = [1], strides = [1]} : vector<16xi32> to vector<1xi32>
    %squeeze3A_417 = vector.extract %slice3A_416[0] : i32 from vector<1xi32>
    %dma_start3A_418 = arith.constant 34 : i32
    %dma_start3A_419 = arith.constant 0 : i32
    %dma_start3A_420 = tpu.memref_slice %arg6[%dma_start3A_418, %dma_start3A_419] : memref<128x64xf32, #tpu.memory_space<vmem>> -> memref<1x64xf32, #tpu.memory_space<vmem>>
    %dma_start3A_421 = arith.constant 0 : i32
    %dma_start3A_422 = tpu.memref_slice %arg3[%squeeze3A_417, %dma_start3A_421] : memref<100000x64xf32, #tpu.memory_space<hbm>> -> memref<1x64xf32, #tpu.memory_space<hbm>>
    %dma_start3A_423 = arith.constant 34 : i32
    %dma_start3A_424 = arith.constant 0 : i32
    %dma_start3A_425 = tpu.memref_slice %arg6[%dma_start3A_423, %dma_start3A_424] : memref<128x64xf32, #tpu.memory_space<vmem>> -> memref<1x64xf32, #tpu.memory_space<vmem>>
    %dma_start3A_426 = arith.constant 0 : i32
    %dma_start3A_427 = tpu.memref_slice %arg3[%squeeze3A_417, %dma_start3A_426] : memref<100000x64xf32, #tpu.memory_space<hbm>> -> memref<1x64xf32, #tpu.memory_space<hbm>>
    tpu.enqueue_dma source(%dma_start3A_427 : memref<1x64xf32, #tpu.memory_space<hbm>>) target(%dma_start3A_425 : memref<1x64xf32, #tpu.memory_space<vmem>>) target_semaphore(%arg7 : memref<!tpu.dma_semaphore, #tpu.memory_space<semaphore_mem>>)
    %slice3A_428 = vector.extract_strided_slice %get3A_391 {offsets = [3], sizes = [1], strides = [1]} : vector<16xi32> to vector<1xi32>
    %squeeze3A_429 = vector.extract %slice3A_428[0] : i32 from vector<1xi32>
    %dma_start3A_430 = arith.constant 35 : i32
    %dma_start3A_431 = arith.constant 0 : i32
    %dma_start3A_432 = tpu.memref_slice %arg6[%dma_start3A_430, %dma_start3A_431] : memref<128x64xf32, #tpu.memory_space<vmem>> -> memref<1x64xf32, #tpu.memory_space<vmem>>
    %dma_start3A_433 = arith.constant 0 : i32
    %dma_start3A_434 = tpu.memref_slice %arg3[%squeeze3A_429, %dma_start3A_433] : memref<100000x64xf32, #tpu.memory_space<hbm>> -> memref<1x64xf32, #tpu.memory_space<hbm>>
    %dma_start3A_435 = arith.constant 35 : i32
    %dma_start3A_436 = arith.constant 0 : i32
    %dma_start3A_437 = tpu.memref_slice %arg6[%dma_start3A_435, %dma_start3A_436] : memref<128x64xf32, #tpu.memory_space<vmem>> -> memref<1x64xf32, #tpu.memory_space<vmem>>
    %dma_start3A_438 = arith.constant 0 : i32
    %dma_start3A_439 = tpu.memref_slice %arg3[%squeeze3A_429, %dma_start3A_438] : memref<100000x64xf32, #tpu.memory_space<hbm>> -> memref<1x64xf32, #tpu.memory_space<hbm>>
    tpu.enqueue_dma source(%dma_start3A_439 : memref<1x64xf32, #tpu.memory_space<hbm>>) target(%dma_start3A_437 : memref<1x64xf32, #tpu.memory_space<vmem>>) target_semaphore(%arg7 : memref<!tpu.dma_semaphore, #tpu.memory_space<semaphore_mem>>)
    %slice3A_440 = vector.extract_strided_slice %get3A_391 {offsets = [4], sizes = [1], strides = [1]} : vector<16xi32> to vector<1xi32>
    %squeeze3A_441 = vector.extract %slice3A_440[0] : i32 from vector<1xi32>
    %dma_start3A_442 = arith.constant 36 : i32
    %dma_start3A_443 = arith.constant 0 : i32
    %dma_start3A_444 = tpu.memref_slice %arg6[%dma_start3A_442, %dma_start3A_443] : memref<128x64xf32, #tpu.memory_space<vmem>> -> memref<1x64xf32, #tpu.memory_space<vmem>>
    %dma_start3A_445 = arith.constant 0 : i32
    %dma_start3A_446 = tpu.memref_slice %arg3[%squeeze3A_441, %dma_start3A_445] : memref<100000x64xf32, #tpu.memory_space<hbm>> -> memref<1x64xf32, #tpu.memory_space<hbm>>
    %dma_start3A_447 = arith.constant 36 : i32
    %dma_start3A_448 = arith.constant 0 : i32
    %dma_start3A_449 = tpu.memref_slice %arg6[%dma_start3A_447, %dma_start3A_448] : memref<128x64xf32, #tpu.memory_space<vmem>> -> memref<1x64xf32, #tpu.memory_space<vmem>>
    %dma_start3A_450 = arith.constant 0 : i32
    %dma_start3A_451 = tpu.memref_slice %arg3[%squeeze3A_441, %dma_start3A_450] : memref<100000x64xf32, #tpu.memory_space<hbm>> -> memref<1x64xf32, #tpu.memory_space<hbm>>
    tpu.enqueue_dma source(%dma_start3A_451 : memref<1x64xf32, #tpu.memory_space<hbm>>) target(%dma_start3A_449 : memref<1x64xf32, #tpu.memory_space<vmem>>) target_semaphore(%arg7 : memref<!tpu.dma_semaphore, #tpu.memory_space<semaphore_mem>>)
    %slice3A_452 = vector.extract_strided_slice %get3A_391 {offsets = [5], sizes = [1], strides = [1]} : vector<16xi32> to vector<1xi32>
    %squeeze3A_453 = vector.extract %slice3A_452[0] : i32 from vector<1xi32>
    %dma_start3A_454 = arith.constant 37 : i32
    %dma_start3A_455 = arith.constant 0 : i32
    %dma_start3A_456 = tpu.memref_slice %arg6[%dma_start3A_454, %dma_start3A_455] : memref<128x64xf32, #tpu.memory_space<vmem>> -> memref<1x64xf32, #tpu.memory_space<vmem>>
    %dma_start3A_457 = arith.constant 0 : i32
    %dma_start3A_458 = tpu.memref_slice %arg3[%squeeze3A_453, %dma_start3A_457] : memref<100000x64xf32, #tpu.memory_space<hbm>> -> memref<1x64xf32, #tpu.memory_space<hbm>>
    %dma_start3A_459 = arith.constant 37 : i32
    %dma_start3A_460 = arith.constant 0 : i32
    %dma_start3A_461 = tpu.memref_slice %arg6[%dma_start3A_459, %dma_start3A_460] : memref<128x64xf32, #tpu.memory_space<vmem>> -> memref<1x64xf32, #tpu.memory_space<vmem>>
    %dma_start3A_462 = arith.constant 0 : i32
    %dma_start3A_463 = tpu.memref_slice %arg3[%squeeze3A_453, %dma_start3A_462] : memref<100000x64xf32, #tpu.memory_space<hbm>> -> memref<1x64xf32, #tpu.memory_space<hbm>>
    tpu.enqueue_dma source(%dma_start3A_463 : memref<1x64xf32, #tpu.memory_space<hbm>>) target(%dma_start3A_461 : memref<1x64xf32, #tpu.memory_space<vmem>>) target_semaphore(%arg7 : memref<!tpu.dma_semaphore, #tpu.memory_space<semaphore_mem>>)
    %slice3A_464 = vector.extract_strided_slice %get3A_391 {offsets = [6], sizes = [1], strides = [1]} : vector<16xi32> to vector<1xi32>
    %squeeze3A_465 = vector.extract %slice3A_464[0] : i32 from vector<1xi32>
    %dma_start3A_466 = arith.constant 38 : i32
    %dma_start3A_467 = arith.constant 0 : i32
    %dma_start3A_468 = tpu.memref_slice %arg6[%dma_start3A_466, %dma_start3A_467] : memref<128x64xf32, #tpu.memory_space<vmem>> -> memref<1x64xf32, #tpu.memory_space<vmem>>
    %dma_start3A_469 = arith.constant 0 : i32
    %dma_start3A_470 = tpu.memref_slice %arg3[%squeeze3A_465, %dma_start3A_469] : memref<100000x64xf32, #tpu.memory_space<hbm>> -> memref<1x64xf32, #tpu.memory_space<hbm>>
    %dma_start3A_471 = arith.constant 38 : i32
    %dma_start3A_472 = arith.constant 0 : i32
    %dma_start3A_473 = tpu.memref_slice %arg6[%dma_start3A_471, %dma_start3A_472] : memref<128x64xf32, #tpu.memory_space<vmem>> -> memref<1x64xf32, #tpu.memory_space<vmem>>
    %dma_start3A_474 = arith.constant 0 : i32
    %dma_start3A_475 = tpu.memref_slice %arg3[%squeeze3A_465, %dma_start3A_474] : memref<100000x64xf32, #tpu.memory_space<hbm>> -> memref<1x64xf32, #tpu.memory_space<hbm>>
    tpu.enqueue_dma source(%dma_start3A_475 : memref<1x64xf32, #tpu.memory_space<hbm>>) target(%dma_start3A_473 : memref<1x64xf32, #tpu.memory_space<vmem>>) target_semaphore(%arg7 : memref<!tpu.dma_semaphore, #tpu.memory_space<semaphore_mem>>)
    %slice3A_476 = vector.extract_strided_slice %get3A_391 {offsets = [7], sizes = [1], strides = [1]} : vector<16xi32> to vector<1xi32>
    %squeeze3A_477 = vector.extract %slice3A_476[0] : i32 from vector<1xi32>
    %dma_start3A_478 = arith.constant 39 : i32
    %dma_start3A_479 = arith.constant 0 : i32
    %dma_start3A_480 = tpu.memref_slice %arg6[%dma_start3A_478, %dma_start3A_479] : memref<128x64xf32, #tpu.memory_space<vmem>> -> memref<1x64xf32, #tpu.memory_space<vmem>>
    %dma_start3A_481 = arith.constant 0 : i32
    %dma_start3A_482 = tpu.memref_slice %arg3[%squeeze3A_477, %dma_start3A_481] : memref<100000x64xf32, #tpu.memory_space<hbm>> -> memref<1x64xf32, #tpu.memory_space<hbm>>
    %dma_start3A_483 = arith.constant 39 : i32
    %dma_start3A_484 = arith.constant 0 : i32
    %dma_start3A_485 = tpu.memref_slice %arg6[%dma_start3A_483, %dma_start3A_484] : memref<128x64xf32, #tpu.memory_space<vmem>> -> memref<1x64xf32, #tpu.memory_space<vmem>>
    %dma_start3A_486 = arith.constant 0 : i32
    %dma_start3A_487 = tpu.memref_slice %arg3[%squeeze3A_477, %dma_start3A_486] : memref<100000x64xf32, #tpu.memory_space<hbm>> -> memref<1x64xf32, #tpu.memory_space<hbm>>
    tpu.enqueue_dma source(%dma_start3A_487 : memref<1x64xf32, #tpu.memory_space<hbm>>) target(%dma_start3A_485 : memref<1x64xf32, #tpu.memory_space<vmem>>) target_semaphore(%arg7 : memref<!tpu.dma_semaphore, #tpu.memory_space<semaphore_mem>>)
    %slice3A_488 = vector.extract_strided_slice %get3A_391 {offsets = [8], sizes = [1], strides = [1]} : vector<16xi32> to vector<1xi32>
    %squeeze3A_489 = vector.extract %slice3A_488[0] : i32 from vector<1xi32>
    %dma_start3A_490 = arith.constant 40 : i32
    %dma_start3A_491 = arith.constant 0 : i32
    %dma_start3A_492 = tpu.memref_slice %arg6[%dma_start3A_490, %dma_start3A_491] : memref<128x64xf32, #tpu.memory_space<vmem>> -> memref<1x64xf32, #tpu.memory_space<vmem>>
    %dma_start3A_493 = arith.constant 0 : i32
    %dma_start3A_494 = tpu.memref_slice %arg3[%squeeze3A_489, %dma_start3A_493] : memref<100000x64xf32, #tpu.memory_space<hbm>> -> memref<1x64xf32, #tpu.memory_space<hbm>>
    %dma_start3A_495 = arith.constant 40 : i32
    %dma_start3A_496 = arith.constant 0 : i32
    %dma_start3A_497 = tpu.memref_slice %arg6[%dma_start3A_495, %dma_start3A_496] : memref<128x64xf32, #tpu.memory_space<vmem>> -> memref<1x64xf32, #tpu.memory_space<vmem>>
    %dma_start3A_498 = arith.constant 0 : i32
    %dma_start3A_499 = tpu.memref_slice %arg3[%squeeze3A_489, %dma_start3A_498] : memref<100000x64xf32, #tpu.memory_space<hbm>> -> memref<1x64xf32, #tpu.memory_space<hbm>>
    tpu.enqueue_dma source(%dma_start3A_499 : memref<1x64xf32, #tpu.memory_space<hbm>>) target(%dma_start3A_497 : memref<1x64xf32, #tpu.memory_space<vmem>>) target_semaphore(%arg7 : memref<!tpu.dma_semaphore, #tpu.memory_space<semaphore_mem>>)
    %slice3A_500 = vector.extract_strided_slice %get3A_391 {offsets = [9], sizes = [1], strides = [1]} : vector<16xi32> to vector<1xi32>
    %squeeze3A_501 = vector.extract %slice3A_500[0] : i32 from vector<1xi32>
    %dma_start3A_502 = arith.constant 41 : i32
    %dma_start3A_503 = arith.constant 0 : i32
    %dma_start3A_504 = tpu.memref_slice %arg6[%dma_start3A_502, %dma_start3A_503] : memref<128x64xf32, #tpu.memory_space<vmem>> -> memref<1x64xf32, #tpu.memory_space<vmem>>
    %dma_start3A_505 = arith.constant 0 : i32
    %dma_start3A_506 = tpu.memref_slice %arg3[%squeeze3A_501, %dma_start3A_505] : memref<100000x64xf32, #tpu.memory_space<hbm>> -> memref<1x64xf32, #tpu.memory_space<hbm>>
    %dma_start3A_507 = arith.constant 41 : i32
    %dma_start3A_508 = arith.constant 0 : i32
    %dma_start3A_509 = tpu.memref_slice %arg6[%dma_start3A_507, %dma_start3A_508] : memref<128x64xf32, #tpu.memory_space<vmem>> -> memref<1x64xf32, #tpu.memory_space<vmem>>
    %dma_start3A_510 = arith.constant 0 : i32
    %dma_start3A_511 = tpu.memref_slice %arg3[%squeeze3A_501, %dma_start3A_510] : memref<100000x64xf32, #tpu.memory_space<hbm>> -> memref<1x64xf32, #tpu.memory_space<hbm>>
    tpu.enqueue_dma source(%dma_start3A_511 : memref<1x64xf32, #tpu.memory_space<hbm>>) target(%dma_start3A_509 : memref<1x64xf32, #tpu.memory_space<vmem>>) target_semaphore(%arg7 : memref<!tpu.dma_semaphore, #tpu.memory_space<semaphore_mem>>)
    %slice3A_512 = vector.extract_strided_slice %get3A_391 {offsets = [10], sizes = [1], strides = [1]} : vector<16xi32> to vector<1xi32>
    %squeeze3A_513 = vector.extract %slice3A_512[0] : i32 from vector<1xi32>
    %dma_start3A_514 = arith.constant 42 : i32
    %dma_start3A_515 = arith.constant 0 : i32
    %dma_start3A_516 = tpu.memref_slice %arg6[%dma_start3A_514, %dma_start3A_515] : memref<128x64xf32, #tpu.memory_space<vmem>> -> memref<1x64xf32, #tpu.memory_space<vmem>>
    %dma_start3A_517 = arith.constant 0 : i32
    %dma_start3A_518 = tpu.memref_slice %arg3[%squeeze3A_513, %dma_start3A_517] : memref<100000x64xf32, #tpu.memory_space<hbm>> -> memref<1x64xf32, #tpu.memory_space<hbm>>
    %dma_start3A_519 = arith.constant 42 : i32
    %dma_start3A_520 = arith.constant 0 : i32
    %dma_start3A_521 = tpu.memref_slice %arg6[%dma_start3A_519, %dma_start3A_520] : memref<128x64xf32, #tpu.memory_space<vmem>> -> memref<1x64xf32, #tpu.memory_space<vmem>>
    %dma_start3A_522 = arith.constant 0 : i32
    %dma_start3A_523 = tpu.memref_slice %arg3[%squeeze3A_513, %dma_start3A_522] : memref<100000x64xf32, #tpu.memory_space<hbm>> -> memref<1x64xf32, #tpu.memory_space<hbm>>
    tpu.enqueue_dma source(%dma_start3A_523 : memref<1x64xf32, #tpu.memory_space<hbm>>) target(%dma_start3A_521 : memref<1x64xf32, #tpu.memory_space<vmem>>) target_semaphore(%arg7 : memref<!tpu.dma_semaphore, #tpu.memory_space<semaphore_mem>>)
    %slice3A_524 = vector.extract_strided_slice %get3A_391 {offsets = [11], sizes = [1], strides = [1]} : vector<16xi32> to vector<1xi32>
    %squeeze3A_525 = vector.extract %slice3A_524[0] : i32 from vector<1xi32>
    %dma_start3A_526 = arith.constant 43 : i32
    %dma_start3A_527 = arith.constant 0 : i32
    %dma_start3A_528 = tpu.memref_slice %arg6[%dma_start3A_526, %dma_start3A_527] : memref<128x64xf32, #tpu.memory_space<vmem>> -> memref<1x64xf32, #tpu.memory_space<vmem>>
    %dma_start3A_529 = arith.constant 0 : i32
    %dma_start3A_530 = tpu.memref_slice %arg3[%squeeze3A_525, %dma_start3A_529] : memref<100000x64xf32, #tpu.memory_space<hbm>> -> memref<1x64xf32, #tpu.memory_space<hbm>>
    %dma_start3A_531 = arith.constant 43 : i32
    %dma_start3A_532 = arith.constant 0 : i32
    %dma_start3A_533 = tpu.memref_slice %arg6[%dma_start3A_531, %dma_start3A_532] : memref<128x64xf32, #tpu.memory_space<vmem>> -> memref<1x64xf32, #tpu.memory_space<vmem>>
    %dma_start3A_534 = arith.constant 0 : i32
    %dma_start3A_535 = tpu.memref_slice %arg3[%squeeze3A_525, %dma_start3A_534] : memref<100000x64xf32, #tpu.memory_space<hbm>> -> memref<1x64xf32, #tpu.memory_space<hbm>>
    tpu.enqueue_dma source(%dma_start3A_535 : memref<1x64xf32, #tpu.memory_space<hbm>>) target(%dma_start3A_533 : memref<1x64xf32, #tpu.memory_space<vmem>>) target_semaphore(%arg7 : memref<!tpu.dma_semaphore, #tpu.memory_space<semaphore_mem>>)
    %slice3A_536 = vector.extract_strided_slice %get3A_391 {offsets = [12], sizes = [1], strides = [1]} : vector<16xi32> to vector<1xi32>
    %squeeze3A_537 = vector.extract %slice3A_536[0] : i32 from vector<1xi32>
    %dma_start3A_538 = arith.constant 44 : i32
    %dma_start3A_539 = arith.constant 0 : i32
    %dma_start3A_540 = tpu.memref_slice %arg6[%dma_start3A_538, %dma_start3A_539] : memref<128x64xf32, #tpu.memory_space<vmem>> -> memref<1x64xf32, #tpu.memory_space<vmem>>
    %dma_start3A_541 = arith.constant 0 : i32
    %dma_start3A_542 = tpu.memref_slice %arg3[%squeeze3A_537, %dma_start3A_541] : memref<100000x64xf32, #tpu.memory_space<hbm>> -> memref<1x64xf32, #tpu.memory_space<hbm>>
    %dma_start3A_543 = arith.constant 44 : i32
    %dma_start3A_544 = arith.constant 0 : i32
    %dma_start3A_545 = tpu.memref_slice %arg6[%dma_start3A_543, %dma_start3A_544] : memref<128x64xf32, #tpu.memory_space<vmem>> -> memref<1x64xf32, #tpu.memory_space<vmem>>
    %dma_start3A_546 = arith.constant 0 : i32
    %dma_start3A_547 = tpu.memref_slice %arg3[%squeeze3A_537, %dma_start3A_546] : memref<100000x64xf32, #tpu.memory_space<hbm>> -> memref<1x64xf32, #tpu.memory_space<hbm>>
    tpu.enqueue_dma source(%dma_start3A_547 : memref<1x64xf32, #tpu.memory_space<hbm>>) target(%dma_start3A_545 : memref<1x64xf32, #tpu.memory_space<vmem>>) target_semaphore(%arg7 : memref<!tpu.dma_semaphore, #tpu.memory_space<semaphore_mem>>)
    %slice3A_548 = vector.extract_strided_slice %get3A_391 {offsets = [13], sizes = [1], strides = [1]} : vector<16xi32> to vector<1xi32>
    %squeeze3A_549 = vector.extract %slice3A_548[0] : i32 from vector<1xi32>
    %dma_start3A_550 = arith.constant 45 : i32
    %dma_start3A_551 = arith.constant 0 : i32
    %dma_start3A_552 = tpu.memref_slice %arg6[%dma_start3A_550, %dma_start3A_551] : memref<128x64xf32, #tpu.memory_space<vmem>> -> memref<1x64xf32, #tpu.memory_space<vmem>>
    %dma_start3A_553 = arith.constant 0 : i32
    %dma_start3A_554 = tpu.memref_slice %arg3[%squeeze3A_549, %dma_start3A_553] : memref<100000x64xf32, #tpu.memory_space<hbm>> -> memref<1x64xf32, #tpu.memory_space<hbm>>
    %dma_start3A_555 = arith.constant 45 : i32
    %dma_start3A_556 = arith.constant 0 : i32
    %dma_start3A_557 = tpu.memref_slice %arg6[%dma_start3A_555, %dma_start3A_556] : memref<128x64xf32, #tpu.memory_space<vmem>> -> memref<1x64xf32, #tpu.memory_space<vmem>>
    %dma_start3A_558 = arith.constant 0 : i32
    %dma_start3A_559 = tpu.memref_slice %arg3[%squeeze3A_549, %dma_start3A_558] : memref<100000x64xf32, #tpu.memory_space<hbm>> -> memref<1x64xf32, #tpu.memory_space<hbm>>
    tpu.enqueue_dma source(%dma_start3A_559 : memref<1x64xf32, #tpu.memory_space<hbm>>) target(%dma_start3A_557 : memref<1x64xf32, #tpu.memory_space<vmem>>) target_semaphore(%arg7 : memref<!tpu.dma_semaphore, #tpu.memory_space<semaphore_mem>>)
    %slice3A_560 = vector.extract_strided_slice %get3A_391 {offsets = [14], sizes = [1], strides = [1]} : vector<16xi32> to vector<1xi32>
    %squeeze3A_561 = vector.extract %slice3A_560[0] : i32 from vector<1xi32>
    %dma_start3A_562 = arith.constant 46 : i32
    %dma_start3A_563 = arith.constant 0 : i32
    %dma_start3A_564 = tpu.memref_slice %arg6[%dma_start3A_562, %dma_start3A_563] : memref<128x64xf32, #tpu.memory_space<vmem>> -> memref<1x64xf32, #tpu.memory_space<vmem>>
    %dma_start3A_565 = arith.constant 0 : i32
    %dma_start3A_566 = tpu.memref_slice %arg3[%squeeze3A_561, %dma_start3A_565] : memref<100000x64xf32, #tpu.memory_space<hbm>> -> memref<1x64xf32, #tpu.memory_space<hbm>>
    %dma_start3A_567 = arith.constant 46 : i32
    %dma_start3A_568 = arith.constant 0 : i32
    %dma_start3A_569 = tpu.memref_slice %arg6[%dma_start3A_567, %dma_start3A_568] : memref<128x64xf32, #tpu.memory_space<vmem>> -> memref<1x64xf32, #tpu.memory_space<vmem>>
    %dma_start3A_570 = arith.constant 0 : i32
    %dma_start3A_571 = tpu.memref_slice %arg3[%squeeze3A_561, %dma_start3A_570] : memref<100000x64xf32, #tpu.memory_space<hbm>> -> memref<1x64xf32, #tpu.memory_space<hbm>>
    tpu.enqueue_dma source(%dma_start3A_571 : memref<1x64xf32, #tpu.memory_space<hbm>>) target(%dma_start3A_569 : memref<1x64xf32, #tpu.memory_space<vmem>>) target_semaphore(%arg7 : memref<!tpu.dma_semaphore, #tpu.memory_space<semaphore_mem>>)
    %slice3A_572 = vector.extract_strided_slice %get3A_391 {offsets = [15], sizes = [1], strides = [1]} : vector<16xi32> to vector<1xi32>
    %squeeze3A_573 = vector.extract %slice3A_572[0] : i32 from vector<1xi32>
    %dma_start3A_574 = arith.constant 47 : i32
    %dma_start3A_575 = arith.constant 0 : i32
    %dma_start3A_576 = tpu.memref_slice %arg6[%dma_start3A_574, %dma_start3A_575] : memref<128x64xf32, #tpu.memory_space<vmem>> -> memref<1x64xf32, #tpu.memory_space<vmem>>
    %dma_start3A_577 = arith.constant 0 : i32
    %dma_start3A_578 = tpu.memref_slice %arg3[%squeeze3A_573, %dma_start3A_577] : memref<100000x64xf32, #tpu.memory_space<hbm>> -> memref<1x64xf32, #tpu.memory_space<hbm>>
    %dma_start3A_579 = arith.constant 47 : i32
    %dma_start3A_580 = arith.constant 0 : i32
    %dma_start3A_581 = tpu.memref_slice %arg6[%dma_start3A_579, %dma_start3A_580] : memref<128x64xf32, #tpu.memory_space<vmem>> -> memref<1x64xf32, #tpu.memory_space<vmem>>
    %dma_start3A_582 = arith.constant 0 : i32
    %dma_start3A_583 = tpu.memref_slice %arg3[%squeeze3A_573, %dma_start3A_582] : memref<100000x64xf32, #tpu.memory_space<hbm>> -> memref<1x64xf32, #tpu.memory_space<hbm>>
    tpu.enqueue_dma source(%dma_start3A_583 : memref<1x64xf32, #tpu.memory_space<hbm>>) target(%dma_start3A_581 : memref<1x64xf32, #tpu.memory_space<vmem>>) target_semaphore(%arg7 : memref<!tpu.dma_semaphore, #tpu.memory_space<semaphore_mem>>)
    %get3A_584 = arith.constant 48 : index
    %get3A_585 = tpu.vector_load %arg5[%get3A_584] {strides = array<i32>} : memref<128xi32, #tpu.memory_space<vmem>>, vector<16xi32>,
    %get3A_586 = vector.shape_cast %get3A_585 : vector<16xi32> to vector<16xi32>
    %slice3A_587 = vector.extract_strided_slice %get3A_586 {offsets = [0], sizes = [1], strides = [1]} : vector<16xi32> to vector<1xi32>
    %squeeze3A_588 = vector.extract %slice3A_587[0] : i32 from vector<1xi32>
    %dma_start3A_589 = arith.constant 48 : i32
    %dma_start3A_590 = arith.constant 0 : i32
    %dma_start3A_591 = tpu.memref_slice %arg6[%dma_start3A_589, %dma_start3A_590] : memref<128x64xf32, #tpu.memory_space<vmem>> -> memref<1x64xf32, #tpu.memory_space<vmem>>
    %dma_start3A_592 = arith.constant 0 : i32
    %dma_start3A_593 = tpu.memref_slice %arg3[%squeeze3A_588, %dma_start3A_592] : memref<100000x64xf32, #tpu.memory_space<hbm>> -> memref<1x64xf32, #tpu.memory_space<hbm>>
    %dma_start3A_594 = arith.constant 48 : i32
    %dma_start3A_595 = arith.constant 0 : i32
    %dma_start3A_596 = tpu.memref_slice %arg6[%dma_start3A_594, %dma_start3A_595] : memref<128x64xf32, #tpu.memory_space<vmem>> -> memref<1x64xf32, #tpu.memory_space<vmem>>
    %dma_start3A_597 = arith.constant 0 : i32
    %dma_start3A_598 = tpu.memref_slice %arg3[%squeeze3A_588, %dma_start3A_597] : memref<100000x64xf32, #tpu.memory_space<hbm>> -> memref<1x64xf32, #tpu.memory_space<hbm>>
    tpu.enqueue_dma source(%dma_start3A_598 : memref<1x64xf32, #tpu.memory_space<hbm>>) target(%dma_start3A_596 : memref<1x64xf32, #tpu.memory_space<vmem>>) target_semaphore(%arg7 : memref<!tpu.dma_semaphore, #tpu.memory_space<semaphore_mem>>)
    %slice3A_599 = vector.extract_strided_slice %get3A_586 {offsets = [1], sizes = [1], strides = [1]} : vector<16xi32> to vector<1xi32>
    %squeeze3A_600 = vector.extract %slice3A_599[0] : i32 from vector<1xi32>
    %dma_start3A_601 = arith.constant 49 : i32
    %dma_start3A_602 = arith.constant 0 : i32
    %dma_start3A_603 = tpu.memref_slice %arg6[%dma_start3A_601, %dma_start3A_602] : memref<128x64xf32, #tpu.memory_space<vmem>> -> memref<1x64xf32, #tpu.memory_space<vmem>>
    %dma_start3A_604 = arith.constant 0 : i32
    %dma_start3A_605 = tpu.memref_slice %arg3[%squeeze3A_600, %dma_start3A_604] : memref<100000x64xf32, #tpu.memory_space<hbm>> -> memref<1x64xf32, #tpu.memory_space<hbm>>
    %dma_start3A_606 = arith.constant 49 : i32
    %dma_start3A_607 = arith.constant 0 : i32
    %dma_start3A_608 = tpu.memref_slice %arg6[%dma_start3A_606, %dma_start3A_607] : memref<128x64xf32, #tpu.memory_space<vmem>> -> memref<1x64xf32, #tpu.memory_space<vmem>>
    %dma_start3A_609 = arith.constant 0 : i32
    %dma_start3A_610 = tpu.memref_slice %arg3[%squeeze3A_600, %dma_start3A_609] : memref<100000x64xf32, #tpu.memory_space<hbm>> -> memref<1x64xf32, #tpu.memory_space<hbm>>
    tpu.enqueue_dma source(%dma_start3A_610 : memref<1x64xf32, #tpu.memory_space<hbm>>) target(%dma_start3A_608 : memref<1x64xf32, #tpu.memory_space<vmem>>) target_semaphore(%arg7 : memref<!tpu.dma_semaphore, #tpu.memory_space<semaphore_mem>>)
    %slice3A_611 = vector.extract_strided_slice %get3A_586 {offsets = [2], sizes = [1], strides = [1]} : vector<16xi32> to vector<1xi32>
    %squeeze3A_612 = vector.extract %slice3A_611[0] : i32 from vector<1xi32>
    %dma_start3A_613 = arith.constant 50 : i32
    %dma_start3A_614 = arith.constant 0 : i32
    %dma_start3A_615 = tpu.memref_slice %arg6[%dma_start3A_613, %dma_start3A_614] : memref<128x64xf32, #tpu.memory_space<vmem>> -> memref<1x64xf32, #tpu.memory_space<vmem>>
    %dma_start3A_616 = arith.constant 0 : i32
    %dma_start3A_617 = tpu.memref_slice %arg3[%squeeze3A_612, %dma_start3A_616] : memref<100000x64xf32, #tpu.memory_space<hbm>> -> memref<1x64xf32, #tpu.memory_space<hbm>>
    %dma_start3A_618 = arith.constant 50 : i32
    %dma_start3A_619 = arith.constant 0 : i32
    %dma_start3A_620 = tpu.memref_slice %arg6[%dma_start3A_618, %dma_start3A_619] : memref<128x64xf32, #tpu.memory_space<vmem>> -> memref<1x64xf32, #tpu.memory_space<vmem>>
    %dma_start3A_621 = arith.constant 0 : i32
    %dma_start3A_622 = tpu.memref_slice %arg3[%squeeze3A_612, %dma_start3A_621] : memref<100000x64xf32, #tpu.memory_space<hbm>> -> memref<1x64xf32, #tpu.memory_space<hbm>>
    tpu.enqueue_dma source(%dma_start3A_622 : memref<1x64xf32, #tpu.memory_space<hbm>>) target(%dma_start3A_620 : memref<1x64xf32, #tpu.memory_space<vmem>>) target_semaphore(%arg7 : memref<!tpu.dma_semaphore, #tpu.memory_space<semaphore_mem>>)
    %slice3A_623 = vector.extract_strided_slice %get3A_586 {offsets = [3], sizes = [1], strides = [1]} : vector<16xi32> to vector<1xi32>
    %squeeze3A_624 = vector.extract %slice3A_623[0] : i32 from vector<1xi32>
    %dma_start3A_625 = arith.constant 51 : i32
    %dma_start3A_626 = arith.constant 0 : i32
    %dma_start3A_627 = tpu.memref_slice %arg6[%dma_start3A_625, %dma_start3A_626] : memref<128x64xf32, #tpu.memory_space<vmem>> -> memref<1x64xf32, #tpu.memory_space<vmem>>
    %dma_start3A_628 = arith.constant 0 : i32
    %dma_start3A_629 = tpu.memref_slice %arg3[%squeeze3A_624, %dma_start3A_628] : memref<100000x64xf32, #tpu.memory_space<hbm>> -> memref<1x64xf32, #tpu.memory_space<hbm>>
    %dma_start3A_630 = arith.constant 51 : i32
    %dma_start3A_631 = arith.constant 0 : i32
    %dma_start3A_632 = tpu.memref_slice %arg6[%dma_start3A_630, %dma_start3A_631] : memref<128x64xf32, #tpu.memory_space<vmem>> -> memref<1x64xf32, #tpu.memory_space<vmem>>
    %dma_start3A_633 = arith.constant 0 : i32
    %dma_start3A_634 = tpu.memref_slice %arg3[%squeeze3A_624, %dma_start3A_633] : memref<100000x64xf32, #tpu.memory_space<hbm>> -> memref<1x64xf32, #tpu.memory_space<hbm>>
    tpu.enqueue_dma source(%dma_start3A_634 : memref<1x64xf32, #tpu.memory_space<hbm>>) target(%dma_start3A_632 : memref<1x64xf32, #tpu.memory_space<vmem>>) target_semaphore(%arg7 : memref<!tpu.dma_semaphore, #tpu.memory_space<semaphore_mem>>)
    %slice3A_635 = vector.extract_strided_slice %get3A_586 {offsets = [4], sizes = [1], strides = [1]} : vector<16xi32> to vector<1xi32>
    %squeeze3A_636 = vector.extract %slice3A_635[0] : i32 from vector<1xi32>
    %dma_start3A_637 = arith.constant 52 : i32
    %dma_start3A_638 = arith.constant 0 : i32
    %dma_start3A_639 = tpu.memref_slice %arg6[%dma_start3A_637, %dma_start3A_638] : memref<128x64xf32, #tpu.memory_space<vmem>> -> memref<1x64xf32, #tpu.memory_space<vmem>>
    %dma_start3A_640 = arith.constant 0 : i32
    %dma_start3A_641 = tpu.memref_slice %arg3[%squeeze3A_636, %dma_start3A_640] : memref<100000x64xf32, #tpu.memory_space<hbm>> -> memref<1x64xf32, #tpu.memory_space<hbm>>
    %dma_start3A_642 = arith.constant 52 : i32
    %dma_start3A_643 = arith.constant 0 : i32
    %dma_start3A_644 = tpu.memref_slice %arg6[%dma_start3A_642, %dma_start3A_643] : memref<128x64xf32, #tpu.memory_space<vmem>> -> memref<1x64xf32, #tpu.memory_space<vmem>>
    %dma_start3A_645 = arith.constant 0 : i32
    %dma_start3A_646 = tpu.memref_slice %arg3[%squeeze3A_636, %dma_start3A_645] : memref<100000x64xf32, #tpu.memory_space<hbm>> -> memref<1x64xf32, #tpu.memory_space<hbm>>
    tpu.enqueue_dma source(%dma_start3A_646 : memref<1x64xf32, #tpu.memory_space<hbm>>) target(%dma_start3A_644 : memref<1x64xf32, #tpu.memory_space<vmem>>) target_semaphore(%arg7 : memref<!tpu.dma_semaphore, #tpu.memory_space<semaphore_mem>>)
    %slice3A_647 = vector.extract_strided_slice %get3A_586 {offsets = [5], sizes = [1], strides = [1]} : vector<16xi32> to vector<1xi32>
    %squeeze3A_648 = vector.extract %slice3A_647[0] : i32 from vector<1xi32>
    %dma_start3A_649 = arith.constant 53 : i32
    %dma_start3A_650 = arith.constant 0 : i32
    %dma_start3A_651 = tpu.memref_slice %arg6[%dma_start3A_649, %dma_start3A_650] : memref<128x64xf32, #tpu.memory_space<vmem>> -> memref<1x64xf32, #tpu.memory_space<vmem>>
    %dma_start3A_652 = arith.constant 0 : i32
    %dma_start3A_653 = tpu.memref_slice %arg3[%squeeze3A_648, %dma_start3A_652] : memref<100000x64xf32, #tpu.memory_space<hbm>> -> memref<1x64xf32, #tpu.memory_space<hbm>>
    %dma_start3A_654 = arith.constant 53 : i32
    %dma_start3A_655 = arith.constant 0 : i32
    %dma_start3A_656 = tpu.memref_slice %arg6[%dma_start3A_654, %dma_start3A_655] : memref<128x64xf32, #tpu.memory_space<vmem>> -> memref<1x64xf32, #tpu.memory_space<vmem>>
    %dma_start3A_657 = arith.constant 0 : i32
    %dma_start3A_658 = tpu.memref_slice %arg3[%squeeze3A_648, %dma_start3A_657] : memref<100000x64xf32, #tpu.memory_space<hbm>> -> memref<1x64xf32, #tpu.memory_space<hbm>>
    tpu.enqueue_dma source(%dma_start3A_658 : memref<1x64xf32, #tpu.memory_space<hbm>>) target(%dma_start3A_656 : memref<1x64xf32, #tpu.memory_space<vmem>>) target_semaphore(%arg7 : memref<!tpu.dma_semaphore, #tpu.memory_space<semaphore_mem>>)
    %slice3A_659 = vector.extract_strided_slice %get3A_586 {offsets = [6], sizes = [1], strides = [1]} : vector<16xi32> to vector<1xi32>
    %squeeze3A_660 = vector.extract %slice3A_659[0] : i32 from vector<1xi32>
    %dma_start3A_661 = arith.constant 54 : i32
    %dma_start3A_662 = arith.constant 0 : i32
    %dma_start3A_663 = tpu.memref_slice %arg6[%dma_start3A_661, %dma_start3A_662] : memref<128x64xf32, #tpu.memory_space<vmem>> -> memref<1x64xf32, #tpu.memory_space<vmem>>
    %dma_start3A_664 = arith.constant 0 : i32
    %dma_start3A_665 = tpu.memref_slice %arg3[%squeeze3A_660, %dma_start3A_664] : memref<100000x64xf32, #tpu.memory_space<hbm>> -> memref<1x64xf32, #tpu.memory_space<hbm>>
    %dma_start3A_666 = arith.constant 54 : i32
    %dma_start3A_667 = arith.constant 0 : i32
    %dma_start3A_668 = tpu.memref_slice %arg6[%dma_start3A_666, %dma_start3A_667] : memref<128x64xf32, #tpu.memory_space<vmem>> -> memref<1x64xf32, #tpu.memory_space<vmem>>
    %dma_start3A_669 = arith.constant 0 : i32
    %dma_start3A_670 = tpu.memref_slice %arg3[%squeeze3A_660, %dma_start3A_669] : memref<100000x64xf32, #tpu.memory_space<hbm>> -> memref<1x64xf32, #tpu.memory_space<hbm>>
    tpu.enqueue_dma source(%dma_start3A_670 : memref<1x64xf32, #tpu.memory_space<hbm>>) target(%dma_start3A_668 : memref<1x64xf32, #tpu.memory_space<vmem>>) target_semaphore(%arg7 : memref<!tpu.dma_semaphore, #tpu.memory_space<semaphore_mem>>)
    %slice3A_671 = vector.extract_strided_slice %get3A_586 {offsets = [7], sizes = [1], strides = [1]} : vector<16xi32> to vector<1xi32>
    %squeeze3A_672 = vector.extract %slice3A_671[0] : i32 from vector<1xi32>
    %dma_start3A_673 = arith.constant 55 : i32
    %dma_start3A_674 = arith.constant 0 : i32
    %dma_start3A_675 = tpu.memref_slice %arg6[%dma_start3A_673, %dma_start3A_674] : memref<128x64xf32, #tpu.memory_space<vmem>> -> memref<1x64xf32, #tpu.memory_space<vmem>>
    %dma_start3A_676 = arith.constant 0 : i32
    %dma_start3A_677 = tpu.memref_slice %arg3[%squeeze3A_672, %dma_start3A_676] : memref<100000x64xf32, #tpu.memory_space<hbm>> -> memref<1x64xf32, #tpu.memory_space<hbm>>
    %dma_start3A_678 = arith.constant 55 : i32
    %dma_start3A_679 = arith.constant 0 : i32
    %dma_start3A_680 = tpu.memref_slice %arg6[%dma_start3A_678, %dma_start3A_679] : memref<128x64xf32, #tpu.memory_space<vmem>> -> memref<1x64xf32, #tpu.memory_space<vmem>>
    %dma_start3A_681 = arith.constant 0 : i32
    %dma_start3A_682 = tpu.memref_slice %arg3[%squeeze3A_672, %dma_start3A_681] : memref<100000x64xf32, #tpu.memory_space<hbm>> -> memref<1x64xf32, #tpu.memory_space<hbm>>
    tpu.enqueue_dma source(%dma_start3A_682 : memref<1x64xf32, #tpu.memory_space<hbm>>) target(%dma_start3A_680 : memref<1x64xf32, #tpu.memory_space<vmem>>) target_semaphore(%arg7 : memref<!tpu.dma_semaphore, #tpu.memory_space<semaphore_mem>>)
    %slice3A_683 = vector.extract_strided_slice %get3A_586 {offsets = [8], sizes = [1], strides = [1]} : vector<16xi32> to vector<1xi32>
    %squeeze3A_684 = vector.extract %slice3A_683[0] : i32 from vector<1xi32>
    %dma_start3A_685 = arith.constant 56 : i32
    %dma_start3A_686 = arith.constant 0 : i32
    %dma_start3A_687 = tpu.memref_slice %arg6[%dma_start3A_685, %dma_start3A_686] : memref<128x64xf32, #tpu.memory_space<vmem>> -> memref<1x64xf32, #tpu.memory_space<vmem>>
    %dma_start3A_688 = arith.constant 0 : i32
    %dma_start3A_689 = tpu.memref_slice %arg3[%squeeze3A_684, %dma_start3A_688] : memref<100000x64xf32, #tpu.memory_space<hbm>> -> memref<1x64xf32, #tpu.memory_space<hbm>>
    %dma_start3A_690 = arith.constant 56 : i32
    %dma_start3A_691 = arith.constant 0 : i32
    %dma_start3A_692 = tpu.memref_slice %arg6[%dma_start3A_690, %dma_start3A_691] : memref<128x64xf32, #tpu.memory_space<vmem>> -> memref<1x64xf32, #tpu.memory_space<vmem>>
    %dma_start3A_693 = arith.constant 0 : i32
    %dma_start3A_694 = tpu.memref_slice %arg3[%squeeze3A_684, %dma_start3A_693] : memref<100000x64xf32, #tpu.memory_space<hbm>> -> memref<1x64xf32, #tpu.memory_space<hbm>>
    tpu.enqueue_dma source(%dma_start3A_694 : memref<1x64xf32, #tpu.memory_space<hbm>>) target(%dma_start3A_692 : memref<1x64xf32, #tpu.memory_space<vmem>>) target_semaphore(%arg7 : memref<!tpu.dma_semaphore, #tpu.memory_space<semaphore_mem>>)
    %slice3A_695 = vector.extract_strided_slice %get3A_586 {offsets = [9], sizes = [1], strides = [1]} : vector<16xi32> to vector<1xi32>
    %squeeze3A_696 = vector.extract %slice3A_695[0] : i32 from vector<1xi32>
    %dma_start3A_697 = arith.constant 57 : i32
    %dma_start3A_698 = arith.constant 0 : i32
    %dma_start3A_699 = tpu.memref_slice %arg6[%dma_start3A_697, %dma_start3A_698] : memref<128x64xf32, #tpu.memory_space<vmem>> -> memref<1x64xf32, #tpu.memory_space<vmem>>
    %dma_start3A_700 = arith.constant 0 : i32
    %dma_start3A_701 = tpu.memref_slice %arg3[%squeeze3A_696, %dma_start3A_700] : memref<100000x64xf32, #tpu.memory_space<hbm>> -> memref<1x64xf32, #tpu.memory_space<hbm>>
    %dma_start3A_702 = arith.constant 57 : i32
    %dma_start3A_703 = arith.constant 0 : i32
    %dma_start3A_704 = tpu.memref_slice %arg6[%dma_start3A_702, %dma_start3A_703] : memref<128x64xf32, #tpu.memory_space<vmem>> -> memref<1x64xf32, #tpu.memory_space<vmem>>
    %dma_start3A_705 = arith.constant 0 : i32
    %dma_start3A_706 = tpu.memref_slice %arg3[%squeeze3A_696, %dma_start3A_705] : memref<100000x64xf32, #tpu.memory_space<hbm>> -> memref<1x64xf32, #tpu.memory_space<hbm>>
    tpu.enqueue_dma source(%dma_start3A_706 : memref<1x64xf32, #tpu.memory_space<hbm>>) target(%dma_start3A_704 : memref<1x64xf32, #tpu.memory_space<vmem>>) target_semaphore(%arg7 : memref<!tpu.dma_semaphore, #tpu.memory_space<semaphore_mem>>)
    %slice3A_707 = vector.extract_strided_slice %get3A_586 {offsets = [10], sizes = [1], strides = [1]} : vector<16xi32> to vector<1xi32>
    %squeeze3A_708 = vector.extract %slice3A_707[0] : i32 from vector<1xi32>
    %dma_start3A_709 = arith.constant 58 : i32
    %dma_start3A_710 = arith.constant 0 : i32
    %dma_start3A_711 = tpu.memref_slice %arg6[%dma_start3A_709, %dma_start3A_710] : memref<128x64xf32, #tpu.memory_space<vmem>> -> memref<1x64xf32, #tpu.memory_space<vmem>>
    %dma_start3A_712 = arith.constant 0 : i32
    %dma_start3A_713 = tpu.memref_slice %arg3[%squeeze3A_708, %dma_start3A_712] : memref<100000x64xf32, #tpu.memory_space<hbm>> -> memref<1x64xf32, #tpu.memory_space<hbm>>
    %dma_start3A_714 = arith.constant 58 : i32
    %dma_start3A_715 = arith.constant 0 : i32
    %dma_start3A_716 = tpu.memref_slice %arg6[%dma_start3A_714, %dma_start3A_715] : memref<128x64xf32, #tpu.memory_space<vmem>> -> memref<1x64xf32, #tpu.memory_space<vmem>>
    %dma_start3A_717 = arith.constant 0 : i32
    %dma_start3A_718 = tpu.memref_slice %arg3[%squeeze3A_708, %dma_start3A_717] : memref<100000x64xf32, #tpu.memory_space<hbm>> -> memref<1x64xf32, #tpu.memory_space<hbm>>
    tpu.enqueue_dma source(%dma_start3A_718 : memref<1x64xf32, #tpu.memory_space<hbm>>) target(%dma_start3A_716 : memref<1x64xf32, #tpu.memory_space<vmem>>) target_semaphore(%arg7 : memref<!tpu.dma_semaphore, #tpu.memory_space<semaphore_mem>>)
    %slice3A_719 = vector.extract_strided_slice %get3A_586 {offsets = [11], sizes = [1], strides = [1]} : vector<16xi32> to vector<1xi32>
    %squeeze3A_720 = vector.extract %slice3A_719[0] : i32 from vector<1xi32>
    %dma_start3A_721 = arith.constant 59 : i32
    %dma_start3A_722 = arith.constant 0 : i32
    %dma_start3A_723 = tpu.memref_slice %arg6[%dma_start3A_721, %dma_start3A_722] : memref<128x64xf32, #tpu.memory_space<vmem>> -> memref<1x64xf32, #tpu.memory_space<vmem>>
    %dma_start3A_724 = arith.constant 0 : i32
    %dma_start3A_725 = tpu.memref_slice %arg3[%squeeze3A_720, %dma_start3A_724] : memref<100000x64xf32, #tpu.memory_space<hbm>> -> memref<1x64xf32, #tpu.memory_space<hbm>>
    %dma_start3A_726 = arith.constant 59 : i32
    %dma_start3A_727 = arith.constant 0 : i32
    %dma_start3A_728 = tpu.memref_slice %arg6[%dma_start3A_726, %dma_start3A_727] : memref<128x64xf32, #tpu.memory_space<vmem>> -> memref<1x64xf32, #tpu.memory_space<vmem>>
    %dma_start3A_729 = arith.constant 0 : i32
    %dma_start3A_730 = tpu.memref_slice %arg3[%squeeze3A_720, %dma_start3A_729] : memref<100000x64xf32, #tpu.memory_space<hbm>> -> memref<1x64xf32, #tpu.memory_space<hbm>>
    tpu.enqueue_dma source(%dma_start3A_730 : memref<1x64xf32, #tpu.memory_space<hbm>>) target(%dma_start3A_728 : memref<1x64xf32, #tpu.memory_space<vmem>>) target_semaphore(%arg7 : memref<!tpu.dma_semaphore, #tpu.memory_space<semaphore_mem>>)
    %slice3A_731 = vector.extract_strided_slice %get3A_586 {offsets = [12], sizes = [1], strides = [1]} : vector<16xi32> to vector<1xi32>
    %squeeze3A_732 = vector.extract %slice3A_731[0] : i32 from vector<1xi32>
    %dma_start3A_733 = arith.constant 60 : i32
    %dma_start3A_734 = arith.constant 0 : i32
    %dma_start3A_735 = tpu.memref_slice %arg6[%dma_start3A_733, %dma_start3A_734] : memref<128x64xf32, #tpu.memory_space<vmem>> -> memref<1x64xf32, #tpu.memory_space<vmem>>
    %dma_start3A_736 = arith.constant 0 : i32
    %dma_start3A_737 = tpu.memref_slice %arg3[%squeeze3A_732, %dma_start3A_736] : memref<100000x64xf32, #tpu.memory_space<hbm>> -> memref<1x64xf32, #tpu.memory_space<hbm>>
    %dma_start3A_738 = arith.constant 60 : i32
    %dma_start3A_739 = arith.constant 0 : i32
    %dma_start3A_740 = tpu.memref_slice %arg6[%dma_start3A_738, %dma_start3A_739] : memref<128x64xf32, #tpu.memory_space<vmem>> -> memref<1x64xf32, #tpu.memory_space<vmem>>
    %dma_start3A_741 = arith.constant 0 : i32
    %dma_start3A_742 = tpu.memref_slice %arg3[%squeeze3A_732, %dma_start3A_741] : memref<100000x64xf32, #tpu.memory_space<hbm>> -> memref<1x64xf32, #tpu.memory_space<hbm>>
    tpu.enqueue_dma source(%dma_start3A_742 : memref<1x64xf32, #tpu.memory_space<hbm>>) target(%dma_start3A_740 : memref<1x64xf32, #tpu.memory_space<vmem>>) target_semaphore(%arg7 : memref<!tpu.dma_semaphore, #tpu.memory_space<semaphore_mem>>)
    %slice3A_743 = vector.extract_strided_slice %get3A_586 {offsets = [13], sizes = [1], strides = [1]} : vector<16xi32> to vector<1xi32>
    %squeeze3A_744 = vector.extract %slice3A_743[0] : i32 from vector<1xi32>
    %dma_start3A_745 = arith.constant 61 : i32
    %dma_start3A_746 = arith.constant 0 : i32
    %dma_start3A_747 = tpu.memref_slice %arg6[%dma_start3A_745, %dma_start3A_746] : memref<128x64xf32, #tpu.memory_space<vmem>> -> memref<1x64xf32, #tpu.memory_space<vmem>>
    %dma_start3A_748 = arith.constant 0 : i32
    %dma_start3A_749 = tpu.memref_slice %arg3[%squeeze3A_744, %dma_start3A_748] : memref<100000x64xf32, #tpu.memory_space<hbm>> -> memref<1x64xf32, #tpu.memory_space<hbm>>
    %dma_start3A_750 = arith.constant 61 : i32
    %dma_start3A_751 = arith.constant 0 : i32
    %dma_start3A_752 = tpu.memref_slice %arg6[%dma_start3A_750, %dma_start3A_751] : memref<128x64xf32, #tpu.memory_space<vmem>> -> memref<1x64xf32, #tpu.memory_space<vmem>>
    %dma_start3A_753 = arith.constant 0 : i32
    %dma_start3A_754 = tpu.memref_slice %arg3[%squeeze3A_744, %dma_start3A_753] : memref<100000x64xf32, #tpu.memory_space<hbm>> -> memref<1x64xf32, #tpu.memory_space<hbm>>
    tpu.enqueue_dma source(%dma_start3A_754 : memref<1x64xf32, #tpu.memory_space<hbm>>) target(%dma_start3A_752 : memref<1x64xf32, #tpu.memory_space<vmem>>) target_semaphore(%arg7 : memref<!tpu.dma_semaphore, #tpu.memory_space<semaphore_mem>>)
    %slice3A_755 = vector.extract_strided_slice %get3A_586 {offsets = [14], sizes = [1], strides = [1]} : vector<16xi32> to vector<1xi32>
    %squeeze3A_756 = vector.extract %slice3A_755[0] : i32 from vector<1xi32>
    %dma_start3A_757 = arith.constant 62 : i32
    %dma_start3A_758 = arith.constant 0 : i32
    %dma_start3A_759 = tpu.memref_slice %arg6[%dma_start3A_757, %dma_start3A_758] : memref<128x64xf32, #tpu.memory_space<vmem>> -> memref<1x64xf32, #tpu.memory_space<vmem>>
    %dma_start3A_760 = arith.constant 0 : i32
    %dma_start3A_761 = tpu.memref_slice %arg3[%squeeze3A_756, %dma_start3A_760] : memref<100000x64xf32, #tpu.memory_space<hbm>> -> memref<1x64xf32, #tpu.memory_space<hbm>>
    %dma_start3A_762 = arith.constant 62 : i32
    %dma_start3A_763 = arith.constant 0 : i32
    %dma_start3A_764 = tpu.memref_slice %arg6[%dma_start3A_762, %dma_start3A_763] : memref<128x64xf32, #tpu.memory_space<vmem>> -> memref<1x64xf32, #tpu.memory_space<vmem>>
    %dma_start3A_765 = arith.constant 0 : i32
    %dma_start3A_766 = tpu.memref_slice %arg3[%squeeze3A_756, %dma_start3A_765] : memref<100000x64xf32, #tpu.memory_space<hbm>> -> memref<1x64xf32, #tpu.memory_space<hbm>>
    tpu.enqueue_dma source(%dma_start3A_766 : memref<1x64xf32, #tpu.memory_space<hbm>>) target(%dma_start3A_764 : memref<1x64xf32, #tpu.memory_space<vmem>>) target_semaphore(%arg7 : memref<!tpu.dma_semaphore, #tpu.memory_space<semaphore_mem>>)
    %slice3A_767 = vector.extract_strided_slice %get3A_586 {offsets = [15], sizes = [1], strides = [1]} : vector<16xi32> to vector<1xi32>
    %squeeze3A_768 = vector.extract %slice3A_767[0] : i32 from vector<1xi32>
    %dma_start3A_769 = arith.constant 63 : i32
    %dma_start3A_770 = arith.constant 0 : i32
    %dma_start3A_771 = tpu.memref_slice %arg6[%dma_start3A_769, %dma_start3A_770] : memref<128x64xf32, #tpu.memory_space<vmem>> -> memref<1x64xf32, #tpu.memory_space<vmem>>
    %dma_start3A_772 = arith.constant 0 : i32
    %dma_start3A_773 = tpu.memref_slice %arg3[%squeeze3A_768, %dma_start3A_772] : memref<100000x64xf32, #tpu.memory_space<hbm>> -> memref<1x64xf32, #tpu.memory_space<hbm>>
    %dma_start3A_774 = arith.constant 63 : i32
    %dma_start3A_775 = arith.constant 0 : i32
    %dma_start3A_776 = tpu.memref_slice %arg6[%dma_start3A_774, %dma_start3A_775] : memref<128x64xf32, #tpu.memory_space<vmem>> -> memref<1x64xf32, #tpu.memory_space<vmem>>
    %dma_start3A_777 = arith.constant 0 : i32
    %dma_start3A_778 = tpu.memref_slice %arg3[%squeeze3A_768, %dma_start3A_777] : memref<100000x64xf32, #tpu.memory_space<hbm>> -> memref<1x64xf32, #tpu.memory_space<hbm>>
    tpu.enqueue_dma source(%dma_start3A_778 : memref<1x64xf32, #tpu.memory_space<hbm>>) target(%dma_start3A_776 : memref<1x64xf32, #tpu.memory_space<vmem>>) target_semaphore(%arg7 : memref<!tpu.dma_semaphore, #tpu.memory_space<semaphore_mem>>)
    %get3A_779 = arith.constant 64 : index
    %get3A_780 = tpu.vector_load %arg5[%get3A_779] {strides = array<i32>} : memref<128xi32, #tpu.memory_space<vmem>>, vector<16xi32>,
    %get3A_781 = vector.shape_cast %get3A_780 : vector<16xi32> to vector<16xi32>
    %slice3A_782 = vector.extract_strided_slice %get3A_781 {offsets = [0], sizes = [1], strides = [1]} : vector<16xi32> to vector<1xi32>
    %squeeze3A_783 = vector.extract %slice3A_782[0] : i32 from vector<1xi32>
    %dma_start3A_784 = arith.constant 64 : i32
    %dma_start3A_785 = arith.constant 0 : i32
    %dma_start3A_786 = tpu.memref_slice %arg6[%dma_start3A_784, %dma_start3A_785] : memref<128x64xf32, #tpu.memory_space<vmem>> -> memref<1x64xf32, #tpu.memory_space<vmem>>
    %dma_start3A_787 = arith.constant 0 : i32
    %dma_start3A_788 = tpu.memref_slice %arg3[%squeeze3A_783, %dma_start3A_787] : memref<100000x64xf32, #tpu.memory_space<hbm>> -> memref<1x64xf32, #tpu.memory_space<hbm>>
    %dma_start3A_789 = arith.constant 64 : i32
    %dma_start3A_790 = arith.constant 0 : i32
    %dma_start3A_791 = tpu.memref_slice %arg6[%dma_start3A_789, %dma_start3A_790] : memref<128x64xf32, #tpu.memory_space<vmem>> -> memref<1x64xf32, #tpu.memory_space<vmem>>
    %dma_start3A_792 = arith.constant 0 : i32
    %dma_start3A_793 = tpu.memref_slice %arg3[%squeeze3A_783, %dma_start3A_792] : memref<100000x64xf32, #tpu.memory_space<hbm>> -> memref<1x64xf32, #tpu.memory_space<hbm>>
    tpu.enqueue_dma source(%dma_start3A_793 : memref<1x64xf32, #tpu.memory_space<hbm>>) target(%dma_start3A_791 : memref<1x64xf32, #tpu.memory_space<vmem>>) target_semaphore(%arg7 : memref<!tpu.dma_semaphore, #tpu.memory_space<semaphore_mem>>)
    %slice3A_794 = vector.extract_strided_slice %get3A_781 {offsets = [1], sizes = [1], strides = [1]} : vector<16xi32> to vector<1xi32>
    %squeeze3A_795 = vector.extract %slice3A_794[0] : i32 from vector<1xi32>
    %dma_start3A_796 = arith.constant 65 : i32
    %dma_start3A_797 = arith.constant 0 : i32
    %dma_start3A_798 = tpu.memref_slice %arg6[%dma_start3A_796, %dma_start3A_797] : memref<128x64xf32, #tpu.memory_space<vmem>> -> memref<1x64xf32, #tpu.memory_space<vmem>>
    %dma_start3A_799 = arith.constant 0 : i32
    %dma_start3A_800 = tpu.memref_slice %arg3[%squeeze3A_795, %dma_start3A_799] : memref<100000x64xf32, #tpu.memory_space<hbm>> -> memref<1x64xf32, #tpu.memory_space<hbm>>
    %dma_start3A_801 = arith.constant 65 : i32
    %dma_start3A_802 = arith.constant 0 : i32
    %dma_start3A_803 = tpu.memref_slice %arg6[%dma_start3A_801, %dma_start3A_802] : memref<128x64xf32, #tpu.memory_space<vmem>> -> memref<1x64xf32, #tpu.memory_space<vmem>>
    %dma_start3A_804 = arith.constant 0 : i32
    %dma_start3A_805 = tpu.memref_slice %arg3[%squeeze3A_795, %dma_start3A_804] : memref<100000x64xf32, #tpu.memory_space<hbm>> -> memref<1x64xf32, #tpu.memory_space<hbm>>
    tpu.enqueue_dma source(%dma_start3A_805 : memref<1x64xf32, #tpu.memory_space<hbm>>) target(%dma_start3A_803 : memref<1x64xf32, #tpu.memory_space<vmem>>) target_semaphore(%arg7 : memref<!tpu.dma_semaphore, #tpu.memory_space<semaphore_mem>>)
    %slice3A_806 = vector.extract_strided_slice %get3A_781 {offsets = [2], sizes = [1], strides = [1]} : vector<16xi32> to vector<1xi32>
    %squeeze3A_807 = vector.extract %slice3A_806[0] : i32 from vector<1xi32>
    %dma_start3A_808 = arith.constant 66 : i32
    %dma_start3A_809 = arith.constant 0 : i32
    %dma_start3A_810 = tpu.memref_slice %arg6[%dma_start3A_808, %dma_start3A_809] : memref<128x64xf32, #tpu.memory_space<vmem>> -> memref<1x64xf32, #tpu.memory_space<vmem>>
    %dma_start3A_811 = arith.constant 0 : i32
    %dma_start3A_812 = tpu.memref_slice %arg3[%squeeze3A_807, %dma_start3A_811] : memref<100000x64xf32, #tpu.memory_space<hbm>> -> memref<1x64xf32, #tpu.memory_space<hbm>>
    %dma_start3A_813 = arith.constant 66 : i32
    %dma_start3A_814 = arith.constant 0 : i32
    %dma_start3A_815 = tpu.memref_slice %arg6[%dma_start3A_813, %dma_start3A_814] : memref<128x64xf32, #tpu.memory_space<vmem>> -> memref<1x64xf32, #tpu.memory_space<vmem>>
    %dma_start3A_816 = arith.constant 0 : i32
    %dma_start3A_817 = tpu.memref_slice %arg3[%squeeze3A_807, %dma_start3A_816] : memref<100000x64xf32, #tpu.memory_space<hbm>> -> memref<1x64xf32, #tpu.memory_space<hbm>>
    tpu.enqueue_dma source(%dma_start3A_817 : memref<1x64xf32, #tpu.memory_space<hbm>>) target(%dma_start3A_815 : memref<1x64xf32, #tpu.memory_space<vmem>>) target_semaphore(%arg7 : memref<!tpu.dma_semaphore, #tpu.memory_space<semaphore_mem>>)
    %slice3A_818 = vector.extract_strided_slice %get3A_781 {offsets = [3], sizes = [1], strides = [1]} : vector<16xi32> to vector<1xi32>
    %squeeze3A_819 = vector.extract %slice3A_818[0] : i32 from vector<1xi32>
    %dma_start3A_820 = arith.constant 67 : i32
    %dma_start3A_821 = arith.constant 0 : i32
    %dma_start3A_822 = tpu.memref_slice %arg6[%dma_start3A_820, %dma_start3A_821] : memref<128x64xf32, #tpu.memory_space<vmem>> -> memref<1x64xf32, #tpu.memory_space<vmem>>
    %dma_start3A_823 = arith.constant 0 : i32
    %dma_start3A_824 = tpu.memref_slice %arg3[%squeeze3A_819, %dma_start3A_823] : memref<100000x64xf32, #tpu.memory_space<hbm>> -> memref<1x64xf32, #tpu.memory_space<hbm>>
    %dma_start3A_825 = arith.constant 67 : i32
    %dma_start3A_826 = arith.constant 0 : i32
    %dma_start3A_827 = tpu.memref_slice %arg6[%dma_start3A_825, %dma_start3A_826] : memref<128x64xf32, #tpu.memory_space<vmem>> -> memref<1x64xf32, #tpu.memory_space<vmem>>
    %dma_start3A_828 = arith.constant 0 : i32
    %dma_start3A_829 = tpu.memref_slice %arg3[%squeeze3A_819, %dma_start3A_828] : memref<100000x64xf32, #tpu.memory_space<hbm>> -> memref<1x64xf32, #tpu.memory_space<hbm>>
    tpu.enqueue_dma source(%dma_start3A_829 : memref<1x64xf32, #tpu.memory_space<hbm>>) target(%dma_start3A_827 : memref<1x64xf32, #tpu.memory_space<vmem>>) target_semaphore(%arg7 : memref<!tpu.dma_semaphore, #tpu.memory_space<semaphore_mem>>)
    %slice3A_830 = vector.extract_strided_slice %get3A_781 {offsets = [4], sizes = [1], strides = [1]} : vector<16xi32> to vector<1xi32>
    %squeeze3A_831 = vector.extract %slice3A_830[0] : i32 from vector<1xi32>
    %dma_start3A_832 = arith.constant 68 : i32
    %dma_start3A_833 = arith.constant 0 : i32
    %dma_start3A_834 = tpu.memref_slice %arg6[%dma_start3A_832, %dma_start3A_833] : memref<128x64xf32, #tpu.memory_space<vmem>> -> memref<1x64xf32, #tpu.memory_space<vmem>>
    %dma_start3A_835 = arith.constant 0 : i32
    %dma_start3A_836 = tpu.memref_slice %arg3[%squeeze3A_831, %dma_start3A_835] : memref<100000x64xf32, #tpu.memory_space<hbm>> -> memref<1x64xf32, #tpu.memory_space<hbm>>
    %dma_start3A_837 = arith.constant 68 : i32
    %dma_start3A_838 = arith.constant 0 : i32
    %dma_start3A_839 = tpu.memref_slice %arg6[%dma_start3A_837, %dma_start3A_838] : memref<128x64xf32, #tpu.memory_space<vmem>> -> memref<1x64xf32, #tpu.memory_space<vmem>>
    %dma_start3A_840 = arith.constant 0 : i32
    %dma_start3A_841 = tpu.memref_slice %arg3[%squeeze3A_831, %dma_start3A_840] : memref<100000x64xf32, #tpu.memory_space<hbm>> -> memref<1x64xf32, #tpu.memory_space<hbm>>
    tpu.enqueue_dma source(%dma_start3A_841 : memref<1x64xf32, #tpu.memory_space<hbm>>) target(%dma_start3A_839 : memref<1x64xf32, #tpu.memory_space<vmem>>) target_semaphore(%arg7 : memref<!tpu.dma_semaphore, #tpu.memory_space<semaphore_mem>>)
    %slice3A_842 = vector.extract_strided_slice %get3A_781 {offsets = [5], sizes = [1], strides = [1]} : vector<16xi32> to vector<1xi32>
    %squeeze3A_843 = vector.extract %slice3A_842[0] : i32 from vector<1xi32>
    %dma_start3A_844 = arith.constant 69 : i32
    %dma_start3A_845 = arith.constant 0 : i32
    %dma_start3A_846 = tpu.memref_slice %arg6[%dma_start3A_844, %dma_start3A_845] : memref<128x64xf32, #tpu.memory_space<vmem>> -> memref<1x64xf32, #tpu.memory_space<vmem>>
    %dma_start3A_847 = arith.constant 0 : i32
    %dma_start3A_848 = tpu.memref_slice %arg3[%squeeze3A_843, %dma_start3A_847] : memref<100000x64xf32, #tpu.memory_space<hbm>> -> memref<1x64xf32, #tpu.memory_space<hbm>>
    %dma_start3A_849 = arith.constant 69 : i32
    %dma_start3A_850 = arith.constant 0 : i32
    %dma_start3A_851 = tpu.memref_slice %arg6[%dma_start3A_849, %dma_start3A_850] : memref<128x64xf32, #tpu.memory_space<vmem>> -> memref<1x64xf32, #tpu.memory_space<vmem>>
    %dma_start3A_852 = arith.constant 0 : i32
    %dma_start3A_853 = tpu.memref_slice %arg3[%squeeze3A_843, %dma_start3A_852] : memref<100000x64xf32, #tpu.memory_space<hbm>> -> memref<1x64xf32, #tpu.memory_space<hbm>>
    tpu.enqueue_dma source(%dma_start3A_853 : memref<1x64xf32, #tpu.memory_space<hbm>>) target(%dma_start3A_851 : memref<1x64xf32, #tpu.memory_space<vmem>>) target_semaphore(%arg7 : memref<!tpu.dma_semaphore, #tpu.memory_space<semaphore_mem>>)
    %slice3A_854 = vector.extract_strided_slice %get3A_781 {offsets = [6], sizes = [1], strides = [1]} : vector<16xi32> to vector<1xi32>
    %squeeze3A_855 = vector.extract %slice3A_854[0] : i32 from vector<1xi32>
    %dma_start3A_856 = arith.constant 70 : i32
    %dma_start3A_857 = arith.constant 0 : i32
    %dma_start3A_858 = tpu.memref_slice %arg6[%dma_start3A_856, %dma_start3A_857] : memref<128x64xf32, #tpu.memory_space<vmem>> -> memref<1x64xf32, #tpu.memory_space<vmem>>
    %dma_start3A_859 = arith.constant 0 : i32
    %dma_start3A_860 = tpu.memref_slice %arg3[%squeeze3A_855, %dma_start3A_859] : memref<100000x64xf32, #tpu.memory_space<hbm>> -> memref<1x64xf32, #tpu.memory_space<hbm>>
    %dma_start3A_861 = arith.constant 70 : i32
    %dma_start3A_862 = arith.constant 0 : i32
    %dma_start3A_863 = tpu.memref_slice %arg6[%dma_start3A_861, %dma_start3A_862] : memref<128x64xf32, #tpu.memory_space<vmem>> -> memref<1x64xf32, #tpu.memory_space<vmem>>
    %dma_start3A_864 = arith.constant 0 : i32
    %dma_start3A_865 = tpu.memref_slice %arg3[%squeeze3A_855, %dma_start3A_864] : memref<100000x64xf32, #tpu.memory_space<hbm>> -> memref<1x64xf32, #tpu.memory_space<hbm>>
    tpu.enqueue_dma source(%dma_start3A_865 : memref<1x64xf32, #tpu.memory_space<hbm>>) target(%dma_start3A_863 : memref<1x64xf32, #tpu.memory_space<vmem>>) target_semaphore(%arg7 : memref<!tpu.dma_semaphore, #tpu.memory_space<semaphore_mem>>)
    %slice3A_866 = vector.extract_strided_slice %get3A_781 {offsets = [7], sizes = [1], strides = [1]} : vector<16xi32> to vector<1xi32>
    %squeeze3A_867 = vector.extract %slice3A_866[0] : i32 from vector<1xi32>
    %dma_start3A_868 = arith.constant 71 : i32
    %dma_start3A_869 = arith.constant 0 : i32
    %dma_start3A_870 = tpu.memref_slice %arg6[%dma_start3A_868, %dma_start3A_869] : memref<128x64xf32, #tpu.memory_space<vmem>> -> memref<1x64xf32, #tpu.memory_space<vmem>>
    %dma_start3A_871 = arith.constant 0 : i32
    %dma_start3A_872 = tpu.memref_slice %arg3[%squeeze3A_867, %dma_start3A_871] : memref<100000x64xf32, #tpu.memory_space<hbm>> -> memref<1x64xf32, #tpu.memory_space<hbm>>
    %dma_start3A_873 = arith.constant 71 : i32
    %dma_start3A_874 = arith.constant 0 : i32
    %dma_start3A_875 = tpu.memref_slice %arg6[%dma_start3A_873, %dma_start3A_874] : memref<128x64xf32, #tpu.memory_space<vmem>> -> memref<1x64xf32, #tpu.memory_space<vmem>>
    %dma_start3A_876 = arith.constant 0 : i32
    %dma_start3A_877 = tpu.memref_slice %arg3[%squeeze3A_867, %dma_start3A_876] : memref<100000x64xf32, #tpu.memory_space<hbm>> -> memref<1x64xf32, #tpu.memory_space<hbm>>
    tpu.enqueue_dma source(%dma_start3A_877 : memref<1x64xf32, #tpu.memory_space<hbm>>) target(%dma_start3A_875 : memref<1x64xf32, #tpu.memory_space<vmem>>) target_semaphore(%arg7 : memref<!tpu.dma_semaphore, #tpu.memory_space<semaphore_mem>>)
    %slice3A_878 = vector.extract_strided_slice %get3A_781 {offsets = [8], sizes = [1], strides = [1]} : vector<16xi32> to vector<1xi32>
    %squeeze3A_879 = vector.extract %slice3A_878[0] : i32 from vector<1xi32>
    %dma_start3A_880 = arith.constant 72 : i32
    %dma_start3A_881 = arith.constant 0 : i32
    %dma_start3A_882 = tpu.memref_slice %arg6[%dma_start3A_880, %dma_start3A_881] : memref<128x64xf32, #tpu.memory_space<vmem>> -> memref<1x64xf32, #tpu.memory_space<vmem>>
    %dma_start3A_883 = arith.constant 0 : i32
    %dma_start3A_884 = tpu.memref_slice %arg3[%squeeze3A_879, %dma_start3A_883] : memref<100000x64xf32, #tpu.memory_space<hbm>> -> memref<1x64xf32, #tpu.memory_space<hbm>>
    %dma_start3A_885 = arith.constant 72 : i32
    %dma_start3A_886 = arith.constant 0 : i32
    %dma_start3A_887 = tpu.memref_slice %arg6[%dma_start3A_885, %dma_start3A_886] : memref<128x64xf32, #tpu.memory_space<vmem>> -> memref<1x64xf32, #tpu.memory_space<vmem>>
    %dma_start3A_888 = arith.constant 0 : i32
    %dma_start3A_889 = tpu.memref_slice %arg3[%squeeze3A_879, %dma_start3A_888] : memref<100000x64xf32, #tpu.memory_space<hbm>> -> memref<1x64xf32, #tpu.memory_space<hbm>>
    tpu.enqueue_dma source(%dma_start3A_889 : memref<1x64xf32, #tpu.memory_space<hbm>>) target(%dma_start3A_887 : memref<1x64xf32, #tpu.memory_space<vmem>>) target_semaphore(%arg7 : memref<!tpu.dma_semaphore, #tpu.memory_space<semaphore_mem>>)
    %slice3A_890 = vector.extract_strided_slice %get3A_781 {offsets = [9], sizes = [1], strides = [1]} : vector<16xi32> to vector<1xi32>
    %squeeze3A_891 = vector.extract %slice3A_890[0] : i32 from vector<1xi32>
    %dma_start3A_892 = arith.constant 73 : i32
    %dma_start3A_893 = arith.constant 0 : i32
    %dma_start3A_894 = tpu.memref_slice %arg6[%dma_start3A_892, %dma_start3A_893] : memref<128x64xf32, #tpu.memory_space<vmem>> -> memref<1x64xf32, #tpu.memory_space<vmem>>
    %dma_start3A_895 = arith.constant 0 : i32
    %dma_start3A_896 = tpu.memref_slice %arg3[%squeeze3A_891, %dma_start3A_895] : memref<100000x64xf32, #tpu.memory_space<hbm>> -> memref<1x64xf32, #tpu.memory_space<hbm>>
    %dma_start3A_897 = arith.constant 73 : i32
    %dma_start3A_898 = arith.constant 0 : i32
    %dma_start3A_899 = tpu.memref_slice %arg6[%dma_start3A_897, %dma_start3A_898] : memref<128x64xf32, #tpu.memory_space<vmem>> -> memref<1x64xf32, #tpu.memory_space<vmem>>
    %dma_start3A_900 = arith.constant 0 : i32
    %dma_start3A_901 = tpu.memref_slice %arg3[%squeeze3A_891, %dma_start3A_900] : memref<100000x64xf32, #tpu.memory_space<hbm>> -> memref<1x64xf32, #tpu.memory_space<hbm>>
    tpu.enqueue_dma source(%dma_start3A_901 : memref<1x64xf32, #tpu.memory_space<hbm>>) target(%dma_start3A_899 : memref<1x64xf32, #tpu.memory_space<vmem>>) target_semaphore(%arg7 : memref<!tpu.dma_semaphore, #tpu.memory_space<semaphore_mem>>)
    %slice3A_902 = vector.extract_strided_slice %get3A_781 {offsets = [10], sizes = [1], strides = [1]} : vector<16xi32> to vector<1xi32>
    %squeeze3A_903 = vector.extract %slice3A_902[0] : i32 from vector<1xi32>
    %dma_start3A_904 = arith.constant 74 : i32
    %dma_start3A_905 = arith.constant 0 : i32
    %dma_start3A_906 = tpu.memref_slice %arg6[%dma_start3A_904, %dma_start3A_905] : memref<128x64xf32, #tpu.memory_space<vmem>> -> memref<1x64xf32, #tpu.memory_space<vmem>>
    %dma_start3A_907 = arith.constant 0 : i32
    %dma_start3A_908 = tpu.memref_slice %arg3[%squeeze3A_903, %dma_start3A_907] : memref<100000x64xf32, #tpu.memory_space<hbm>> -> memref<1x64xf32, #tpu.memory_space<hbm>>
    %dma_start3A_909 = arith.constant 74 : i32
    %dma_start3A_910 = arith.constant 0 : i32
    %dma_start3A_911 = tpu.memref_slice %arg6[%dma_start3A_909, %dma_start3A_910] : memref<128x64xf32, #tpu.memory_space<vmem>> -> memref<1x64xf32, #tpu.memory_space<vmem>>
    %dma_start3A_912 = arith.constant 0 : i32
    %dma_start3A_913 = tpu.memref_slice %arg3[%squeeze3A_903, %dma_start3A_912] : memref<100000x64xf32, #tpu.memory_space<hbm>> -> memref<1x64xf32, #tpu.memory_space<hbm>>
    tpu.enqueue_dma source(%dma_start3A_913 : memref<1x64xf32, #tpu.memory_space<hbm>>) target(%dma_start3A_911 : memref<1x64xf32, #tpu.memory_space<vmem>>) target_semaphore(%arg7 : memref<!tpu.dma_semaphore, #tpu.memory_space<semaphore_mem>>)
    %slice3A_914 = vector.extract_strided_slice %get3A_781 {offsets = [11], sizes = [1], strides = [1]} : vector<16xi32> to vector<1xi32>
    %squeeze3A_915 = vector.extract %slice3A_914[0] : i32 from vector<1xi32>
    %dma_start3A_916 = arith.constant 75 : i32
    %dma_start3A_917 = arith.constant 0 : i32
    %dma_start3A_918 = tpu.memref_slice %arg6[%dma_start3A_916, %dma_start3A_917] : memref<128x64xf32, #tpu.memory_space<vmem>> -> memref<1x64xf32, #tpu.memory_space<vmem>>
    %dma_start3A_919 = arith.constant 0 : i32
    %dma_start3A_920 = tpu.memref_slice %arg3[%squeeze3A_915, %dma_start3A_919] : memref<100000x64xf32, #tpu.memory_space<hbm>> -> memref<1x64xf32, #tpu.memory_space<hbm>>
    %dma_start3A_921 = arith.constant 75 : i32
    %dma_start3A_922 = arith.constant 0 : i32
    %dma_start3A_923 = tpu.memref_slice %arg6[%dma_start3A_921, %dma_start3A_922] : memref<128x64xf32, #tpu.memory_space<vmem>> -> memref<1x64xf32, #tpu.memory_space<vmem>>
    %dma_start3A_924 = arith.constant 0 : i32
    %dma_start3A_925 = tpu.memref_slice %arg3[%squeeze3A_915, %dma_start3A_924] : memref<100000x64xf32, #tpu.memory_space<hbm>> -> memref<1x64xf32, #tpu.memory_space<hbm>>
    tpu.enqueue_dma source(%dma_start3A_925 : memref<1x64xf32, #tpu.memory_space<hbm>>) target(%dma_start3A_923 : memref<1x64xf32, #tpu.memory_space<vmem>>) target_semaphore(%arg7 : memref<!tpu.dma_semaphore, #tpu.memory_space<semaphore_mem>>)
    %slice3A_926 = vector.extract_strided_slice %get3A_781 {offsets = [12], sizes = [1], strides = [1]} : vector<16xi32> to vector<1xi32>
    %squeeze3A_927 = vector.extract %slice3A_926[0] : i32 from vector<1xi32>
    %dma_start3A_928 = arith.constant 76 : i32
    %dma_start3A_929 = arith.constant 0 : i32
    %dma_start3A_930 = tpu.memref_slice %arg6[%dma_start3A_928, %dma_start3A_929] : memref<128x64xf32, #tpu.memory_space<vmem>> -> memref<1x64xf32, #tpu.memory_space<vmem>>
    %dma_start3A_931 = arith.constant 0 : i32
    %dma_start3A_932 = tpu.memref_slice %arg3[%squeeze3A_927, %dma_start3A_931] : memref<100000x64xf32, #tpu.memory_space<hbm>> -> memref<1x64xf32, #tpu.memory_space<hbm>>
    %dma_start3A_933 = arith.constant 76 : i32
    %dma_start3A_934 = arith.constant 0 : i32
    %dma_start3A_935 = tpu.memref_slice %arg6[%dma_start3A_933, %dma_start3A_934] : memref<128x64xf32, #tpu.memory_space<vmem>> -> memref<1x64xf32, #tpu.memory_space<vmem>>
    %dma_start3A_936 = arith.constant 0 : i32
    %dma_start3A_937 = tpu.memref_slice %arg3[%squeeze3A_927, %dma_start3A_936] : memref<100000x64xf32, #tpu.memory_space<hbm>> -> memref<1x64xf32, #tpu.memory_space<hbm>>
    tpu.enqueue_dma source(%dma_start3A_937 : memref<1x64xf32, #tpu.memory_space<hbm>>) target(%dma_start3A_935 : memref<1x64xf32, #tpu.memory_space<vmem>>) target_semaphore(%arg7 : memref<!tpu.dma_semaphore, #tpu.memory_space<semaphore_mem>>)
    %slice3A_938 = vector.extract_strided_slice %get3A_781 {offsets = [13], sizes = [1], strides = [1]} : vector<16xi32> to vector<1xi32>
    %squeeze3A_939 = vector.extract %slice3A_938[0] : i32 from vector<1xi32>
    %dma_start3A_940 = arith.constant 77 : i32
    %dma_start3A_941 = arith.constant 0 : i32
    %dma_start3A_942 = tpu.memref_slice %arg6[%dma_start3A_940, %dma_start3A_941] : memref<128x64xf32, #tpu.memory_space<vmem>> -> memref<1x64xf32, #tpu.memory_space<vmem>>
    %dma_start3A_943 = arith.constant 0 : i32
    %dma_start3A_944 = tpu.memref_slice %arg3[%squeeze3A_939, %dma_start3A_943] : memref<100000x64xf32, #tpu.memory_space<hbm>> -> memref<1x64xf32, #tpu.memory_space<hbm>>
    %dma_start3A_945 = arith.constant 77 : i32
    %dma_start3A_946 = arith.constant 0 : i32
    %dma_start3A_947 = tpu.memref_slice %arg6[%dma_start3A_945, %dma_start3A_946] : memref<128x64xf32, #tpu.memory_space<vmem>> -> memref<1x64xf32, #tpu.memory_space<vmem>>
    %dma_start3A_948 = arith.constant 0 : i32
    %dma_start3A_949 = tpu.memref_slice %arg3[%squeeze3A_939, %dma_start3A_948] : memref<100000x64xf32, #tpu.memory_space<hbm>> -> memref<1x64xf32, #tpu.memory_space<hbm>>
    tpu.enqueue_dma source(%dma_start3A_949 : memref<1x64xf32, #tpu.memory_space<hbm>>) target(%dma_start3A_947 : memref<1x64xf32, #tpu.memory_space<vmem>>) target_semaphore(%arg7 : memref<!tpu.dma_semaphore, #tpu.memory_space<semaphore_mem>>)
    %slice3A_950 = vector.extract_strided_slice %get3A_781 {offsets = [14], sizes = [1], strides = [1]} : vector<16xi32> to vector<1xi32>
    %squeeze3A_951 = vector.extract %slice3A_950[0] : i32 from vector<1xi32>
    %dma_start3A_952 = arith.constant 78 : i32
    %dma_start3A_953 = arith.constant 0 : i32
    %dma_start3A_954 = tpu.memref_slice %arg6[%dma_start3A_952, %dma_start3A_953] : memref<128x64xf32, #tpu.memory_space<vmem>> -> memref<1x64xf32, #tpu.memory_space<vmem>>
    %dma_start3A_955 = arith.constant 0 : i32
    %dma_start3A_956 = tpu.memref_slice %arg3[%squeeze3A_951, %dma_start3A_955] : memref<100000x64xf32, #tpu.memory_space<hbm>> -> memref<1x64xf32, #tpu.memory_space<hbm>>
    %dma_start3A_957 = arith.constant 78 : i32
    %dma_start3A_958 = arith.constant 0 : i32
    %dma_start3A_959 = tpu.memref_slice %arg6[%dma_start3A_957, %dma_start3A_958] : memref<128x64xf32, #tpu.memory_space<vmem>> -> memref<1x64xf32, #tpu.memory_space<vmem>>
    %dma_start3A_960 = arith.constant 0 : i32
    %dma_start3A_961 = tpu.memref_slice %arg3[%squeeze3A_951, %dma_start3A_960] : memref<100000x64xf32, #tpu.memory_space<hbm>> -> memref<1x64xf32, #tpu.memory_space<hbm>>
    tpu.enqueue_dma source(%dma_start3A_961 : memref<1x64xf32, #tpu.memory_space<hbm>>) target(%dma_start3A_959 : memref<1x64xf32, #tpu.memory_space<vmem>>) target_semaphore(%arg7 : memref<!tpu.dma_semaphore, #tpu.memory_space<semaphore_mem>>)
    %slice3A_962 = vector.extract_strided_slice %get3A_781 {offsets = [15], sizes = [1], strides = [1]} : vector<16xi32> to vector<1xi32>
    %squeeze3A_963 = vector.extract %slice3A_962[0] : i32 from vector<1xi32>
    %dma_start3A_964 = arith.constant 79 : i32
    %dma_start3A_965 = arith.constant 0 : i32
    %dma_start3A_966 = tpu.memref_slice %arg6[%dma_start3A_964, %dma_start3A_965] : memref<128x64xf32, #tpu.memory_space<vmem>> -> memref<1x64xf32, #tpu.memory_space<vmem>>
    %dma_start3A_967 = arith.constant 0 : i32
    %dma_start3A_968 = tpu.memref_slice %arg3[%squeeze3A_963, %dma_start3A_967] : memref<100000x64xf32, #tpu.memory_space<hbm>> -> memref<1x64xf32, #tpu.memory_space<hbm>>
    %dma_start3A_969 = arith.constant 79 : i32
    %dma_start3A_970 = arith.constant 0 : i32
    %dma_start3A_971 = tpu.memref_slice %arg6[%dma_start3A_969, %dma_start3A_970] : memref<128x64xf32, #tpu.memory_space<vmem>> -> memref<1x64xf32, #tpu.memory_space<vmem>>
    %dma_start3A_972 = arith.constant 0 : i32
    %dma_start3A_973 = tpu.memref_slice %arg3[%squeeze3A_963, %dma_start3A_972] : memref<100000x64xf32, #tpu.memory_space<hbm>> -> memref<1x64xf32, #tpu.memory_space<hbm>>
    tpu.enqueue_dma source(%dma_start3A_973 : memref<1x64xf32, #tpu.memory_space<hbm>>) target(%dma_start3A_971 : memref<1x64xf32, #tpu.memory_space<vmem>>) target_semaphore(%arg7 : memref<!tpu.dma_semaphore, #tpu.memory_space<semaphore_mem>>)
    %get3A_974 = arith.constant 80 : index
    %get3A_975 = tpu.vector_load %arg5[%get3A_974] {strides = array<i32>} : memref<128xi32, #tpu.memory_space<vmem>>, vector<16xi32>,
    %get3A_976 = vector.shape_cast %get3A_975 : vector<16xi32> to vector<16xi32>
    %slice3A_977 = vector.extract_strided_slice %get3A_976 {offsets = [0], sizes = [1], strides = [1]} : vector<16xi32> to vector<1xi32>
    %squeeze3A_978 = vector.extract %slice3A_977[0] : i32 from vector<1xi32>
    %dma_start3A_979 = arith.constant 80 : i32
    %dma_start3A_980 = arith.constant 0 : i32
    %dma_start3A_981 = tpu.memref_slice %arg6[%dma_start3A_979, %dma_start3A_980] : memref<128x64xf32, #tpu.memory_space<vmem>> -> memref<1x64xf32, #tpu.memory_space<vmem>>
    %dma_start3A_982 = arith.constant 0 : i32
    %dma_start3A_983 = tpu.memref_slice %arg3[%squeeze3A_978, %dma_start3A_982] : memref<100000x64xf32, #tpu.memory_space<hbm>> -> memref<1x64xf32, #tpu.memory_space<hbm>>
    %dma_start3A_984 = arith.constant 80 : i32
    %dma_start3A_985 = arith.constant 0 : i32
    %dma_start3A_986 = tpu.memref_slice %arg6[%dma_start3A_984, %dma_start3A_985] : memref<128x64xf32, #tpu.memory_space<vmem>> -> memref<1x64xf32, #tpu.memory_space<vmem>>
    %dma_start3A_987 = arith.constant 0 : i32
    %dma_start3A_988 = tpu.memref_slice %arg3[%squeeze3A_978, %dma_start3A_987] : memref<100000x64xf32, #tpu.memory_space<hbm>> -> memref<1x64xf32, #tpu.memory_space<hbm>>
    tpu.enqueue_dma source(%dma_start3A_988 : memref<1x64xf32, #tpu.memory_space<hbm>>) target(%dma_start3A_986 : memref<1x64xf32, #tpu.memory_space<vmem>>) target_semaphore(%arg7 : memref<!tpu.dma_semaphore, #tpu.memory_space<semaphore_mem>>)
    %slice3A_989 = vector.extract_strided_slice %get3A_976 {offsets = [1], sizes = [1], strides = [1]} : vector<16xi32> to vector<1xi32>
    %squeeze3A_990 = vector.extract %slice3A_989[0] : i32 from vector<1xi32>
    %dma_start3A_991 = arith.constant 81 : i32
    %dma_start3A_992 = arith.constant 0 : i32
    %dma_start3A_993 = tpu.memref_slice %arg6[%dma_start3A_991, %dma_start3A_992] : memref<128x64xf32, #tpu.memory_space<vmem>> -> memref<1x64xf32, #tpu.memory_space<vmem>>
    %dma_start3A_994 = arith.constant 0 : i32
    %dma_start3A_995 = tpu.memref_slice %arg3[%squeeze3A_990, %dma_start3A_994] : memref<100000x64xf32, #tpu.memory_space<hbm>> -> memref<1x64xf32, #tpu.memory_space<hbm>>
    %dma_start3A_996 = arith.constant 81 : i32
    %dma_start3A_997 = arith.constant 0 : i32
    %dma_start3A_998 = tpu.memref_slice %arg6[%dma_start3A_996, %dma_start3A_997] : memref<128x64xf32, #tpu.memory_space<vmem>> -> memref<1x64xf32, #tpu.memory_space<vmem>>
    %dma_start3A_999 = arith.constant 0 : i32
    %dma_start3A_1000 = tpu.memref_slice %arg3[%squeeze3A_990, %dma_start3A_999] : memref<100000x64xf32, #tpu.memory_space<hbm>> -> memref<1x64xf32, #tpu.memory_space<hbm>>
    tpu.enqueue_dma source(%dma_start3A_1000 : memref<1x64xf32, #tpu.memory_space<hbm>>) target(%dma_start3A_998 : memref<1x64xf32, #tpu.memory_space<vmem>>) target_semaphore(%arg7 : memref<!tpu.dma_semaphore, #tpu.memory_space<semaphore_mem>>)
    %slice3A_1001 = vector.extract_strided_slice %get3A_976 {offsets = [2], sizes = [1], strides = [1]} : vector<16xi32> to vector<1xi32>
    %squeeze3A_1002 = vector.extract %slice3A_1001[0] : i32 from vector<1xi32>
    %dma_start3A_1003 = arith.constant 82 : i32
    %dma_start3A_1004 = arith.constant 0 : i32
    %dma_start3A_1005 = tpu.memref_slice %arg6[%dma_start3A_1003, %dma_start3A_1004] : memref<128x64xf32, #tpu.memory_space<vmem>> -> memref<1x64xf32, #tpu.memory_space<vmem>>
    %dma_start3A_1006 = arith.constant 0 : i32
    %dma_start3A_1007 = tpu.memref_slice %arg3[%squeeze3A_1002, %dma_start3A_1006] : memref<100000x64xf32, #tpu.memory_space<hbm>> -> memref<1x64xf32, #tpu.memory_space<hbm>>
    %dma_start3A_1008 = arith.constant 82 : i32
    %dma_start3A_1009 = arith.constant 0 : i32
    %dma_start3A_1010 = tpu.memref_slice %arg6[%dma_start3A_1008, %dma_start3A_1009] : memref<128x64xf32, #tpu.memory_space<vmem>> -> memref<1x64xf32, #tpu.memory_space<vmem>>
    %dma_start3A_1011 = arith.constant 0 : i32
    %dma_start3A_1012 = tpu.memref_slice %arg3[%squeeze3A_1002, %dma_start3A_1011] : memref<100000x64xf32, #tpu.memory_space<hbm>> -> memref<1x64xf32, #tpu.memory_space<hbm>>
    tpu.enqueue_dma source(%dma_start3A_1012 : memref<1x64xf32, #tpu.memory_space<hbm>>) target(%dma_start3A_1010 : memref<1x64xf32, #tpu.memory_space<vmem>>) target_semaphore(%arg7 : memref<!tpu.dma_semaphore, #tpu.memory_space<semaphore_mem>>)
    %slice3A_1013 = vector.extract_strided_slice %get3A_976 {offsets = [3], sizes = [1], strides = [1]} : vector<16xi32> to vector<1xi32>
    %squeeze3A_1014 = vector.extract %slice3A_1013[0] : i32 from vector<1xi32>
    %dma_start3A_1015 = arith.constant 83 : i32
    %dma_start3A_1016 = arith.constant 0 : i32
    %dma_start3A_1017 = tpu.memref_slice %arg6[%dma_start3A_1015, %dma_start3A_1016] : memref<128x64xf32, #tpu.memory_space<vmem>> -> memref<1x64xf32, #tpu.memory_space<vmem>>
    %dma_start3A_1018 = arith.constant 0 : i32
    %dma_start3A_1019 = tpu.memref_slice %arg3[%squeeze3A_1014, %dma_start3A_1018] : memref<100000x64xf32, #tpu.memory_space<hbm>> -> memref<1x64xf32, #tpu.memory_space<hbm>>
    %dma_start3A_1020 = arith.constant 83 : i32
    %dma_start3A_1021 = arith.constant 0 : i32
    %dma_start3A_1022 = tpu.memref_slice %arg6[%dma_start3A_1020, %dma_start3A_1021] : memref<128x64xf32, #tpu.memory_space<vmem>> -> memref<1x64xf32, #tpu.memory_space<vmem>>
    %dma_start3A_1023 = arith.constant 0 : i32
    %dma_start3A_1024 = tpu.memref_slice %arg3[%squeeze3A_1014, %dma_start3A_1023] : memref<100000x64xf32, #tpu.memory_space<hbm>> -> memref<1x64xf32, #tpu.memory_space<hbm>>
    tpu.enqueue_dma source(%dma_start3A_1024 : memref<1x64xf32, #tpu.memory_space<hbm>>) target(%dma_start3A_1022 : memref<1x64xf32, #tpu.memory_space<vmem>>) target_semaphore(%arg7 : memref<!tpu.dma_semaphore, #tpu.memory_space<semaphore_mem>>)
    %slice3A_1025 = vector.extract_strided_slice %get3A_976 {offsets = [4], sizes = [1], strides = [1]} : vector<16xi32> to vector<1xi32>
    %squeeze3A_1026 = vector.extract %slice3A_1025[0] : i32 from vector<1xi32>
    %dma_start3A_1027 = arith.constant 84 : i32
    %dma_start3A_1028 = arith.constant 0 : i32
    %dma_start3A_1029 = tpu.memref_slice %arg6[%dma_start3A_1027, %dma_start3A_1028] : memref<128x64xf32, #tpu.memory_space<vmem>> -> memref<1x64xf32, #tpu.memory_space<vmem>>
    %dma_start3A_1030 = arith.constant 0 : i32
    %dma_start3A_1031 = tpu.memref_slice %arg3[%squeeze3A_1026, %dma_start3A_1030] : memref<100000x64xf32, #tpu.memory_space<hbm>> -> memref<1x64xf32, #tpu.memory_space<hbm>>
    %dma_start3A_1032 = arith.constant 84 : i32
    %dma_start3A_1033 = arith.constant 0 : i32
    %dma_start3A_1034 = tpu.memref_slice %arg6[%dma_start3A_1032, %dma_start3A_1033] : memref<128x64xf32, #tpu.memory_space<vmem>> -> memref<1x64xf32, #tpu.memory_space<vmem>>
    %dma_start3A_1035 = arith.constant 0 : i32
    %dma_start3A_1036 = tpu.memref_slice %arg3[%squeeze3A_1026, %dma_start3A_1035] : memref<100000x64xf32, #tpu.memory_space<hbm>> -> memref<1x64xf32, #tpu.memory_space<hbm>>
    tpu.enqueue_dma source(%dma_start3A_1036 : memref<1x64xf32, #tpu.memory_space<hbm>>) target(%dma_start3A_1034 : memref<1x64xf32, #tpu.memory_space<vmem>>) target_semaphore(%arg7 : memref<!tpu.dma_semaphore, #tpu.memory_space<semaphore_mem>>)
    %slice3A_1037 = vector.extract_strided_slice %get3A_976 {offsets = [5], sizes = [1], strides = [1]} : vector<16xi32> to vector<1xi32>
    %squeeze3A_1038 = vector.extract %slice3A_1037[0] : i32 from vector<1xi32>
    %dma_start3A_1039 = arith.constant 85 : i32
    %dma_start3A_1040 = arith.constant 0 : i32
    %dma_start3A_1041 = tpu.memref_slice %arg6[%dma_start3A_1039, %dma_start3A_1040] : memref<128x64xf32, #tpu.memory_space<vmem>> -> memref<1x64xf32, #tpu.memory_space<vmem>>
    %dma_start3A_1042 = arith.constant 0 : i32
    %dma_start3A_1043 = tpu.memref_slice %arg3[%squeeze3A_1038, %dma_start3A_1042] : memref<100000x64xf32, #tpu.memory_space<hbm>> -> memref<1x64xf32, #tpu.memory_space<hbm>>
    %dma_start3A_1044 = arith.constant 85 : i32
    %dma_start3A_1045 = arith.constant 0 : i32
    %dma_start3A_1046 = tpu.memref_slice %arg6[%dma_start3A_1044, %dma_start3A_1045] : memref<128x64xf32, #tpu.memory_space<vmem>> -> memref<1x64xf32, #tpu.memory_space<vmem>>
    %dma_start3A_1047 = arith.constant 0 : i32
    %dma_start3A_1048 = tpu.memref_slice %arg3[%squeeze3A_1038, %dma_start3A_1047] : memref<100000x64xf32, #tpu.memory_space<hbm>> -> memref<1x64xf32, #tpu.memory_space<hbm>>
    tpu.enqueue_dma source(%dma_start3A_1048 : memref<1x64xf32, #tpu.memory_space<hbm>>) target(%dma_start3A_1046 : memref<1x64xf32, #tpu.memory_space<vmem>>) target_semaphore(%arg7 : memref<!tpu.dma_semaphore, #tpu.memory_space<semaphore_mem>>)
    %slice3A_1049 = vector.extract_strided_slice %get3A_976 {offsets = [6], sizes = [1], strides = [1]} : vector<16xi32> to vector<1xi32>
    %squeeze3A_1050 = vector.extract %slice3A_1049[0] : i32 from vector<1xi32>
    %dma_start3A_1051 = arith.constant 86 : i32
    %dma_start3A_1052 = arith.constant 0 : i32
    %dma_start3A_1053 = tpu.memref_slice %arg6[%dma_start3A_1051, %dma_start3A_1052] : memref<128x64xf32, #tpu.memory_space<vmem>> -> memref<1x64xf32, #tpu.memory_space<vmem>>
    %dma_start3A_1054 = arith.constant 0 : i32
    %dma_start3A_1055 = tpu.memref_slice %arg3[%squeeze3A_1050, %dma_start3A_1054] : memref<100000x64xf32, #tpu.memory_space<hbm>> -> memref<1x64xf32, #tpu.memory_space<hbm>>
    %dma_start3A_1056 = arith.constant 86 : i32
    %dma_start3A_1057 = arith.constant 0 : i32
    %dma_start3A_1058 = tpu.memref_slice %arg6[%dma_start3A_1056, %dma_start3A_1057] : memref<128x64xf32, #tpu.memory_space<vmem>> -> memref<1x64xf32, #tpu.memory_space<vmem>>
    %dma_start3A_1059 = arith.constant 0 : i32
    %dma_start3A_1060 = tpu.memref_slice %arg3[%squeeze3A_1050, %dma_start3A_1059] : memref<100000x64xf32, #tpu.memory_space<hbm>> -> memref<1x64xf32, #tpu.memory_space<hbm>>
    tpu.enqueue_dma source(%dma_start3A_1060 : memref<1x64xf32, #tpu.memory_space<hbm>>) target(%dma_start3A_1058 : memref<1x64xf32, #tpu.memory_space<vmem>>) target_semaphore(%arg7 : memref<!tpu.dma_semaphore, #tpu.memory_space<semaphore_mem>>)
    %slice3A_1061 = vector.extract_strided_slice %get3A_976 {offsets = [7], sizes = [1], strides = [1]} : vector<16xi32> to vector<1xi32>
    %squeeze3A_1062 = vector.extract %slice3A_1061[0] : i32 from vector<1xi32>
    %dma_start3A_1063 = arith.constant 87 : i32
    %dma_start3A_1064 = arith.constant 0 : i32
    %dma_start3A_1065 = tpu.memref_slice %arg6[%dma_start3A_1063, %dma_start3A_1064] : memref<128x64xf32, #tpu.memory_space<vmem>> -> memref<1x64xf32, #tpu.memory_space<vmem>>
    %dma_start3A_1066 = arith.constant 0 : i32
    %dma_start3A_1067 = tpu.memref_slice %arg3[%squeeze3A_1062, %dma_start3A_1066] : memref<100000x64xf32, #tpu.memory_space<hbm>> -> memref<1x64xf32, #tpu.memory_space<hbm>>
    %dma_start3A_1068 = arith.constant 87 : i32
    %dma_start3A_1069 = arith.constant 0 : i32
    %dma_start3A_1070 = tpu.memref_slice %arg6[%dma_start3A_1068, %dma_start3A_1069] : memref<128x64xf32, #tpu.memory_space<vmem>> -> memref<1x64xf32, #tpu.memory_space<vmem>>
    %dma_start3A_1071 = arith.constant 0 : i32
    %dma_start3A_1072 = tpu.memref_slice %arg3[%squeeze3A_1062, %dma_start3A_1071] : memref<100000x64xf32, #tpu.memory_space<hbm>> -> memref<1x64xf32, #tpu.memory_space<hbm>>
    tpu.enqueue_dma source(%dma_start3A_1072 : memref<1x64xf32, #tpu.memory_space<hbm>>) target(%dma_start3A_1070 : memref<1x64xf32, #tpu.memory_space<vmem>>) target_semaphore(%arg7 : memref<!tpu.dma_semaphore, #tpu.memory_space<semaphore_mem>>)
    %slice3A_1073 = vector.extract_strided_slice %get3A_976 {offsets = [8], sizes = [1], strides = [1]} : vector<16xi32> to vector<1xi32>
    %squeeze3A_1074 = vector.extract %slice3A_1073[0] : i32 from vector<1xi32>
    %dma_start3A_1075 = arith.constant 88 : i32
    %dma_start3A_1076 = arith.constant 0 : i32
    %dma_start3A_1077 = tpu.memref_slice %arg6[%dma_start3A_1075, %dma_start3A_1076] : memref<128x64xf32, #tpu.memory_space<vmem>> -> memref<1x64xf32, #tpu.memory_space<vmem>>
    %dma_start3A_1078 = arith.constant 0 : i32
    %dma_start3A_1079 = tpu.memref_slice %arg3[%squeeze3A_1074, %dma_start3A_1078] : memref<100000x64xf32, #tpu.memory_space<hbm>> -> memref<1x64xf32, #tpu.memory_space<hbm>>
    %dma_start3A_1080 = arith.constant 88 : i32
    %dma_start3A_1081 = arith.constant 0 : i32
    %dma_start3A_1082 = tpu.memref_slice %arg6[%dma_start3A_1080, %dma_start3A_1081] : memref<128x64xf32, #tpu.memory_space<vmem>> -> memref<1x64xf32, #tpu.memory_space<vmem>>
    %dma_start3A_1083 = arith.constant 0 : i32
    %dma_start3A_1084 = tpu.memref_slice %arg3[%squeeze3A_1074, %dma_start3A_1083] : memref<100000x64xf32, #tpu.memory_space<hbm>> -> memref<1x64xf32, #tpu.memory_space<hbm>>
    tpu.enqueue_dma source(%dma_start3A_1084 : memref<1x64xf32, #tpu.memory_space<hbm>>) target(%dma_start3A_1082 : memref<1x64xf32, #tpu.memory_space<vmem>>) target_semaphore(%arg7 : memref<!tpu.dma_semaphore, #tpu.memory_space<semaphore_mem>>)
    %slice3A_1085 = vector.extract_strided_slice %get3A_976 {offsets = [9], sizes = [1], strides = [1]} : vector<16xi32> to vector<1xi32>
    %squeeze3A_1086 = vector.extract %slice3A_1085[0] : i32 from vector<1xi32>
    %dma_start3A_1087 = arith.constant 89 : i32
    %dma_start3A_1088 = arith.constant 0 : i32
    %dma_start3A_1089 = tpu.memref_slice %arg6[%dma_start3A_1087, %dma_start3A_1088] : memref<128x64xf32, #tpu.memory_space<vmem>> -> memref<1x64xf32, #tpu.memory_space<vmem>>
    %dma_start3A_1090 = arith.constant 0 : i32
    %dma_start3A_1091 = tpu.memref_slice %arg3[%squeeze3A_1086, %dma_start3A_1090] : memref<100000x64xf32, #tpu.memory_space<hbm>> -> memref<1x64xf32, #tpu.memory_space<hbm>>
    %dma_start3A_1092 = arith.constant 89 : i32
    %dma_start3A_1093 = arith.constant 0 : i32
    %dma_start3A_1094 = tpu.memref_slice %arg6[%dma_start3A_1092, %dma_start3A_1093] : memref<128x64xf32, #tpu.memory_space<vmem>> -> memref<1x64xf32, #tpu.memory_space<vmem>>
    %dma_start3A_1095 = arith.constant 0 : i32
    %dma_start3A_1096 = tpu.memref_slice %arg3[%squeeze3A_1086, %dma_start3A_1095] : memref<100000x64xf32, #tpu.memory_space<hbm>> -> memref<1x64xf32, #tpu.memory_space<hbm>>
    tpu.enqueue_dma source(%dma_start3A_1096 : memref<1x64xf32, #tpu.memory_space<hbm>>) target(%dma_start3A_1094 : memref<1x64xf32, #tpu.memory_space<vmem>>) target_semaphore(%arg7 : memref<!tpu.dma_semaphore, #tpu.memory_space<semaphore_mem>>)
    %slice3A_1097 = vector.extract_strided_slice %get3A_976 {offsets = [10], sizes = [1], strides = [1]} : vector<16xi32> to vector<1xi32>
    %squeeze3A_1098 = vector.extract %slice3A_1097[0] : i32 from vector<1xi32>
    %dma_start3A_1099 = arith.constant 90 : i32
    %dma_start3A_1100 = arith.constant 0 : i32
    %dma_start3A_1101 = tpu.memref_slice %arg6[%dma_start3A_1099, %dma_start3A_1100] : memref<128x64xf32, #tpu.memory_space<vmem>> -> memref<1x64xf32, #tpu.memory_space<vmem>>
    %dma_start3A_1102 = arith.constant 0 : i32
    %dma_start3A_1103 = tpu.memref_slice %arg3[%squeeze3A_1098, %dma_start3A_1102] : memref<100000x64xf32, #tpu.memory_space<hbm>> -> memref<1x64xf32, #tpu.memory_space<hbm>>
    %dma_start3A_1104 = arith.constant 90 : i32
    %dma_start3A_1105 = arith.constant 0 : i32
    %dma_start3A_1106 = tpu.memref_slice %arg6[%dma_start3A_1104, %dma_start3A_1105] : memref<128x64xf32, #tpu.memory_space<vmem>> -> memref<1x64xf32, #tpu.memory_space<vmem>>
    %dma_start3A_1107 = arith.constant 0 : i32
    %dma_start3A_1108 = tpu.memref_slice %arg3[%squeeze3A_1098, %dma_start3A_1107] : memref<100000x64xf32, #tpu.memory_space<hbm>> -> memref<1x64xf32, #tpu.memory_space<hbm>>
    tpu.enqueue_dma source(%dma_start3A_1108 : memref<1x64xf32, #tpu.memory_space<hbm>>) target(%dma_start3A_1106 : memref<1x64xf32, #tpu.memory_space<vmem>>) target_semaphore(%arg7 : memref<!tpu.dma_semaphore, #tpu.memory_space<semaphore_mem>>)
    %slice3A_1109 = vector.extract_strided_slice %get3A_976 {offsets = [11], sizes = [1], strides = [1]} : vector<16xi32> to vector<1xi32>
    %squeeze3A_1110 = vector.extract %slice3A_1109[0] : i32 from vector<1xi32>
    %dma_start3A_1111 = arith.constant 91 : i32
    %dma_start3A_1112 = arith.constant 0 : i32
    %dma_start3A_1113 = tpu.memref_slice %arg6[%dma_start3A_1111, %dma_start3A_1112] : memref<128x64xf32, #tpu.memory_space<vmem>> -> memref<1x64xf32, #tpu.memory_space<vmem>>
    %dma_start3A_1114 = arith.constant 0 : i32
    %dma_start3A_1115 = tpu.memref_slice %arg3[%squeeze3A_1110, %dma_start3A_1114] : memref<100000x64xf32, #tpu.memory_space<hbm>> -> memref<1x64xf32, #tpu.memory_space<hbm>>
    %dma_start3A_1116 = arith.constant 91 : i32
    %dma_start3A_1117 = arith.constant 0 : i32
    %dma_start3A_1118 = tpu.memref_slice %arg6[%dma_start3A_1116, %dma_start3A_1117] : memref<128x64xf32, #tpu.memory_space<vmem>> -> memref<1x64xf32, #tpu.memory_space<vmem>>
    %dma_start3A_1119 = arith.constant 0 : i32
    %dma_start3A_1120 = tpu.memref_slice %arg3[%squeeze3A_1110, %dma_start3A_1119] : memref<100000x64xf32, #tpu.memory_space<hbm>> -> memref<1x64xf32, #tpu.memory_space<hbm>>
    tpu.enqueue_dma source(%dma_start3A_1120 : memref<1x64xf32, #tpu.memory_space<hbm>>) target(%dma_start3A_1118 : memref<1x64xf32, #tpu.memory_space<vmem>>) target_semaphore(%arg7 : memref<!tpu.dma_semaphore, #tpu.memory_space<semaphore_mem>>)
    %slice3A_1121 = vector.extract_strided_slice %get3A_976 {offsets = [12], sizes = [1], strides = [1]} : vector<16xi32> to vector<1xi32>
    %squeeze3A_1122 = vector.extract %slice3A_1121[0] : i32 from vector<1xi32>
    %dma_start3A_1123 = arith.constant 92 : i32
    %dma_start3A_1124 = arith.constant 0 : i32
    %dma_start3A_1125 = tpu.memref_slice %arg6[%dma_start3A_1123, %dma_start3A_1124] : memref<128x64xf32, #tpu.memory_space<vmem>> -> memref<1x64xf32, #tpu.memory_space<vmem>>
    %dma_start3A_1126 = arith.constant 0 : i32
    %dma_start3A_1127 = tpu.memref_slice %arg3[%squeeze3A_1122, %dma_start3A_1126] : memref<100000x64xf32, #tpu.memory_space<hbm>> -> memref<1x64xf32, #tpu.memory_space<hbm>>
    %dma_start3A_1128 = arith.constant 92 : i32
    %dma_start3A_1129 = arith.constant 0 : i32
    %dma_start3A_1130 = tpu.memref_slice %arg6[%dma_start3A_1128, %dma_start3A_1129] : memref<128x64xf32, #tpu.memory_space<vmem>> -> memref<1x64xf32, #tpu.memory_space<vmem>>
    %dma_start3A_1131 = arith.constant 0 : i32
    %dma_start3A_1132 = tpu.memref_slice %arg3[%squeeze3A_1122, %dma_start3A_1131] : memref<100000x64xf32, #tpu.memory_space<hbm>> -> memref<1x64xf32, #tpu.memory_space<hbm>>
    tpu.enqueue_dma source(%dma_start3A_1132 : memref<1x64xf32, #tpu.memory_space<hbm>>) target(%dma_start3A_1130 : memref<1x64xf32, #tpu.memory_space<vmem>>) target_semaphore(%arg7 : memref<!tpu.dma_semaphore, #tpu.memory_space<semaphore_mem>>)
    %slice3A_1133 = vector.extract_strided_slice %get3A_976 {offsets = [13], sizes = [1], strides = [1]} : vector<16xi32> to vector<1xi32>
    %squeeze3A_1134 = vector.extract %slice3A_1133[0] : i32 from vector<1xi32>
    %dma_start3A_1135 = arith.constant 93 : i32
    %dma_start3A_1136 = arith.constant 0 : i32
    %dma_start3A_1137 = tpu.memref_slice %arg6[%dma_start3A_1135, %dma_start3A_1136] : memref<128x64xf32, #tpu.memory_space<vmem>> -> memref<1x64xf32, #tpu.memory_space<vmem>>
    %dma_start3A_1138 = arith.constant 0 : i32
    %dma_start3A_1139 = tpu.memref_slice %arg3[%squeeze3A_1134, %dma_start3A_1138] : memref<100000x64xf32, #tpu.memory_space<hbm>> -> memref<1x64xf32, #tpu.memory_space<hbm>>
    %dma_start3A_1140 = arith.constant 93 : i32
    %dma_start3A_1141 = arith.constant 0 : i32
    %dma_start3A_1142 = tpu.memref_slice %arg6[%dma_start3A_1140, %dma_start3A_1141] : memref<128x64xf32, #tpu.memory_space<vmem>> -> memref<1x64xf32, #tpu.memory_space<vmem>>
    %dma_start3A_1143 = arith.constant 0 : i32
    %dma_start3A_1144 = tpu.memref_slice %arg3[%squeeze3A_1134, %dma_start3A_1143] : memref<100000x64xf32, #tpu.memory_space<hbm>> -> memref<1x64xf32, #tpu.memory_space<hbm>>
    tpu.enqueue_dma source(%dma_start3A_1144 : memref<1x64xf32, #tpu.memory_space<hbm>>) target(%dma_start3A_1142 : memref<1x64xf32, #tpu.memory_space<vmem>>) target_semaphore(%arg7 : memref<!tpu.dma_semaphore, #tpu.memory_space<semaphore_mem>>)
    %slice3A_1145 = vector.extract_strided_slice %get3A_976 {offsets = [14], sizes = [1], strides = [1]} : vector<16xi32> to vector<1xi32>
    %squeeze3A_1146 = vector.extract %slice3A_1145[0] : i32 from vector<1xi32>
    %dma_start3A_1147 = arith.constant 94 : i32
    %dma_start3A_1148 = arith.constant 0 : i32
    %dma_start3A_1149 = tpu.memref_slice %arg6[%dma_start3A_1147, %dma_start3A_1148] : memref<128x64xf32, #tpu.memory_space<vmem>> -> memref<1x64xf32, #tpu.memory_space<vmem>>
    %dma_start3A_1150 = arith.constant 0 : i32
    %dma_start3A_1151 = tpu.memref_slice %arg3[%squeeze3A_1146, %dma_start3A_1150] : memref<100000x64xf32, #tpu.memory_space<hbm>> -> memref<1x64xf32, #tpu.memory_space<hbm>>
    %dma_start3A_1152 = arith.constant 94 : i32
    %dma_start3A_1153 = arith.constant 0 : i32
    %dma_start3A_1154 = tpu.memref_slice %arg6[%dma_start3A_1152, %dma_start3A_1153] : memref<128x64xf32, #tpu.memory_space<vmem>> -> memref<1x64xf32, #tpu.memory_space<vmem>>
    %dma_start3A_1155 = arith.constant 0 : i32
    %dma_start3A_1156 = tpu.memref_slice %arg3[%squeeze3A_1146, %dma_start3A_1155] : memref<100000x64xf32, #tpu.memory_space<hbm>> -> memref<1x64xf32, #tpu.memory_space<hbm>>
    tpu.enqueue_dma source(%dma_start3A_1156 : memref<1x64xf32, #tpu.memory_space<hbm>>) target(%dma_start3A_1154 : memref<1x64xf32, #tpu.memory_space<vmem>>) target_semaphore(%arg7 : memref<!tpu.dma_semaphore, #tpu.memory_space<semaphore_mem>>)
    %slice3A_1157 = vector.extract_strided_slice %get3A_976 {offsets = [15], sizes = [1], strides = [1]} : vector<16xi32> to vector<1xi32>
    %squeeze3A_1158 = vector.extract %slice3A_1157[0] : i32 from vector<1xi32>
    %dma_start3A_1159 = arith.constant 95 : i32
    %dma_start3A_1160 = arith.constant 0 : i32
    %dma_start3A_1161 = tpu.memref_slice %arg6[%dma_start3A_1159, %dma_start3A_1160] : memref<128x64xf32, #tpu.memory_space<vmem>> -> memref<1x64xf32, #tpu.memory_space<vmem>>
    %dma_start3A_1162 = arith.constant 0 : i32
    %dma_start3A_1163 = tpu.memref_slice %arg3[%squeeze3A_1158, %dma_start3A_1162] : memref<100000x64xf32, #tpu.memory_space<hbm>> -> memref<1x64xf32, #tpu.memory_space<hbm>>
    %dma_start3A_1164 = arith.constant 95 : i32
    %dma_start3A_1165 = arith.constant 0 : i32
    %dma_start3A_1166 = tpu.memref_slice %arg6[%dma_start3A_1164, %dma_start3A_1165] : memref<128x64xf32, #tpu.memory_space<vmem>> -> memref<1x64xf32, #tpu.memory_space<vmem>>
    %dma_start3A_1167 = arith.constant 0 : i32
    %dma_start3A_1168 = tpu.memref_slice %arg3[%squeeze3A_1158, %dma_start3A_1167] : memref<100000x64xf32, #tpu.memory_space<hbm>> -> memref<1x64xf32, #tpu.memory_space<hbm>>
    tpu.enqueue_dma source(%dma_start3A_1168 : memref<1x64xf32, #tpu.memory_space<hbm>>) target(%dma_start3A_1166 : memref<1x64xf32, #tpu.memory_space<vmem>>) target_semaphore(%arg7 : memref<!tpu.dma_semaphore, #tpu.memory_space<semaphore_mem>>)
    %get3A_1169 = arith.constant 96 : index
    %get3A_1170 = tpu.vector_load %arg5[%get3A_1169] {strides = array<i32>} : memref<128xi32, #tpu.memory_space<vmem>>, vector<16xi32>,
    %get3A_1171 = vector.shape_cast %get3A_1170 : vector<16xi32> to vector<16xi32>
    %slice3A_1172 = vector.extract_strided_slice %get3A_1171 {offsets = [0], sizes = [1], strides = [1]} : vector<16xi32> to vector<1xi32>
    %squeeze3A_1173 = vector.extract %slice3A_1172[0] : i32 from vector<1xi32>
    %dma_start3A_1174 = arith.constant 96 : i32
    %dma_start3A_1175 = arith.constant 0 : i32
    %dma_start3A_1176 = tpu.memref_slice %arg6[%dma_start3A_1174, %dma_start3A_1175] : memref<128x64xf32, #tpu.memory_space<vmem>> -> memref<1x64xf32, #tpu.memory_space<vmem>>
    %dma_start3A_1177 = arith.constant 0 : i32
    %dma_start3A_1178 = tpu.memref_slice %arg3[%squeeze3A_1173, %dma_start3A_1177] : memref<100000x64xf32, #tpu.memory_space<hbm>> -> memref<1x64xf32, #tpu.memory_space<hbm>>
    %dma_start3A_1179 = arith.constant 96 : i32
    %dma_start3A_1180 = arith.constant 0 : i32
    %dma_start3A_1181 = tpu.memref_slice %arg6[%dma_start3A_1179, %dma_start3A_1180] : memref<128x64xf32, #tpu.memory_space<vmem>> -> memref<1x64xf32, #tpu.memory_space<vmem>>
    %dma_start3A_1182 = arith.constant 0 : i32
    %dma_start3A_1183 = tpu.memref_slice %arg3[%squeeze3A_1173, %dma_start3A_1182] : memref<100000x64xf32, #tpu.memory_space<hbm>> -> memref<1x64xf32, #tpu.memory_space<hbm>>
    tpu.enqueue_dma source(%dma_start3A_1183 : memref<1x64xf32, #tpu.memory_space<hbm>>) target(%dma_start3A_1181 : memref<1x64xf32, #tpu.memory_space<vmem>>) target_semaphore(%arg7 : memref<!tpu.dma_semaphore, #tpu.memory_space<semaphore_mem>>)
    %slice3A_1184 = vector.extract_strided_slice %get3A_1171 {offsets = [1], sizes = [1], strides = [1]} : vector<16xi32> to vector<1xi32>
    %squeeze3A_1185 = vector.extract %slice3A_1184[0] : i32 from vector<1xi32>
    %dma_start3A_1186 = arith.constant 97 : i32
    %dma_start3A_1187 = arith.constant 0 : i32
    %dma_start3A_1188 = tpu.memref_slice %arg6[%dma_start3A_1186, %dma_start3A_1187] : memref<128x64xf32, #tpu.memory_space<vmem>> -> memref<1x64xf32, #tpu.memory_space<vmem>>
    %dma_start3A_1189 = arith.constant 0 : i32
    %dma_start3A_1190 = tpu.memref_slice %arg3[%squeeze3A_1185, %dma_start3A_1189] : memref<100000x64xf32, #tpu.memory_space<hbm>> -> memref<1x64xf32, #tpu.memory_space<hbm>>
    %dma_start3A_1191 = arith.constant 97 : i32
    %dma_start3A_1192 = arith.constant 0 : i32
    %dma_start3A_1193 = tpu.memref_slice %arg6[%dma_start3A_1191, %dma_start3A_1192] : memref<128x64xf32, #tpu.memory_space<vmem>> -> memref<1x64xf32, #tpu.memory_space<vmem>>
    %dma_start3A_1194 = arith.constant 0 : i32
    %dma_start3A_1195 = tpu.memref_slice %arg3[%squeeze3A_1185, %dma_start3A_1194] : memref<100000x64xf32, #tpu.memory_space<hbm>> -> memref<1x64xf32, #tpu.memory_space<hbm>>
    tpu.enqueue_dma source(%dma_start3A_1195 : memref<1x64xf32, #tpu.memory_space<hbm>>) target(%dma_start3A_1193 : memref<1x64xf32, #tpu.memory_space<vmem>>) target_semaphore(%arg7 : memref<!tpu.dma_semaphore, #tpu.memory_space<semaphore_mem>>)
    %slice3A_1196 = vector.extract_strided_slice %get3A_1171 {offsets = [2], sizes = [1], strides = [1]} : vector<16xi32> to vector<1xi32>
    %squeeze3A_1197 = vector.extract %slice3A_1196[0] : i32 from vector<1xi32>
    %dma_start3A_1198 = arith.constant 98 : i32
    %dma_start3A_1199 = arith.constant 0 : i32
    %dma_start3A_1200 = tpu.memref_slice %arg6[%dma_start3A_1198, %dma_start3A_1199] : memref<128x64xf32, #tpu.memory_space<vmem>> -> memref<1x64xf32, #tpu.memory_space<vmem>>
    %dma_start3A_1201 = arith.constant 0 : i32
    %dma_start3A_1202 = tpu.memref_slice %arg3[%squeeze3A_1197, %dma_start3A_1201] : memref<100000x64xf32, #tpu.memory_space<hbm>> -> memref<1x64xf32, #tpu.memory_space<hbm>>
    %dma_start3A_1203 = arith.constant 98 : i32
    %dma_start3A_1204 = arith.constant 0 : i32
    %dma_start3A_1205 = tpu.memref_slice %arg6[%dma_start3A_1203, %dma_start3A_1204] : memref<128x64xf32, #tpu.memory_space<vmem>> -> memref<1x64xf32, #tpu.memory_space<vmem>>
    %dma_start3A_1206 = arith.constant 0 : i32
    %dma_start3A_1207 = tpu.memref_slice %arg3[%squeeze3A_1197, %dma_start3A_1206] : memref<100000x64xf32, #tpu.memory_space<hbm>> -> memref<1x64xf32, #tpu.memory_space<hbm>>
    tpu.enqueue_dma source(%dma_start3A_1207 : memref<1x64xf32, #tpu.memory_space<hbm>>) target(%dma_start3A_1205 : memref<1x64xf32, #tpu.memory_space<vmem>>) target_semaphore(%arg7 : memref<!tpu.dma_semaphore, #tpu.memory_space<semaphore_mem>>)
    %slice3A_1208 = vector.extract_strided_slice %get3A_1171 {offsets = [3], sizes = [1], strides = [1]} : vector<16xi32> to vector<1xi32>
    %squeeze3A_1209 = vector.extract %slice3A_1208[0] : i32 from vector<1xi32>
    %dma_start3A_1210 = arith.constant 99 : i32
    %dma_start3A_1211 = arith.constant 0 : i32
    %dma_start3A_1212 = tpu.memref_slice %arg6[%dma_start3A_1210, %dma_start3A_1211] : memref<128x64xf32, #tpu.memory_space<vmem>> -> memref<1x64xf32, #tpu.memory_space<vmem>>
    %dma_start3A_1213 = arith.constant 0 : i32
    %dma_start3A_1214 = tpu.memref_slice %arg3[%squeeze3A_1209, %dma_start3A_1213] : memref<100000x64xf32, #tpu.memory_space<hbm>> -> memref<1x64xf32, #tpu.memory_space<hbm>>
    %dma_start3A_1215 = arith.constant 99 : i32
    %dma_start3A_1216 = arith.constant 0 : i32
    %dma_start3A_1217 = tpu.memref_slice %arg6[%dma_start3A_1215, %dma_start3A_1216] : memref<128x64xf32, #tpu.memory_space<vmem>> -> memref<1x64xf32, #tpu.memory_space<vmem>>
    %dma_start3A_1218 = arith.constant 0 : i32
    %dma_start3A_1219 = tpu.memref_slice %arg3[%squeeze3A_1209, %dma_start3A_1218] : memref<100000x64xf32, #tpu.memory_space<hbm>> -> memref<1x64xf32, #tpu.memory_space<hbm>>
    tpu.enqueue_dma source(%dma_start3A_1219 : memref<1x64xf32, #tpu.memory_space<hbm>>) target(%dma_start3A_1217 : memref<1x64xf32, #tpu.memory_space<vmem>>) target_semaphore(%arg7 : memref<!tpu.dma_semaphore, #tpu.memory_space<semaphore_mem>>)
    %slice3A_1220 = vector.extract_strided_slice %get3A_1171 {offsets = [4], sizes = [1], strides = [1]} : vector<16xi32> to vector<1xi32>
    %squeeze3A_1221 = vector.extract %slice3A_1220[0] : i32 from vector<1xi32>
    %dma_start3A_1222 = arith.constant 100 : i32
    %dma_start3A_1223 = arith.constant 0 : i32
    %dma_start3A_1224 = tpu.memref_slice %arg6[%dma_start3A_1222, %dma_start3A_1223] : memref<128x64xf32, #tpu.memory_space<vmem>> -> memref<1x64xf32, #tpu.memory_space<vmem>>
    %dma_start3A_1225 = arith.constant 0 : i32
    %dma_start3A_1226 = tpu.memref_slice %arg3[%squeeze3A_1221, %dma_start3A_1225] : memref<100000x64xf32, #tpu.memory_space<hbm>> -> memref<1x64xf32, #tpu.memory_space<hbm>>
    %dma_start3A_1227 = arith.constant 100 : i32
    %dma_start3A_1228 = arith.constant 0 : i32
    %dma_start3A_1229 = tpu.memref_slice %arg6[%dma_start3A_1227, %dma_start3A_1228] : memref<128x64xf32, #tpu.memory_space<vmem>> -> memref<1x64xf32, #tpu.memory_space<vmem>>
    %dma_start3A_1230 = arith.constant 0 : i32
    %dma_start3A_1231 = tpu.memref_slice %arg3[%squeeze3A_1221, %dma_start3A_1230] : memref<100000x64xf32, #tpu.memory_space<hbm>> -> memref<1x64xf32, #tpu.memory_space<hbm>>
    tpu.enqueue_dma source(%dma_start3A_1231 : memref<1x64xf32, #tpu.memory_space<hbm>>) target(%dma_start3A_1229 : memref<1x64xf32, #tpu.memory_space<vmem>>) target_semaphore(%arg7 : memref<!tpu.dma_semaphore, #tpu.memory_space<semaphore_mem>>)
    %slice3A_1232 = vector.extract_strided_slice %get3A_1171 {offsets = [5], sizes = [1], strides = [1]} : vector<16xi32> to vector<1xi32>
    %squeeze3A_1233 = vector.extract %slice3A_1232[0] : i32 from vector<1xi32>
    %dma_start3A_1234 = arith.constant 101 : i32
    %dma_start3A_1235 = arith.constant 0 : i32
    %dma_start3A_1236 = tpu.memref_slice %arg6[%dma_start3A_1234, %dma_start3A_1235] : memref<128x64xf32, #tpu.memory_space<vmem>> -> memref<1x64xf32, #tpu.memory_space<vmem>>
    %dma_start3A_1237 = arith.constant 0 : i32
    %dma_start3A_1238 = tpu.memref_slice %arg3[%squeeze3A_1233, %dma_start3A_1237] : memref<100000x64xf32, #tpu.memory_space<hbm>> -> memref<1x64xf32, #tpu.memory_space<hbm>>
    %dma_start3A_1239 = arith.constant 101 : i32
    %dma_start3A_1240 = arith.constant 0 : i32
    %dma_start3A_1241 = tpu.memref_slice %arg6[%dma_start3A_1239, %dma_start3A_1240] : memref<128x64xf32, #tpu.memory_space<vmem>> -> memref<1x64xf32, #tpu.memory_space<vmem>>
    %dma_start3A_1242 = arith.constant 0 : i32
    %dma_start3A_1243 = tpu.memref_slice %arg3[%squeeze3A_1233, %dma_start3A_1242] : memref<100000x64xf32, #tpu.memory_space<hbm>> -> memref<1x64xf32, #tpu.memory_space<hbm>>
    tpu.enqueue_dma source(%dma_start3A_1243 : memref<1x64xf32, #tpu.memory_space<hbm>>) target(%dma_start3A_1241 : memref<1x64xf32, #tpu.memory_space<vmem>>) target_semaphore(%arg7 : memref<!tpu.dma_semaphore, #tpu.memory_space<semaphore_mem>>)
    %slice3A_1244 = vector.extract_strided_slice %get3A_1171 {offsets = [6], sizes = [1], strides = [1]} : vector<16xi32> to vector<1xi32>
    %squeeze3A_1245 = vector.extract %slice3A_1244[0] : i32 from vector<1xi32>
    %dma_start3A_1246 = arith.constant 102 : i32
    %dma_start3A_1247 = arith.constant 0 : i32
    %dma_start3A_1248 = tpu.memref_slice %arg6[%dma_start3A_1246, %dma_start3A_1247] : memref<128x64xf32, #tpu.memory_space<vmem>> -> memref<1x64xf32, #tpu.memory_space<vmem>>
    %dma_start3A_1249 = arith.constant 0 : i32
    %dma_start3A_1250 = tpu.memref_slice %arg3[%squeeze3A_1245, %dma_start3A_1249] : memref<100000x64xf32, #tpu.memory_space<hbm>> -> memref<1x64xf32, #tpu.memory_space<hbm>>
    %dma_start3A_1251 = arith.constant 102 : i32
    %dma_start3A_1252 = arith.constant 0 : i32
    %dma_start3A_1253 = tpu.memref_slice %arg6[%dma_start3A_1251, %dma_start3A_1252] : memref<128x64xf32, #tpu.memory_space<vmem>> -> memref<1x64xf32, #tpu.memory_space<vmem>>
    %dma_start3A_1254 = arith.constant 0 : i32
    %dma_start3A_1255 = tpu.memref_slice %arg3[%squeeze3A_1245, %dma_start3A_1254] : memref<100000x64xf32, #tpu.memory_space<hbm>> -> memref<1x64xf32, #tpu.memory_space<hbm>>
    tpu.enqueue_dma source(%dma_start3A_1255 : memref<1x64xf32, #tpu.memory_space<hbm>>) target(%dma_start3A_1253 : memref<1x64xf32, #tpu.memory_space<vmem>>) target_semaphore(%arg7 : memref<!tpu.dma_semaphore, #tpu.memory_space<semaphore_mem>>)
    %slice3A_1256 = vector.extract_strided_slice %get3A_1171 {offsets = [7], sizes = [1], strides = [1]} : vector<16xi32> to vector<1xi32>
    %squeeze3A_1257 = vector.extract %slice3A_1256[0] : i32 from vector<1xi32>
    %dma_start3A_1258 = arith.constant 103 : i32
    %dma_start3A_1259 = arith.constant 0 : i32
    %dma_start3A_1260 = tpu.memref_slice %arg6[%dma_start3A_1258, %dma_start3A_1259] : memref<128x64xf32, #tpu.memory_space<vmem>> -> memref<1x64xf32, #tpu.memory_space<vmem>>
    %dma_start3A_1261 = arith.constant 0 : i32
    %dma_start3A_1262 = tpu.memref_slice %arg3[%squeeze3A_1257, %dma_start3A_1261] : memref<100000x64xf32, #tpu.memory_space<hbm>> -> memref<1x64xf32, #tpu.memory_space<hbm>>
    %dma_start3A_1263 = arith.constant 103 : i32
    %dma_start3A_1264 = arith.constant 0 : i32
    %dma_start3A_1265 = tpu.memref_slice %arg6[%dma_start3A_1263, %dma_start3A_1264] : memref<128x64xf32, #tpu.memory_space<vmem>> -> memref<1x64xf32, #tpu.memory_space<vmem>>
    %dma_start3A_1266 = arith.constant 0 : i32
    %dma_start3A_1267 = tpu.memref_slice %arg3[%squeeze3A_1257, %dma_start3A_1266] : memref<100000x64xf32, #tpu.memory_space<hbm>> -> memref<1x64xf32, #tpu.memory_space<hbm>>
    tpu.enqueue_dma source(%dma_start3A_1267 : memref<1x64xf32, #tpu.memory_space<hbm>>) target(%dma_start3A_1265 : memref<1x64xf32, #tpu.memory_space<vmem>>) target_semaphore(%arg7 : memref<!tpu.dma_semaphore, #tpu.memory_space<semaphore_mem>>)
    %slice3A_1268 = vector.extract_strided_slice %get3A_1171 {offsets = [8], sizes = [1], strides = [1]} : vector<16xi32> to vector<1xi32>
    %squeeze3A_1269 = vector.extract %slice3A_1268[0] : i32 from vector<1xi32>
    %dma_start3A_1270 = arith.constant 104 : i32
    %dma_start3A_1271 = arith.constant 0 : i32
    %dma_start3A_1272 = tpu.memref_slice %arg6[%dma_start3A_1270, %dma_start3A_1271] : memref<128x64xf32, #tpu.memory_space<vmem>> -> memref<1x64xf32, #tpu.memory_space<vmem>>
    %dma_start3A_1273 = arith.constant 0 : i32
    %dma_start3A_1274 = tpu.memref_slice %arg3[%squeeze3A_1269, %dma_start3A_1273] : memref<100000x64xf32, #tpu.memory_space<hbm>> -> memref<1x64xf32, #tpu.memory_space<hbm>>
    %dma_start3A_1275 = arith.constant 104 : i32
    %dma_start3A_1276 = arith.constant 0 : i32
    %dma_start3A_1277 = tpu.memref_slice %arg6[%dma_start3A_1275, %dma_start3A_1276] : memref<128x64xf32, #tpu.memory_space<vmem>> -> memref<1x64xf32, #tpu.memory_space<vmem>>
    %dma_start3A_1278 = arith.constant 0 : i32
    %dma_start3A_1279 = tpu.memref_slice %arg3[%squeeze3A_1269, %dma_start3A_1278] : memref<100000x64xf32, #tpu.memory_space<hbm>> -> memref<1x64xf32, #tpu.memory_space<hbm>>
    tpu.enqueue_dma source(%dma_start3A_1279 : memref<1x64xf32, #tpu.memory_space<hbm>>) target(%dma_start3A_1277 : memref<1x64xf32, #tpu.memory_space<vmem>>) target_semaphore(%arg7 : memref<!tpu.dma_semaphore, #tpu.memory_space<semaphore_mem>>)
    %slice3A_1280 = vector.extract_strided_slice %get3A_1171 {offsets = [9], sizes = [1], strides = [1]} : vector<16xi32> to vector<1xi32>
    %squeeze3A_1281 = vector.extract %slice3A_1280[0] : i32 from vector<1xi32>
    %dma_start3A_1282 = arith.constant 105 : i32
    %dma_start3A_1283 = arith.constant 0 : i32
    %dma_start3A_1284 = tpu.memref_slice %arg6[%dma_start3A_1282, %dma_start3A_1283] : memref<128x64xf32, #tpu.memory_space<vmem>> -> memref<1x64xf32, #tpu.memory_space<vmem>>
    %dma_start3A_1285 = arith.constant 0 : i32
    %dma_start3A_1286 = tpu.memref_slice %arg3[%squeeze3A_1281, %dma_start3A_1285] : memref<100000x64xf32, #tpu.memory_space<hbm>> -> memref<1x64xf32, #tpu.memory_space<hbm>>
    %dma_start3A_1287 = arith.constant 105 : i32
    %dma_start3A_1288 = arith.constant 0 : i32
    %dma_start3A_1289 = tpu.memref_slice %arg6[%dma_start3A_1287, %dma_start3A_1288] : memref<128x64xf32, #tpu.memory_space<vmem>> -> memref<1x64xf32, #tpu.memory_space<vmem>>
    %dma_start3A_1290 = arith.constant 0 : i32
    %dma_start3A_1291 = tpu.memref_slice %arg3[%squeeze3A_1281, %dma_start3A_1290] : memref<100000x64xf32, #tpu.memory_space<hbm>> -> memref<1x64xf32, #tpu.memory_space<hbm>>
    tpu.enqueue_dma source(%dma_start3A_1291 : memref<1x64xf32, #tpu.memory_space<hbm>>) target(%dma_start3A_1289 : memref<1x64xf32, #tpu.memory_space<vmem>>) target_semaphore(%arg7 : memref<!tpu.dma_semaphore, #tpu.memory_space<semaphore_mem>>)
    %slice3A_1292 = vector.extract_strided_slice %get3A_1171 {offsets = [10], sizes = [1], strides = [1]} : vector<16xi32> to vector<1xi32>
    %squeeze3A_1293 = vector.extract %slice3A_1292[0] : i32 from vector<1xi32>
    %dma_start3A_1294 = arith.constant 106 : i32
    %dma_start3A_1295 = arith.constant 0 : i32
    %dma_start3A_1296 = tpu.memref_slice %arg6[%dma_start3A_1294, %dma_start3A_1295] : memref<128x64xf32, #tpu.memory_space<vmem>> -> memref<1x64xf32, #tpu.memory_space<vmem>>
    %dma_start3A_1297 = arith.constant 0 : i32
    %dma_start3A_1298 = tpu.memref_slice %arg3[%squeeze3A_1293, %dma_start3A_1297] : memref<100000x64xf32, #tpu.memory_space<hbm>> -> memref<1x64xf32, #tpu.memory_space<hbm>>
    %dma_start3A_1299 = arith.constant 106 : i32
    %dma_start3A_1300 = arith.constant 0 : i32
    %dma_start3A_1301 = tpu.memref_slice %arg6[%dma_start3A_1299, %dma_start3A_1300] : memref<128x64xf32, #tpu.memory_space<vmem>> -> memref<1x64xf32, #tpu.memory_space<vmem>>
    %dma_start3A_1302 = arith.constant 0 : i32
    %dma_start3A_1303 = tpu.memref_slice %arg3[%squeeze3A_1293, %dma_start3A_1302] : memref<100000x64xf32, #tpu.memory_space<hbm>> -> memref<1x64xf32, #tpu.memory_space<hbm>>
    tpu.enqueue_dma source(%dma_start3A_1303 : memref<1x64xf32, #tpu.memory_space<hbm>>) target(%dma_start3A_1301 : memref<1x64xf32, #tpu.memory_space<vmem>>) target_semaphore(%arg7 : memref<!tpu.dma_semaphore, #tpu.memory_space<semaphore_mem>>)
    %slice3A_1304 = vector.extract_strided_slice %get3A_1171 {offsets = [11], sizes = [1], strides = [1]} : vector<16xi32> to vector<1xi32>
    %squeeze3A_1305 = vector.extract %slice3A_1304[0] : i32 from vector<1xi32>
    %dma_start3A_1306 = arith.constant 107 : i32
    %dma_start3A_1307 = arith.constant 0 : i32
    %dma_start3A_1308 = tpu.memref_slice %arg6[%dma_start3A_1306, %dma_start3A_1307] : memref<128x64xf32, #tpu.memory_space<vmem>> -> memref<1x64xf32, #tpu.memory_space<vmem>>
    %dma_start3A_1309 = arith.constant 0 : i32
    %dma_start3A_1310 = tpu.memref_slice %arg3[%squeeze3A_1305, %dma_start3A_1309] : memref<100000x64xf32, #tpu.memory_space<hbm>> -> memref<1x64xf32, #tpu.memory_space<hbm>>
    %dma_start3A_1311 = arith.constant 107 : i32
    %dma_start3A_1312 = arith.constant 0 : i32
    %dma_start3A_1313 = tpu.memref_slice %arg6[%dma_start3A_1311, %dma_start3A_1312] : memref<128x64xf32, #tpu.memory_space<vmem>> -> memref<1x64xf32, #tpu.memory_space<vmem>>
    %dma_start3A_1314 = arith.constant 0 : i32
    %dma_start3A_1315 = tpu.memref_slice %arg3[%squeeze3A_1305, %dma_start3A_1314] : memref<100000x64xf32, #tpu.memory_space<hbm>> -> memref<1x64xf32, #tpu.memory_space<hbm>>
    tpu.enqueue_dma source(%dma_start3A_1315 : memref<1x64xf32, #tpu.memory_space<hbm>>) target(%dma_start3A_1313 : memref<1x64xf32, #tpu.memory_space<vmem>>) target_semaphore(%arg7 : memref<!tpu.dma_semaphore, #tpu.memory_space<semaphore_mem>>)
    %slice3A_1316 = vector.extract_strided_slice %get3A_1171 {offsets = [12], sizes = [1], strides = [1]} : vector<16xi32> to vector<1xi32>
    %squeeze3A_1317 = vector.extract %slice3A_1316[0] : i32 from vector<1xi32>
    %dma_start3A_1318 = arith.constant 108 : i32
    %dma_start3A_1319 = arith.constant 0 : i32
    %dma_start3A_1320 = tpu.memref_slice %arg6[%dma_start3A_1318, %dma_start3A_1319] : memref<128x64xf32, #tpu.memory_space<vmem>> -> memref<1x64xf32, #tpu.memory_space<vmem>>
    %dma_start3A_1321 = arith.constant 0 : i32
    %dma_start3A_1322 = tpu.memref_slice %arg3[%squeeze3A_1317, %dma_start3A_1321] : memref<100000x64xf32, #tpu.memory_space<hbm>> -> memref<1x64xf32, #tpu.memory_space<hbm>>
    %dma_start3A_1323 = arith.constant 108 : i32
    %dma_start3A_1324 = arith.constant 0 : i32
    %dma_start3A_1325 = tpu.memref_slice %arg6[%dma_start3A_1323, %dma_start3A_1324] : memref<128x64xf32, #tpu.memory_space<vmem>> -> memref<1x64xf32, #tpu.memory_space<vmem>>
    %dma_start3A_1326 = arith.constant 0 : i32
    %dma_start3A_1327 = tpu.memref_slice %arg3[%squeeze3A_1317, %dma_start3A_1326] : memref<100000x64xf32, #tpu.memory_space<hbm>> -> memref<1x64xf32, #tpu.memory_space<hbm>>
    tpu.enqueue_dma source(%dma_start3A_1327 : memref<1x64xf32, #tpu.memory_space<hbm>>) target(%dma_start3A_1325 : memref<1x64xf32, #tpu.memory_space<vmem>>) target_semaphore(%arg7 : memref<!tpu.dma_semaphore, #tpu.memory_space<semaphore_mem>>)
    %slice3A_1328 = vector.extract_strided_slice %get3A_1171 {offsets = [13], sizes = [1], strides = [1]} : vector<16xi32> to vector<1xi32>
    %squeeze3A_1329 = vector.extract %slice3A_1328[0] : i32 from vector<1xi32>
    %dma_start3A_1330 = arith.constant 109 : i32
    %dma_start3A_1331 = arith.constant 0 : i32
    %dma_start3A_1332 = tpu.memref_slice %arg6[%dma_start3A_1330, %dma_start3A_1331] : memref<128x64xf32, #tpu.memory_space<vmem>> -> memref<1x64xf32, #tpu.memory_space<vmem>>
    %dma_start3A_1333 = arith.constant 0 : i32
    %dma_start3A_1334 = tpu.memref_slice %arg3[%squeeze3A_1329, %dma_start3A_1333] : memref<100000x64xf32, #tpu.memory_space<hbm>> -> memref<1x64xf32, #tpu.memory_space<hbm>>
    %dma_start3A_1335 = arith.constant 109 : i32
    %dma_start3A_1336 = arith.constant 0 : i32
    %dma_start3A_1337 = tpu.memref_slice %arg6[%dma_start3A_1335, %dma_start3A_1336] : memref<128x64xf32, #tpu.memory_space<vmem>> -> memref<1x64xf32, #tpu.memory_space<vmem>>
    %dma_start3A_1338 = arith.constant 0 : i32
    %dma_start3A_1339 = tpu.memref_slice %arg3[%squeeze3A_1329, %dma_start3A_1338] : memref<100000x64xf32, #tpu.memory_space<hbm>> -> memref<1x64xf32, #tpu.memory_space<hbm>>
    tpu.enqueue_dma source(%dma_start3A_1339 : memref<1x64xf32, #tpu.memory_space<hbm>>) target(%dma_start3A_1337 : memref<1x64xf32, #tpu.memory_space<vmem>>) target_semaphore(%arg7 : memref<!tpu.dma_semaphore, #tpu.memory_space<semaphore_mem>>)
    %slice3A_1340 = vector.extract_strided_slice %get3A_1171 {offsets = [14], sizes = [1], strides = [1]} : vector<16xi32> to vector<1xi32>
    %squeeze3A_1341 = vector.extract %slice3A_1340[0] : i32 from vector<1xi32>
    %dma_start3A_1342 = arith.constant 110 : i32
    %dma_start3A_1343 = arith.constant 0 : i32
    %dma_start3A_1344 = tpu.memref_slice %arg6[%dma_start3A_1342, %dma_start3A_1343] : memref<128x64xf32, #tpu.memory_space<vmem>> -> memref<1x64xf32, #tpu.memory_space<vmem>>
    %dma_start3A_1345 = arith.constant 0 : i32
    %dma_start3A_1346 = tpu.memref_slice %arg3[%squeeze3A_1341, %dma_start3A_1345] : memref<100000x64xf32, #tpu.memory_space<hbm>> -> memref<1x64xf32, #tpu.memory_space<hbm>>
    %dma_start3A_1347 = arith.constant 110 : i32
    %dma_start3A_1348 = arith.constant 0 : i32
    %dma_start3A_1349 = tpu.memref_slice %arg6[%dma_start3A_1347, %dma_start3A_1348] : memref<128x64xf32, #tpu.memory_space<vmem>> -> memref<1x64xf32, #tpu.memory_space<vmem>>
    %dma_start3A_1350 = arith.constant 0 : i32
    %dma_start3A_1351 = tpu.memref_slice %arg3[%squeeze3A_1341, %dma_start3A_1350] : memref<100000x64xf32, #tpu.memory_space<hbm>> -> memref<1x64xf32, #tpu.memory_space<hbm>>
    tpu.enqueue_dma source(%dma_start3A_1351 : memref<1x64xf32, #tpu.memory_space<hbm>>) target(%dma_start3A_1349 : memref<1x64xf32, #tpu.memory_space<vmem>>) target_semaphore(%arg7 : memref<!tpu.dma_semaphore, #tpu.memory_space<semaphore_mem>>)
    %slice3A_1352 = vector.extract_strided_slice %get3A_1171 {offsets = [15], sizes = [1], strides = [1]} : vector<16xi32> to vector<1xi32>
    %squeeze3A_1353 = vector.extract %slice3A_1352[0] : i32 from vector<1xi32>
    %dma_start3A_1354 = arith.constant 111 : i32
    %dma_start3A_1355 = arith.constant 0 : i32
    %dma_start3A_1356 = tpu.memref_slice %arg6[%dma_start3A_1354, %dma_start3A_1355] : memref<128x64xf32, #tpu.memory_space<vmem>> -> memref<1x64xf32, #tpu.memory_space<vmem>>
    %dma_start3A_1357 = arith.constant 0 : i32
    %dma_start3A_1358 = tpu.memref_slice %arg3[%squeeze3A_1353, %dma_start3A_1357] : memref<100000x64xf32, #tpu.memory_space<hbm>> -> memref<1x64xf32, #tpu.memory_space<hbm>>
    %dma_start3A_1359 = arith.constant 111 : i32
    %dma_start3A_1360 = arith.constant 0 : i32
    %dma_start3A_1361 = tpu.memref_slice %arg6[%dma_start3A_1359, %dma_start3A_1360] : memref<128x64xf32, #tpu.memory_space<vmem>> -> memref<1x64xf32, #tpu.memory_space<vmem>>
    %dma_start3A_1362 = arith.constant 0 : i32
    %dma_start3A_1363 = tpu.memref_slice %arg3[%squeeze3A_1353, %dma_start3A_1362] : memref<100000x64xf32, #tpu.memory_space<hbm>> -> memref<1x64xf32, #tpu.memory_space<hbm>>
    tpu.enqueue_dma source(%dma_start3A_1363 : memref<1x64xf32, #tpu.memory_space<hbm>>) target(%dma_start3A_1361 : memref<1x64xf32, #tpu.memory_space<vmem>>) target_semaphore(%arg7 : memref<!tpu.dma_semaphore, #tpu.memory_space<semaphore_mem>>)
    %get3A_1364 = arith.constant 112 : index
    %get3A_1365 = tpu.vector_load %arg5[%get3A_1364] {strides = array<i32>} : memref<128xi32, #tpu.memory_space<vmem>>, vector<16xi32>,
    %get3A_1366 = vector.shape_cast %get3A_1365 : vector<16xi32> to vector<16xi32>
    %slice3A_1367 = vector.extract_strided_slice %get3A_1366 {offsets = [0], sizes = [1], strides = [1]} : vector<16xi32> to vector<1xi32>
    %squeeze3A_1368 = vector.extract %slice3A_1367[0] : i32 from vector<1xi32>
    %dma_start3A_1369 = arith.constant 112 : i32
    %dma_start3A_1370 = arith.constant 0 : i32
    %dma_start3A_1371 = tpu.memref_slice %arg6[%dma_start3A_1369, %dma_start3A_1370] : memref<128x64xf32, #tpu.memory_space<vmem>> -> memref<1x64xf32, #tpu.memory_space<vmem>>
    %dma_start3A_1372 = arith.constant 0 : i32
    %dma_start3A_1373 = tpu.memref_slice %arg3[%squeeze3A_1368, %dma_start3A_1372] : memref<100000x64xf32, #tpu.memory_space<hbm>> -> memref<1x64xf32, #tpu.memory_space<hbm>>
    %dma_start3A_1374 = arith.constant 112 : i32
    %dma_start3A_1375 = arith.constant 0 : i32
    %dma_start3A_1376 = tpu.memref_slice %arg6[%dma_start3A_1374, %dma_start3A_1375] : memref<128x64xf32, #tpu.memory_space<vmem>> -> memref<1x64xf32, #tpu.memory_space<vmem>>
    %dma_start3A_1377 = arith.constant 0 : i32
    %dma_start3A_1378 = tpu.memref_slice %arg3[%squeeze3A_1368, %dma_start3A_1377] : memref<100000x64xf32, #tpu.memory_space<hbm>> -> memref<1x64xf32, #tpu.memory_space<hbm>>
    tpu.enqueue_dma source(%dma_start3A_1378 : memref<1x64xf32, #tpu.memory_space<hbm>>) target(%dma_start3A_1376 : memref<1x64xf32, #tpu.memory_space<vmem>>) target_semaphore(%arg7 : memref<!tpu.dma_semaphore, #tpu.memory_space<semaphore_mem>>)
    %slice3A_1379 = vector.extract_strided_slice %get3A_1366 {offsets = [1], sizes = [1], strides = [1]} : vector<16xi32> to vector<1xi32>
    %squeeze3A_1380 = vector.extract %slice3A_1379[0] : i32 from vector<1xi32>
    %dma_start3A_1381 = arith.constant 113 : i32
    %dma_start3A_1382 = arith.constant 0 : i32
    %dma_start3A_1383 = tpu.memref_slice %arg6[%dma_start3A_1381, %dma_start3A_1382] : memref<128x64xf32, #tpu.memory_space<vmem>> -> memref<1x64xf32, #tpu.memory_space<vmem>>
    %dma_start3A_1384 = arith.constant 0 : i32
    %dma_start3A_1385 = tpu.memref_slice %arg3[%squeeze3A_1380, %dma_start3A_1384] : memref<100000x64xf32, #tpu.memory_space<hbm>> -> memref<1x64xf32, #tpu.memory_space<hbm>>
    %dma_start3A_1386 = arith.constant 113 : i32
    %dma_start3A_1387 = arith.constant 0 : i32
    %dma_start3A_1388 = tpu.memref_slice %arg6[%dma_start3A_1386, %dma_start3A_1387] : memref<128x64xf32, #tpu.memory_space<vmem>> -> memref<1x64xf32, #tpu.memory_space<vmem>>
    %dma_start3A_1389 = arith.constant 0 : i32
    %dma_start3A_1390 = tpu.memref_slice %arg3[%squeeze3A_1380, %dma_start3A_1389] : memref<100000x64xf32, #tpu.memory_space<hbm>> -> memref<1x64xf32, #tpu.memory_space<hbm>>
    tpu.enqueue_dma source(%dma_start3A_1390 : memref<1x64xf32, #tpu.memory_space<hbm>>) target(%dma_start3A_1388 : memref<1x64xf32, #tpu.memory_space<vmem>>) target_semaphore(%arg7 : memref<!tpu.dma_semaphore, #tpu.memory_space<semaphore_mem>>)
    %slice3A_1391 = vector.extract_strided_slice %get3A_1366 {offsets = [2], sizes = [1], strides = [1]} : vector<16xi32> to vector<1xi32>
    %squeeze3A_1392 = vector.extract %slice3A_1391[0] : i32 from vector<1xi32>
    %dma_start3A_1393 = arith.constant 114 : i32
    %dma_start3A_1394 = arith.constant 0 : i32
    %dma_start3A_1395 = tpu.memref_slice %arg6[%dma_start3A_1393, %dma_start3A_1394] : memref<128x64xf32, #tpu.memory_space<vmem>> -> memref<1x64xf32, #tpu.memory_space<vmem>>
    %dma_start3A_1396 = arith.constant 0 : i32
    %dma_start3A_1397 = tpu.memref_slice %arg3[%squeeze3A_1392, %dma_start3A_1396] : memref<100000x64xf32, #tpu.memory_space<hbm>> -> memref<1x64xf32, #tpu.memory_space<hbm>>
    %dma_start3A_1398 = arith.constant 114 : i32
    %dma_start3A_1399 = arith.constant 0 : i32
    %dma_start3A_1400 = tpu.memref_slice %arg6[%dma_start3A_1398, %dma_start3A_1399] : memref<128x64xf32, #tpu.memory_space<vmem>> -> memref<1x64xf32, #tpu.memory_space<vmem>>
    %dma_start3A_1401 = arith.constant 0 : i32
    %dma_start3A_1402 = tpu.memref_slice %arg3[%squeeze3A_1392, %dma_start3A_1401] : memref<100000x64xf32, #tpu.memory_space<hbm>> -> memref<1x64xf32, #tpu.memory_space<hbm>>
    tpu.enqueue_dma source(%dma_start3A_1402 : memref<1x64xf32, #tpu.memory_space<hbm>>) target(%dma_start3A_1400 : memref<1x64xf32, #tpu.memory_space<vmem>>) target_semaphore(%arg7 : memref<!tpu.dma_semaphore, #tpu.memory_space<semaphore_mem>>)
    %slice3A_1403 = vector.extract_strided_slice %get3A_1366 {offsets = [3], sizes = [1], strides = [1]} : vector<16xi32> to vector<1xi32>
    %squeeze3A_1404 = vector.extract %slice3A_1403[0] : i32 from vector<1xi32>
    %dma_start3A_1405 = arith.constant 115 : i32
    %dma_start3A_1406 = arith.constant 0 : i32
    %dma_start3A_1407 = tpu.memref_slice %arg6[%dma_start3A_1405, %dma_start3A_1406] : memref<128x64xf32, #tpu.memory_space<vmem>> -> memref<1x64xf32, #tpu.memory_space<vmem>>
    %dma_start3A_1408 = arith.constant 0 : i32
    %dma_start3A_1409 = tpu.memref_slice %arg3[%squeeze3A_1404, %dma_start3A_1408] : memref<100000x64xf32, #tpu.memory_space<hbm>> -> memref<1x64xf32, #tpu.memory_space<hbm>>
    %dma_start3A_1410 = arith.constant 115 : i32
    %dma_start3A_1411 = arith.constant 0 : i32
    %dma_start3A_1412 = tpu.memref_slice %arg6[%dma_start3A_1410, %dma_start3A_1411] : memref<128x64xf32, #tpu.memory_space<vmem>> -> memref<1x64xf32, #tpu.memory_space<vmem>>
    %dma_start3A_1413 = arith.constant 0 : i32
    %dma_start3A_1414 = tpu.memref_slice %arg3[%squeeze3A_1404, %dma_start3A_1413] : memref<100000x64xf32, #tpu.memory_space<hbm>> -> memref<1x64xf32, #tpu.memory_space<hbm>>
    tpu.enqueue_dma source(%dma_start3A_1414 : memref<1x64xf32, #tpu.memory_space<hbm>>) target(%dma_start3A_1412 : memref<1x64xf32, #tpu.memory_space<vmem>>) target_semaphore(%arg7 : memref<!tpu.dma_semaphore, #tpu.memory_space<semaphore_mem>>)
    %slice3A_1415 = vector.extract_strided_slice %get3A_1366 {offsets = [4], sizes = [1], strides = [1]} : vector<16xi32> to vector<1xi32>
    %squeeze3A_1416 = vector.extract %slice3A_1415[0] : i32 from vector<1xi32>
    %dma_start3A_1417 = arith.constant 116 : i32
    %dma_start3A_1418 = arith.constant 0 : i32
    %dma_start3A_1419 = tpu.memref_slice %arg6[%dma_start3A_1417, %dma_start3A_1418] : memref<128x64xf32, #tpu.memory_space<vmem>> -> memref<1x64xf32, #tpu.memory_space<vmem>>
    %dma_start3A_1420 = arith.constant 0 : i32
    %dma_start3A_1421 = tpu.memref_slice %arg3[%squeeze3A_1416, %dma_start3A_1420] : memref<100000x64xf32, #tpu.memory_space<hbm>> -> memref<1x64xf32, #tpu.memory_space<hbm>>
    %dma_start3A_1422 = arith.constant 116 : i32
    %dma_start3A_1423 = arith.constant 0 : i32
    %dma_start3A_1424 = tpu.memref_slice %arg6[%dma_start3A_1422, %dma_start3A_1423] : memref<128x64xf32, #tpu.memory_space<vmem>> -> memref<1x64xf32, #tpu.memory_space<vmem>>
    %dma_start3A_1425 = arith.constant 0 : i32
    %dma_start3A_1426 = tpu.memref_slice %arg3[%squeeze3A_1416, %dma_start3A_1425] : memref<100000x64xf32, #tpu.memory_space<hbm>> -> memref<1x64xf32, #tpu.memory_space<hbm>>
    tpu.enqueue_dma source(%dma_start3A_1426 : memref<1x64xf32, #tpu.memory_space<hbm>>) target(%dma_start3A_1424 : memref<1x64xf32, #tpu.memory_space<vmem>>) target_semaphore(%arg7 : memref<!tpu.dma_semaphore, #tpu.memory_space<semaphore_mem>>)
    %slice3A_1427 = vector.extract_strided_slice %get3A_1366 {offsets = [5], sizes = [1], strides = [1]} : vector<16xi32> to vector<1xi32>
    %squeeze3A_1428 = vector.extract %slice3A_1427[0] : i32 from vector<1xi32>
    %dma_start3A_1429 = arith.constant 117 : i32
    %dma_start3A_1430 = arith.constant 0 : i32
    %dma_start3A_1431 = tpu.memref_slice %arg6[%dma_start3A_1429, %dma_start3A_1430] : memref<128x64xf32, #tpu.memory_space<vmem>> -> memref<1x64xf32, #tpu.memory_space<vmem>>
    %dma_start3A_1432 = arith.constant 0 : i32
    %dma_start3A_1433 = tpu.memref_slice %arg3[%squeeze3A_1428, %dma_start3A_1432] : memref<100000x64xf32, #tpu.memory_space<hbm>> -> memref<1x64xf32, #tpu.memory_space<hbm>>
    %dma_start3A_1434 = arith.constant 117 : i32
    %dma_start3A_1435 = arith.constant 0 : i32
    %dma_start3A_1436 = tpu.memref_slice %arg6[%dma_start3A_1434, %dma_start3A_1435] : memref<128x64xf32, #tpu.memory_space<vmem>> -> memref<1x64xf32, #tpu.memory_space<vmem>>
    %dma_start3A_1437 = arith.constant 0 : i32
    %dma_start3A_1438 = tpu.memref_slice %arg3[%squeeze3A_1428, %dma_start3A_1437] : memref<100000x64xf32, #tpu.memory_space<hbm>> -> memref<1x64xf32, #tpu.memory_space<hbm>>
    tpu.enqueue_dma source(%dma_start3A_1438 : memref<1x64xf32, #tpu.memory_space<hbm>>) target(%dma_start3A_1436 : memref<1x64xf32, #tpu.memory_space<vmem>>) target_semaphore(%arg7 : memref<!tpu.dma_semaphore, #tpu.memory_space<semaphore_mem>>)
    %slice3A_1439 = vector.extract_strided_slice %get3A_1366 {offsets = [6], sizes = [1], strides = [1]} : vector<16xi32> to vector<1xi32>
    %squeeze3A_1440 = vector.extract %slice3A_1439[0] : i32 from vector<1xi32>
    %dma_start3A_1441 = arith.constant 118 : i32
    %dma_start3A_1442 = arith.constant 0 : i32
    %dma_start3A_1443 = tpu.memref_slice %arg6[%dma_start3A_1441, %dma_start3A_1442] : memref<128x64xf32, #tpu.memory_space<vmem>> -> memref<1x64xf32, #tpu.memory_space<vmem>>
    %dma_start3A_1444 = arith.constant 0 : i32
    %dma_start3A_1445 = tpu.memref_slice %arg3[%squeeze3A_1440, %dma_start3A_1444] : memref<100000x64xf32, #tpu.memory_space<hbm>> -> memref<1x64xf32, #tpu.memory_space<hbm>>
    %dma_start3A_1446 = arith.constant 118 : i32
    %dma_start3A_1447 = arith.constant 0 : i32
    %dma_start3A_1448 = tpu.memref_slice %arg6[%dma_start3A_1446, %dma_start3A_1447] : memref<128x64xf32, #tpu.memory_space<vmem>> -> memref<1x64xf32, #tpu.memory_space<vmem>>
    %dma_start3A_1449 = arith.constant 0 : i32
    %dma_start3A_1450 = tpu.memref_slice %arg3[%squeeze3A_1440, %dma_start3A_1449] : memref<100000x64xf32, #tpu.memory_space<hbm>> -> memref<1x64xf32, #tpu.memory_space<hbm>>
    tpu.enqueue_dma source(%dma_start3A_1450 : memref<1x64xf32, #tpu.memory_space<hbm>>) target(%dma_start3A_1448 : memref<1x64xf32, #tpu.memory_space<vmem>>) target_semaphore(%arg7 : memref<!tpu.dma_semaphore, #tpu.memory_space<semaphore_mem>>)
    %slice3A_1451 = vector.extract_strided_slice %get3A_1366 {offsets = [7], sizes = [1], strides = [1]} : vector<16xi32> to vector<1xi32>
    %squeeze3A_1452 = vector.extract %slice3A_1451[0] : i32 from vector<1xi32>
    %dma_start3A_1453 = arith.constant 119 : i32
    %dma_start3A_1454 = arith.constant 0 : i32
    %dma_start3A_1455 = tpu.memref_slice %arg6[%dma_start3A_1453, %dma_start3A_1454] : memref<128x64xf32, #tpu.memory_space<vmem>> -> memref<1x64xf32, #tpu.memory_space<vmem>>
    %dma_start3A_1456 = arith.constant 0 : i32
    %dma_start3A_1457 = tpu.memref_slice %arg3[%squeeze3A_1452, %dma_start3A_1456] : memref<100000x64xf32, #tpu.memory_space<hbm>> -> memref<1x64xf32, #tpu.memory_space<hbm>>
    %dma_start3A_1458 = arith.constant 119 : i32
    %dma_start3A_1459 = arith.constant 0 : i32
    %dma_start3A_1460 = tpu.memref_slice %arg6[%dma_start3A_1458, %dma_start3A_1459] : memref<128x64xf32, #tpu.memory_space<vmem>> -> memref<1x64xf32, #tpu.memory_space<vmem>>
    %dma_start3A_1461 = arith.constant 0 : i32
    %dma_start3A_1462 = tpu.memref_slice %arg3[%squeeze3A_1452, %dma_start3A_1461] : memref<100000x64xf32, #tpu.memory_space<hbm>> -> memref<1x64xf32, #tpu.memory_space<hbm>>
    tpu.enqueue_dma source(%dma_start3A_1462 : memref<1x64xf32, #tpu.memory_space<hbm>>) target(%dma_start3A_1460 : memref<1x64xf32, #tpu.memory_space<vmem>>) target_semaphore(%arg7 : memref<!tpu.dma_semaphore, #tpu.memory_space<semaphore_mem>>)
    %slice3A_1463 = vector.extract_strided_slice %get3A_1366 {offsets = [8], sizes = [1], strides = [1]} : vector<16xi32> to vector<1xi32>
    %squeeze3A_1464 = vector.extract %slice3A_1463[0] : i32 from vector<1xi32>
    %dma_start3A_1465 = arith.constant 120 : i32
    %dma_start3A_1466 = arith.constant 0 : i32
    %dma_start3A_1467 = tpu.memref_slice %arg6[%dma_start3A_1465, %dma_start3A_1466] : memref<128x64xf32, #tpu.memory_space<vmem>> -> memref<1x64xf32, #tpu.memory_space<vmem>>
    %dma_start3A_1468 = arith.constant 0 : i32
    %dma_start3A_1469 = tpu.memref_slice %arg3[%squeeze3A_1464, %dma_start3A_1468] : memref<100000x64xf32, #tpu.memory_space<hbm>> -> memref<1x64xf32, #tpu.memory_space<hbm>>
    %dma_start3A_1470 = arith.constant 120 : i32
    %dma_start3A_1471 = arith.constant 0 : i32
    %dma_start3A_1472 = tpu.memref_slice %arg6[%dma_start3A_1470, %dma_start3A_1471] : memref<128x64xf32, #tpu.memory_space<vmem>> -> memref<1x64xf32, #tpu.memory_space<vmem>>
    %dma_start3A_1473 = arith.constant 0 : i32
    %dma_start3A_1474 = tpu.memref_slice %arg3[%squeeze3A_1464, %dma_start3A_1473] : memref<100000x64xf32, #tpu.memory_space<hbm>> -> memref<1x64xf32, #tpu.memory_space<hbm>>
    tpu.enqueue_dma source(%dma_start3A_1474 : memref<1x64xf32, #tpu.memory_space<hbm>>) target(%dma_start3A_1472 : memref<1x64xf32, #tpu.memory_space<vmem>>) target_semaphore(%arg7 : memref<!tpu.dma_semaphore, #tpu.memory_space<semaphore_mem>>)
    %slice3A_1475 = vector.extract_strided_slice %get3A_1366 {offsets = [9], sizes = [1], strides = [1]} : vector<16xi32> to vector<1xi32>
    %squeeze3A_1476 = vector.extract %slice3A_1475[0] : i32 from vector<1xi32>
    %dma_start3A_1477 = arith.constant 121 : i32
    %dma_start3A_1478 = arith.constant 0 : i32
    %dma_start3A_1479 = tpu.memref_slice %arg6[%dma_start3A_1477, %dma_start3A_1478] : memref<128x64xf32, #tpu.memory_space<vmem>> -> memref<1x64xf32, #tpu.memory_space<vmem>>
    %dma_start3A_1480 = arith.constant 0 : i32
    %dma_start3A_1481 = tpu.memref_slice %arg3[%squeeze3A_1476, %dma_start3A_1480] : memref<100000x64xf32, #tpu.memory_space<hbm>> -> memref<1x64xf32, #tpu.memory_space<hbm>>
    %dma_start3A_1482 = arith.constant 121 : i32
    %dma_start3A_1483 = arith.constant 0 : i32
    %dma_start3A_1484 = tpu.memref_slice %arg6[%dma_start3A_1482, %dma_start3A_1483] : memref<128x64xf32, #tpu.memory_space<vmem>> -> memref<1x64xf32, #tpu.memory_space<vmem>>
    %dma_start3A_1485 = arith.constant 0 : i32
    %dma_start3A_1486 = tpu.memref_slice %arg3[%squeeze3A_1476, %dma_start3A_1485] : memref<100000x64xf32, #tpu.memory_space<hbm>> -> memref<1x64xf32, #tpu.memory_space<hbm>>
    tpu.enqueue_dma source(%dma_start3A_1486 : memref<1x64xf32, #tpu.memory_space<hbm>>) target(%dma_start3A_1484 : memref<1x64xf32, #tpu.memory_space<vmem>>) target_semaphore(%arg7 : memref<!tpu.dma_semaphore, #tpu.memory_space<semaphore_mem>>)
    %slice3A_1487 = vector.extract_strided_slice %get3A_1366 {offsets = [10], sizes = [1], strides = [1]} : vector<16xi32> to vector<1xi32>
    %squeeze3A_1488 = vector.extract %slice3A_1487[0] : i32 from vector<1xi32>
    %dma_start3A_1489 = arith.constant 122 : i32
    %dma_start3A_1490 = arith.constant 0 : i32
    %dma_start3A_1491 = tpu.memref_slice %arg6[%dma_start3A_1489, %dma_start3A_1490] : memref<128x64xf32, #tpu.memory_space<vmem>> -> memref<1x64xf32, #tpu.memory_space<vmem>>
    %dma_start3A_1492 = arith.constant 0 : i32
    %dma_start3A_1493 = tpu.memref_slice %arg3[%squeeze3A_1488, %dma_start3A_1492] : memref<100000x64xf32, #tpu.memory_space<hbm>> -> memref<1x64xf32, #tpu.memory_space<hbm>>
    %dma_start3A_1494 = arith.constant 122 : i32
    %dma_start3A_1495 = arith.constant 0 : i32
    %dma_start3A_1496 = tpu.memref_slice %arg6[%dma_start3A_1494, %dma_start3A_1495] : memref<128x64xf32, #tpu.memory_space<vmem>> -> memref<1x64xf32, #tpu.memory_space<vmem>>
    %dma_start3A_1497 = arith.constant 0 : i32
    %dma_start3A_1498 = tpu.memref_slice %arg3[%squeeze3A_1488, %dma_start3A_1497] : memref<100000x64xf32, #tpu.memory_space<hbm>> -> memref<1x64xf32, #tpu.memory_space<hbm>>
    tpu.enqueue_dma source(%dma_start3A_1498 : memref<1x64xf32, #tpu.memory_space<hbm>>) target(%dma_start3A_1496 : memref<1x64xf32, #tpu.memory_space<vmem>>) target_semaphore(%arg7 : memref<!tpu.dma_semaphore, #tpu.memory_space<semaphore_mem>>)
    %slice3A_1499 = vector.extract_strided_slice %get3A_1366 {offsets = [11], sizes = [1], strides = [1]} : vector<16xi32> to vector<1xi32>
    %squeeze3A_1500 = vector.extract %slice3A_1499[0] : i32 from vector<1xi32>
    %dma_start3A_1501 = arith.constant 123 : i32
    %dma_start3A_1502 = arith.constant 0 : i32
    %dma_start3A_1503 = tpu.memref_slice %arg6[%dma_start3A_1501, %dma_start3A_1502] : memref<128x64xf32, #tpu.memory_space<vmem>> -> memref<1x64xf32, #tpu.memory_space<vmem>>
    %dma_start3A_1504 = arith.constant 0 : i32
    %dma_start3A_1505 = tpu.memref_slice %arg3[%squeeze3A_1500, %dma_start3A_1504] : memref<100000x64xf32, #tpu.memory_space<hbm>> -> memref<1x64xf32, #tpu.memory_space<hbm>>
    %dma_start3A_1506 = arith.constant 123 : i32
    %dma_start3A_1507 = arith.constant 0 : i32
    %dma_start3A_1508 = tpu.memref_slice %arg6[%dma_start3A_1506, %dma_start3A_1507] : memref<128x64xf32, #tpu.memory_space<vmem>> -> memref<1x64xf32, #tpu.memory_space<vmem>>
    %dma_start3A_1509 = arith.constant 0 : i32
    %dma_start3A_1510 = tpu.memref_slice %arg3[%squeeze3A_1500, %dma_start3A_1509] : memref<100000x64xf32, #tpu.memory_space<hbm>> -> memref<1x64xf32, #tpu.memory_space<hbm>>
    tpu.enqueue_dma source(%dma_start3A_1510 : memref<1x64xf32, #tpu.memory_space<hbm>>) target(%dma_start3A_1508 : memref<1x64xf32, #tpu.memory_space<vmem>>) target_semaphore(%arg7 : memref<!tpu.dma_semaphore, #tpu.memory_space<semaphore_mem>>)
    %slice3A_1511 = vector.extract_strided_slice %get3A_1366 {offsets = [12], sizes = [1], strides = [1]} : vector<16xi32> to vector<1xi32>
    %squeeze3A_1512 = vector.extract %slice3A_1511[0] : i32 from vector<1xi32>
    %dma_start3A_1513 = arith.constant 124 : i32
    %dma_start3A_1514 = arith.constant 0 : i32
    %dma_start3A_1515 = tpu.memref_slice %arg6[%dma_start3A_1513, %dma_start3A_1514] : memref<128x64xf32, #tpu.memory_space<vmem>> -> memref<1x64xf32, #tpu.memory_space<vmem>>
    %dma_start3A_1516 = arith.constant 0 : i32
    %dma_start3A_1517 = tpu.memref_slice %arg3[%squeeze3A_1512, %dma_start3A_1516] : memref<100000x64xf32, #tpu.memory_space<hbm>> -> memref<1x64xf32, #tpu.memory_space<hbm>>
    %dma_start3A_1518 = arith.constant 124 : i32
    %dma_start3A_1519 = arith.constant 0 : i32
    %dma_start3A_1520 = tpu.memref_slice %arg6[%dma_start3A_1518, %dma_start3A_1519] : memref<128x64xf32, #tpu.memory_space<vmem>> -> memref<1x64xf32, #tpu.memory_space<vmem>>
    %dma_start3A_1521 = arith.constant 0 : i32
    %dma_start3A_1522 = tpu.memref_slice %arg3[%squeeze3A_1512, %dma_start3A_1521] : memref<100000x64xf32, #tpu.memory_space<hbm>> -> memref<1x64xf32, #tpu.memory_space<hbm>>
    tpu.enqueue_dma source(%dma_start3A_1522 : memref<1x64xf32, #tpu.memory_space<hbm>>) target(%dma_start3A_1520 : memref<1x64xf32, #tpu.memory_space<vmem>>) target_semaphore(%arg7 : memref<!tpu.dma_semaphore, #tpu.memory_space<semaphore_mem>>)
    %slice3A_1523 = vector.extract_strided_slice %get3A_1366 {offsets = [13], sizes = [1], strides = [1]} : vector<16xi32> to vector<1xi32>
    %squeeze3A_1524 = vector.extract %slice3A_1523[0] : i32 from vector<1xi32>
    %dma_start3A_1525 = arith.constant 125 : i32
    %dma_start3A_1526 = arith.constant 0 : i32
    %dma_start3A_1527 = tpu.memref_slice %arg6[%dma_start3A_1525, %dma_start3A_1526] : memref<128x64xf32, #tpu.memory_space<vmem>> -> memref<1x64xf32, #tpu.memory_space<vmem>>
    %dma_start3A_1528 = arith.constant 0 : i32
    %dma_start3A_1529 = tpu.memref_slice %arg3[%squeeze3A_1524, %dma_start3A_1528] : memref<100000x64xf32, #tpu.memory_space<hbm>> -> memref<1x64xf32, #tpu.memory_space<hbm>>
    %dma_start3A_1530 = arith.constant 125 : i32
    %dma_start3A_1531 = arith.constant 0 : i32
    %dma_start3A_1532 = tpu.memref_slice %arg6[%dma_start3A_1530, %dma_start3A_1531] : memref<128x64xf32, #tpu.memory_space<vmem>> -> memref<1x64xf32, #tpu.memory_space<vmem>>
    %dma_start3A_1533 = arith.constant 0 : i32
    %dma_start3A_1534 = tpu.memref_slice %arg3[%squeeze3A_1524, %dma_start3A_1533] : memref<100000x64xf32, #tpu.memory_space<hbm>> -> memref<1x64xf32, #tpu.memory_space<hbm>>
    tpu.enqueue_dma source(%dma_start3A_1534 : memref<1x64xf32, #tpu.memory_space<hbm>>) target(%dma_start3A_1532 : memref<1x64xf32, #tpu.memory_space<vmem>>) target_semaphore(%arg7 : memref<!tpu.dma_semaphore, #tpu.memory_space<semaphore_mem>>)
    %slice3A_1535 = vector.extract_strided_slice %get3A_1366 {offsets = [14], sizes = [1], strides = [1]} : vector<16xi32> to vector<1xi32>
    %squeeze3A_1536 = vector.extract %slice3A_1535[0] : i32 from vector<1xi32>
    %dma_start3A_1537 = arith.constant 126 : i32
    %dma_start3A_1538 = arith.constant 0 : i32
    %dma_start3A_1539 = tpu.memref_slice %arg6[%dma_start3A_1537, %dma_start3A_1538] : memref<128x64xf32, #tpu.memory_space<vmem>> -> memref<1x64xf32, #tpu.memory_space<vmem>>
    %dma_start3A_1540 = arith.constant 0 : i32
    %dma_start3A_1541 = tpu.memref_slice %arg3[%squeeze3A_1536, %dma_start3A_1540] : memref<100000x64xf32, #tpu.memory_space<hbm>> -> memref<1x64xf32, #tpu.memory_space<hbm>>
    %dma_start3A_1542 = arith.constant 126 : i32
    %dma_start3A_1543 = arith.constant 0 : i32
    %dma_start3A_1544 = tpu.memref_slice %arg6[%dma_start3A_1542, %dma_start3A_1543] : memref<128x64xf32, #tpu.memory_space<vmem>> -> memref<1x64xf32, #tpu.memory_space<vmem>>
    %dma_start3A_1545 = arith.constant 0 : i32
    %dma_start3A_1546 = tpu.memref_slice %arg3[%squeeze3A_1536, %dma_start3A_1545] : memref<100000x64xf32, #tpu.memory_space<hbm>> -> memref<1x64xf32, #tpu.memory_space<hbm>>
    tpu.enqueue_dma source(%dma_start3A_1546 : memref<1x64xf32, #tpu.memory_space<hbm>>) target(%dma_start3A_1544 : memref<1x64xf32, #tpu.memory_space<vmem>>) target_semaphore(%arg7 : memref<!tpu.dma_semaphore, #tpu.memory_space<semaphore_mem>>)
    %slice3A_1547 = vector.extract_strided_slice %get3A_1366 {offsets = [15], sizes = [1], strides = [1]} : vector<16xi32> to vector<1xi32>
    %squeeze3A_1548 = vector.extract %slice3A_1547[0] : i32 from vector<1xi32>
    %dma_start3A_1549 = arith.constant 127 : i32
    %dma_start3A_1550 = arith.constant 0 : i32
    %dma_start3A_1551 = tpu.memref_slice %arg6[%dma_start3A_1549, %dma_start3A_1550] : memref<128x64xf32, #tpu.memory_space<vmem>> -> memref<1x64xf32, #tpu.memory_space<vmem>>
    %dma_start3A_1552 = arith.constant 0 : i32
    %dma_start3A_1553 = tpu.memref_slice %arg3[%squeeze3A_1548, %dma_start3A_1552] : memref<100000x64xf32, #tpu.memory_space<hbm>> -> memref<1x64xf32, #tpu.memory_space<hbm>>
    %dma_start3A_1554 = arith.constant 127 : i32
    %dma_start3A_1555 = arith.constant 0 : i32
    %dma_start3A_1556 = tpu.memref_slice %arg6[%dma_start3A_1554, %dma_start3A_1555] : memref<128x64xf32, #tpu.memory_space<vmem>> -> memref<1x64xf32, #tpu.memory_space<vmem>>
    %dma_start3A_1557 = arith.constant 0 : i32
    %dma_start3A_1558 = tpu.memref_slice %arg3[%squeeze3A_1548, %dma_start3A_1557] : memref<100000x64xf32, #tpu.memory_space<hbm>> -> memref<1x64xf32, #tpu.memory_space<hbm>>
    tpu.enqueue_dma source(%dma_start3A_1558 : memref<1x64xf32, #tpu.memory_space<hbm>>) target(%dma_start3A_1556 : memref<1x64xf32, #tpu.memory_space<vmem>>) target_semaphore(%arg7 : memref<!tpu.dma_semaphore, #tpu.memory_space<semaphore_mem>>)
    %dma_wait3A = arith.constant 0 : i32
    %dma_wait3A_1559 = arith.constant 0 : i32
    %dma_wait3A_1560 = tpu.memref_slice %arg6[%dma_wait3A, %dma_wait3A_1559] : memref<128x64xf32, #tpu.memory_space<vmem>> -> memref<1x64xf32, #tpu.memory_space<vmem>>
    %dma_wait3A_1561 = arith.constant 0 : i32
    %dma_wait3A_1562 = tpu.memref_slice %arg3[%squeeze3A, %dma_wait3A_1561] : memref<100000x64xf32, #tpu.memory_space<hbm>> -> memref<1x64xf32, #tpu.memory_space<hbm>>
    %dma_wait3A_1563 = arith.constant 0 : i32
    %dma_wait3A_1564 = arith.constant 0 : i32
    %dma_wait3A_1565 = tpu.memref_slice %arg6[%dma_wait3A_1563, %dma_wait3A_1564] : memref<128x64xf32, #tpu.memory_space<vmem>> -> memref<1x64xf32, #tpu.memory_space<vmem>>
    %dma_wait3A_1566 = arith.constant 0 : i32
    %dma_wait3A_1567 = tpu.memref_slice %arg3[%squeeze3A, %dma_wait3A_1566] : memref<100000x64xf32, #tpu.memory_space<hbm>> -> memref<1x64xf32, #tpu.memory_space<hbm>>
    tpu.wait_dma2 semaphore(%arg7 : memref<!tpu.dma_semaphore, #tpu.memory_space<semaphore_mem>>) src(%dma_wait3A_1567 : memref<1x64xf32, #tpu.memory_space<hbm>>) dst(%dma_wait3A_1565 : memref<1x64xf32, #tpu.memory_space<vmem>>)
    %dma_wait3A_1568 = arith.constant 1 : i32
    %dma_wait3A_1569 = arith.constant 0 : i32
    %dma_wait3A_1570 = tpu.memref_slice %arg6[%dma_wait3A_1568, %dma_wait3A_1569] : memref<128x64xf32, #tpu.memory_space<vmem>> -> memref<1x64xf32, #tpu.memory_space<vmem>>
    %dma_wait3A_1571 = arith.constant 0 : i32
    %dma_wait3A_1572 = tpu.memref_slice %arg3[%squeeze3A_15, %dma_wait3A_1571] : memref<100000x64xf32, #tpu.memory_space<hbm>> -> memref<1x64xf32, #tpu.memory_space<hbm>>
    %dma_wait3A_1573 = arith.constant 1 : i32
    %dma_wait3A_1574 = arith.constant 0 : i32
    %dma_wait3A_1575 = tpu.memref_slice %arg6[%dma_wait3A_1573, %dma_wait3A_1574] : memref<128x64xf32, #tpu.memory_space<vmem>> -> memref<1x64xf32, #tpu.memory_space<vmem>>
    %dma_wait3A_1576 = arith.constant 0 : i32
    %dma_wait3A_1577 = tpu.memref_slice %arg3[%squeeze3A_15, %dma_wait3A_1576] : memref<100000x64xf32, #tpu.memory_space<hbm>> -> memref<1x64xf32, #tpu.memory_space<hbm>>
    tpu.wait_dma2 semaphore(%arg7 : memref<!tpu.dma_semaphore, #tpu.memory_space<semaphore_mem>>) src(%dma_wait3A_1577 : memref<1x64xf32, #tpu.memory_space<hbm>>) dst(%dma_wait3A_1575 : memref<1x64xf32, #tpu.memory_space<vmem>>)
    %dma_wait3A_1578 = arith.constant 2 : i32
    %dma_wait3A_1579 = arith.constant 0 : i32
    %dma_wait3A_1580 = tpu.memref_slice %arg6[%dma_wait3A_1578, %dma_wait3A_1579] : memref<128x64xf32, #tpu.memory_space<vmem>> -> memref<1x64xf32, #tpu.memory_space<vmem>>
    %dma_wait3A_1581 = arith.constant 0 : i32
    %dma_wait3A_1582 = tpu.memref_slice %arg3[%squeeze3A_27, %dma_wait3A_1581] : memref<100000x64xf32, #tpu.memory_space<hbm>> -> memref<1x64xf32, #tpu.memory_space<hbm>>
    %dma_wait3A_1583 = arith.constant 2 : i32
    %dma_wait3A_1584 = arith.constant 0 : i32
    %dma_wait3A_1585 = tpu.memref_slice %arg6[%dma_wait3A_1583, %dma_wait3A_1584] : memref<128x64xf32, #tpu.memory_space<vmem>> -> memref<1x64xf32, #tpu.memory_space<vmem>>
    %dma_wait3A_1586 = arith.constant 0 : i32
    %dma_wait3A_1587 = tpu.memref_slice %arg3[%squeeze3A_27, %dma_wait3A_1586] : memref<100000x64xf32, #tpu.memory_space<hbm>> -> memref<1x64xf32, #tpu.memory_space<hbm>>
    tpu.wait_dma2 semaphore(%arg7 : memref<!tpu.dma_semaphore, #tpu.memory_space<semaphore_mem>>) src(%dma_wait3A_1587 : memref<1x64xf32, #tpu.memory_space<hbm>>) dst(%dma_wait3A_1585 : memref<1x64xf32, #tpu.memory_space<vmem>>)
    %dma_wait3A_1588 = arith.constant 3 : i32
    %dma_wait3A_1589 = arith.constant 0 : i32
    %dma_wait3A_1590 = tpu.memref_slice %arg6[%dma_wait3A_1588, %dma_wait3A_1589] : memref<128x64xf32, #tpu.memory_space<vmem>> -> memref<1x64xf32, #tpu.memory_space<vmem>>
    %dma_wait3A_1591 = arith.constant 0 : i32
    %dma_wait3A_1592 = tpu.memref_slice %arg3[%squeeze3A_39, %dma_wait3A_1591] : memref<100000x64xf32, #tpu.memory_space<hbm>> -> memref<1x64xf32, #tpu.memory_space<hbm>>
    %dma_wait3A_1593 = arith.constant 3 : i32
    %dma_wait3A_1594 = arith.constant 0 : i32
    %dma_wait3A_1595 = tpu.memref_slice %arg6[%dma_wait3A_1593, %dma_wait3A_1594] : memref<128x64xf32, #tpu.memory_space<vmem>> -> memref<1x64xf32, #tpu.memory_space<vmem>>
    %dma_wait3A_1596 = arith.constant 0 : i32
    %dma_wait3A_1597 = tpu.memref_slice %arg3[%squeeze3A_39, %dma_wait3A_1596] : memref<100000x64xf32, #tpu.memory_space<hbm>> -> memref<1x64xf32, #tpu.memory_space<hbm>>
    tpu.wait_dma2 semaphore(%arg7 : memref<!tpu.dma_semaphore, #tpu.memory_space<semaphore_mem>>) src(%dma_wait3A_1597 : memref<1x64xf32, #tpu.memory_space<hbm>>) dst(%dma_wait3A_1595 : memref<1x64xf32, #tpu.memory_space<vmem>>)
    %dma_wait3A_1598 = arith.constant 4 : i32
    %dma_wait3A_1599 = arith.constant 0 : i32
    %dma_wait3A_1600 = tpu.memref_slice %arg6[%dma_wait3A_1598, %dma_wait3A_1599] : memref<128x64xf32, #tpu.memory_space<vmem>> -> memref<1x64xf32, #tpu.memory_space<vmem>>
    %dma_wait3A_1601 = arith.constant 0 : i32
    %dma_wait3A_1602 = tpu.memref_slice %arg3[%squeeze3A_51, %dma_wait3A_1601] : memref<100000x64xf32, #tpu.memory_space<hbm>> -> memref<1x64xf32, #tpu.memory_space<hbm>>
    %dma_wait3A_1603 = arith.constant 4 : i32
    %dma_wait3A_1604 = arith.constant 0 : i32
    %dma_wait3A_1605 = tpu.memref_slice %arg6[%dma_wait3A_1603, %dma_wait3A_1604] : memref<128x64xf32, #tpu.memory_space<vmem>> -> memref<1x64xf32, #tpu.memory_space<vmem>>
    %dma_wait3A_1606 = arith.constant 0 : i32
    %dma_wait3A_1607 = tpu.memref_slice %arg3[%squeeze3A_51, %dma_wait3A_1606] : memref<100000x64xf32, #tpu.memory_space<hbm>> -> memref<1x64xf32, #tpu.memory_space<hbm>>
    tpu.wait_dma2 semaphore(%arg7 : memref<!tpu.dma_semaphore, #tpu.memory_space<semaphore_mem>>) src(%dma_wait3A_1607 : memref<1x64xf32, #tpu.memory_space<hbm>>) dst(%dma_wait3A_1605 : memref<1x64xf32, #tpu.memory_space<vmem>>)
    %dma_wait3A_1608 = arith.constant 5 : i32
    %dma_wait3A_1609 = arith.constant 0 : i32
    %dma_wait3A_1610 = tpu.memref_slice %arg6[%dma_wait3A_1608, %dma_wait3A_1609] : memref<128x64xf32, #tpu.memory_space<vmem>> -> memref<1x64xf32, #tpu.memory_space<vmem>>
    %dma_wait3A_1611 = arith.constant 0 : i32
    %dma_wait3A_1612 = tpu.memref_slice %arg3[%squeeze3A_63, %dma_wait3A_1611] : memref<100000x64xf32, #tpu.memory_space<hbm>> -> memref<1x64xf32, #tpu.memory_space<hbm>>
    %dma_wait3A_1613 = arith.constant 5 : i32
    %dma_wait3A_1614 = arith.constant 0 : i32
    %dma_wait3A_1615 = tpu.memref_slice %arg6[%dma_wait3A_1613, %dma_wait3A_1614] : memref<128x64xf32, #tpu.memory_space<vmem>> -> memref<1x64xf32, #tpu.memory_space<vmem>>
    %dma_wait3A_1616 = arith.constant 0 : i32
    %dma_wait3A_1617 = tpu.memref_slice %arg3[%squeeze3A_63, %dma_wait3A_1616] : memref<100000x64xf32, #tpu.memory_space<hbm>> -> memref<1x64xf32, #tpu.memory_space<hbm>>
    tpu.wait_dma2 semaphore(%arg7 : memref<!tpu.dma_semaphore, #tpu.memory_space<semaphore_mem>>) src(%dma_wait3A_1617 : memref<1x64xf32, #tpu.memory_space<hbm>>) dst(%dma_wait3A_1615 : memref<1x64xf32, #tpu.memory_space<vmem>>)
    %dma_wait3A_1618 = arith.constant 6 : i32
    %dma_wait3A_1619 = arith.constant 0 : i32
    %dma_wait3A_1620 = tpu.memref_slice %arg6[%dma_wait3A_1618, %dma_wait3A_1619] : memref<128x64xf32, #tpu.memory_space<vmem>> -> memref<1x64xf32, #tpu.memory_space<vmem>>
    %dma_wait3A_1621 = arith.constant 0 : i32
    %dma_wait3A_1622 = tpu.memref_slice %arg3[%squeeze3A_75, %dma_wait3A_1621] : memref<100000x64xf32, #tpu.memory_space<hbm>> -> memref<1x64xf32, #tpu.memory_space<hbm>>
    %dma_wait3A_1623 = arith.constant 6 : i32
    %dma_wait3A_1624 = arith.constant 0 : i32
    %dma_wait3A_1625 = tpu.memref_slice %arg6[%dma_wait3A_1623, %dma_wait3A_1624] : memref<128x64xf32, #tpu.memory_space<vmem>> -> memref<1x64xf32, #tpu.memory_space<vmem>>
    %dma_wait3A_1626 = arith.constant 0 : i32
    %dma_wait3A_1627 = tpu.memref_slice %arg3[%squeeze3A_75, %dma_wait3A_1626] : memref<100000x64xf32, #tpu.memory_space<hbm>> -> memref<1x64xf32, #tpu.memory_space<hbm>>
    tpu.wait_dma2 semaphore(%arg7 : memref<!tpu.dma_semaphore, #tpu.memory_space<semaphore_mem>>) src(%dma_wait3A_1627 : memref<1x64xf32, #tpu.memory_space<hbm>>) dst(%dma_wait3A_1625 : memref<1x64xf32, #tpu.memory_space<vmem>>)
    %dma_wait3A_1628 = arith.constant 7 : i32
    %dma_wait3A_1629 = arith.constant 0 : i32
    %dma_wait3A_1630 = tpu.memref_slice %arg6[%dma_wait3A_1628, %dma_wait3A_1629] : memref<128x64xf32, #tpu.memory_space<vmem>> -> memref<1x64xf32, #tpu.memory_space<vmem>>
    %dma_wait3A_1631 = arith.constant 0 : i32
    %dma_wait3A_1632 = tpu.memref_slice %arg3[%squeeze3A_87, %dma_wait3A_1631] : memref<100000x64xf32, #tpu.memory_space<hbm>> -> memref<1x64xf32, #tpu.memory_space<hbm>>
    %dma_wait3A_1633 = arith.constant 7 : i32
    %dma_wait3A_1634 = arith.constant 0 : i32
    %dma_wait3A_1635 = tpu.memref_slice %arg6[%dma_wait3A_1633, %dma_wait3A_1634] : memref<128x64xf32, #tpu.memory_space<vmem>> -> memref<1x64xf32, #tpu.memory_space<vmem>>
    %dma_wait3A_1636 = arith.constant 0 : i32
    %dma_wait3A_1637 = tpu.memref_slice %arg3[%squeeze3A_87, %dma_wait3A_1636] : memref<100000x64xf32, #tpu.memory_space<hbm>> -> memref<1x64xf32, #tpu.memory_space<hbm>>
    tpu.wait_dma2 semaphore(%arg7 : memref<!tpu.dma_semaphore, #tpu.memory_space<semaphore_mem>>) src(%dma_wait3A_1637 : memref<1x64xf32, #tpu.memory_space<hbm>>) dst(%dma_wait3A_1635 : memref<1x64xf32, #tpu.memory_space<vmem>>)
    %dma_wait3A_1638 = arith.constant 8 : i32
    %dma_wait3A_1639 = arith.constant 0 : i32
    %dma_wait3A_1640 = tpu.memref_slice %arg6[%dma_wait3A_1638, %dma_wait3A_1639] : memref<128x64xf32, #tpu.memory_space<vmem>> -> memref<1x64xf32, #tpu.memory_space<vmem>>
    %dma_wait3A_1641 = arith.constant 0 : i32
    %dma_wait3A_1642 = tpu.memref_slice %arg3[%squeeze3A_99, %dma_wait3A_1641] : memref<100000x64xf32, #tpu.memory_space<hbm>> -> memref<1x64xf32, #tpu.memory_space<hbm>>
    %dma_wait3A_1643 = arith.constant 8 : i32
    %dma_wait3A_1644 = arith.constant 0 : i32
    %dma_wait3A_1645 = tpu.memref_slice %arg6[%dma_wait3A_1643, %dma_wait3A_1644] : memref<128x64xf32, #tpu.memory_space<vmem>> -> memref<1x64xf32, #tpu.memory_space<vmem>>
    %dma_wait3A_1646 = arith.constant 0 : i32
    %dma_wait3A_1647 = tpu.memref_slice %arg3[%squeeze3A_99, %dma_wait3A_1646] : memref<100000x64xf32, #tpu.memory_space<hbm>> -> memref<1x64xf32, #tpu.memory_space<hbm>>
    tpu.wait_dma2 semaphore(%arg7 : memref<!tpu.dma_semaphore, #tpu.memory_space<semaphore_mem>>) src(%dma_wait3A_1647 : memref<1x64xf32, #tpu.memory_space<hbm>>) dst(%dma_wait3A_1645 : memref<1x64xf32, #tpu.memory_space<vmem>>)
    %dma_wait3A_1648 = arith.constant 9 : i32
    %dma_wait3A_1649 = arith.constant 0 : i32
    %dma_wait3A_1650 = tpu.memref_slice %arg6[%dma_wait3A_1648, %dma_wait3A_1649] : memref<128x64xf32, #tpu.memory_space<vmem>> -> memref<1x64xf32, #tpu.memory_space<vmem>>
    %dma_wait3A_1651 = arith.constant 0 : i32
    %dma_wait3A_1652 = tpu.memref_slice %arg3[%squeeze3A_111, %dma_wait3A_1651] : memref<100000x64xf32, #tpu.memory_space<hbm>> -> memref<1x64xf32, #tpu.memory_space<hbm>>
    %dma_wait3A_1653 = arith.constant 9 : i32
    %dma_wait3A_1654 = arith.constant 0 : i32
    %dma_wait3A_1655 = tpu.memref_slice %arg6[%dma_wait3A_1653, %dma_wait3A_1654] : memref<128x64xf32, #tpu.memory_space<vmem>> -> memref<1x64xf32, #tpu.memory_space<vmem>>
    %dma_wait3A_1656 = arith.constant 0 : i32
    %dma_wait3A_1657 = tpu.memref_slice %arg3[%squeeze3A_111, %dma_wait3A_1656] : memref<100000x64xf32, #tpu.memory_space<hbm>> -> memref<1x64xf32, #tpu.memory_space<hbm>>
    tpu.wait_dma2 semaphore(%arg7 : memref<!tpu.dma_semaphore, #tpu.memory_space<semaphore_mem>>) src(%dma_wait3A_1657 : memref<1x64xf32, #tpu.memory_space<hbm>>) dst(%dma_wait3A_1655 : memref<1x64xf32, #tpu.memory_space<vmem>>)
    %dma_wait3A_1658 = arith.constant 10 : i32
    %dma_wait3A_1659 = arith.constant 0 : i32
    %dma_wait3A_1660 = tpu.memref_slice %arg6[%dma_wait3A_1658, %dma_wait3A_1659] : memref<128x64xf32, #tpu.memory_space<vmem>> -> memref<1x64xf32, #tpu.memory_space<vmem>>
    %dma_wait3A_1661 = arith.constant 0 : i32
    %dma_wait3A_1662 = tpu.memref_slice %arg3[%squeeze3A_123, %dma_wait3A_1661] : memref<100000x64xf32, #tpu.memory_space<hbm>> -> memref<1x64xf32, #tpu.memory_space<hbm>>
    %dma_wait3A_1663 = arith.constant 10 : i32
    %dma_wait3A_1664 = arith.constant 0 : i32
    %dma_wait3A_1665 = tpu.memref_slice %arg6[%dma_wait3A_1663, %dma_wait3A_1664] : memref<128x64xf32, #tpu.memory_space<vmem>> -> memref<1x64xf32, #tpu.memory_space<vmem>>
    %dma_wait3A_1666 = arith.constant 0 : i32
    %dma_wait3A_1667 = tpu.memref_slice %arg3[%squeeze3A_123, %dma_wait3A_1666] : memref<100000x64xf32, #tpu.memory_space<hbm>> -> memref<1x64xf32, #tpu.memory_space<hbm>>
    tpu.wait_dma2 semaphore(%arg7 : memref<!tpu.dma_semaphore, #tpu.memory_space<semaphore_mem>>) src(%dma_wait3A_1667 : memref<1x64xf32, #tpu.memory_space<hbm>>) dst(%dma_wait3A_1665 : memref<1x64xf32, #tpu.memory_space<vmem>>)
    %dma_wait3A_1668 = arith.constant 11 : i32
    %dma_wait3A_1669 = arith.constant 0 : i32
    %dma_wait3A_1670 = tpu.memref_slice %arg6[%dma_wait3A_1668, %dma_wait3A_1669] : memref<128x64xf32, #tpu.memory_space<vmem>> -> memref<1x64xf32, #tpu.memory_space<vmem>>
    %dma_wait3A_1671 = arith.constant 0 : i32
    %dma_wait3A_1672 = tpu.memref_slice %arg3[%squeeze3A_135, %dma_wait3A_1671] : memref<100000x64xf32, #tpu.memory_space<hbm>> -> memref<1x64xf32, #tpu.memory_space<hbm>>
    %dma_wait3A_1673 = arith.constant 11 : i32
    %dma_wait3A_1674 = arith.constant 0 : i32
    %dma_wait3A_1675 = tpu.memref_slice %arg6[%dma_wait3A_1673, %dma_wait3A_1674] : memref<128x64xf32, #tpu.memory_space<vmem>> -> memref<1x64xf32, #tpu.memory_space<vmem>>
    %dma_wait3A_1676 = arith.constant 0 : i32
    %dma_wait3A_1677 = tpu.memref_slice %arg3[%squeeze3A_135, %dma_wait3A_1676] : memref<100000x64xf32, #tpu.memory_space<hbm>> -> memref<1x64xf32, #tpu.memory_space<hbm>>
    tpu.wait_dma2 semaphore(%arg7 : memref<!tpu.dma_semaphore, #tpu.memory_space<semaphore_mem>>) src(%dma_wait3A_1677 : memref<1x64xf32, #tpu.memory_space<hbm>>) dst(%dma_wait3A_1675 : memref<1x64xf32, #tpu.memory_space<vmem>>)
    %dma_wait3A_1678 = arith.constant 12 : i32
    %dma_wait3A_1679 = arith.constant 0 : i32
    %dma_wait3A_1680 = tpu.memref_slice %arg6[%dma_wait3A_1678, %dma_wait3A_1679] : memref<128x64xf32, #tpu.memory_space<vmem>> -> memref<1x64xf32, #tpu.memory_space<vmem>>
    %dma_wait3A_1681 = arith.constant 0 : i32
    %dma_wait3A_1682 = tpu.memref_slice %arg3[%squeeze3A_147, %dma_wait3A_1681] : memref<100000x64xf32, #tpu.memory_space<hbm>> -> memref<1x64xf32, #tpu.memory_space<hbm>>
    %dma_wait3A_1683 = arith.constant 12 : i32
    %dma_wait3A_1684 = arith.constant 0 : i32
    %dma_wait3A_1685 = tpu.memref_slice %arg6[%dma_wait3A_1683, %dma_wait3A_1684] : memref<128x64xf32, #tpu.memory_space<vmem>> -> memref<1x64xf32, #tpu.memory_space<vmem>>
    %dma_wait3A_1686 = arith.constant 0 : i32
    %dma_wait3A_1687 = tpu.memref_slice %arg3[%squeeze3A_147, %dma_wait3A_1686] : memref<100000x64xf32, #tpu.memory_space<hbm>> -> memref<1x64xf32, #tpu.memory_space<hbm>>
    tpu.wait_dma2 semaphore(%arg7 : memref<!tpu.dma_semaphore, #tpu.memory_space<semaphore_mem>>) src(%dma_wait3A_1687 : memref<1x64xf32, #tpu.memory_space<hbm>>) dst(%dma_wait3A_1685 : memref<1x64xf32, #tpu.memory_space<vmem>>)
    %dma_wait3A_1688 = arith.constant 13 : i32
    %dma_wait3A_1689 = arith.constant 0 : i32
    %dma_wait3A_1690 = tpu.memref_slice %arg6[%dma_wait3A_1688, %dma_wait3A_1689] : memref<128x64xf32, #tpu.memory_space<vmem>> -> memref<1x64xf32, #tpu.memory_space<vmem>>
    %dma_wait3A_1691 = arith.constant 0 : i32
    %dma_wait3A_1692 = tpu.memref_slice %arg3[%squeeze3A_159, %dma_wait3A_1691] : memref<100000x64xf32, #tpu.memory_space<hbm>> -> memref<1x64xf32, #tpu.memory_space<hbm>>
    %dma_wait3A_1693 = arith.constant 13 : i32
    %dma_wait3A_1694 = arith.constant 0 : i32
    %dma_wait3A_1695 = tpu.memref_slice %arg6[%dma_wait3A_1693, %dma_wait3A_1694] : memref<128x64xf32, #tpu.memory_space<vmem>> -> memref<1x64xf32, #tpu.memory_space<vmem>>
    %dma_wait3A_1696 = arith.constant 0 : i32
    %dma_wait3A_1697 = tpu.memref_slice %arg3[%squeeze3A_159, %dma_wait3A_1696] : memref<100000x64xf32, #tpu.memory_space<hbm>> -> memref<1x64xf32, #tpu.memory_space<hbm>>
    tpu.wait_dma2 semaphore(%arg7 : memref<!tpu.dma_semaphore, #tpu.memory_space<semaphore_mem>>) src(%dma_wait3A_1697 : memref<1x64xf32, #tpu.memory_space<hbm>>) dst(%dma_wait3A_1695 : memref<1x64xf32, #tpu.memory_space<vmem>>)
    %dma_wait3A_1698 = arith.constant 14 : i32
    %dma_wait3A_1699 = arith.constant 0 : i32
    %dma_wait3A_1700 = tpu.memref_slice %arg6[%dma_wait3A_1698, %dma_wait3A_1699] : memref<128x64xf32, #tpu.memory_space<vmem>> -> memref<1x64xf32, #tpu.memory_space<vmem>>
    %dma_wait3A_1701 = arith.constant 0 : i32
    %dma_wait3A_1702 = tpu.memref_slice %arg3[%squeeze3A_171, %dma_wait3A_1701] : memref<100000x64xf32, #tpu.memory_space<hbm>> -> memref<1x64xf32, #tpu.memory_space<hbm>>
    %dma_wait3A_1703 = arith.constant 14 : i32
    %dma_wait3A_1704 = arith.constant 0 : i32
    %dma_wait3A_1705 = tpu.memref_slice %arg6[%dma_wait3A_1703, %dma_wait3A_1704] : memref<128x64xf32, #tpu.memory_space<vmem>> -> memref<1x64xf32, #tpu.memory_space<vmem>>
    %dma_wait3A_1706 = arith.constant 0 : i32
    %dma_wait3A_1707 = tpu.memref_slice %arg3[%squeeze3A_171, %dma_wait3A_1706] : memref<100000x64xf32, #tpu.memory_space<hbm>> -> memref<1x64xf32, #tpu.memory_space<hbm>>
    tpu.wait_dma2 semaphore(%arg7 : memref<!tpu.dma_semaphore, #tpu.memory_space<semaphore_mem>>) src(%dma_wait3A_1707 : memref<1x64xf32, #tpu.memory_space<hbm>>) dst(%dma_wait3A_1705 : memref<1x64xf32, #tpu.memory_space<vmem>>)
    %dma_wait3A_1708 = arith.constant 15 : i32
    %dma_wait3A_1709 = arith.constant 0 : i32
    %dma_wait3A_1710 = tpu.memref_slice %arg6[%dma_wait3A_1708, %dma_wait3A_1709] : memref<128x64xf32, #tpu.memory_space<vmem>> -> memref<1x64xf32, #tpu.memory_space<vmem>>
    %dma_wait3A_1711 = arith.constant 0 : i32
    %dma_wait3A_1712 = tpu.memref_slice %arg3[%squeeze3A_183, %dma_wait3A_1711] : memref<100000x64xf32, #tpu.memory_space<hbm>> -> memref<1x64xf32, #tpu.memory_space<hbm>>
    %dma_wait3A_1713 = arith.constant 15 : i32
    %dma_wait3A_1714 = arith.constant 0 : i32
    %dma_wait3A_1715 = tpu.memref_slice %arg6[%dma_wait3A_1713, %dma_wait3A_1714] : memref<128x64xf32, #tpu.memory_space<vmem>> -> memref<1x64xf32, #tpu.memory_space<vmem>>
    %dma_wait3A_1716 = arith.constant 0 : i32
    %dma_wait3A_1717 = tpu.memref_slice %arg3[%squeeze3A_183, %dma_wait3A_1716] : memref<100000x64xf32, #tpu.memory_space<hbm>> -> memref<1x64xf32, #tpu.memory_space<hbm>>
    tpu.wait_dma2 semaphore(%arg7 : memref<!tpu.dma_semaphore, #tpu.memory_space<semaphore_mem>>) src(%dma_wait3A_1717 : memref<1x64xf32, #tpu.memory_space<hbm>>) dst(%dma_wait3A_1715 : memref<1x64xf32, #tpu.memory_space<vmem>>)
    %dma_wait3A_1718 = arith.constant 16 : i32
    %dma_wait3A_1719 = arith.constant 0 : i32
    %dma_wait3A_1720 = tpu.memref_slice %arg6[%dma_wait3A_1718, %dma_wait3A_1719] : memref<128x64xf32, #tpu.memory_space<vmem>> -> memref<1x64xf32, #tpu.memory_space<vmem>>
    %dma_wait3A_1721 = arith.constant 0 : i32
    %dma_wait3A_1722 = tpu.memref_slice %arg3[%squeeze3A_198, %dma_wait3A_1721] : memref<100000x64xf32, #tpu.memory_space<hbm>> -> memref<1x64xf32, #tpu.memory_space<hbm>>
    %dma_wait3A_1723 = arith.constant 16 : i32
    %dma_wait3A_1724 = arith.constant 0 : i32
    %dma_wait3A_1725 = tpu.memref_slice %arg6[%dma_wait3A_1723, %dma_wait3A_1724] : memref<128x64xf32, #tpu.memory_space<vmem>> -> memref<1x64xf32, #tpu.memory_space<vmem>>
    %dma_wait3A_1726 = arith.constant 0 : i32
    %dma_wait3A_1727 = tpu.memref_slice %arg3[%squeeze3A_198, %dma_wait3A_1726] : memref<100000x64xf32, #tpu.memory_space<hbm>> -> memref<1x64xf32, #tpu.memory_space<hbm>>
    tpu.wait_dma2 semaphore(%arg7 : memref<!tpu.dma_semaphore, #tpu.memory_space<semaphore_mem>>) src(%dma_wait3A_1727 : memref<1x64xf32, #tpu.memory_space<hbm>>) dst(%dma_wait3A_1725 : memref<1x64xf32, #tpu.memory_space<vmem>>)
    %dma_wait3A_1728 = arith.constant 17 : i32
    %dma_wait3A_1729 = arith.constant 0 : i32
    %dma_wait3A_1730 = tpu.memref_slice %arg6[%dma_wait3A_1728, %dma_wait3A_1729] : memref<128x64xf32, #tpu.memory_space<vmem>> -> memref<1x64xf32, #tpu.memory_space<vmem>>
    %dma_wait3A_1731 = arith.constant 0 : i32
    %dma_wait3A_1732 = tpu.memref_slice %arg3[%squeeze3A_210, %dma_wait3A_1731] : memref<100000x64xf32, #tpu.memory_space<hbm>> -> memref<1x64xf32, #tpu.memory_space<hbm>>
    %dma_wait3A_1733 = arith.constant 17 : i32
    %dma_wait3A_1734 = arith.constant 0 : i32
    %dma_wait3A_1735 = tpu.memref_slice %arg6[%dma_wait3A_1733, %dma_wait3A_1734] : memref<128x64xf32, #tpu.memory_space<vmem>> -> memref<1x64xf32, #tpu.memory_space<vmem>>
    %dma_wait3A_1736 = arith.constant 0 : i32
    %dma_wait3A_1737 = tpu.memref_slice %arg3[%squeeze3A_210, %dma_wait3A_1736] : memref<100000x64xf32, #tpu.memory_space<hbm>> -> memref<1x64xf32, #tpu.memory_space<hbm>>
    tpu.wait_dma2 semaphore(%arg7 : memref<!tpu.dma_semaphore, #tpu.memory_space<semaphore_mem>>) src(%dma_wait3A_1737 : memref<1x64xf32, #tpu.memory_space<hbm>>) dst(%dma_wait3A_1735 : memref<1x64xf32, #tpu.memory_space<vmem>>)
    %dma_wait3A_1738 = arith.constant 18 : i32
    %dma_wait3A_1739 = arith.constant 0 : i32
    %dma_wait3A_1740 = tpu.memref_slice %arg6[%dma_wait3A_1738, %dma_wait3A_1739] : memref<128x64xf32, #tpu.memory_space<vmem>> -> memref<1x64xf32, #tpu.memory_space<vmem>>
    %dma_wait3A_1741 = arith.constant 0 : i32
    %dma_wait3A_1742 = tpu.memref_slice %arg3[%squeeze3A_222, %dma_wait3A_1741] : memref<100000x64xf32, #tpu.memory_space<hbm>> -> memref<1x64xf32, #tpu.memory_space<hbm>>
    %dma_wait3A_1743 = arith.constant 18 : i32
    %dma_wait3A_1744 = arith.constant 0 : i32
    %dma_wait3A_1745 = tpu.memref_slice %arg6[%dma_wait3A_1743, %dma_wait3A_1744] : memref<128x64xf32, #tpu.memory_space<vmem>> -> memref<1x64xf32, #tpu.memory_space<vmem>>
    %dma_wait3A_1746 = arith.constant 0 : i32
    %dma_wait3A_1747 = tpu.memref_slice %arg3[%squeeze3A_222, %dma_wait3A_1746] : memref<100000x64xf32, #tpu.memory_space<hbm>> -> memref<1x64xf32, #tpu.memory_space<hbm>>
    tpu.wait_dma2 semaphore(%arg7 : memref<!tpu.dma_semaphore, #tpu.memory_space<semaphore_mem>>) src(%dma_wait3A_1747 : memref<1x64xf32, #tpu.memory_space<hbm>>) dst(%dma_wait3A_1745 : memref<1x64xf32, #tpu.memory_space<vmem>>)
    %dma_wait3A_1748 = arith.constant 19 : i32
    %dma_wait3A_1749 = arith.constant 0 : i32
    %dma_wait3A_1750 = tpu.memref_slice %arg6[%dma_wait3A_1748, %dma_wait3A_1749] : memref<128x64xf32, #tpu.memory_space<vmem>> -> memref<1x64xf32, #tpu.memory_space<vmem>>
    %dma_wait3A_1751 = arith.constant 0 : i32
    %dma_wait3A_1752 = tpu.memref_slice %arg3[%squeeze3A_234, %dma_wait3A_1751] : memref<100000x64xf32, #tpu.memory_space<hbm>> -> memref<1x64xf32, #tpu.memory_space<hbm>>
    %dma_wait3A_1753 = arith.constant 19 : i32
    %dma_wait3A_1754 = arith.constant 0 : i32
    %dma_wait3A_1755 = tpu.memref_slice %arg6[%dma_wait3A_1753, %dma_wait3A_1754] : memref<128x64xf32, #tpu.memory_space<vmem>> -> memref<1x64xf32, #tpu.memory_space<vmem>>
    %dma_wait3A_1756 = arith.constant 0 : i32
    %dma_wait3A_1757 = tpu.memref_slice %arg3[%squeeze3A_234, %dma_wait3A_1756] : memref<100000x64xf32, #tpu.memory_space<hbm>> -> memref<1x64xf32, #tpu.memory_space<hbm>>
    tpu.wait_dma2 semaphore(%arg7 : memref<!tpu.dma_semaphore, #tpu.memory_space<semaphore_mem>>) src(%dma_wait3A_1757 : memref<1x64xf32, #tpu.memory_space<hbm>>) dst(%dma_wait3A_1755 : memref<1x64xf32, #tpu.memory_space<vmem>>)
    %dma_wait3A_1758 = arith.constant 20 : i32
    %dma_wait3A_1759 = arith.constant 0 : i32
    %dma_wait3A_1760 = tpu.memref_slice %arg6[%dma_wait3A_1758, %dma_wait3A_1759] : memref<128x64xf32, #tpu.memory_space<vmem>> -> memref<1x64xf32, #tpu.memory_space<vmem>>
    %dma_wait3A_1761 = arith.constant 0 : i32
    %dma_wait3A_1762 = tpu.memref_slice %arg3[%squeeze3A_246, %dma_wait3A_1761] : memref<100000x64xf32, #tpu.memory_space<hbm>> -> memref<1x64xf32, #tpu.memory_space<hbm>>
    %dma_wait3A_1763 = arith.constant 20 : i32
    %dma_wait3A_1764 = arith.constant 0 : i32
    %dma_wait3A_1765 = tpu.memref_slice %arg6[%dma_wait3A_1763, %dma_wait3A_1764] : memref<128x64xf32, #tpu.memory_space<vmem>> -> memref<1x64xf32, #tpu.memory_space<vmem>>
    %dma_wait3A_1766 = arith.constant 0 : i32
    %dma_wait3A_1767 = tpu.memref_slice %arg3[%squeeze3A_246, %dma_wait3A_1766] : memref<100000x64xf32, #tpu.memory_space<hbm>> -> memref<1x64xf32, #tpu.memory_space<hbm>>
    tpu.wait_dma2 semaphore(%arg7 : memref<!tpu.dma_semaphore, #tpu.memory_space<semaphore_mem>>) src(%dma_wait3A_1767 : memref<1x64xf32, #tpu.memory_space<hbm>>) dst(%dma_wait3A_1765 : memref<1x64xf32, #tpu.memory_space<vmem>>)
    %dma_wait3A_1768 = arith.constant 21 : i32
    %dma_wait3A_1769 = arith.constant 0 : i32
    %dma_wait3A_1770 = tpu.memref_slice %arg6[%dma_wait3A_1768, %dma_wait3A_1769] : memref<128x64xf32, #tpu.memory_space<vmem>> -> memref<1x64xf32, #tpu.memory_space<vmem>>
    %dma_wait3A_1771 = arith.constant 0 : i32
    %dma_wait3A_1772 = tpu.memref_slice %arg3[%squeeze3A_258, %dma_wait3A_1771] : memref<100000x64xf32, #tpu.memory_space<hbm>> -> memref<1x64xf32, #tpu.memory_space<hbm>>
    %dma_wait3A_1773 = arith.constant 21 : i32
    %dma_wait3A_1774 = arith.constant 0 : i32
    %dma_wait3A_1775 = tpu.memref_slice %arg6[%dma_wait3A_1773, %dma_wait3A_1774] : memref<128x64xf32, #tpu.memory_space<vmem>> -> memref<1x64xf32, #tpu.memory_space<vmem>>
    %dma_wait3A_1776 = arith.constant 0 : i32
    %dma_wait3A_1777 = tpu.memref_slice %arg3[%squeeze3A_258, %dma_wait3A_1776] : memref<100000x64xf32, #tpu.memory_space<hbm>> -> memref<1x64xf32, #tpu.memory_space<hbm>>
    tpu.wait_dma2 semaphore(%arg7 : memref<!tpu.dma_semaphore, #tpu.memory_space<semaphore_mem>>) src(%dma_wait3A_1777 : memref<1x64xf32, #tpu.memory_space<hbm>>) dst(%dma_wait3A_1775 : memref<1x64xf32, #tpu.memory_space<vmem>>)
    %dma_wait3A_1778 = arith.constant 22 : i32
    %dma_wait3A_1779 = arith.constant 0 : i32
    %dma_wait3A_1780 = tpu.memref_slice %arg6[%dma_wait3A_1778, %dma_wait3A_1779] : memref<128x64xf32, #tpu.memory_space<vmem>> -> memref<1x64xf32, #tpu.memory_space<vmem>>
    %dma_wait3A_1781 = arith.constant 0 : i32
    %dma_wait3A_1782 = tpu.memref_slice %arg3[%squeeze3A_270, %dma_wait3A_1781] : memref<100000x64xf32, #tpu.memory_space<hbm>> -> memref<1x64xf32, #tpu.memory_space<hbm>>
    %dma_wait3A_1783 = arith.constant 22 : i32
    %dma_wait3A_1784 = arith.constant 0 : i32
    %dma_wait3A_1785 = tpu.memref_slice %arg6[%dma_wait3A_1783, %dma_wait3A_1784] : memref<128x64xf32, #tpu.memory_space<vmem>> -> memref<1x64xf32, #tpu.memory_space<vmem>>
    %dma_wait3A_1786 = arith.constant 0 : i32
    %dma_wait3A_1787 = tpu.memref_slice %arg3[%squeeze3A_270, %dma_wait3A_1786] : memref<100000x64xf32, #tpu.memory_space<hbm>> -> memref<1x64xf32, #tpu.memory_space<hbm>>
    tpu.wait_dma2 semaphore(%arg7 : memref<!tpu.dma_semaphore, #tpu.memory_space<semaphore_mem>>) src(%dma_wait3A_1787 : memref<1x64xf32, #tpu.memory_space<hbm>>) dst(%dma_wait3A_1785 : memref<1x64xf32, #tpu.memory_space<vmem>>)
    %dma_wait3A_1788 = arith.constant 23 : i32
    %dma_wait3A_1789 = arith.constant 0 : i32
    %dma_wait3A_1790 = tpu.memref_slice %arg6[%dma_wait3A_1788, %dma_wait3A_1789] : memref<128x64xf32, #tpu.memory_space<vmem>> -> memref<1x64xf32, #tpu.memory_space<vmem>>
    %dma_wait3A_1791 = arith.constant 0 : i32
    %dma_wait3A_1792 = tpu.memref_slice %arg3[%squeeze3A_282, %dma_wait3A_1791] : memref<100000x64xf32, #tpu.memory_space<hbm>> -> memref<1x64xf32, #tpu.memory_space<hbm>>
    %dma_wait3A_1793 = arith.constant 23 : i32
    %dma_wait3A_1794 = arith.constant 0 : i32
    %dma_wait3A_1795 = tpu.memref_slice %arg6[%dma_wait3A_1793, %dma_wait3A_1794] : memref<128x64xf32, #tpu.memory_space<vmem>> -> memref<1x64xf32, #tpu.memory_space<vmem>>
    %dma_wait3A_1796 = arith.constant 0 : i32
    %dma_wait3A_1797 = tpu.memref_slice %arg3[%squeeze3A_282, %dma_wait3A_1796] : memref<100000x64xf32, #tpu.memory_space<hbm>> -> memref<1x64xf32, #tpu.memory_space<hbm>>
    tpu.wait_dma2 semaphore(%arg7 : memref<!tpu.dma_semaphore, #tpu.memory_space<semaphore_mem>>) src(%dma_wait3A_1797 : memref<1x64xf32, #tpu.memory_space<hbm>>) dst(%dma_wait3A_1795 : memref<1x64xf32, #tpu.memory_space<vmem>>)
    %dma_wait3A_1798 = arith.constant 24 : i32
    %dma_wait3A_1799 = arith.constant 0 : i32
    %dma_wait3A_1800 = tpu.memref_slice %arg6[%dma_wait3A_1798, %dma_wait3A_1799] : memref<128x64xf32, #tpu.memory_space<vmem>> -> memref<1x64xf32, #tpu.memory_space<vmem>>
    %dma_wait3A_1801 = arith.constant 0 : i32
    %dma_wait3A_1802 = tpu.memref_slice %arg3[%squeeze3A_294, %dma_wait3A_1801] : memref<100000x64xf32, #tpu.memory_space<hbm>> -> memref<1x64xf32, #tpu.memory_space<hbm>>
    %dma_wait3A_1803 = arith.constant 24 : i32
    %dma_wait3A_1804 = arith.constant 0 : i32
    %dma_wait3A_1805 = tpu.memref_slice %arg6[%dma_wait3A_1803, %dma_wait3A_1804] : memref<128x64xf32, #tpu.memory_space<vmem>> -> memref<1x64xf32, #tpu.memory_space<vmem>>
    %dma_wait3A_1806 = arith.constant 0 : i32
    %dma_wait3A_1807 = tpu.memref_slice %arg3[%squeeze3A_294, %dma_wait3A_1806] : memref<100000x64xf32, #tpu.memory_space<hbm>> -> memref<1x64xf32, #tpu.memory_space<hbm>>
    tpu.wait_dma2 semaphore(%arg7 : memref<!tpu.dma_semaphore, #tpu.memory_space<semaphore_mem>>) src(%dma_wait3A_1807 : memref<1x64xf32, #tpu.memory_space<hbm>>) dst(%dma_wait3A_1805 : memref<1x64xf32, #tpu.memory_space<vmem>>)
    %dma_wait3A_1808 = arith.constant 25 : i32
    %dma_wait3A_1809 = arith.constant 0 : i32
    %dma_wait3A_1810 = tpu.memref_slice %arg6[%dma_wait3A_1808, %dma_wait3A_1809] : memref<128x64xf32, #tpu.memory_space<vmem>> -> memref<1x64xf32, #tpu.memory_space<vmem>>
    %dma_wait3A_1811 = arith.constant 0 : i32
    %dma_wait3A_1812 = tpu.memref_slice %arg3[%squeeze3A_306, %dma_wait3A_1811] : memref<100000x64xf32, #tpu.memory_space<hbm>> -> memref<1x64xf32, #tpu.memory_space<hbm>>
    %dma_wait3A_1813 = arith.constant 25 : i32
    %dma_wait3A_1814 = arith.constant 0 : i32
    %dma_wait3A_1815 = tpu.memref_slice %arg6[%dma_wait3A_1813, %dma_wait3A_1814] : memref<128x64xf32, #tpu.memory_space<vmem>> -> memref<1x64xf32, #tpu.memory_space<vmem>>
    %dma_wait3A_1816 = arith.constant 0 : i32
    %dma_wait3A_1817 = tpu.memref_slice %arg3[%squeeze3A_306, %dma_wait3A_1816] : memref<100000x64xf32, #tpu.memory_space<hbm>> -> memref<1x64xf32, #tpu.memory_space<hbm>>
    tpu.wait_dma2 semaphore(%arg7 : memref<!tpu.dma_semaphore, #tpu.memory_space<semaphore_mem>>) src(%dma_wait3A_1817 : memref<1x64xf32, #tpu.memory_space<hbm>>) dst(%dma_wait3A_1815 : memref<1x64xf32, #tpu.memory_space<vmem>>)
    %dma_wait3A_1818 = arith.constant 26 : i32
    %dma_wait3A_1819 = arith.constant 0 : i32
    %dma_wait3A_1820 = tpu.memref_slice %arg6[%dma_wait3A_1818, %dma_wait3A_1819] : memref<128x64xf32, #tpu.memory_space<vmem>> -> memref<1x64xf32, #tpu.memory_space<vmem>>
    %dma_wait3A_1821 = arith.constant 0 : i32
    %dma_wait3A_1822 = tpu.memref_slice %arg3[%squeeze3A_318, %dma_wait3A_1821] : memref<100000x64xf32, #tpu.memory_space<hbm>> -> memref<1x64xf32, #tpu.memory_space<hbm>>
    %dma_wait3A_1823 = arith.constant 26 : i32
    %dma_wait3A_1824 = arith.constant 0 : i32
    %dma_wait3A_1825 = tpu.memref_slice %arg6[%dma_wait3A_1823, %dma_wait3A_1824] : memref<128x64xf32, #tpu.memory_space<vmem>> -> memref<1x64xf32, #tpu.memory_space<vmem>>
    %dma_wait3A_1826 = arith.constant 0 : i32
    %dma_wait3A_1827 = tpu.memref_slice %arg3[%squeeze3A_318, %dma_wait3A_1826] : memref<100000x64xf32, #tpu.memory_space<hbm>> -> memref<1x64xf32, #tpu.memory_space<hbm>>
    tpu.wait_dma2 semaphore(%arg7 : memref<!tpu.dma_semaphore, #tpu.memory_space<semaphore_mem>>) src(%dma_wait3A_1827 : memref<1x64xf32, #tpu.memory_space<hbm>>) dst(%dma_wait3A_1825 : memref<1x64xf32, #tpu.memory_space<vmem>>)
    %dma_wait3A_1828 = arith.constant 27 : i32
    %dma_wait3A_1829 = arith.constant 0 : i32
    %dma_wait3A_1830 = tpu.memref_slice %arg6[%dma_wait3A_1828, %dma_wait3A_1829] : memref<128x64xf32, #tpu.memory_space<vmem>> -> memref<1x64xf32, #tpu.memory_space<vmem>>
    %dma_wait3A_1831 = arith.constant 0 : i32
    %dma_wait3A_1832 = tpu.memref_slice %arg3[%squeeze3A_330, %dma_wait3A_1831] : memref<100000x64xf32, #tpu.memory_space<hbm>> -> memref<1x64xf32, #tpu.memory_space<hbm>>
    %dma_wait3A_1833 = arith.constant 27 : i32
    %dma_wait3A_1834 = arith.constant 0 : i32
    %dma_wait3A_1835 = tpu.memref_slice %arg6[%dma_wait3A_1833, %dma_wait3A_1834] : memref<128x64xf32, #tpu.memory_space<vmem>> -> memref<1x64xf32, #tpu.memory_space<vmem>>
    %dma_wait3A_1836 = arith.constant 0 : i32
    %dma_wait3A_1837 = tpu.memref_slice %arg3[%squeeze3A_330, %dma_wait3A_1836] : memref<100000x64xf32, #tpu.memory_space<hbm>> -> memref<1x64xf32, #tpu.memory_space<hbm>>
    tpu.wait_dma2 semaphore(%arg7 : memref<!tpu.dma_semaphore, #tpu.memory_space<semaphore_mem>>) src(%dma_wait3A_1837 : memref<1x64xf32, #tpu.memory_space<hbm>>) dst(%dma_wait3A_1835 : memref<1x64xf32, #tpu.memory_space<vmem>>)
    %dma_wait3A_1838 = arith.constant 28 : i32
    %dma_wait3A_1839 = arith.constant 0 : i32
    %dma_wait3A_1840 = tpu.memref_slice %arg6[%dma_wait3A_1838, %dma_wait3A_1839] : memref<128x64xf32, #tpu.memory_space<vmem>> -> memref<1x64xf32, #tpu.memory_space<vmem>>
    %dma_wait3A_1841 = arith.constant 0 : i32
    %dma_wait3A_1842 = tpu.memref_slice %arg3[%squeeze3A_342, %dma_wait3A_1841] : memref<100000x64xf32, #tpu.memory_space<hbm>> -> memref<1x64xf32, #tpu.memory_space<hbm>>
    %dma_wait3A_1843 = arith.constant 28 : i32
    %dma_wait3A_1844 = arith.constant 0 : i32
    %dma_wait3A_1845 = tpu.memref_slice %arg6[%dma_wait3A_1843, %dma_wait3A_1844] : memref<128x64xf32, #tpu.memory_space<vmem>> -> memref<1x64xf32, #tpu.memory_space<vmem>>
    %dma_wait3A_1846 = arith.constant 0 : i32
    %dma_wait3A_1847 = tpu.memref_slice %arg3[%squeeze3A_342, %dma_wait3A_1846] : memref<100000x64xf32, #tpu.memory_space<hbm>> -> memref<1x64xf32, #tpu.memory_space<hbm>>
    tpu.wait_dma2 semaphore(%arg7 : memref<!tpu.dma_semaphore, #tpu.memory_space<semaphore_mem>>) src(%dma_wait3A_1847 : memref<1x64xf32, #tpu.memory_space<hbm>>) dst(%dma_wait3A_1845 : memref<1x64xf32, #tpu.memory_space<vmem>>)
    %dma_wait3A_1848 = arith.constant 29 : i32
    %dma_wait3A_1849 = arith.constant 0 : i32
    %dma_wait3A_1850 = tpu.memref_slice %arg6[%dma_wait3A_1848, %dma_wait3A_1849] : memref<128x64xf32, #tpu.memory_space<vmem>> -> memref<1x64xf32, #tpu.memory_space<vmem>>
    %dma_wait3A_1851 = arith.constant 0 : i32
    %dma_wait3A_1852 = tpu.memref_slice %arg3[%squeeze3A_354, %dma_wait3A_1851] : memref<100000x64xf32, #tpu.memory_space<hbm>> -> memref<1x64xf32, #tpu.memory_space<hbm>>
    %dma_wait3A_1853 = arith.constant 29 : i32
    %dma_wait3A_1854 = arith.constant 0 : i32
    %dma_wait3A_1855 = tpu.memref_slice %arg6[%dma_wait3A_1853, %dma_wait3A_1854] : memref<128x64xf32, #tpu.memory_space<vmem>> -> memref<1x64xf32, #tpu.memory_space<vmem>>
    %dma_wait3A_1856 = arith.constant 0 : i32
    %dma_wait3A_1857 = tpu.memref_slice %arg3[%squeeze3A_354, %dma_wait3A_1856] : memref<100000x64xf32, #tpu.memory_space<hbm>> -> memref<1x64xf32, #tpu.memory_space<hbm>>
    tpu.wait_dma2 semaphore(%arg7 : memref<!tpu.dma_semaphore, #tpu.memory_space<semaphore_mem>>) src(%dma_wait3A_1857 : memref<1x64xf32, #tpu.memory_space<hbm>>) dst(%dma_wait3A_1855 : memref<1x64xf32, #tpu.memory_space<vmem>>)
    %dma_wait3A_1858 = arith.constant 30 : i32
    %dma_wait3A_1859 = arith.constant 0 : i32
    %dma_wait3A_1860 = tpu.memref_slice %arg6[%dma_wait3A_1858, %dma_wait3A_1859] : memref<128x64xf32, #tpu.memory_space<vmem>> -> memref<1x64xf32, #tpu.memory_space<vmem>>
    %dma_wait3A_1861 = arith.constant 0 : i32
    %dma_wait3A_1862 = tpu.memref_slice %arg3[%squeeze3A_366, %dma_wait3A_1861] : memref<100000x64xf32, #tpu.memory_space<hbm>> -> memref<1x64xf32, #tpu.memory_space<hbm>>
    %dma_wait3A_1863 = arith.constant 30 : i32
    %dma_wait3A_1864 = arith.constant 0 : i32
    %dma_wait3A_1865 = tpu.memref_slice %arg6[%dma_wait3A_1863, %dma_wait3A_1864] : memref<128x64xf32, #tpu.memory_space<vmem>> -> memref<1x64xf32, #tpu.memory_space<vmem>>
    %dma_wait3A_1866 = arith.constant 0 : i32
    %dma_wait3A_1867 = tpu.memref_slice %arg3[%squeeze3A_366, %dma_wait3A_1866] : memref<100000x64xf32, #tpu.memory_space<hbm>> -> memref<1x64xf32, #tpu.memory_space<hbm>>
    tpu.wait_dma2 semaphore(%arg7 : memref<!tpu.dma_semaphore, #tpu.memory_space<semaphore_mem>>) src(%dma_wait3A_1867 : memref<1x64xf32, #tpu.memory_space<hbm>>) dst(%dma_wait3A_1865 : memref<1x64xf32, #tpu.memory_space<vmem>>)
    %dma_wait3A_1868 = arith.constant 31 : i32
    %dma_wait3A_1869 = arith.constant 0 : i32
    %dma_wait3A_1870 = tpu.memref_slice %arg6[%dma_wait3A_1868, %dma_wait3A_1869] : memref<128x64xf32, #tpu.memory_space<vmem>> -> memref<1x64xf32, #tpu.memory_space<vmem>>
    %dma_wait3A_1871 = arith.constant 0 : i32
    %dma_wait3A_1872 = tpu.memref_slice %arg3[%squeeze3A_378, %dma_wait3A_1871] : memref<100000x64xf32, #tpu.memory_space<hbm>> -> memref<1x64xf32, #tpu.memory_space<hbm>>
    %dma_wait3A_1873 = arith.constant 31 : i32
    %dma_wait3A_1874 = arith.constant 0 : i32
    %dma_wait3A_1875 = tpu.memref_slice %arg6[%dma_wait3A_1873, %dma_wait3A_1874] : memref<128x64xf32, #tpu.memory_space<vmem>> -> memref<1x64xf32, #tpu.memory_space<vmem>>
    %dma_wait3A_1876 = arith.constant 0 : i32
    %dma_wait3A_1877 = tpu.memref_slice %arg3[%squeeze3A_378, %dma_wait3A_1876] : memref<100000x64xf32, #tpu.memory_space<hbm>> -> memref<1x64xf32, #tpu.memory_space<hbm>>
    tpu.wait_dma2 semaphore(%arg7 : memref<!tpu.dma_semaphore, #tpu.memory_space<semaphore_mem>>) src(%dma_wait3A_1877 : memref<1x64xf32, #tpu.memory_space<hbm>>) dst(%dma_wait3A_1875 : memref<1x64xf32, #tpu.memory_space<vmem>>)
    %dma_wait3A_1878 = arith.constant 32 : i32
    %dma_wait3A_1879 = arith.constant 0 : i32
    %dma_wait3A_1880 = tpu.memref_slice %arg6[%dma_wait3A_1878, %dma_wait3A_1879] : memref<128x64xf32, #tpu.memory_space<vmem>> -> memref<1x64xf32, #tpu.memory_space<vmem>>
    %dma_wait3A_1881 = arith.constant 0 : i32
    %dma_wait3A_1882 = tpu.memref_slice %arg3[%squeeze3A_393, %dma_wait3A_1881] : memref<100000x64xf32, #tpu.memory_space<hbm>> -> memref<1x64xf32, #tpu.memory_space<hbm>>
    %dma_wait3A_1883 = arith.constant 32 : i32
    %dma_wait3A_1884 = arith.constant 0 : i32
    %dma_wait3A_1885 = tpu.memref_slice %arg6[%dma_wait3A_1883, %dma_wait3A_1884] : memref<128x64xf32, #tpu.memory_space<vmem>> -> memref<1x64xf32, #tpu.memory_space<vmem>>
    %dma_wait3A_1886 = arith.constant 0 : i32
    %dma_wait3A_1887 = tpu.memref_slice %arg3[%squeeze3A_393, %dma_wait3A_1886] : memref<100000x64xf32, #tpu.memory_space<hbm>> -> memref<1x64xf32, #tpu.memory_space<hbm>>
    tpu.wait_dma2 semaphore(%arg7 : memref<!tpu.dma_semaphore, #tpu.memory_space<semaphore_mem>>) src(%dma_wait3A_1887 : memref<1x64xf32, #tpu.memory_space<hbm>>) dst(%dma_wait3A_1885 : memref<1x64xf32, #tpu.memory_space<vmem>>)
    %dma_wait3A_1888 = arith.constant 33 : i32
    %dma_wait3A_1889 = arith.constant 0 : i32
    %dma_wait3A_1890 = tpu.memref_slice %arg6[%dma_wait3A_1888, %dma_wait3A_1889] : memref<128x64xf32, #tpu.memory_space<vmem>> -> memref<1x64xf32, #tpu.memory_space<vmem>>
    %dma_wait3A_1891 = arith.constant 0 : i32
    %dma_wait3A_1892 = tpu.memref_slice %arg3[%squeeze3A_405, %dma_wait3A_1891] : memref<100000x64xf32, #tpu.memory_space<hbm>> -> memref<1x64xf32, #tpu.memory_space<hbm>>
    %dma_wait3A_1893 = arith.constant 33 : i32
    %dma_wait3A_1894 = arith.constant 0 : i32
    %dma_wait3A_1895 = tpu.memref_slice %arg6[%dma_wait3A_1893, %dma_wait3A_1894] : memref<128x64xf32, #tpu.memory_space<vmem>> -> memref<1x64xf32, #tpu.memory_space<vmem>>
    %dma_wait3A_1896 = arith.constant 0 : i32
    %dma_wait3A_1897 = tpu.memref_slice %arg3[%squeeze3A_405, %dma_wait3A_1896] : memref<100000x64xf32, #tpu.memory_space<hbm>> -> memref<1x64xf32, #tpu.memory_space<hbm>>
    tpu.wait_dma2 semaphore(%arg7 : memref<!tpu.dma_semaphore, #tpu.memory_space<semaphore_mem>>) src(%dma_wait3A_1897 : memref<1x64xf32, #tpu.memory_space<hbm>>) dst(%dma_wait3A_1895 : memref<1x64xf32, #tpu.memory_space<vmem>>)
    %dma_wait3A_1898 = arith.constant 34 : i32
    %dma_wait3A_1899 = arith.constant 0 : i32
    %dma_wait3A_1900 = tpu.memref_slice %arg6[%dma_wait3A_1898, %dma_wait3A_1899] : memref<128x64xf32, #tpu.memory_space<vmem>> -> memref<1x64xf32, #tpu.memory_space<vmem>>
    %dma_wait3A_1901 = arith.constant 0 : i32
    %dma_wait3A_1902 = tpu.memref_slice %arg3[%squeeze3A_417, %dma_wait3A_1901] : memref<100000x64xf32, #tpu.memory_space<hbm>> -> memref<1x64xf32, #tpu.memory_space<hbm>>
    %dma_wait3A_1903 = arith.constant 34 : i32
    %dma_wait3A_1904 = arith.constant 0 : i32
    %dma_wait3A_1905 = tpu.memref_slice %arg6[%dma_wait3A_1903, %dma_wait3A_1904] : memref<128x64xf32, #tpu.memory_space<vmem>> -> memref<1x64xf32, #tpu.memory_space<vmem>>
    %dma_wait3A_1906 = arith.constant 0 : i32
    %dma_wait3A_1907 = tpu.memref_slice %arg3[%squeeze3A_417, %dma_wait3A_1906] : memref<100000x64xf32, #tpu.memory_space<hbm>> -> memref<1x64xf32, #tpu.memory_space<hbm>>
    tpu.wait_dma2 semaphore(%arg7 : memref<!tpu.dma_semaphore, #tpu.memory_space<semaphore_mem>>) src(%dma_wait3A_1907 : memref<1x64xf32, #tpu.memory_space<hbm>>) dst(%dma_wait3A_1905 : memref<1x64xf32, #tpu.memory_space<vmem>>)
    %dma_wait3A_1908 = arith.constant 35 : i32
    %dma_wait3A_1909 = arith.constant 0 : i32
    %dma_wait3A_1910 = tpu.memref_slice %arg6[%dma_wait3A_1908, %dma_wait3A_1909] : memref<128x64xf32, #tpu.memory_space<vmem>> -> memref<1x64xf32, #tpu.memory_space<vmem>>
    %dma_wait3A_1911 = arith.constant 0 : i32
    %dma_wait3A_1912 = tpu.memref_slice %arg3[%squeeze3A_429, %dma_wait3A_1911] : memref<100000x64xf32, #tpu.memory_space<hbm>> -> memref<1x64xf32, #tpu.memory_space<hbm>>
    %dma_wait3A_1913 = arith.constant 35 : i32
    %dma_wait3A_1914 = arith.constant 0 : i32
    %dma_wait3A_1915 = tpu.memref_slice %arg6[%dma_wait3A_1913, %dma_wait3A_1914] : memref<128x64xf32, #tpu.memory_space<vmem>> -> memref<1x64xf32, #tpu.memory_space<vmem>>
    %dma_wait3A_1916 = arith.constant 0 : i32
    %dma_wait3A_1917 = tpu.memref_slice %arg3[%squeeze3A_429, %dma_wait3A_1916] : memref<100000x64xf32, #tpu.memory_space<hbm>> -> memref<1x64xf32, #tpu.memory_space<hbm>>
    tpu.wait_dma2 semaphore(%arg7 : memref<!tpu.dma_semaphore, #tpu.memory_space<semaphore_mem>>) src(%dma_wait3A_1917 : memref<1x64xf32, #tpu.memory_space<hbm>>) dst(%dma_wait3A_1915 : memref<1x64xf32, #tpu.memory_space<vmem>>)
    %dma_wait3A_1918 = arith.constant 36 : i32
    %dma_wait3A_1919 = arith.constant 0 : i32
    %dma_wait3A_1920 = tpu.memref_slice %arg6[%dma_wait3A_1918, %dma_wait3A_1919] : memref<128x64xf32, #tpu.memory_space<vmem>> -> memref<1x64xf32, #tpu.memory_space<vmem>>
    %dma_wait3A_1921 = arith.constant 0 : i32
    %dma_wait3A_1922 = tpu.memref_slice %arg3[%squeeze3A_441, %dma_wait3A_1921] : memref<100000x64xf32, #tpu.memory_space<hbm>> -> memref<1x64xf32, #tpu.memory_space<hbm>>
    %dma_wait3A_1923 = arith.constant 36 : i32
    %dma_wait3A_1924 = arith.constant 0 : i32
    %dma_wait3A_1925 = tpu.memref_slice %arg6[%dma_wait3A_1923, %dma_wait3A_1924] : memref<128x64xf32, #tpu.memory_space<vmem>> -> memref<1x64xf32, #tpu.memory_space<vmem>>
    %dma_wait3A_1926 = arith.constant 0 : i32
    %dma_wait3A_1927 = tpu.memref_slice %arg3[%squeeze3A_441, %dma_wait3A_1926] : memref<100000x64xf32, #tpu.memory_space<hbm>> -> memref<1x64xf32, #tpu.memory_space<hbm>>
    tpu.wait_dma2 semaphore(%arg7 : memref<!tpu.dma_semaphore, #tpu.memory_space<semaphore_mem>>) src(%dma_wait3A_1927 : memref<1x64xf32, #tpu.memory_space<hbm>>) dst(%dma_wait3A_1925 : memref<1x64xf32, #tpu.memory_space<vmem>>)
    %dma_wait3A_1928 = arith.constant 37 : i32
    %dma_wait3A_1929 = arith.constant 0 : i32
    %dma_wait3A_1930 = tpu.memref_slice %arg6[%dma_wait3A_1928, %dma_wait3A_1929] : memref<128x64xf32, #tpu.memory_space<vmem>> -> memref<1x64xf32, #tpu.memory_space<vmem>>
    %dma_wait3A_1931 = arith.constant 0 : i32
    %dma_wait3A_1932 = tpu.memref_slice %arg3[%squeeze3A_453, %dma_wait3A_1931] : memref<100000x64xf32, #tpu.memory_space<hbm>> -> memref<1x64xf32, #tpu.memory_space<hbm>>
    %dma_wait3A_1933 = arith.constant 37 : i32
    %dma_wait3A_1934 = arith.constant 0 : i32
    %dma_wait3A_1935 = tpu.memref_slice %arg6[%dma_wait3A_1933, %dma_wait3A_1934] : memref<128x64xf32, #tpu.memory_space<vmem>> -> memref<1x64xf32, #tpu.memory_space<vmem>>
    %dma_wait3A_1936 = arith.constant 0 : i32
    %dma_wait3A_1937 = tpu.memref_slice %arg3[%squeeze3A_453, %dma_wait3A_1936] : memref<100000x64xf32, #tpu.memory_space<hbm>> -> memref<1x64xf32, #tpu.memory_space<hbm>>
    tpu.wait_dma2 semaphore(%arg7 : memref<!tpu.dma_semaphore, #tpu.memory_space<semaphore_mem>>) src(%dma_wait3A_1937 : memref<1x64xf32, #tpu.memory_space<hbm>>) dst(%dma_wait3A_1935 : memref<1x64xf32, #tpu.memory_space<vmem>>)
    %dma_wait3A_1938 = arith.constant 38 : i32
    %dma_wait3A_1939 = arith.constant 0 : i32
    %dma_wait3A_1940 = tpu.memref_slice %arg6[%dma_wait3A_1938, %dma_wait3A_1939] : memref<128x64xf32, #tpu.memory_space<vmem>> -> memref<1x64xf32, #tpu.memory_space<vmem>>
    %dma_wait3A_1941 = arith.constant 0 : i32
    %dma_wait3A_1942 = tpu.memref_slice %arg3[%squeeze3A_465, %dma_wait3A_1941] : memref<100000x64xf32, #tpu.memory_space<hbm>> -> memref<1x64xf32, #tpu.memory_space<hbm>>
    %dma_wait3A_1943 = arith.constant 38 : i32
    %dma_wait3A_1944 = arith.constant 0 : i32
    %dma_wait3A_1945 = tpu.memref_slice %arg6[%dma_wait3A_1943, %dma_wait3A_1944] : memref<128x64xf32, #tpu.memory_space<vmem>> -> memref<1x64xf32, #tpu.memory_space<vmem>>
    %dma_wait3A_1946 = arith.constant 0 : i32
    %dma_wait3A_1947 = tpu.memref_slice %arg3[%squeeze3A_465, %dma_wait3A_1946] : memref<100000x64xf32, #tpu.memory_space<hbm>> -> memref<1x64xf32, #tpu.memory_space<hbm>>
    tpu.wait_dma2 semaphore(%arg7 : memref<!tpu.dma_semaphore, #tpu.memory_space<semaphore_mem>>) src(%dma_wait3A_1947 : memref<1x64xf32, #tpu.memory_space<hbm>>) dst(%dma_wait3A_1945 : memref<1x64xf32, #tpu.memory_space<vmem>>)
    %dma_wait3A_1948 = arith.constant 39 : i32
    %dma_wait3A_1949 = arith.constant 0 : i32
    %dma_wait3A_1950 = tpu.memref_slice %arg6[%dma_wait3A_1948, %dma_wait3A_1949] : memref<128x64xf32, #tpu.memory_space<vmem>> -> memref<1x64xf32, #tpu.memory_space<vmem>>
    %dma_wait3A_1951 = arith.constant 0 : i32
    %dma_wait3A_1952 = tpu.memref_slice %arg3[%squeeze3A_477, %dma_wait3A_1951] : memref<100000x64xf32, #tpu.memory_space<hbm>> -> memref<1x64xf32, #tpu.memory_space<hbm>>
    %dma_wait3A_1953 = arith.constant 39 : i32
    %dma_wait3A_1954 = arith.constant 0 : i32
    %dma_wait3A_1955 = tpu.memref_slice %arg6[%dma_wait3A_1953, %dma_wait3A_1954] : memref<128x64xf32, #tpu.memory_space<vmem>> -> memref<1x64xf32, #tpu.memory_space<vmem>>
    %dma_wait3A_1956 = arith.constant 0 : i32
    %dma_wait3A_1957 = tpu.memref_slice %arg3[%squeeze3A_477, %dma_wait3A_1956] : memref<100000x64xf32, #tpu.memory_space<hbm>> -> memref<1x64xf32, #tpu.memory_space<hbm>>
    tpu.wait_dma2 semaphore(%arg7 : memref<!tpu.dma_semaphore, #tpu.memory_space<semaphore_mem>>) src(%dma_wait3A_1957 : memref<1x64xf32, #tpu.memory_space<hbm>>) dst(%dma_wait3A_1955 : memref<1x64xf32, #tpu.memory_space<vmem>>)
    %dma_wait3A_1958 = arith.constant 40 : i32
    %dma_wait3A_1959 = arith.constant 0 : i32
    %dma_wait3A_1960 = tpu.memref_slice %arg6[%dma_wait3A_1958, %dma_wait3A_1959] : memref<128x64xf32, #tpu.memory_space<vmem>> -> memref<1x64xf32, #tpu.memory_space<vmem>>
    %dma_wait3A_1961 = arith.constant 0 : i32
    %dma_wait3A_1962 = tpu.memref_slice %arg3[%squeeze3A_489, %dma_wait3A_1961] : memref<100000x64xf32, #tpu.memory_space<hbm>> -> memref<1x64xf32, #tpu.memory_space<hbm>>
    %dma_wait3A_1963 = arith.constant 40 : i32
    %dma_wait3A_1964 = arith.constant 0 : i32
    %dma_wait3A_1965 = tpu.memref_slice %arg6[%dma_wait3A_1963, %dma_wait3A_1964] : memref<128x64xf32, #tpu.memory_space<vmem>> -> memref<1x64xf32, #tpu.memory_space<vmem>>
    %dma_wait3A_1966 = arith.constant 0 : i32
    %dma_wait3A_1967 = tpu.memref_slice %arg3[%squeeze3A_489, %dma_wait3A_1966] : memref<100000x64xf32, #tpu.memory_space<hbm>> -> memref<1x64xf32, #tpu.memory_space<hbm>>
    tpu.wait_dma2 semaphore(%arg7 : memref<!tpu.dma_semaphore, #tpu.memory_space<semaphore_mem>>) src(%dma_wait3A_1967 : memref<1x64xf32, #tpu.memory_space<hbm>>) dst(%dma_wait3A_1965 : memref<1x64xf32, #tpu.memory_space<vmem>>)
    %dma_wait3A_1968 = arith.constant 41 : i32
    %dma_wait3A_1969 = arith.constant 0 : i32
    %dma_wait3A_1970 = tpu.memref_slice %arg6[%dma_wait3A_1968, %dma_wait3A_1969] : memref<128x64xf32, #tpu.memory_space<vmem>> -> memref<1x64xf32, #tpu.memory_space<vmem>>
    %dma_wait3A_1971 = arith.constant 0 : i32
    %dma_wait3A_1972 = tpu.memref_slice %arg3[%squeeze3A_501, %dma_wait3A_1971] : memref<100000x64xf32, #tpu.memory_space<hbm>> -> memref<1x64xf32, #tpu.memory_space<hbm>>
    %dma_wait3A_1973 = arith.constant 41 : i32
    %dma_wait3A_1974 = arith.constant 0 : i32
    %dma_wait3A_1975 = tpu.memref_slice %arg6[%dma_wait3A_1973, %dma_wait3A_1974] : memref<128x64xf32, #tpu.memory_space<vmem>> -> memref<1x64xf32, #tpu.memory_space<vmem>>
    %dma_wait3A_1976 = arith.constant 0 : i32
    %dma_wait3A_1977 = tpu.memref_slice %arg3[%squeeze3A_501, %dma_wait3A_1976] : memref<100000x64xf32, #tpu.memory_space<hbm>> -> memref<1x64xf32, #tpu.memory_space<hbm>>
    tpu.wait_dma2 semaphore(%arg7 : memref<!tpu.dma_semaphore, #tpu.memory_space<semaphore_mem>>) src(%dma_wait3A_1977 : memref<1x64xf32, #tpu.memory_space<hbm>>) dst(%dma_wait3A_1975 : memref<1x64xf32, #tpu.memory_space<vmem>>)
    %dma_wait3A_1978 = arith.constant 42 : i32
    %dma_wait3A_1979 = arith.constant 0 : i32
    %dma_wait3A_1980 = tpu.memref_slice %arg6[%dma_wait3A_1978, %dma_wait3A_1979] : memref<128x64xf32, #tpu.memory_space<vmem>> -> memref<1x64xf32, #tpu.memory_space<vmem>>
    %dma_wait3A_1981 = arith.constant 0 : i32
    %dma_wait3A_1982 = tpu.memref_slice %arg3[%squeeze3A_513, %dma_wait3A_1981] : memref<100000x64xf32, #tpu.memory_space<hbm>> -> memref<1x64xf32, #tpu.memory_space<hbm>>
    %dma_wait3A_1983 = arith.constant 42 : i32
    %dma_wait3A_1984 = arith.constant 0 : i32
    %dma_wait3A_1985 = tpu.memref_slice %arg6[%dma_wait3A_1983, %dma_wait3A_1984] : memref<128x64xf32, #tpu.memory_space<vmem>> -> memref<1x64xf32, #tpu.memory_space<vmem>>
    %dma_wait3A_1986 = arith.constant 0 : i32
    %dma_wait3A_1987 = tpu.memref_slice %arg3[%squeeze3A_513, %dma_wait3A_1986] : memref<100000x64xf32, #tpu.memory_space<hbm>> -> memref<1x64xf32, #tpu.memory_space<hbm>>
    tpu.wait_dma2 semaphore(%arg7 : memref<!tpu.dma_semaphore, #tpu.memory_space<semaphore_mem>>) src(%dma_wait3A_1987 : memref<1x64xf32, #tpu.memory_space<hbm>>) dst(%dma_wait3A_1985 : memref<1x64xf32, #tpu.memory_space<vmem>>)
    %dma_wait3A_1988 = arith.constant 43 : i32
    %dma_wait3A_1989 = arith.constant 0 : i32
    %dma_wait3A_1990 = tpu.memref_slice %arg6[%dma_wait3A_1988, %dma_wait3A_1989] : memref<128x64xf32, #tpu.memory_space<vmem>> -> memref<1x64xf32, #tpu.memory_space<vmem>>
    %dma_wait3A_1991 = arith.constant 0 : i32
    %dma_wait3A_1992 = tpu.memref_slice %arg3[%squeeze3A_525, %dma_wait3A_1991] : memref<100000x64xf32, #tpu.memory_space<hbm>> -> memref<1x64xf32, #tpu.memory_space<hbm>>
    %dma_wait3A_1993 = arith.constant 43 : i32
    %dma_wait3A_1994 = arith.constant 0 : i32
    %dma_wait3A_1995 = tpu.memref_slice %arg6[%dma_wait3A_1993, %dma_wait3A_1994] : memref<128x64xf32, #tpu.memory_space<vmem>> -> memref<1x64xf32, #tpu.memory_space<vmem>>
    %dma_wait3A_1996 = arith.constant 0 : i32
    %dma_wait3A_1997 = tpu.memref_slice %arg3[%squeeze3A_525, %dma_wait3A_1996] : memref<100000x64xf32, #tpu.memory_space<hbm>> -> memref<1x64xf32, #tpu.memory_space<hbm>>
    tpu.wait_dma2 semaphore(%arg7 : memref<!tpu.dma_semaphore, #tpu.memory_space<semaphore_mem>>) src(%dma_wait3A_1997 : memref<1x64xf32, #tpu.memory_space<hbm>>) dst(%dma_wait3A_1995 : memref<1x64xf32, #tpu.memory_space<vmem>>)
    %dma_wait3A_1998 = arith.constant 44 : i32
    %dma_wait3A_1999 = arith.constant 0 : i32
    %dma_wait3A_2000 = tpu.memref_slice %arg6[%dma_wait3A_1998, %dma_wait3A_1999] : memref<128x64xf32, #tpu.memory_space<vmem>> -> memref<1x64xf32, #tpu.memory_space<vmem>>
    %dma_wait3A_2001 = arith.constant 0 : i32
    %dma_wait3A_2002 = tpu.memref_slice %arg3[%squeeze3A_537, %dma_wait3A_2001] : memref<100000x64xf32, #tpu.memory_space<hbm>> -> memref<1x64xf32, #tpu.memory_space<hbm>>
    %dma_wait3A_2003 = arith.constant 44 : i32
    %dma_wait3A_2004 = arith.constant 0 : i32
    %dma_wait3A_2005 = tpu.memref_slice %arg6[%dma_wait3A_2003, %dma_wait3A_2004] : memref<128x64xf32, #tpu.memory_space<vmem>> -> memref<1x64xf32, #tpu.memory_space<vmem>>
    %dma_wait3A_2006 = arith.constant 0 : i32
    %dma_wait3A_2007 = tpu.memref_slice %arg3[%squeeze3A_537, %dma_wait3A_2006] : memref<100000x64xf32, #tpu.memory_space<hbm>> -> memref<1x64xf32, #tpu.memory_space<hbm>>
    tpu.wait_dma2 semaphore(%arg7 : memref<!tpu.dma_semaphore, #tpu.memory_space<semaphore_mem>>) src(%dma_wait3A_2007 : memref<1x64xf32, #tpu.memory_space<hbm>>) dst(%dma_wait3A_2005 : memref<1x64xf32, #tpu.memory_space<vmem>>)
    %dma_wait3A_2008 = arith.constant 45 : i32
    %dma_wait3A_2009 = arith.constant 0 : i32
    %dma_wait3A_2010 = tpu.memref_slice %arg6[%dma_wait3A_2008, %dma_wait3A_2009] : memref<128x64xf32, #tpu.memory_space<vmem>> -> memref<1x64xf32, #tpu.memory_space<vmem>>
    %dma_wait3A_2011 = arith.constant 0 : i32
    %dma_wait3A_2012 = tpu.memref_slice %arg3[%squeeze3A_549, %dma_wait3A_2011] : memref<100000x64xf32, #tpu.memory_space<hbm>> -> memref<1x64xf32, #tpu.memory_space<hbm>>
    %dma_wait3A_2013 = arith.constant 45 : i32
    %dma_wait3A_2014 = arith.constant 0 : i32
    %dma_wait3A_2015 = tpu.memref_slice %arg6[%dma_wait3A_2013, %dma_wait3A_2014] : memref<128x64xf32, #tpu.memory_space<vmem>> -> memref<1x64xf32, #tpu.memory_space<vmem>>
    %dma_wait3A_2016 = arith.constant 0 : i32
    %dma_wait3A_2017 = tpu.memref_slice %arg3[%squeeze3A_549, %dma_wait3A_2016] : memref<100000x64xf32, #tpu.memory_space<hbm>> -> memref<1x64xf32, #tpu.memory_space<hbm>>
    tpu.wait_dma2 semaphore(%arg7 : memref<!tpu.dma_semaphore, #tpu.memory_space<semaphore_mem>>) src(%dma_wait3A_2017 : memref<1x64xf32, #tpu.memory_space<hbm>>) dst(%dma_wait3A_2015 : memref<1x64xf32, #tpu.memory_space<vmem>>)
    %dma_wait3A_2018 = arith.constant 46 : i32
    %dma_wait3A_2019 = arith.constant 0 : i32
    %dma_wait3A_2020 = tpu.memref_slice %arg6[%dma_wait3A_2018, %dma_wait3A_2019] : memref<128x64xf32, #tpu.memory_space<vmem>> -> memref<1x64xf32, #tpu.memory_space<vmem>>
    %dma_wait3A_2021 = arith.constant 0 : i32
    %dma_wait3A_2022 = tpu.memref_slice %arg3[%squeeze3A_561, %dma_wait3A_2021] : memref<100000x64xf32, #tpu.memory_space<hbm>> -> memref<1x64xf32, #tpu.memory_space<hbm>>
    %dma_wait3A_2023 = arith.constant 46 : i32
    %dma_wait3A_2024 = arith.constant 0 : i32
    %dma_wait3A_2025 = tpu.memref_slice %arg6[%dma_wait3A_2023, %dma_wait3A_2024] : memref<128x64xf32, #tpu.memory_space<vmem>> -> memref<1x64xf32, #tpu.memory_space<vmem>>
    %dma_wait3A_2026 = arith.constant 0 : i32
    %dma_wait3A_2027 = tpu.memref_slice %arg3[%squeeze3A_561, %dma_wait3A_2026] : memref<100000x64xf32, #tpu.memory_space<hbm>> -> memref<1x64xf32, #tpu.memory_space<hbm>>
    tpu.wait_dma2 semaphore(%arg7 : memref<!tpu.dma_semaphore, #tpu.memory_space<semaphore_mem>>) src(%dma_wait3A_2027 : memref<1x64xf32, #tpu.memory_space<hbm>>) dst(%dma_wait3A_2025 : memref<1x64xf32, #tpu.memory_space<vmem>>)
    %dma_wait3A_2028 = arith.constant 47 : i32
    %dma_wait3A_2029 = arith.constant 0 : i32
    %dma_wait3A_2030 = tpu.memref_slice %arg6[%dma_wait3A_2028, %dma_wait3A_2029] : memref<128x64xf32, #tpu.memory_space<vmem>> -> memref<1x64xf32, #tpu.memory_space<vmem>>
    %dma_wait3A_2031 = arith.constant 0 : i32
    %dma_wait3A_2032 = tpu.memref_slice %arg3[%squeeze3A_573, %dma_wait3A_2031] : memref<100000x64xf32, #tpu.memory_space<hbm>> -> memref<1x64xf32, #tpu.memory_space<hbm>>
    %dma_wait3A_2033 = arith.constant 47 : i32
    %dma_wait3A_2034 = arith.constant 0 : i32
    %dma_wait3A_2035 = tpu.memref_slice %arg6[%dma_wait3A_2033, %dma_wait3A_2034] : memref<128x64xf32, #tpu.memory_space<vmem>> -> memref<1x64xf32, #tpu.memory_space<vmem>>
    %dma_wait3A_2036 = arith.constant 0 : i32
    %dma_wait3A_2037 = tpu.memref_slice %arg3[%squeeze3A_573, %dma_wait3A_2036] : memref<100000x64xf32, #tpu.memory_space<hbm>> -> memref<1x64xf32, #tpu.memory_space<hbm>>
    tpu.wait_dma2 semaphore(%arg7 : memref<!tpu.dma_semaphore, #tpu.memory_space<semaphore_mem>>) src(%dma_wait3A_2037 : memref<1x64xf32, #tpu.memory_space<hbm>>) dst(%dma_wait3A_2035 : memref<1x64xf32, #tpu.memory_space<vmem>>)
    %dma_wait3A_2038 = arith.constant 48 : i32
    %dma_wait3A_2039 = arith.constant 0 : i32
    %dma_wait3A_2040 = tpu.memref_slice %arg6[%dma_wait3A_2038, %dma_wait3A_2039] : memref<128x64xf32, #tpu.memory_space<vmem>> -> memref<1x64xf32, #tpu.memory_space<vmem>>
    %dma_wait3A_2041 = arith.constant 0 : i32
    %dma_wait3A_2042 = tpu.memref_slice %arg3[%squeeze3A_588, %dma_wait3A_2041] : memref<100000x64xf32, #tpu.memory_space<hbm>> -> memref<1x64xf32, #tpu.memory_space<hbm>>
    %dma_wait3A_2043 = arith.constant 48 : i32
    %dma_wait3A_2044 = arith.constant 0 : i32
    %dma_wait3A_2045 = tpu.memref_slice %arg6[%dma_wait3A_2043, %dma_wait3A_2044] : memref<128x64xf32, #tpu.memory_space<vmem>> -> memref<1x64xf32, #tpu.memory_space<vmem>>
    %dma_wait3A_2046 = arith.constant 0 : i32
    %dma_wait3A_2047 = tpu.memref_slice %arg3[%squeeze3A_588, %dma_wait3A_2046] : memref<100000x64xf32, #tpu.memory_space<hbm>> -> memref<1x64xf32, #tpu.memory_space<hbm>>
    tpu.wait_dma2 semaphore(%arg7 : memref<!tpu.dma_semaphore, #tpu.memory_space<semaphore_mem>>) src(%dma_wait3A_2047 : memref<1x64xf32, #tpu.memory_space<hbm>>) dst(%dma_wait3A_2045 : memref<1x64xf32, #tpu.memory_space<vmem>>)
    %dma_wait3A_2048 = arith.constant 49 : i32
    %dma_wait3A_2049 = arith.constant 0 : i32
    %dma_wait3A_2050 = tpu.memref_slice %arg6[%dma_wait3A_2048, %dma_wait3A_2049] : memref<128x64xf32, #tpu.memory_space<vmem>> -> memref<1x64xf32, #tpu.memory_space<vmem>>
    %dma_wait3A_2051 = arith.constant 0 : i32
    %dma_wait3A_2052 = tpu.memref_slice %arg3[%squeeze3A_600, %dma_wait3A_2051] : memref<100000x64xf32, #tpu.memory_space<hbm>> -> memref<1x64xf32, #tpu.memory_space<hbm>>
    %dma_wait3A_2053 = arith.constant 49 : i32
    %dma_wait3A_2054 = arith.constant 0 : i32
    %dma_wait3A_2055 = tpu.memref_slice %arg6[%dma_wait3A_2053, %dma_wait3A_2054] : memref<128x64xf32, #tpu.memory_space<vmem>> -> memref<1x64xf32, #tpu.memory_space<vmem>>
    %dma_wait3A_2056 = arith.constant 0 : i32
    %dma_wait3A_2057 = tpu.memref_slice %arg3[%squeeze3A_600, %dma_wait3A_2056] : memref<100000x64xf32, #tpu.memory_space<hbm>> -> memref<1x64xf32, #tpu.memory_space<hbm>>
    tpu.wait_dma2 semaphore(%arg7 : memref<!tpu.dma_semaphore, #tpu.memory_space<semaphore_mem>>) src(%dma_wait3A_2057 : memref<1x64xf32, #tpu.memory_space<hbm>>) dst(%dma_wait3A_2055 : memref<1x64xf32, #tpu.memory_space<vmem>>)
    %dma_wait3A_2058 = arith.constant 50 : i32
    %dma_wait3A_2059 = arith.constant 0 : i32
    %dma_wait3A_2060 = tpu.memref_slice %arg6[%dma_wait3A_2058, %dma_wait3A_2059] : memref<128x64xf32, #tpu.memory_space<vmem>> -> memref<1x64xf32, #tpu.memory_space<vmem>>
    %dma_wait3A_2061 = arith.constant 0 : i32
    %dma_wait3A_2062 = tpu.memref_slice %arg3[%squeeze3A_612, %dma_wait3A_2061] : memref<100000x64xf32, #tpu.memory_space<hbm>> -> memref<1x64xf32, #tpu.memory_space<hbm>>
    %dma_wait3A_2063 = arith.constant 50 : i32
    %dma_wait3A_2064 = arith.constant 0 : i32
    %dma_wait3A_2065 = tpu.memref_slice %arg6[%dma_wait3A_2063, %dma_wait3A_2064] : memref<128x64xf32, #tpu.memory_space<vmem>> -> memref<1x64xf32, #tpu.memory_space<vmem>>
    %dma_wait3A_2066 = arith.constant 0 : i32
    %dma_wait3A_2067 = tpu.memref_slice %arg3[%squeeze3A_612, %dma_wait3A_2066] : memref<100000x64xf32, #tpu.memory_space<hbm>> -> memref<1x64xf32, #tpu.memory_space<hbm>>
    tpu.wait_dma2 semaphore(%arg7 : memref<!tpu.dma_semaphore, #tpu.memory_space<semaphore_mem>>) src(%dma_wait3A_2067 : memref<1x64xf32, #tpu.memory_space<hbm>>) dst(%dma_wait3A_2065 : memref<1x64xf32, #tpu.memory_space<vmem>>)
    %dma_wait3A_2068 = arith.constant 51 : i32
    %dma_wait3A_2069 = arith.constant 0 : i32
    %dma_wait3A_2070 = tpu.memref_slice %arg6[%dma_wait3A_2068, %dma_wait3A_2069] : memref<128x64xf32, #tpu.memory_space<vmem>> -> memref<1x64xf32, #tpu.memory_space<vmem>>
    %dma_wait3A_2071 = arith.constant 0 : i32
    %dma_wait3A_2072 = tpu.memref_slice %arg3[%squeeze3A_624, %dma_wait3A_2071] : memref<100000x64xf32, #tpu.memory_space<hbm>> -> memref<1x64xf32, #tpu.memory_space<hbm>>
    %dma_wait3A_2073 = arith.constant 51 : i32
    %dma_wait3A_2074 = arith.constant 0 : i32
    %dma_wait3A_2075 = tpu.memref_slice %arg6[%dma_wait3A_2073, %dma_wait3A_2074] : memref<128x64xf32, #tpu.memory_space<vmem>> -> memref<1x64xf32, #tpu.memory_space<vmem>>
    %dma_wait3A_2076 = arith.constant 0 : i32
    %dma_wait3A_2077 = tpu.memref_slice %arg3[%squeeze3A_624, %dma_wait3A_2076] : memref<100000x64xf32, #tpu.memory_space<hbm>> -> memref<1x64xf32, #tpu.memory_space<hbm>>
    tpu.wait_dma2 semaphore(%arg7 : memref<!tpu.dma_semaphore, #tpu.memory_space<semaphore_mem>>) src(%dma_wait3A_2077 : memref<1x64xf32, #tpu.memory_space<hbm>>) dst(%dma_wait3A_2075 : memref<1x64xf32, #tpu.memory_space<vmem>>)
    %dma_wait3A_2078 = arith.constant 52 : i32
    %dma_wait3A_2079 = arith.constant 0 : i32
    %dma_wait3A_2080 = tpu.memref_slice %arg6[%dma_wait3A_2078, %dma_wait3A_2079] : memref<128x64xf32, #tpu.memory_space<vmem>> -> memref<1x64xf32, #tpu.memory_space<vmem>>
    %dma_wait3A_2081 = arith.constant 0 : i32
    %dma_wait3A_2082 = tpu.memref_slice %arg3[%squeeze3A_636, %dma_wait3A_2081] : memref<100000x64xf32, #tpu.memory_space<hbm>> -> memref<1x64xf32, #tpu.memory_space<hbm>>
    %dma_wait3A_2083 = arith.constant 52 : i32
    %dma_wait3A_2084 = arith.constant 0 : i32
    %dma_wait3A_2085 = tpu.memref_slice %arg6[%dma_wait3A_2083, %dma_wait3A_2084] : memref<128x64xf32, #tpu.memory_space<vmem>> -> memref<1x64xf32, #tpu.memory_space<vmem>>
    %dma_wait3A_2086 = arith.constant 0 : i32
    %dma_wait3A_2087 = tpu.memref_slice %arg3[%squeeze3A_636, %dma_wait3A_2086] : memref<100000x64xf32, #tpu.memory_space<hbm>> -> memref<1x64xf32, #tpu.memory_space<hbm>>
    tpu.wait_dma2 semaphore(%arg7 : memref<!tpu.dma_semaphore, #tpu.memory_space<semaphore_mem>>) src(%dma_wait3A_2087 : memref<1x64xf32, #tpu.memory_space<hbm>>) dst(%dma_wait3A_2085 : memref<1x64xf32, #tpu.memory_space<vmem>>)
    %dma_wait3A_2088 = arith.constant 53 : i32
    %dma_wait3A_2089 = arith.constant 0 : i32
    %dma_wait3A_2090 = tpu.memref_slice %arg6[%dma_wait3A_2088, %dma_wait3A_2089] : memref<128x64xf32, #tpu.memory_space<vmem>> -> memref<1x64xf32, #tpu.memory_space<vmem>>
    %dma_wait3A_2091 = arith.constant 0 : i32
    %dma_wait3A_2092 = tpu.memref_slice %arg3[%squeeze3A_648, %dma_wait3A_2091] : memref<100000x64xf32, #tpu.memory_space<hbm>> -> memref<1x64xf32, #tpu.memory_space<hbm>>
    %dma_wait3A_2093 = arith.constant 53 : i32
    %dma_wait3A_2094 = arith.constant 0 : i32
    %dma_wait3A_2095 = tpu.memref_slice %arg6[%dma_wait3A_2093, %dma_wait3A_2094] : memref<128x64xf32, #tpu.memory_space<vmem>> -> memref<1x64xf32, #tpu.memory_space<vmem>>
    %dma_wait3A_2096 = arith.constant 0 : i32
    %dma_wait3A_2097 = tpu.memref_slice %arg3[%squeeze3A_648, %dma_wait3A_2096] : memref<100000x64xf32, #tpu.memory_space<hbm>> -> memref<1x64xf32, #tpu.memory_space<hbm>>
    tpu.wait_dma2 semaphore(%arg7 : memref<!tpu.dma_semaphore, #tpu.memory_space<semaphore_mem>>) src(%dma_wait3A_2097 : memref<1x64xf32, #tpu.memory_space<hbm>>) dst(%dma_wait3A_2095 : memref<1x64xf32, #tpu.memory_space<vmem>>)
    %dma_wait3A_2098 = arith.constant 54 : i32
    %dma_wait3A_2099 = arith.constant 0 : i32
    %dma_wait3A_2100 = tpu.memref_slice %arg6[%dma_wait3A_2098, %dma_wait3A_2099] : memref<128x64xf32, #tpu.memory_space<vmem>> -> memref<1x64xf32, #tpu.memory_space<vmem>>
    %dma_wait3A_2101 = arith.constant 0 : i32
    %dma_wait3A_2102 = tpu.memref_slice %arg3[%squeeze3A_660, %dma_wait3A_2101] : memref<100000x64xf32, #tpu.memory_space<hbm>> -> memref<1x64xf32, #tpu.memory_space<hbm>>
    %dma_wait3A_2103 = arith.constant 54 : i32
    %dma_wait3A_2104 = arith.constant 0 : i32
    %dma_wait3A_2105 = tpu.memref_slice %arg6[%dma_wait3A_2103, %dma_wait3A_2104] : memref<128x64xf32, #tpu.memory_space<vmem>> -> memref<1x64xf32, #tpu.memory_space<vmem>>
    %dma_wait3A_2106 = arith.constant 0 : i32
    %dma_wait3A_2107 = tpu.memref_slice %arg3[%squeeze3A_660, %dma_wait3A_2106] : memref<100000x64xf32, #tpu.memory_space<hbm>> -> memref<1x64xf32, #tpu.memory_space<hbm>>
    tpu.wait_dma2 semaphore(%arg7 : memref<!tpu.dma_semaphore, #tpu.memory_space<semaphore_mem>>) src(%dma_wait3A_2107 : memref<1x64xf32, #tpu.memory_space<hbm>>) dst(%dma_wait3A_2105 : memref<1x64xf32, #tpu.memory_space<vmem>>)
    %dma_wait3A_2108 = arith.constant 55 : i32
    %dma_wait3A_2109 = arith.constant 0 : i32
    %dma_wait3A_2110 = tpu.memref_slice %arg6[%dma_wait3A_2108, %dma_wait3A_2109] : memref<128x64xf32, #tpu.memory_space<vmem>> -> memref<1x64xf32, #tpu.memory_space<vmem>>
    %dma_wait3A_2111 = arith.constant 0 : i32
    %dma_wait3A_2112 = tpu.memref_slice %arg3[%squeeze3A_672, %dma_wait3A_2111] : memref<100000x64xf32, #tpu.memory_space<hbm>> -> memref<1x64xf32, #tpu.memory_space<hbm>>
    %dma_wait3A_2113 = arith.constant 55 : i32
    %dma_wait3A_2114 = arith.constant 0 : i32
    %dma_wait3A_2115 = tpu.memref_slice %arg6[%dma_wait3A_2113, %dma_wait3A_2114] : memref<128x64xf32, #tpu.memory_space<vmem>> -> memref<1x64xf32, #tpu.memory_space<vmem>>
    %dma_wait3A_2116 = arith.constant 0 : i32
    %dma_wait3A_2117 = tpu.memref_slice %arg3[%squeeze3A_672, %dma_wait3A_2116] : memref<100000x64xf32, #tpu.memory_space<hbm>> -> memref<1x64xf32, #tpu.memory_space<hbm>>
    tpu.wait_dma2 semaphore(%arg7 : memref<!tpu.dma_semaphore, #tpu.memory_space<semaphore_mem>>) src(%dma_wait3A_2117 : memref<1x64xf32, #tpu.memory_space<hbm>>) dst(%dma_wait3A_2115 : memref<1x64xf32, #tpu.memory_space<vmem>>)
    %dma_wait3A_2118 = arith.constant 56 : i32
    %dma_wait3A_2119 = arith.constant 0 : i32
    %dma_wait3A_2120 = tpu.memref_slice %arg6[%dma_wait3A_2118, %dma_wait3A_2119] : memref<128x64xf32, #tpu.memory_space<vmem>> -> memref<1x64xf32, #tpu.memory_space<vmem>>
    %dma_wait3A_2121 = arith.constant 0 : i32
    %dma_wait3A_2122 = tpu.memref_slice %arg3[%squeeze3A_684, %dma_wait3A_2121] : memref<100000x64xf32, #tpu.memory_space<hbm>> -> memref<1x64xf32, #tpu.memory_space<hbm>>
    %dma_wait3A_2123 = arith.constant 56 : i32
    %dma_wait3A_2124 = arith.constant 0 : i32
    %dma_wait3A_2125 = tpu.memref_slice %arg6[%dma_wait3A_2123, %dma_wait3A_2124] : memref<128x64xf32, #tpu.memory_space<vmem>> -> memref<1x64xf32, #tpu.memory_space<vmem>>
    %dma_wait3A_2126 = arith.constant 0 : i32
    %dma_wait3A_2127 = tpu.memref_slice %arg3[%squeeze3A_684, %dma_wait3A_2126] : memref<100000x64xf32, #tpu.memory_space<hbm>> -> memref<1x64xf32, #tpu.memory_space<hbm>>
    tpu.wait_dma2 semaphore(%arg7 : memref<!tpu.dma_semaphore, #tpu.memory_space<semaphore_mem>>) src(%dma_wait3A_2127 : memref<1x64xf32, #tpu.memory_space<hbm>>) dst(%dma_wait3A_2125 : memref<1x64xf32, #tpu.memory_space<vmem>>)
    %dma_wait3A_2128 = arith.constant 57 : i32
    %dma_wait3A_2129 = arith.constant 0 : i32
    %dma_wait3A_2130 = tpu.memref_slice %arg6[%dma_wait3A_2128, %dma_wait3A_2129] : memref<128x64xf32, #tpu.memory_space<vmem>> -> memref<1x64xf32, #tpu.memory_space<vmem>>
    %dma_wait3A_2131 = arith.constant 0 : i32
    %dma_wait3A_2132 = tpu.memref_slice %arg3[%squeeze3A_696, %dma_wait3A_2131] : memref<100000x64xf32, #tpu.memory_space<hbm>> -> memref<1x64xf32, #tpu.memory_space<hbm>>
    %dma_wait3A_2133 = arith.constant 57 : i32
    %dma_wait3A_2134 = arith.constant 0 : i32
    %dma_wait3A_2135 = tpu.memref_slice %arg6[%dma_wait3A_2133, %dma_wait3A_2134] : memref<128x64xf32, #tpu.memory_space<vmem>> -> memref<1x64xf32, #tpu.memory_space<vmem>>
    %dma_wait3A_2136 = arith.constant 0 : i32
    %dma_wait3A_2137 = tpu.memref_slice %arg3[%squeeze3A_696, %dma_wait3A_2136] : memref<100000x64xf32, #tpu.memory_space<hbm>> -> memref<1x64xf32, #tpu.memory_space<hbm>>
    tpu.wait_dma2 semaphore(%arg7 : memref<!tpu.dma_semaphore, #tpu.memory_space<semaphore_mem>>) src(%dma_wait3A_2137 : memref<1x64xf32, #tpu.memory_space<hbm>>) dst(%dma_wait3A_2135 : memref<1x64xf32, #tpu.memory_space<vmem>>)
    %dma_wait3A_2138 = arith.constant 58 : i32
    %dma_wait3A_2139 = arith.constant 0 : i32
    %dma_wait3A_2140 = tpu.memref_slice %arg6[%dma_wait3A_2138, %dma_wait3A_2139] : memref<128x64xf32, #tpu.memory_space<vmem>> -> memref<1x64xf32, #tpu.memory_space<vmem>>
    %dma_wait3A_2141 = arith.constant 0 : i32
    %dma_wait3A_2142 = tpu.memref_slice %arg3[%squeeze3A_708, %dma_wait3A_2141] : memref<100000x64xf32, #tpu.memory_space<hbm>> -> memref<1x64xf32, #tpu.memory_space<hbm>>
    %dma_wait3A_2143 = arith.constant 58 : i32
    %dma_wait3A_2144 = arith.constant 0 : i32
    %dma_wait3A_2145 = tpu.memref_slice %arg6[%dma_wait3A_2143, %dma_wait3A_2144] : memref<128x64xf32, #tpu.memory_space<vmem>> -> memref<1x64xf32, #tpu.memory_space<vmem>>
    %dma_wait3A_2146 = arith.constant 0 : i32
    %dma_wait3A_2147 = tpu.memref_slice %arg3[%squeeze3A_708, %dma_wait3A_2146] : memref<100000x64xf32, #tpu.memory_space<hbm>> -> memref<1x64xf32, #tpu.memory_space<hbm>>
    tpu.wait_dma2 semaphore(%arg7 : memref<!tpu.dma_semaphore, #tpu.memory_space<semaphore_mem>>) src(%dma_wait3A_2147 : memref<1x64xf32, #tpu.memory_space<hbm>>) dst(%dma_wait3A_2145 : memref<1x64xf32, #tpu.memory_space<vmem>>)
    %dma_wait3A_2148 = arith.constant 59 : i32
    %dma_wait3A_2149 = arith.constant 0 : i32
    %dma_wait3A_2150 = tpu.memref_slice %arg6[%dma_wait3A_2148, %dma_wait3A_2149] : memref<128x64xf32, #tpu.memory_space<vmem>> -> memref<1x64xf32, #tpu.memory_space<vmem>>
    %dma_wait3A_2151 = arith.constant 0 : i32
    %dma_wait3A_2152 = tpu.memref_slice %arg3[%squeeze3A_720, %dma_wait3A_2151] : memref<100000x64xf32, #tpu.memory_space<hbm>> -> memref<1x64xf32, #tpu.memory_space<hbm>>
    %dma_wait3A_2153 = arith.constant 59 : i32
    %dma_wait3A_2154 = arith.constant 0 : i32
    %dma_wait3A_2155 = tpu.memref_slice %arg6[%dma_wait3A_2153, %dma_wait3A_2154] : memref<128x64xf32, #tpu.memory_space<vmem>> -> memref<1x64xf32, #tpu.memory_space<vmem>>
    %dma_wait3A_2156 = arith.constant 0 : i32
    %dma_wait3A_2157 = tpu.memref_slice %arg3[%squeeze3A_720, %dma_wait3A_2156] : memref<100000x64xf32, #tpu.memory_space<hbm>> -> memref<1x64xf32, #tpu.memory_space<hbm>>
    tpu.wait_dma2 semaphore(%arg7 : memref<!tpu.dma_semaphore, #tpu.memory_space<semaphore_mem>>) src(%dma_wait3A_2157 : memref<1x64xf32, #tpu.memory_space<hbm>>) dst(%dma_wait3A_2155 : memref<1x64xf32, #tpu.memory_space<vmem>>)
    %dma_wait3A_2158 = arith.constant 60 : i32
    %dma_wait3A_2159 = arith.constant 0 : i32
    %dma_wait3A_2160 = tpu.memref_slice %arg6[%dma_wait3A_2158, %dma_wait3A_2159] : memref<128x64xf32, #tpu.memory_space<vmem>> -> memref<1x64xf32, #tpu.memory_space<vmem>>
    %dma_wait3A_2161 = arith.constant 0 : i32
    %dma_wait3A_2162 = tpu.memref_slice %arg3[%squeeze3A_732, %dma_wait3A_2161] : memref<100000x64xf32, #tpu.memory_space<hbm>> -> memref<1x64xf32, #tpu.memory_space<hbm>>
    %dma_wait3A_2163 = arith.constant 60 : i32
    %dma_wait3A_2164 = arith.constant 0 : i32
    %dma_wait3A_2165 = tpu.memref_slice %arg6[%dma_wait3A_2163, %dma_wait3A_2164] : memref<128x64xf32, #tpu.memory_space<vmem>> -> memref<1x64xf32, #tpu.memory_space<vmem>>
    %dma_wait3A_2166 = arith.constant 0 : i32
    %dma_wait3A_2167 = tpu.memref_slice %arg3[%squeeze3A_732, %dma_wait3A_2166] : memref<100000x64xf32, #tpu.memory_space<hbm>> -> memref<1x64xf32, #tpu.memory_space<hbm>>
    tpu.wait_dma2 semaphore(%arg7 : memref<!tpu.dma_semaphore, #tpu.memory_space<semaphore_mem>>) src(%dma_wait3A_2167 : memref<1x64xf32, #tpu.memory_space<hbm>>) dst(%dma_wait3A_2165 : memref<1x64xf32, #tpu.memory_space<vmem>>)
    %dma_wait3A_2168 = arith.constant 61 : i32
    %dma_wait3A_2169 = arith.constant 0 : i32
    %dma_wait3A_2170 = tpu.memref_slice %arg6[%dma_wait3A_2168, %dma_wait3A_2169] : memref<128x64xf32, #tpu.memory_space<vmem>> -> memref<1x64xf32, #tpu.memory_space<vmem>>
    %dma_wait3A_2171 = arith.constant 0 : i32
    %dma_wait3A_2172 = tpu.memref_slice %arg3[%squeeze3A_744, %dma_wait3A_2171] : memref<100000x64xf32, #tpu.memory_space<hbm>> -> memref<1x64xf32, #tpu.memory_space<hbm>>
    %dma_wait3A_2173 = arith.constant 61 : i32
    %dma_wait3A_2174 = arith.constant 0 : i32
    %dma_wait3A_2175 = tpu.memref_slice %arg6[%dma_wait3A_2173, %dma_wait3A_2174] : memref<128x64xf32, #tpu.memory_space<vmem>> -> memref<1x64xf32, #tpu.memory_space<vmem>>
    %dma_wait3A_2176 = arith.constant 0 : i32
    %dma_wait3A_2177 = tpu.memref_slice %arg3[%squeeze3A_744, %dma_wait3A_2176] : memref<100000x64xf32, #tpu.memory_space<hbm>> -> memref<1x64xf32, #tpu.memory_space<hbm>>
    tpu.wait_dma2 semaphore(%arg7 : memref<!tpu.dma_semaphore, #tpu.memory_space<semaphore_mem>>) src(%dma_wait3A_2177 : memref<1x64xf32, #tpu.memory_space<hbm>>) dst(%dma_wait3A_2175 : memref<1x64xf32, #tpu.memory_space<vmem>>)
    %dma_wait3A_2178 = arith.constant 62 : i32
    %dma_wait3A_2179 = arith.constant 0 : i32
    %dma_wait3A_2180 = tpu.memref_slice %arg6[%dma_wait3A_2178, %dma_wait3A_2179] : memref<128x64xf32, #tpu.memory_space<vmem>> -> memref<1x64xf32, #tpu.memory_space<vmem>>
    %dma_wait3A_2181 = arith.constant 0 : i32
    %dma_wait3A_2182 = tpu.memref_slice %arg3[%squeeze3A_756, %dma_wait3A_2181] : memref<100000x64xf32, #tpu.memory_space<hbm>> -> memref<1x64xf32, #tpu.memory_space<hbm>>
    %dma_wait3A_2183 = arith.constant 62 : i32
    %dma_wait3A_2184 = arith.constant 0 : i32
    %dma_wait3A_2185 = tpu.memref_slice %arg6[%dma_wait3A_2183, %dma_wait3A_2184] : memref<128x64xf32, #tpu.memory_space<vmem>> -> memref<1x64xf32, #tpu.memory_space<vmem>>
    %dma_wait3A_2186 = arith.constant 0 : i32
    %dma_wait3A_2187 = tpu.memref_slice %arg3[%squeeze3A_756, %dma_wait3A_2186] : memref<100000x64xf32, #tpu.memory_space<hbm>> -> memref<1x64xf32, #tpu.memory_space<hbm>>
    tpu.wait_dma2 semaphore(%arg7 : memref<!tpu.dma_semaphore, #tpu.memory_space<semaphore_mem>>) src(%dma_wait3A_2187 : memref<1x64xf32, #tpu.memory_space<hbm>>) dst(%dma_wait3A_2185 : memref<1x64xf32, #tpu.memory_space<vmem>>)
    %dma_wait3A_2188 = arith.constant 63 : i32
    %dma_wait3A_2189 = arith.constant 0 : i32
    %dma_wait3A_2190 = tpu.memref_slice %arg6[%dma_wait3A_2188, %dma_wait3A_2189] : memref<128x64xf32, #tpu.memory_space<vmem>> -> memref<1x64xf32, #tpu.memory_space<vmem>>
    %dma_wait3A_2191 = arith.constant 0 : i32
    %dma_wait3A_2192 = tpu.memref_slice %arg3[%squeeze3A_768, %dma_wait3A_2191] : memref<100000x64xf32, #tpu.memory_space<hbm>> -> memref<1x64xf32, #tpu.memory_space<hbm>>
    %dma_wait3A_2193 = arith.constant 63 : i32
    %dma_wait3A_2194 = arith.constant 0 : i32
    %dma_wait3A_2195 = tpu.memref_slice %arg6[%dma_wait3A_2193, %dma_wait3A_2194] : memref<128x64xf32, #tpu.memory_space<vmem>> -> memref<1x64xf32, #tpu.memory_space<vmem>>
    %dma_wait3A_2196 = arith.constant 0 : i32
    %dma_wait3A_2197 = tpu.memref_slice %arg3[%squeeze3A_768, %dma_wait3A_2196] : memref<100000x64xf32, #tpu.memory_space<hbm>> -> memref<1x64xf32, #tpu.memory_space<hbm>>
    tpu.wait_dma2 semaphore(%arg7 : memref<!tpu.dma_semaphore, #tpu.memory_space<semaphore_mem>>) src(%dma_wait3A_2197 : memref<1x64xf32, #tpu.memory_space<hbm>>) dst(%dma_wait3A_2195 : memref<1x64xf32, #tpu.memory_space<vmem>>)
    %dma_wait3A_2198 = arith.constant 64 : i32
    %dma_wait3A_2199 = arith.constant 0 : i32
    %dma_wait3A_2200 = tpu.memref_slice %arg6[%dma_wait3A_2198, %dma_wait3A_2199] : memref<128x64xf32, #tpu.memory_space<vmem>> -> memref<1x64xf32, #tpu.memory_space<vmem>>
    %dma_wait3A_2201 = arith.constant 0 : i32
    %dma_wait3A_2202 = tpu.memref_slice %arg3[%squeeze3A_783, %dma_wait3A_2201] : memref<100000x64xf32, #tpu.memory_space<hbm>> -> memref<1x64xf32, #tpu.memory_space<hbm>>
    %dma_wait3A_2203 = arith.constant 64 : i32
    %dma_wait3A_2204 = arith.constant 0 : i32
    %dma_wait3A_2205 = tpu.memref_slice %arg6[%dma_wait3A_2203, %dma_wait3A_2204] : memref<128x64xf32, #tpu.memory_space<vmem>> -> memref<1x64xf32, #tpu.memory_space<vmem>>
    %dma_wait3A_2206 = arith.constant 0 : i32
    %dma_wait3A_2207 = tpu.memref_slice %arg3[%squeeze3A_783, %dma_wait3A_2206] : memref<100000x64xf32, #tpu.memory_space<hbm>> -> memref<1x64xf32, #tpu.memory_space<hbm>>
    tpu.wait_dma2 semaphore(%arg7 : memref<!tpu.dma_semaphore, #tpu.memory_space<semaphore_mem>>) src(%dma_wait3A_2207 : memref<1x64xf32, #tpu.memory_space<hbm>>) dst(%dma_wait3A_2205 : memref<1x64xf32, #tpu.memory_space<vmem>>)
    %dma_wait3A_2208 = arith.constant 65 : i32
    %dma_wait3A_2209 = arith.constant 0 : i32
    %dma_wait3A_2210 = tpu.memref_slice %arg6[%dma_wait3A_2208, %dma_wait3A_2209] : memref<128x64xf32, #tpu.memory_space<vmem>> -> memref<1x64xf32, #tpu.memory_space<vmem>>
    %dma_wait3A_2211 = arith.constant 0 : i32
    %dma_wait3A_2212 = tpu.memref_slice %arg3[%squeeze3A_795, %dma_wait3A_2211] : memref<100000x64xf32, #tpu.memory_space<hbm>> -> memref<1x64xf32, #tpu.memory_space<hbm>>
    %dma_wait3A_2213 = arith.constant 65 : i32
    %dma_wait3A_2214 = arith.constant 0 : i32
    %dma_wait3A_2215 = tpu.memref_slice %arg6[%dma_wait3A_2213, %dma_wait3A_2214] : memref<128x64xf32, #tpu.memory_space<vmem>> -> memref<1x64xf32, #tpu.memory_space<vmem>>
    %dma_wait3A_2216 = arith.constant 0 : i32
    %dma_wait3A_2217 = tpu.memref_slice %arg3[%squeeze3A_795, %dma_wait3A_2216] : memref<100000x64xf32, #tpu.memory_space<hbm>> -> memref<1x64xf32, #tpu.memory_space<hbm>>
    tpu.wait_dma2 semaphore(%arg7 : memref<!tpu.dma_semaphore, #tpu.memory_space<semaphore_mem>>) src(%dma_wait3A_2217 : memref<1x64xf32, #tpu.memory_space<hbm>>) dst(%dma_wait3A_2215 : memref<1x64xf32, #tpu.memory_space<vmem>>)
    %dma_wait3A_2218 = arith.constant 66 : i32
    %dma_wait3A_2219 = arith.constant 0 : i32
    %dma_wait3A_2220 = tpu.memref_slice %arg6[%dma_wait3A_2218, %dma_wait3A_2219] : memref<128x64xf32, #tpu.memory_space<vmem>> -> memref<1x64xf32, #tpu.memory_space<vmem>>
    %dma_wait3A_2221 = arith.constant 0 : i32
    %dma_wait3A_2222 = tpu.memref_slice %arg3[%squeeze3A_807, %dma_wait3A_2221] : memref<100000x64xf32, #tpu.memory_space<hbm>> -> memref<1x64xf32, #tpu.memory_space<hbm>>
    %dma_wait3A_2223 = arith.constant 66 : i32
    %dma_wait3A_2224 = arith.constant 0 : i32
    %dma_wait3A_2225 = tpu.memref_slice %arg6[%dma_wait3A_2223, %dma_wait3A_2224] : memref<128x64xf32, #tpu.memory_space<vmem>> -> memref<1x64xf32, #tpu.memory_space<vmem>>
    %dma_wait3A_2226 = arith.constant 0 : i32
    %dma_wait3A_2227 = tpu.memref_slice %arg3[%squeeze3A_807, %dma_wait3A_2226] : memref<100000x64xf32, #tpu.memory_space<hbm>> -> memref<1x64xf32, #tpu.memory_space<hbm>>
    tpu.wait_dma2 semaphore(%arg7 : memref<!tpu.dma_semaphore, #tpu.memory_space<semaphore_mem>>) src(%dma_wait3A_2227 : memref<1x64xf32, #tpu.memory_space<hbm>>) dst(%dma_wait3A_2225 : memref<1x64xf32, #tpu.memory_space<vmem>>)
    %dma_wait3A_2228 = arith.constant 67 : i32
    %dma_wait3A_2229 = arith.constant 0 : i32
    %dma_wait3A_2230 = tpu.memref_slice %arg6[%dma_wait3A_2228, %dma_wait3A_2229] : memref<128x64xf32, #tpu.memory_space<vmem>> -> memref<1x64xf32, #tpu.memory_space<vmem>>
    %dma_wait3A_2231 = arith.constant 0 : i32
    %dma_wait3A_2232 = tpu.memref_slice %arg3[%squeeze3A_819, %dma_wait3A_2231] : memref<100000x64xf32, #tpu.memory_space<hbm>> -> memref<1x64xf32, #tpu.memory_space<hbm>>
    %dma_wait3A_2233 = arith.constant 67 : i32
    %dma_wait3A_2234 = arith.constant 0 : i32
    %dma_wait3A_2235 = tpu.memref_slice %arg6[%dma_wait3A_2233, %dma_wait3A_2234] : memref<128x64xf32, #tpu.memory_space<vmem>> -> memref<1x64xf32, #tpu.memory_space<vmem>>
    %dma_wait3A_2236 = arith.constant 0 : i32
    %dma_wait3A_2237 = tpu.memref_slice %arg3[%squeeze3A_819, %dma_wait3A_2236] : memref<100000x64xf32, #tpu.memory_space<hbm>> -> memref<1x64xf32, #tpu.memory_space<hbm>>
    tpu.wait_dma2 semaphore(%arg7 : memref<!tpu.dma_semaphore, #tpu.memory_space<semaphore_mem>>) src(%dma_wait3A_2237 : memref<1x64xf32, #tpu.memory_space<hbm>>) dst(%dma_wait3A_2235 : memref<1x64xf32, #tpu.memory_space<vmem>>)
    %dma_wait3A_2238 = arith.constant 68 : i32
    %dma_wait3A_2239 = arith.constant 0 : i32
    %dma_wait3A_2240 = tpu.memref_slice %arg6[%dma_wait3A_2238, %dma_wait3A_2239] : memref<128x64xf32, #tpu.memory_space<vmem>> -> memref<1x64xf32, #tpu.memory_space<vmem>>
    %dma_wait3A_2241 = arith.constant 0 : i32
    %dma_wait3A_2242 = tpu.memref_slice %arg3[%squeeze3A_831, %dma_wait3A_2241] : memref<100000x64xf32, #tpu.memory_space<hbm>> -> memref<1x64xf32, #tpu.memory_space<hbm>>
    %dma_wait3A_2243 = arith.constant 68 : i32
    %dma_wait3A_2244 = arith.constant 0 : i32
    %dma_wait3A_2245 = tpu.memref_slice %arg6[%dma_wait3A_2243, %dma_wait3A_2244] : memref<128x64xf32, #tpu.memory_space<vmem>> -> memref<1x64xf32, #tpu.memory_space<vmem>>
    %dma_wait3A_2246 = arith.constant 0 : i32
    %dma_wait3A_2247 = tpu.memref_slice %arg3[%squeeze3A_831, %dma_wait3A_2246] : memref<100000x64xf32, #tpu.memory_space<hbm>> -> memref<1x64xf32, #tpu.memory_space<hbm>>
    tpu.wait_dma2 semaphore(%arg7 : memref<!tpu.dma_semaphore, #tpu.memory_space<semaphore_mem>>) src(%dma_wait3A_2247 : memref<1x64xf32, #tpu.memory_space<hbm>>) dst(%dma_wait3A_2245 : memref<1x64xf32, #tpu.memory_space<vmem>>)
    %dma_wait3A_2248 = arith.constant 69 : i32
    %dma_wait3A_2249 = arith.constant 0 : i32
    %dma_wait3A_2250 = tpu.memref_slice %arg6[%dma_wait3A_2248, %dma_wait3A_2249] : memref<128x64xf32, #tpu.memory_space<vmem>> -> memref<1x64xf32, #tpu.memory_space<vmem>>
    %dma_wait3A_2251 = arith.constant 0 : i32
    %dma_wait3A_2252 = tpu.memref_slice %arg3[%squeeze3A_843, %dma_wait3A_2251] : memref<100000x64xf32, #tpu.memory_space<hbm>> -> memref<1x64xf32, #tpu.memory_space<hbm>>
    %dma_wait3A_2253 = arith.constant 69 : i32
    %dma_wait3A_2254 = arith.constant 0 : i32
    %dma_wait3A_2255 = tpu.memref_slice %arg6[%dma_wait3A_2253, %dma_wait3A_2254] : memref<128x64xf32, #tpu.memory_space<vmem>> -> memref<1x64xf32, #tpu.memory_space<vmem>>
    %dma_wait3A_2256 = arith.constant 0 : i32
    %dma_wait3A_2257 = tpu.memref_slice %arg3[%squeeze3A_843, %dma_wait3A_2256] : memref<100000x64xf32, #tpu.memory_space<hbm>> -> memref<1x64xf32, #tpu.memory_space<hbm>>
    tpu.wait_dma2 semaphore(%arg7 : memref<!tpu.dma_semaphore, #tpu.memory_space<semaphore_mem>>) src(%dma_wait3A_2257 : memref<1x64xf32, #tpu.memory_space<hbm>>) dst(%dma_wait3A_2255 : memref<1x64xf32, #tpu.memory_space<vmem>>)
    %dma_wait3A_2258 = arith.constant 70 : i32
    %dma_wait3A_2259 = arith.constant 0 : i32
    %dma_wait3A_2260 = tpu.memref_slice %arg6[%dma_wait3A_2258, %dma_wait3A_2259] : memref<128x64xf32, #tpu.memory_space<vmem>> -> memref<1x64xf32, #tpu.memory_space<vmem>>
    %dma_wait3A_2261 = arith.constant 0 : i32
    %dma_wait3A_2262 = tpu.memref_slice %arg3[%squeeze3A_855, %dma_wait3A_2261] : memref<100000x64xf32, #tpu.memory_space<hbm>> -> memref<1x64xf32, #tpu.memory_space<hbm>>
    %dma_wait3A_2263 = arith.constant 70 : i32
    %dma_wait3A_2264 = arith.constant 0 : i32
    %dma_wait3A_2265 = tpu.memref_slice %arg6[%dma_wait3A_2263, %dma_wait3A_2264] : memref<128x64xf32, #tpu.memory_space<vmem>> -> memref<1x64xf32, #tpu.memory_space<vmem>>
    %dma_wait3A_2266 = arith.constant 0 : i32
    %dma_wait3A_2267 = tpu.memref_slice %arg3[%squeeze3A_855, %dma_wait3A_2266] : memref<100000x64xf32, #tpu.memory_space<hbm>> -> memref<1x64xf32, #tpu.memory_space<hbm>>
    tpu.wait_dma2 semaphore(%arg7 : memref<!tpu.dma_semaphore, #tpu.memory_space<semaphore_mem>>) src(%dma_wait3A_2267 : memref<1x64xf32, #tpu.memory_space<hbm>>) dst(%dma_wait3A_2265 : memref<1x64xf32, #tpu.memory_space<vmem>>)
    %dma_wait3A_2268 = arith.constant 71 : i32
    %dma_wait3A_2269 = arith.constant 0 : i32
    %dma_wait3A_2270 = tpu.memref_slice %arg6[%dma_wait3A_2268, %dma_wait3A_2269] : memref<128x64xf32, #tpu.memory_space<vmem>> -> memref<1x64xf32, #tpu.memory_space<vmem>>
    %dma_wait3A_2271 = arith.constant 0 : i32
    %dma_wait3A_2272 = tpu.memref_slice %arg3[%squeeze3A_867, %dma_wait3A_2271] : memref<100000x64xf32, #tpu.memory_space<hbm>> -> memref<1x64xf32, #tpu.memory_space<hbm>>
    %dma_wait3A_2273 = arith.constant 71 : i32
    %dma_wait3A_2274 = arith.constant 0 : i32
    %dma_wait3A_2275 = tpu.memref_slice %arg6[%dma_wait3A_2273, %dma_wait3A_2274] : memref<128x64xf32, #tpu.memory_space<vmem>> -> memref<1x64xf32, #tpu.memory_space<vmem>>
    %dma_wait3A_2276 = arith.constant 0 : i32
    %dma_wait3A_2277 = tpu.memref_slice %arg3[%squeeze3A_867, %dma_wait3A_2276] : memref<100000x64xf32, #tpu.memory_space<hbm>> -> memref<1x64xf32, #tpu.memory_space<hbm>>
    tpu.wait_dma2 semaphore(%arg7 : memref<!tpu.dma_semaphore, #tpu.memory_space<semaphore_mem>>) src(%dma_wait3A_2277 : memref<1x64xf32, #tpu.memory_space<hbm>>) dst(%dma_wait3A_2275 : memref<1x64xf32, #tpu.memory_space<vmem>>)
    %dma_wait3A_2278 = arith.constant 72 : i32
    %dma_wait3A_2279 = arith.constant 0 : i32
    %dma_wait3A_2280 = tpu.memref_slice %arg6[%dma_wait3A_2278, %dma_wait3A_2279] : memref<128x64xf32, #tpu.memory_space<vmem>> -> memref<1x64xf32, #tpu.memory_space<vmem>>
    %dma_wait3A_2281 = arith.constant 0 : i32
    %dma_wait3A_2282 = tpu.memref_slice %arg3[%squeeze3A_879, %dma_wait3A_2281] : memref<100000x64xf32, #tpu.memory_space<hbm>> -> memref<1x64xf32, #tpu.memory_space<hbm>>
    %dma_wait3A_2283 = arith.constant 72 : i32
    %dma_wait3A_2284 = arith.constant 0 : i32
    %dma_wait3A_2285 = tpu.memref_slice %arg6[%dma_wait3A_2283, %dma_wait3A_2284] : memref<128x64xf32, #tpu.memory_space<vmem>> -> memref<1x64xf32, #tpu.memory_space<vmem>>
    %dma_wait3A_2286 = arith.constant 0 : i32
    %dma_wait3A_2287 = tpu.memref_slice %arg3[%squeeze3A_879, %dma_wait3A_2286] : memref<100000x64xf32, #tpu.memory_space<hbm>> -> memref<1x64xf32, #tpu.memory_space<hbm>>
    tpu.wait_dma2 semaphore(%arg7 : memref<!tpu.dma_semaphore, #tpu.memory_space<semaphore_mem>>) src(%dma_wait3A_2287 : memref<1x64xf32, #tpu.memory_space<hbm>>) dst(%dma_wait3A_2285 : memref<1x64xf32, #tpu.memory_space<vmem>>)
    %dma_wait3A_2288 = arith.constant 73 : i32
    %dma_wait3A_2289 = arith.constant 0 : i32
    %dma_wait3A_2290 = tpu.memref_slice %arg6[%dma_wait3A_2288, %dma_wait3A_2289] : memref<128x64xf32, #tpu.memory_space<vmem>> -> memref<1x64xf32, #tpu.memory_space<vmem>>
    %dma_wait3A_2291 = arith.constant 0 : i32
    %dma_wait3A_2292 = tpu.memref_slice %arg3[%squeeze3A_891, %dma_wait3A_2291] : memref<100000x64xf32, #tpu.memory_space<hbm>> -> memref<1x64xf32, #tpu.memory_space<hbm>>
    %dma_wait3A_2293 = arith.constant 73 : i32
    %dma_wait3A_2294 = arith.constant 0 : i32
    %dma_wait3A_2295 = tpu.memref_slice %arg6[%dma_wait3A_2293, %dma_wait3A_2294] : memref<128x64xf32, #tpu.memory_space<vmem>> -> memref<1x64xf32, #tpu.memory_space<vmem>>
    %dma_wait3A_2296 = arith.constant 0 : i32
    %dma_wait3A_2297 = tpu.memref_slice %arg3[%squeeze3A_891, %dma_wait3A_2296] : memref<100000x64xf32, #tpu.memory_space<hbm>> -> memref<1x64xf32, #tpu.memory_space<hbm>>
    tpu.wait_dma2 semaphore(%arg7 : memref<!tpu.dma_semaphore, #tpu.memory_space<semaphore_mem>>) src(%dma_wait3A_2297 : memref<1x64xf32, #tpu.memory_space<hbm>>) dst(%dma_wait3A_2295 : memref<1x64xf32, #tpu.memory_space<vmem>>)
    %dma_wait3A_2298 = arith.constant 74 : i32
    %dma_wait3A_2299 = arith.constant 0 : i32
    %dma_wait3A_2300 = tpu.memref_slice %arg6[%dma_wait3A_2298, %dma_wait3A_2299] : memref<128x64xf32, #tpu.memory_space<vmem>> -> memref<1x64xf32, #tpu.memory_space<vmem>>
    %dma_wait3A_2301 = arith.constant 0 : i32
    %dma_wait3A_2302 = tpu.memref_slice %arg3[%squeeze3A_903, %dma_wait3A_2301] : memref<100000x64xf32, #tpu.memory_space<hbm>> -> memref<1x64xf32, #tpu.memory_space<hbm>>
    %dma_wait3A_2303 = arith.constant 74 : i32
    %dma_wait3A_2304 = arith.constant 0 : i32
    %dma_wait3A_2305 = tpu.memref_slice %arg6[%dma_wait3A_2303, %dma_wait3A_2304] : memref<128x64xf32, #tpu.memory_space<vmem>> -> memref<1x64xf32, #tpu.memory_space<vmem>>
    %dma_wait3A_2306 = arith.constant 0 : i32
    %dma_wait3A_2307 = tpu.memref_slice %arg3[%squeeze3A_903, %dma_wait3A_2306] : memref<100000x64xf32, #tpu.memory_space<hbm>> -> memref<1x64xf32, #tpu.memory_space<hbm>>
    tpu.wait_dma2 semaphore(%arg7 : memref<!tpu.dma_semaphore, #tpu.memory_space<semaphore_mem>>) src(%dma_wait3A_2307 : memref<1x64xf32, #tpu.memory_space<hbm>>) dst(%dma_wait3A_2305 : memref<1x64xf32, #tpu.memory_space<vmem>>)
    %dma_wait3A_2308 = arith.constant 75 : i32
    %dma_wait3A_2309 = arith.constant 0 : i32
    %dma_wait3A_2310 = tpu.memref_slice %arg6[%dma_wait3A_2308, %dma_wait3A_2309] : memref<128x64xf32, #tpu.memory_space<vmem>> -> memref<1x64xf32, #tpu.memory_space<vmem>>
    %dma_wait3A_2311 = arith.constant 0 : i32
    %dma_wait3A_2312 = tpu.memref_slice %arg3[%squeeze3A_915, %dma_wait3A_2311] : memref<100000x64xf32, #tpu.memory_space<hbm>> -> memref<1x64xf32, #tpu.memory_space<hbm>>
    %dma_wait3A_2313 = arith.constant 75 : i32
    %dma_wait3A_2314 = arith.constant 0 : i32
    %dma_wait3A_2315 = tpu.memref_slice %arg6[%dma_wait3A_2313, %dma_wait3A_2314] : memref<128x64xf32, #tpu.memory_space<vmem>> -> memref<1x64xf32, #tpu.memory_space<vmem>>
    %dma_wait3A_2316 = arith.constant 0 : i32
    %dma_wait3A_2317 = tpu.memref_slice %arg3[%squeeze3A_915, %dma_wait3A_2316] : memref<100000x64xf32, #tpu.memory_space<hbm>> -> memref<1x64xf32, #tpu.memory_space<hbm>>
    tpu.wait_dma2 semaphore(%arg7 : memref<!tpu.dma_semaphore, #tpu.memory_space<semaphore_mem>>) src(%dma_wait3A_2317 : memref<1x64xf32, #tpu.memory_space<hbm>>) dst(%dma_wait3A_2315 : memref<1x64xf32, #tpu.memory_space<vmem>>)
    %dma_wait3A_2318 = arith.constant 76 : i32
    %dma_wait3A_2319 = arith.constant 0 : i32
    %dma_wait3A_2320 = tpu.memref_slice %arg6[%dma_wait3A_2318, %dma_wait3A_2319] : memref<128x64xf32, #tpu.memory_space<vmem>> -> memref<1x64xf32, #tpu.memory_space<vmem>>
    %dma_wait3A_2321 = arith.constant 0 : i32
    %dma_wait3A_2322 = tpu.memref_slice %arg3[%squeeze3A_927, %dma_wait3A_2321] : memref<100000x64xf32, #tpu.memory_space<hbm>> -> memref<1x64xf32, #tpu.memory_space<hbm>>
    %dma_wait3A_2323 = arith.constant 76 : i32
    %dma_wait3A_2324 = arith.constant 0 : i32
    %dma_wait3A_2325 = tpu.memref_slice %arg6[%dma_wait3A_2323, %dma_wait3A_2324] : memref<128x64xf32, #tpu.memory_space<vmem>> -> memref<1x64xf32, #tpu.memory_space<vmem>>
    %dma_wait3A_2326 = arith.constant 0 : i32
    %dma_wait3A_2327 = tpu.memref_slice %arg3[%squeeze3A_927, %dma_wait3A_2326] : memref<100000x64xf32, #tpu.memory_space<hbm>> -> memref<1x64xf32, #tpu.memory_space<hbm>>
    tpu.wait_dma2 semaphore(%arg7 : memref<!tpu.dma_semaphore, #tpu.memory_space<semaphore_mem>>) src(%dma_wait3A_2327 : memref<1x64xf32, #tpu.memory_space<hbm>>) dst(%dma_wait3A_2325 : memref<1x64xf32, #tpu.memory_space<vmem>>)
    %dma_wait3A_2328 = arith.constant 77 : i32
    %dma_wait3A_2329 = arith.constant 0 : i32
    %dma_wait3A_2330 = tpu.memref_slice %arg6[%dma_wait3A_2328, %dma_wait3A_2329] : memref<128x64xf32, #tpu.memory_space<vmem>> -> memref<1x64xf32, #tpu.memory_space<vmem>>
    %dma_wait3A_2331 = arith.constant 0 : i32
    %dma_wait3A_2332 = tpu.memref_slice %arg3[%squeeze3A_939, %dma_wait3A_2331] : memref<100000x64xf32, #tpu.memory_space<hbm>> -> memref<1x64xf32, #tpu.memory_space<hbm>>
    %dma_wait3A_2333 = arith.constant 77 : i32
    %dma_wait3A_2334 = arith.constant 0 : i32
    %dma_wait3A_2335 = tpu.memref_slice %arg6[%dma_wait3A_2333, %dma_wait3A_2334] : memref<128x64xf32, #tpu.memory_space<vmem>> -> memref<1x64xf32, #tpu.memory_space<vmem>>
    %dma_wait3A_2336 = arith.constant 0 : i32
    %dma_wait3A_2337 = tpu.memref_slice %arg3[%squeeze3A_939, %dma_wait3A_2336] : memref<100000x64xf32, #tpu.memory_space<hbm>> -> memref<1x64xf32, #tpu.memory_space<hbm>>
    tpu.wait_dma2 semaphore(%arg7 : memref<!tpu.dma_semaphore, #tpu.memory_space<semaphore_mem>>) src(%dma_wait3A_2337 : memref<1x64xf32, #tpu.memory_space<hbm>>) dst(%dma_wait3A_2335 : memref<1x64xf32, #tpu.memory_space<vmem>>)
    %dma_wait3A_2338 = arith.constant 78 : i32
    %dma_wait3A_2339 = arith.constant 0 : i32
    %dma_wait3A_2340 = tpu.memref_slice %arg6[%dma_wait3A_2338, %dma_wait3A_2339] : memref<128x64xf32, #tpu.memory_space<vmem>> -> memref<1x64xf32, #tpu.memory_space<vmem>>
    %dma_wait3A_2341 = arith.constant 0 : i32
    %dma_wait3A_2342 = tpu.memref_slice %arg3[%squeeze3A_951, %dma_wait3A_2341] : memref<100000x64xf32, #tpu.memory_space<hbm>> -> memref<1x64xf32, #tpu.memory_space<hbm>>
    %dma_wait3A_2343 = arith.constant 78 : i32
    %dma_wait3A_2344 = arith.constant 0 : i32
    %dma_wait3A_2345 = tpu.memref_slice %arg6[%dma_wait3A_2343, %dma_wait3A_2344] : memref<128x64xf32, #tpu.memory_space<vmem>> -> memref<1x64xf32, #tpu.memory_space<vmem>>
    %dma_wait3A_2346 = arith.constant 0 : i32
    %dma_wait3A_2347 = tpu.memref_slice %arg3[%squeeze3A_951, %dma_wait3A_2346] : memref<100000x64xf32, #tpu.memory_space<hbm>> -> memref<1x64xf32, #tpu.memory_space<hbm>>
    tpu.wait_dma2 semaphore(%arg7 : memref<!tpu.dma_semaphore, #tpu.memory_space<semaphore_mem>>) src(%dma_wait3A_2347 : memref<1x64xf32, #tpu.memory_space<hbm>>) dst(%dma_wait3A_2345 : memref<1x64xf32, #tpu.memory_space<vmem>>)
    %dma_wait3A_2348 = arith.constant 79 : i32
    %dma_wait3A_2349 = arith.constant 0 : i32
    %dma_wait3A_2350 = tpu.memref_slice %arg6[%dma_wait3A_2348, %dma_wait3A_2349] : memref<128x64xf32, #tpu.memory_space<vmem>> -> memref<1x64xf32, #tpu.memory_space<vmem>>
    %dma_wait3A_2351 = arith.constant 0 : i32
    %dma_wait3A_2352 = tpu.memref_slice %arg3[%squeeze3A_963, %dma_wait3A_2351] : memref<100000x64xf32, #tpu.memory_space<hbm>> -> memref<1x64xf32, #tpu.memory_space<hbm>>
    %dma_wait3A_2353 = arith.constant 79 : i32
    %dma_wait3A_2354 = arith.constant 0 : i32
    %dma_wait3A_2355 = tpu.memref_slice %arg6[%dma_wait3A_2353, %dma_wait3A_2354] : memref<128x64xf32, #tpu.memory_space<vmem>> -> memref<1x64xf32, #tpu.memory_space<vmem>>
    %dma_wait3A_2356 = arith.constant 0 : i32
    %dma_wait3A_2357 = tpu.memref_slice %arg3[%squeeze3A_963, %dma_wait3A_2356] : memref<100000x64xf32, #tpu.memory_space<hbm>> -> memref<1x64xf32, #tpu.memory_space<hbm>>
    tpu.wait_dma2 semaphore(%arg7 : memref<!tpu.dma_semaphore, #tpu.memory_space<semaphore_mem>>) src(%dma_wait3A_2357 : memref<1x64xf32, #tpu.memory_space<hbm>>) dst(%dma_wait3A_2355 : memref<1x64xf32, #tpu.memory_space<vmem>>)
    %dma_wait3A_2358 = arith.constant 80 : i32
    %dma_wait3A_2359 = arith.constant 0 : i32
    %dma_wait3A_2360 = tpu.memref_slice %arg6[%dma_wait3A_2358, %dma_wait3A_2359] : memref<128x64xf32, #tpu.memory_space<vmem>> -> memref<1x64xf32, #tpu.memory_space<vmem>>
    %dma_wait3A_2361 = arith.constant 0 : i32
    %dma_wait3A_2362 = tpu.memref_slice %arg3[%squeeze3A_978, %dma_wait3A_2361] : memref<100000x64xf32, #tpu.memory_space<hbm>> -> memref<1x64xf32, #tpu.memory_space<hbm>>
    %dma_wait3A_2363 = arith.constant 80 : i32
    %dma_wait3A_2364 = arith.constant 0 : i32
    %dma_wait3A_2365 = tpu.memref_slice %arg6[%dma_wait3A_2363, %dma_wait3A_2364] : memref<128x64xf32, #tpu.memory_space<vmem>> -> memref<1x64xf32, #tpu.memory_space<vmem>>
    %dma_wait3A_2366 = arith.constant 0 : i32
    %dma_wait3A_2367 = tpu.memref_slice %arg3[%squeeze3A_978, %dma_wait3A_2366] : memref<100000x64xf32, #tpu.memory_space<hbm>> -> memref<1x64xf32, #tpu.memory_space<hbm>>
    tpu.wait_dma2 semaphore(%arg7 : memref<!tpu.dma_semaphore, #tpu.memory_space<semaphore_mem>>) src(%dma_wait3A_2367 : memref<1x64xf32, #tpu.memory_space<hbm>>) dst(%dma_wait3A_2365 : memref<1x64xf32, #tpu.memory_space<vmem>>)
    %dma_wait3A_2368 = arith.constant 81 : i32
    %dma_wait3A_2369 = arith.constant 0 : i32
    %dma_wait3A_2370 = tpu.memref_slice %arg6[%dma_wait3A_2368, %dma_wait3A_2369] : memref<128x64xf32, #tpu.memory_space<vmem>> -> memref<1x64xf32, #tpu.memory_space<vmem>>
    %dma_wait3A_2371 = arith.constant 0 : i32
    %dma_wait3A_2372 = tpu.memref_slice %arg3[%squeeze3A_990, %dma_wait3A_2371] : memref<100000x64xf32, #tpu.memory_space<hbm>> -> memref<1x64xf32, #tpu.memory_space<hbm>>
    %dma_wait3A_2373 = arith.constant 81 : i32
    %dma_wait3A_2374 = arith.constant 0 : i32
    %dma_wait3A_2375 = tpu.memref_slice %arg6[%dma_wait3A_2373, %dma_wait3A_2374] : memref<128x64xf32, #tpu.memory_space<vmem>> -> memref<1x64xf32, #tpu.memory_space<vmem>>
    %dma_wait3A_2376 = arith.constant 0 : i32
    %dma_wait3A_2377 = tpu.memref_slice %arg3[%squeeze3A_990, %dma_wait3A_2376] : memref<100000x64xf32, #tpu.memory_space<hbm>> -> memref<1x64xf32, #tpu.memory_space<hbm>>
    tpu.wait_dma2 semaphore(%arg7 : memref<!tpu.dma_semaphore, #tpu.memory_space<semaphore_mem>>) src(%dma_wait3A_2377 : memref<1x64xf32, #tpu.memory_space<hbm>>) dst(%dma_wait3A_2375 : memref<1x64xf32, #tpu.memory_space<vmem>>)
    %dma_wait3A_2378 = arith.constant 82 : i32
    %dma_wait3A_2379 = arith.constant 0 : i32
    %dma_wait3A_2380 = tpu.memref_slice %arg6[%dma_wait3A_2378, %dma_wait3A_2379] : memref<128x64xf32, #tpu.memory_space<vmem>> -> memref<1x64xf32, #tpu.memory_space<vmem>>
    %dma_wait3A_2381 = arith.constant 0 : i32
    %dma_wait3A_2382 = tpu.memref_slice %arg3[%squeeze3A_1002, %dma_wait3A_2381] : memref<100000x64xf32, #tpu.memory_space<hbm>> -> memref<1x64xf32, #tpu.memory_space<hbm>>
    %dma_wait3A_2383 = arith.constant 82 : i32
    %dma_wait3A_2384 = arith.constant 0 : i32
    %dma_wait3A_2385 = tpu.memref_slice %arg6[%dma_wait3A_2383, %dma_wait3A_2384] : memref<128x64xf32, #tpu.memory_space<vmem>> -> memref<1x64xf32, #tpu.memory_space<vmem>>
    %dma_wait3A_2386 = arith.constant 0 : i32
    %dma_wait3A_2387 = tpu.memref_slice %arg3[%squeeze3A_1002, %dma_wait3A_2386] : memref<100000x64xf32, #tpu.memory_space<hbm>> -> memref<1x64xf32, #tpu.memory_space<hbm>>
    tpu.wait_dma2 semaphore(%arg7 : memref<!tpu.dma_semaphore, #tpu.memory_space<semaphore_mem>>) src(%dma_wait3A_2387 : memref<1x64xf32, #tpu.memory_space<hbm>>) dst(%dma_wait3A_2385 : memref<1x64xf32, #tpu.memory_space<vmem>>)
    %dma_wait3A_2388 = arith.constant 83 : i32
    %dma_wait3A_2389 = arith.constant 0 : i32
    %dma_wait3A_2390 = tpu.memref_slice %arg6[%dma_wait3A_2388, %dma_wait3A_2389] : memref<128x64xf32, #tpu.memory_space<vmem>> -> memref<1x64xf32, #tpu.memory_space<vmem>>
    %dma_wait3A_2391 = arith.constant 0 : i32
    %dma_wait3A_2392 = tpu.memref_slice %arg3[%squeeze3A_1014, %dma_wait3A_2391] : memref<100000x64xf32, #tpu.memory_space<hbm>> -> memref<1x64xf32, #tpu.memory_space<hbm>>
    %dma_wait3A_2393 = arith.constant 83 : i32
    %dma_wait3A_2394 = arith.constant 0 : i32
    %dma_wait3A_2395 = tpu.memref_slice %arg6[%dma_wait3A_2393, %dma_wait3A_2394] : memref<128x64xf32, #tpu.memory_space<vmem>> -> memref<1x64xf32, #tpu.memory_space<vmem>>
    %dma_wait3A_2396 = arith.constant 0 : i32
    %dma_wait3A_2397 = tpu.memref_slice %arg3[%squeeze3A_1014, %dma_wait3A_2396] : memref<100000x64xf32, #tpu.memory_space<hbm>> -> memref<1x64xf32, #tpu.memory_space<hbm>>
    tpu.wait_dma2 semaphore(%arg7 : memref<!tpu.dma_semaphore, #tpu.memory_space<semaphore_mem>>) src(%dma_wait3A_2397 : memref<1x64xf32, #tpu.memory_space<hbm>>) dst(%dma_wait3A_2395 : memref<1x64xf32, #tpu.memory_space<vmem>>)
    %dma_wait3A_2398 = arith.constant 84 : i32
    %dma_wait3A_2399 = arith.constant 0 : i32
    %dma_wait3A_2400 = tpu.memref_slice %arg6[%dma_wait3A_2398, %dma_wait3A_2399] : memref<128x64xf32, #tpu.memory_space<vmem>> -> memref<1x64xf32, #tpu.memory_space<vmem>>
    %dma_wait3A_2401 = arith.constant 0 : i32
    %dma_wait3A_2402 = tpu.memref_slice %arg3[%squeeze3A_1026, %dma_wait3A_2401] : memref<100000x64xf32, #tpu.memory_space<hbm>> -> memref<1x64xf32, #tpu.memory_space<hbm>>
    %dma_wait3A_2403 = arith.constant 84 : i32
    %dma_wait3A_2404 = arith.constant 0 : i32
    %dma_wait3A_2405 = tpu.memref_slice %arg6[%dma_wait3A_2403, %dma_wait3A_2404] : memref<128x64xf32, #tpu.memory_space<vmem>> -> memref<1x64xf32, #tpu.memory_space<vmem>>
    %dma_wait3A_2406 = arith.constant 0 : i32
    %dma_wait3A_2407 = tpu.memref_slice %arg3[%squeeze3A_1026, %dma_wait3A_2406] : memref<100000x64xf32, #tpu.memory_space<hbm>> -> memref<1x64xf32, #tpu.memory_space<hbm>>
    tpu.wait_dma2 semaphore(%arg7 : memref<!tpu.dma_semaphore, #tpu.memory_space<semaphore_mem>>) src(%dma_wait3A_2407 : memref<1x64xf32, #tpu.memory_space<hbm>>) dst(%dma_wait3A_2405 : memref<1x64xf32, #tpu.memory_space<vmem>>)
    %dma_wait3A_2408 = arith.constant 85 : i32
    %dma_wait3A_2409 = arith.constant 0 : i32
    %dma_wait3A_2410 = tpu.memref_slice %arg6[%dma_wait3A_2408, %dma_wait3A_2409] : memref<128x64xf32, #tpu.memory_space<vmem>> -> memref<1x64xf32, #tpu.memory_space<vmem>>
    %dma_wait3A_2411 = arith.constant 0 : i32
    %dma_wait3A_2412 = tpu.memref_slice %arg3[%squeeze3A_1038, %dma_wait3A_2411] : memref<100000x64xf32, #tpu.memory_space<hbm>> -> memref<1x64xf32, #tpu.memory_space<hbm>>
    %dma_wait3A_2413 = arith.constant 85 : i32
    %dma_wait3A_2414 = arith.constant 0 : i32
    %dma_wait3A_2415 = tpu.memref_slice %arg6[%dma_wait3A_2413, %dma_wait3A_2414] : memref<128x64xf32, #tpu.memory_space<vmem>> -> memref<1x64xf32, #tpu.memory_space<vmem>>
    %dma_wait3A_2416 = arith.constant 0 : i32
    %dma_wait3A_2417 = tpu.memref_slice %arg3[%squeeze3A_1038, %dma_wait3A_2416] : memref<100000x64xf32, #tpu.memory_space<hbm>> -> memref<1x64xf32, #tpu.memory_space<hbm>>
    tpu.wait_dma2 semaphore(%arg7 : memref<!tpu.dma_semaphore, #tpu.memory_space<semaphore_mem>>) src(%dma_wait3A_2417 : memref<1x64xf32, #tpu.memory_space<hbm>>) dst(%dma_wait3A_2415 : memref<1x64xf32, #tpu.memory_space<vmem>>)
    %dma_wait3A_2418 = arith.constant 86 : i32
    %dma_wait3A_2419 = arith.constant 0 : i32
    %dma_wait3A_2420 = tpu.memref_slice %arg6[%dma_wait3A_2418, %dma_wait3A_2419] : memref<128x64xf32, #tpu.memory_space<vmem>> -> memref<1x64xf32, #tpu.memory_space<vmem>>
    %dma_wait3A_2421 = arith.constant 0 : i32
    %dma_wait3A_2422 = tpu.memref_slice %arg3[%squeeze3A_1050, %dma_wait3A_2421] : memref<100000x64xf32, #tpu.memory_space<hbm>> -> memref<1x64xf32, #tpu.memory_space<hbm>>
    %dma_wait3A_2423 = arith.constant 86 : i32
    %dma_wait3A_2424 = arith.constant 0 : i32
    %dma_wait3A_2425 = tpu.memref_slice %arg6[%dma_wait3A_2423, %dma_wait3A_2424] : memref<128x64xf32, #tpu.memory_space<vmem>> -> memref<1x64xf32, #tpu.memory_space<vmem>>
    %dma_wait3A_2426 = arith.constant 0 : i32
    %dma_wait3A_2427 = tpu.memref_slice %arg3[%squeeze3A_1050, %dma_wait3A_2426] : memref<100000x64xf32, #tpu.memory_space<hbm>> -> memref<1x64xf32, #tpu.memory_space<hbm>>
    tpu.wait_dma2 semaphore(%arg7 : memref<!tpu.dma_semaphore, #tpu.memory_space<semaphore_mem>>) src(%dma_wait3A_2427 : memref<1x64xf32, #tpu.memory_space<hbm>>) dst(%dma_wait3A_2425 : memref<1x64xf32, #tpu.memory_space<vmem>>)
    %dma_wait3A_2428 = arith.constant 87 : i32
    %dma_wait3A_2429 = arith.constant 0 : i32
    %dma_wait3A_2430 = tpu.memref_slice %arg6[%dma_wait3A_2428, %dma_wait3A_2429] : memref<128x64xf32, #tpu.memory_space<vmem>> -> memref<1x64xf32, #tpu.memory_space<vmem>>
    %dma_wait3A_2431 = arith.constant 0 : i32
    %dma_wait3A_2432 = tpu.memref_slice %arg3[%squeeze3A_1062, %dma_wait3A_2431] : memref<100000x64xf32, #tpu.memory_space<hbm>> -> memref<1x64xf32, #tpu.memory_space<hbm>>
    %dma_wait3A_2433 = arith.constant 87 : i32
    %dma_wait3A_2434 = arith.constant 0 : i32
    %dma_wait3A_2435 = tpu.memref_slice %arg6[%dma_wait3A_2433, %dma_wait3A_2434] : memref<128x64xf32, #tpu.memory_space<vmem>> -> memref<1x64xf32, #tpu.memory_space<vmem>>
    %dma_wait3A_2436 = arith.constant 0 : i32
    %dma_wait3A_2437 = tpu.memref_slice %arg3[%squeeze3A_1062, %dma_wait3A_2436] : memref<100000x64xf32, #tpu.memory_space<hbm>> -> memref<1x64xf32, #tpu.memory_space<hbm>>
    tpu.wait_dma2 semaphore(%arg7 : memref<!tpu.dma_semaphore, #tpu.memory_space<semaphore_mem>>) src(%dma_wait3A_2437 : memref<1x64xf32, #tpu.memory_space<hbm>>) dst(%dma_wait3A_2435 : memref<1x64xf32, #tpu.memory_space<vmem>>)
    %dma_wait3A_2438 = arith.constant 88 : i32
    %dma_wait3A_2439 = arith.constant 0 : i32
    %dma_wait3A_2440 = tpu.memref_slice %arg6[%dma_wait3A_2438, %dma_wait3A_2439] : memref<128x64xf32, #tpu.memory_space<vmem>> -> memref<1x64xf32, #tpu.memory_space<vmem>>
    %dma_wait3A_2441 = arith.constant 0 : i32
    %dma_wait3A_2442 = tpu.memref_slice %arg3[%squeeze3A_1074, %dma_wait3A_2441] : memref<100000x64xf32, #tpu.memory_space<hbm>> -> memref<1x64xf32, #tpu.memory_space<hbm>>
    %dma_wait3A_2443 = arith.constant 88 : i32
    %dma_wait3A_2444 = arith.constant 0 : i32
    %dma_wait3A_2445 = tpu.memref_slice %arg6[%dma_wait3A_2443, %dma_wait3A_2444] : memref<128x64xf32, #tpu.memory_space<vmem>> -> memref<1x64xf32, #tpu.memory_space<vmem>>
    %dma_wait3A_2446 = arith.constant 0 : i32
    %dma_wait3A_2447 = tpu.memref_slice %arg3[%squeeze3A_1074, %dma_wait3A_2446] : memref<100000x64xf32, #tpu.memory_space<hbm>> -> memref<1x64xf32, #tpu.memory_space<hbm>>
    tpu.wait_dma2 semaphore(%arg7 : memref<!tpu.dma_semaphore, #tpu.memory_space<semaphore_mem>>) src(%dma_wait3A_2447 : memref<1x64xf32, #tpu.memory_space<hbm>>) dst(%dma_wait3A_2445 : memref<1x64xf32, #tpu.memory_space<vmem>>)
    %dma_wait3A_2448 = arith.constant 89 : i32
    %dma_wait3A_2449 = arith.constant 0 : i32
    %dma_wait3A_2450 = tpu.memref_slice %arg6[%dma_wait3A_2448, %dma_wait3A_2449] : memref<128x64xf32, #tpu.memory_space<vmem>> -> memref<1x64xf32, #tpu.memory_space<vmem>>
    %dma_wait3A_2451 = arith.constant 0 : i32
    %dma_wait3A_2452 = tpu.memref_slice %arg3[%squeeze3A_1086, %dma_wait3A_2451] : memref<100000x64xf32, #tpu.memory_space<hbm>> -> memref<1x64xf32, #tpu.memory_space<hbm>>
    %dma_wait3A_2453 = arith.constant 89 : i32
    %dma_wait3A_2454 = arith.constant 0 : i32
    %dma_wait3A_2455 = tpu.memref_slice %arg6[%dma_wait3A_2453, %dma_wait3A_2454] : memref<128x64xf32, #tpu.memory_space<vmem>> -> memref<1x64xf32, #tpu.memory_space<vmem>>
    %dma_wait3A_2456 = arith.constant 0 : i32
    %dma_wait3A_2457 = tpu.memref_slice %arg3[%squeeze3A_1086, %dma_wait3A_2456] : memref<100000x64xf32, #tpu.memory_space<hbm>> -> memref<1x64xf32, #tpu.memory_space<hbm>>
    tpu.wait_dma2 semaphore(%arg7 : memref<!tpu.dma_semaphore, #tpu.memory_space<semaphore_mem>>) src(%dma_wait3A_2457 : memref<1x64xf32, #tpu.memory_space<hbm>>) dst(%dma_wait3A_2455 : memref<1x64xf32, #tpu.memory_space<vmem>>)
    %dma_wait3A_2458 = arith.constant 90 : i32
    %dma_wait3A_2459 = arith.constant 0 : i32
    %dma_wait3A_2460 = tpu.memref_slice %arg6[%dma_wait3A_2458, %dma_wait3A_2459] : memref<128x64xf32, #tpu.memory_space<vmem>> -> memref<1x64xf32, #tpu.memory_space<vmem>>
    %dma_wait3A_2461 = arith.constant 0 : i32
    %dma_wait3A_2462 = tpu.memref_slice %arg3[%squeeze3A_1098, %dma_wait3A_2461] : memref<100000x64xf32, #tpu.memory_space<hbm>> -> memref<1x64xf32, #tpu.memory_space<hbm>>
    %dma_wait3A_2463 = arith.constant 90 : i32
    %dma_wait3A_2464 = arith.constant 0 : i32
    %dma_wait3A_2465 = tpu.memref_slice %arg6[%dma_wait3A_2463, %dma_wait3A_2464] : memref<128x64xf32, #tpu.memory_space<vmem>> -> memref<1x64xf32, #tpu.memory_space<vmem>>
    %dma_wait3A_2466 = arith.constant 0 : i32
    %dma_wait3A_2467 = tpu.memref_slice %arg3[%squeeze3A_1098, %dma_wait3A_2466] : memref<100000x64xf32, #tpu.memory_space<hbm>> -> memref<1x64xf32, #tpu.memory_space<hbm>>
    tpu.wait_dma2 semaphore(%arg7 : memref<!tpu.dma_semaphore, #tpu.memory_space<semaphore_mem>>) src(%dma_wait3A_2467 : memref<1x64xf32, #tpu.memory_space<hbm>>) dst(%dma_wait3A_2465 : memref<1x64xf32, #tpu.memory_space<vmem>>)
    %dma_wait3A_2468 = arith.constant 91 : i32
    %dma_wait3A_2469 = arith.constant 0 : i32
    %dma_wait3A_2470 = tpu.memref_slice %arg6[%dma_wait3A_2468, %dma_wait3A_2469] : memref<128x64xf32, #tpu.memory_space<vmem>> -> memref<1x64xf32, #tpu.memory_space<vmem>>
    %dma_wait3A_2471 = arith.constant 0 : i32
    %dma_wait3A_2472 = tpu.memref_slice %arg3[%squeeze3A_1110, %dma_wait3A_2471] : memref<100000x64xf32, #tpu.memory_space<hbm>> -> memref<1x64xf32, #tpu.memory_space<hbm>>
    %dma_wait3A_2473 = arith.constant 91 : i32
    %dma_wait3A_2474 = arith.constant 0 : i32
    %dma_wait3A_2475 = tpu.memref_slice %arg6[%dma_wait3A_2473, %dma_wait3A_2474] : memref<128x64xf32, #tpu.memory_space<vmem>> -> memref<1x64xf32, #tpu.memory_space<vmem>>
    %dma_wait3A_2476 = arith.constant 0 : i32
    %dma_wait3A_2477 = tpu.memref_slice %arg3[%squeeze3A_1110, %dma_wait3A_2476] : memref<100000x64xf32, #tpu.memory_space<hbm>> -> memref<1x64xf32, #tpu.memory_space<hbm>>
    tpu.wait_dma2 semaphore(%arg7 : memref<!tpu.dma_semaphore, #tpu.memory_space<semaphore_mem>>) src(%dma_wait3A_2477 : memref<1x64xf32, #tpu.memory_space<hbm>>) dst(%dma_wait3A_2475 : memref<1x64xf32, #tpu.memory_space<vmem>>)
    %dma_wait3A_2478 = arith.constant 92 : i32
    %dma_wait3A_2479 = arith.constant 0 : i32
    %dma_wait3A_2480 = tpu.memref_slice %arg6[%dma_wait3A_2478, %dma_wait3A_2479] : memref<128x64xf32, #tpu.memory_space<vmem>> -> memref<1x64xf32, #tpu.memory_space<vmem>>
    %dma_wait3A_2481 = arith.constant 0 : i32
    %dma_wait3A_2482 = tpu.memref_slice %arg3[%squeeze3A_1122, %dma_wait3A_2481] : memref<100000x64xf32, #tpu.memory_space<hbm>> -> memref<1x64xf32, #tpu.memory_space<hbm>>
    %dma_wait3A_2483 = arith.constant 92 : i32
    %dma_wait3A_2484 = arith.constant 0 : i32
    %dma_wait3A_2485 = tpu.memref_slice %arg6[%dma_wait3A_2483, %dma_wait3A_2484] : memref<128x64xf32, #tpu.memory_space<vmem>> -> memref<1x64xf32, #tpu.memory_space<vmem>>
    %dma_wait3A_2486 = arith.constant 0 : i32
    %dma_wait3A_2487 = tpu.memref_slice %arg3[%squeeze3A_1122, %dma_wait3A_2486] : memref<100000x64xf32, #tpu.memory_space<hbm>> -> memref<1x64xf32, #tpu.memory_space<hbm>>
    tpu.wait_dma2 semaphore(%arg7 : memref<!tpu.dma_semaphore, #tpu.memory_space<semaphore_mem>>) src(%dma_wait3A_2487 : memref<1x64xf32, #tpu.memory_space<hbm>>) dst(%dma_wait3A_2485 : memref<1x64xf32, #tpu.memory_space<vmem>>)
    %dma_wait3A_2488 = arith.constant 93 : i32
    %dma_wait3A_2489 = arith.constant 0 : i32
    %dma_wait3A_2490 = tpu.memref_slice %arg6[%dma_wait3A_2488, %dma_wait3A_2489] : memref<128x64xf32, #tpu.memory_space<vmem>> -> memref<1x64xf32, #tpu.memory_space<vmem>>
    %dma_wait3A_2491 = arith.constant 0 : i32
    %dma_wait3A_2492 = tpu.memref_slice %arg3[%squeeze3A_1134, %dma_wait3A_2491] : memref<100000x64xf32, #tpu.memory_space<hbm>> -> memref<1x64xf32, #tpu.memory_space<hbm>>
    %dma_wait3A_2493 = arith.constant 93 : i32
    %dma_wait3A_2494 = arith.constant 0 : i32
    %dma_wait3A_2495 = tpu.memref_slice %arg6[%dma_wait3A_2493, %dma_wait3A_2494] : memref<128x64xf32, #tpu.memory_space<vmem>> -> memref<1x64xf32, #tpu.memory_space<vmem>>
    %dma_wait3A_2496 = arith.constant 0 : i32
    %dma_wait3A_2497 = tpu.memref_slice %arg3[%squeeze3A_1134, %dma_wait3A_2496] : memref<100000x64xf32, #tpu.memory_space<hbm>> -> memref<1x64xf32, #tpu.memory_space<hbm>>
    tpu.wait_dma2 semaphore(%arg7 : memref<!tpu.dma_semaphore, #tpu.memory_space<semaphore_mem>>) src(%dma_wait3A_2497 : memref<1x64xf32, #tpu.memory_space<hbm>>) dst(%dma_wait3A_2495 : memref<1x64xf32, #tpu.memory_space<vmem>>)
    %dma_wait3A_2498 = arith.constant 94 : i32
    %dma_wait3A_2499 = arith.constant 0 : i32
    %dma_wait3A_2500 = tpu.memref_slice %arg6[%dma_wait3A_2498, %dma_wait3A_2499] : memref<128x64xf32, #tpu.memory_space<vmem>> -> memref<1x64xf32, #tpu.memory_space<vmem>>
    %dma_wait3A_2501 = arith.constant 0 : i32
    %dma_wait3A_2502 = tpu.memref_slice %arg3[%squeeze3A_1146, %dma_wait3A_2501] : memref<100000x64xf32, #tpu.memory_space<hbm>> -> memref<1x64xf32, #tpu.memory_space<hbm>>
    %dma_wait3A_2503 = arith.constant 94 : i32
    %dma_wait3A_2504 = arith.constant 0 : i32
    %dma_wait3A_2505 = tpu.memref_slice %arg6[%dma_wait3A_2503, %dma_wait3A_2504] : memref<128x64xf32, #tpu.memory_space<vmem>> -> memref<1x64xf32, #tpu.memory_space<vmem>>
    %dma_wait3A_2506 = arith.constant 0 : i32
    %dma_wait3A_2507 = tpu.memref_slice %arg3[%squeeze3A_1146, %dma_wait3A_2506] : memref<100000x64xf32, #tpu.memory_space<hbm>> -> memref<1x64xf32, #tpu.memory_space<hbm>>
    tpu.wait_dma2 semaphore(%arg7 : memref<!tpu.dma_semaphore, #tpu.memory_space<semaphore_mem>>) src(%dma_wait3A_2507 : memref<1x64xf32, #tpu.memory_space<hbm>>) dst(%dma_wait3A_2505 : memref<1x64xf32, #tpu.memory_space<vmem>>)
    %dma_wait3A_2508 = arith.constant 95 : i32
    %dma_wait3A_2509 = arith.constant 0 : i32
    %dma_wait3A_2510 = tpu.memref_slice %arg6[%dma_wait3A_2508, %dma_wait3A_2509] : memref<128x64xf32, #tpu.memory_space<vmem>> -> memref<1x64xf32, #tpu.memory_space<vmem>>
    %dma_wait3A_2511 = arith.constant 0 : i32
    %dma_wait3A_2512 = tpu.memref_slice %arg3[%squeeze3A_1158, %dma_wait3A_2511] : memref<100000x64xf32, #tpu.memory_space<hbm>> -> memref<1x64xf32, #tpu.memory_space<hbm>>
    %dma_wait3A_2513 = arith.constant 95 : i32
    %dma_wait3A_2514 = arith.constant 0 : i32
    %dma_wait3A_2515 = tpu.memref_slice %arg6[%dma_wait3A_2513, %dma_wait3A_2514] : memref<128x64xf32, #tpu.memory_space<vmem>> -> memref<1x64xf32, #tpu.memory_space<vmem>>
    %dma_wait3A_2516 = arith.constant 0 : i32
    %dma_wait3A_2517 = tpu.memref_slice %arg3[%squeeze3A_1158, %dma_wait3A_2516] : memref<100000x64xf32, #tpu.memory_space<hbm>> -> memref<1x64xf32, #tpu.memory_space<hbm>>
    tpu.wait_dma2 semaphore(%arg7 : memref<!tpu.dma_semaphore, #tpu.memory_space<semaphore_mem>>) src(%dma_wait3A_2517 : memref<1x64xf32, #tpu.memory_space<hbm>>) dst(%dma_wait3A_2515 : memref<1x64xf32, #tpu.memory_space<vmem>>)
    %dma_wait3A_2518 = arith.constant 96 : i32
    %dma_wait3A_2519 = arith.constant 0 : i32
    %dma_wait3A_2520 = tpu.memref_slice %arg6[%dma_wait3A_2518, %dma_wait3A_2519] : memref<128x64xf32, #tpu.memory_space<vmem>> -> memref<1x64xf32, #tpu.memory_space<vmem>>
    %dma_wait3A_2521 = arith.constant 0 : i32
    %dma_wait3A_2522 = tpu.memref_slice %arg3[%squeeze3A_1173, %dma_wait3A_2521] : memref<100000x64xf32, #tpu.memory_space<hbm>> -> memref<1x64xf32, #tpu.memory_space<hbm>>
    %dma_wait3A_2523 = arith.constant 96 : i32
    %dma_wait3A_2524 = arith.constant 0 : i32
    %dma_wait3A_2525 = tpu.memref_slice %arg6[%dma_wait3A_2523, %dma_wait3A_2524] : memref<128x64xf32, #tpu.memory_space<vmem>> -> memref<1x64xf32, #tpu.memory_space<vmem>>
    %dma_wait3A_2526 = arith.constant 0 : i32
    %dma_wait3A_2527 = tpu.memref_slice %arg3[%squeeze3A_1173, %dma_wait3A_2526] : memref<100000x64xf32, #tpu.memory_space<hbm>> -> memref<1x64xf32, #tpu.memory_space<hbm>>
    tpu.wait_dma2 semaphore(%arg7 : memref<!tpu.dma_semaphore, #tpu.memory_space<semaphore_mem>>) src(%dma_wait3A_2527 : memref<1x64xf32, #tpu.memory_space<hbm>>) dst(%dma_wait3A_2525 : memref<1x64xf32, #tpu.memory_space<vmem>>)
    %dma_wait3A_2528 = arith.constant 97 : i32
    %dma_wait3A_2529 = arith.constant 0 : i32
    %dma_wait3A_2530 = tpu.memref_slice %arg6[%dma_wait3A_2528, %dma_wait3A_2529] : memref<128x64xf32, #tpu.memory_space<vmem>> -> memref<1x64xf32, #tpu.memory_space<vmem>>
    %dma_wait3A_2531 = arith.constant 0 : i32
    %dma_wait3A_2532 = tpu.memref_slice %arg3[%squeeze3A_1185, %dma_wait3A_2531] : memref<100000x64xf32, #tpu.memory_space<hbm>> -> memref<1x64xf32, #tpu.memory_space<hbm>>
    %dma_wait3A_2533 = arith.constant 97 : i32
    %dma_wait3A_2534 = arith.constant 0 : i32
    %dma_wait3A_2535 = tpu.memref_slice %arg6[%dma_wait3A_2533, %dma_wait3A_2534] : memref<128x64xf32, #tpu.memory_space<vmem>> -> memref<1x64xf32, #tpu.memory_space<vmem>>
    %dma_wait3A_2536 = arith.constant 0 : i32
    %dma_wait3A_2537 = tpu.memref_slice %arg3[%squeeze3A_1185, %dma_wait3A_2536] : memref<100000x64xf32, #tpu.memory_space<hbm>> -> memref<1x64xf32, #tpu.memory_space<hbm>>
    tpu.wait_dma2 semaphore(%arg7 : memref<!tpu.dma_semaphore, #tpu.memory_space<semaphore_mem>>) src(%dma_wait3A_2537 : memref<1x64xf32, #tpu.memory_space<hbm>>) dst(%dma_wait3A_2535 : memref<1x64xf32, #tpu.memory_space<vmem>>)
    %dma_wait3A_2538 = arith.constant 98 : i32
    %dma_wait3A_2539 = arith.constant 0 : i32
    %dma_wait3A_2540 = tpu.memref_slice %arg6[%dma_wait3A_2538, %dma_wait3A_2539] : memref<128x64xf32, #tpu.memory_space<vmem>> -> memref<1x64xf32, #tpu.memory_space<vmem>>
    %dma_wait3A_2541 = arith.constant 0 : i32
    %dma_wait3A_2542 = tpu.memref_slice %arg3[%squeeze3A_1197, %dma_wait3A_2541] : memref<100000x64xf32, #tpu.memory_space<hbm>> -> memref<1x64xf32, #tpu.memory_space<hbm>>
    %dma_wait3A_2543 = arith.constant 98 : i32
    %dma_wait3A_2544 = arith.constant 0 : i32
    %dma_wait3A_2545 = tpu.memref_slice %arg6[%dma_wait3A_2543, %dma_wait3A_2544] : memref<128x64xf32, #tpu.memory_space<vmem>> -> memref<1x64xf32, #tpu.memory_space<vmem>>
    %dma_wait3A_2546 = arith.constant 0 : i32
    %dma_wait3A_2547 = tpu.memref_slice %arg3[%squeeze3A_1197, %dma_wait3A_2546] : memref<100000x64xf32, #tpu.memory_space<hbm>> -> memref<1x64xf32, #tpu.memory_space<hbm>>
    tpu.wait_dma2 semaphore(%arg7 : memref<!tpu.dma_semaphore, #tpu.memory_space<semaphore_mem>>) src(%dma_wait3A_2547 : memref<1x64xf32, #tpu.memory_space<hbm>>) dst(%dma_wait3A_2545 : memref<1x64xf32, #tpu.memory_space<vmem>>)
    %dma_wait3A_2548 = arith.constant 99 : i32
    %dma_wait3A_2549 = arith.constant 0 : i32
    %dma_wait3A_2550 = tpu.memref_slice %arg6[%dma_wait3A_2548, %dma_wait3A_2549] : memref<128x64xf32, #tpu.memory_space<vmem>> -> memref<1x64xf32, #tpu.memory_space<vmem>>
    %dma_wait3A_2551 = arith.constant 0 : i32
    %dma_wait3A_2552 = tpu.memref_slice %arg3[%squeeze3A_1209, %dma_wait3A_2551] : memref<100000x64xf32, #tpu.memory_space<hbm>> -> memref<1x64xf32, #tpu.memory_space<hbm>>
    %dma_wait3A_2553 = arith.constant 99 : i32
    %dma_wait3A_2554 = arith.constant 0 : i32
    %dma_wait3A_2555 = tpu.memref_slice %arg6[%dma_wait3A_2553, %dma_wait3A_2554] : memref<128x64xf32, #tpu.memory_space<vmem>> -> memref<1x64xf32, #tpu.memory_space<vmem>>
    %dma_wait3A_2556 = arith.constant 0 : i32
    %dma_wait3A_2557 = tpu.memref_slice %arg3[%squeeze3A_1209, %dma_wait3A_2556] : memref<100000x64xf32, #tpu.memory_space<hbm>> -> memref<1x64xf32, #tpu.memory_space<hbm>>
    tpu.wait_dma2 semaphore(%arg7 : memref<!tpu.dma_semaphore, #tpu.memory_space<semaphore_mem>>) src(%dma_wait3A_2557 : memref<1x64xf32, #tpu.memory_space<hbm>>) dst(%dma_wait3A_2555 : memref<1x64xf32, #tpu.memory_space<vmem>>)
    %dma_wait3A_2558 = arith.constant 100 : i32
    %dma_wait3A_2559 = arith.constant 0 : i32
    %dma_wait3A_2560 = tpu.memref_slice %arg6[%dma_wait3A_2558, %dma_wait3A_2559] : memref<128x64xf32, #tpu.memory_space<vmem>> -> memref<1x64xf32, #tpu.memory_space<vmem>>
    %dma_wait3A_2561 = arith.constant 0 : i32
    %dma_wait3A_2562 = tpu.memref_slice %arg3[%squeeze3A_1221, %dma_wait3A_2561] : memref<100000x64xf32, #tpu.memory_space<hbm>> -> memref<1x64xf32, #tpu.memory_space<hbm>>
    %dma_wait3A_2563 = arith.constant 100 : i32
    %dma_wait3A_2564 = arith.constant 0 : i32
    %dma_wait3A_2565 = tpu.memref_slice %arg6[%dma_wait3A_2563, %dma_wait3A_2564] : memref<128x64xf32, #tpu.memory_space<vmem>> -> memref<1x64xf32, #tpu.memory_space<vmem>>
    %dma_wait3A_2566 = arith.constant 0 : i32
    %dma_wait3A_2567 = tpu.memref_slice %arg3[%squeeze3A_1221, %dma_wait3A_2566] : memref<100000x64xf32, #tpu.memory_space<hbm>> -> memref<1x64xf32, #tpu.memory_space<hbm>>
    tpu.wait_dma2 semaphore(%arg7 : memref<!tpu.dma_semaphore, #tpu.memory_space<semaphore_mem>>) src(%dma_wait3A_2567 : memref<1x64xf32, #tpu.memory_space<hbm>>) dst(%dma_wait3A_2565 : memref<1x64xf32, #tpu.memory_space<vmem>>)
    %dma_wait3A_2568 = arith.constant 101 : i32
    %dma_wait3A_2569 = arith.constant 0 : i32
    %dma_wait3A_2570 = tpu.memref_slice %arg6[%dma_wait3A_2568, %dma_wait3A_2569] : memref<128x64xf32, #tpu.memory_space<vmem>> -> memref<1x64xf32, #tpu.memory_space<vmem>>
    %dma_wait3A_2571 = arith.constant 0 : i32
    %dma_wait3A_2572 = tpu.memref_slice %arg3[%squeeze3A_1233, %dma_wait3A_2571] : memref<100000x64xf32, #tpu.memory_space<hbm>> -> memref<1x64xf32, #tpu.memory_space<hbm>>
    %dma_wait3A_2573 = arith.constant 101 : i32
    %dma_wait3A_2574 = arith.constant 0 : i32
    %dma_wait3A_2575 = tpu.memref_slice %arg6[%dma_wait3A_2573, %dma_wait3A_2574] : memref<128x64xf32, #tpu.memory_space<vmem>> -> memref<1x64xf32, #tpu.memory_space<vmem>>
    %dma_wait3A_2576 = arith.constant 0 : i32
    %dma_wait3A_2577 = tpu.memref_slice %arg3[%squeeze3A_1233, %dma_wait3A_2576] : memref<100000x64xf32, #tpu.memory_space<hbm>> -> memref<1x64xf32, #tpu.memory_space<hbm>>
    tpu.wait_dma2 semaphore(%arg7 : memref<!tpu.dma_semaphore, #tpu.memory_space<semaphore_mem>>) src(%dma_wait3A_2577 : memref<1x64xf32, #tpu.memory_space<hbm>>) dst(%dma_wait3A_2575 : memref<1x64xf32, #tpu.memory_space<vmem>>)
    %dma_wait3A_2578 = arith.constant 102 : i32
    %dma_wait3A_2579 = arith.constant 0 : i32
    %dma_wait3A_2580 = tpu.memref_slice %arg6[%dma_wait3A_2578, %dma_wait3A_2579] : memref<128x64xf32, #tpu.memory_space<vmem>> -> memref<1x64xf32, #tpu.memory_space<vmem>>
    %dma_wait3A_2581 = arith.constant 0 : i32
    %dma_wait3A_2582 = tpu.memref_slice %arg3[%squeeze3A_1245, %dma_wait3A_2581] : memref<100000x64xf32, #tpu.memory_space<hbm>> -> memref<1x64xf32, #tpu.memory_space<hbm>>
    %dma_wait3A_2583 = arith.constant 102 : i32
    %dma_wait3A_2584 = arith.constant 0 : i32
    %dma_wait3A_2585 = tpu.memref_slice %arg6[%dma_wait3A_2583, %dma_wait3A_2584] : memref<128x64xf32, #tpu.memory_space<vmem>> -> memref<1x64xf32, #tpu.memory_space<vmem>>
    %dma_wait3A_2586 = arith.constant 0 : i32
    %dma_wait3A_2587 = tpu.memref_slice %arg3[%squeeze3A_1245, %dma_wait3A_2586] : memref<100000x64xf32, #tpu.memory_space<hbm>> -> memref<1x64xf32, #tpu.memory_space<hbm>>
    tpu.wait_dma2 semaphore(%arg7 : memref<!tpu.dma_semaphore, #tpu.memory_space<semaphore_mem>>) src(%dma_wait3A_2587 : memref<1x64xf32, #tpu.memory_space<hbm>>) dst(%dma_wait3A_2585 : memref<1x64xf32, #tpu.memory_space<vmem>>)
    %dma_wait3A_2588 = arith.constant 103 : i32
    %dma_wait3A_2589 = arith.constant 0 : i32
    %dma_wait3A_2590 = tpu.memref_slice %arg6[%dma_wait3A_2588, %dma_wait3A_2589] : memref<128x64xf32, #tpu.memory_space<vmem>> -> memref<1x64xf32, #tpu.memory_space<vmem>>
    %dma_wait3A_2591 = arith.constant 0 : i32
    %dma_wait3A_2592 = tpu.memref_slice %arg3[%squeeze3A_1257, %dma_wait3A_2591] : memref<100000x64xf32, #tpu.memory_space<hbm>> -> memref<1x64xf32, #tpu.memory_space<hbm>>
    %dma_wait3A_2593 = arith.constant 103 : i32
    %dma_wait3A_2594 = arith.constant 0 : i32
    %dma_wait3A_2595 = tpu.memref_slice %arg6[%dma_wait3A_2593, %dma_wait3A_2594] : memref<128x64xf32, #tpu.memory_space<vmem>> -> memref<1x64xf32, #tpu.memory_space<vmem>>
    %dma_wait3A_2596 = arith.constant 0 : i32
    %dma_wait3A_2597 = tpu.memref_slice %arg3[%squeeze3A_1257, %dma_wait3A_2596] : memref<100000x64xf32, #tpu.memory_space<hbm>> -> memref<1x64xf32, #tpu.memory_space<hbm>>
    tpu.wait_dma2 semaphore(%arg7 : memref<!tpu.dma_semaphore, #tpu.memory_space<semaphore_mem>>) src(%dma_wait3A_2597 : memref<1x64xf32, #tpu.memory_space<hbm>>) dst(%dma_wait3A_2595 : memref<1x64xf32, #tpu.memory_space<vmem>>)
    %dma_wait3A_2598 = arith.constant 104 : i32
    %dma_wait3A_2599 = arith.constant 0 : i32
    %dma_wait3A_2600 = tpu.memref_slice %arg6[%dma_wait3A_2598, %dma_wait3A_2599] : memref<128x64xf32, #tpu.memory_space<vmem>> -> memref<1x64xf32, #tpu.memory_space<vmem>>
    %dma_wait3A_2601 = arith.constant 0 : i32
    %dma_wait3A_2602 = tpu.memref_slice %arg3[%squeeze3A_1269, %dma_wait3A_2601] : memref<100000x64xf32, #tpu.memory_space<hbm>> -> memref<1x64xf32, #tpu.memory_space<hbm>>
    %dma_wait3A_2603 = arith.constant 104 : i32
    %dma_wait3A_2604 = arith.constant 0 : i32
    %dma_wait3A_2605 = tpu.memref_slice %arg6[%dma_wait3A_2603, %dma_wait3A_2604] : memref<128x64xf32, #tpu.memory_space<vmem>> -> memref<1x64xf32, #tpu.memory_space<vmem>>
    %dma_wait3A_2606 = arith.constant 0 : i32
    %dma_wait3A_2607 = tpu.memref_slice %arg3[%squeeze3A_1269, %dma_wait3A_2606] : memref<100000x64xf32, #tpu.memory_space<hbm>> -> memref<1x64xf32, #tpu.memory_space<hbm>>
    tpu.wait_dma2 semaphore(%arg7 : memref<!tpu.dma_semaphore, #tpu.memory_space<semaphore_mem>>) src(%dma_wait3A_2607 : memref<1x64xf32, #tpu.memory_space<hbm>>) dst(%dma_wait3A_2605 : memref<1x64xf32, #tpu.memory_space<vmem>>)
    %dma_wait3A_2608 = arith.constant 105 : i32
    %dma_wait3A_2609 = arith.constant 0 : i32
    %dma_wait3A_2610 = tpu.memref_slice %arg6[%dma_wait3A_2608, %dma_wait3A_2609] : memref<128x64xf32, #tpu.memory_space<vmem>> -> memref<1x64xf32, #tpu.memory_space<vmem>>
    %dma_wait3A_2611 = arith.constant 0 : i32
    %dma_wait3A_2612 = tpu.memref_slice %arg3[%squeeze3A_1281, %dma_wait3A_2611] : memref<100000x64xf32, #tpu.memory_space<hbm>> -> memref<1x64xf32, #tpu.memory_space<hbm>>
    %dma_wait3A_2613 = arith.constant 105 : i32
    %dma_wait3A_2614 = arith.constant 0 : i32
    %dma_wait3A_2615 = tpu.memref_slice %arg6[%dma_wait3A_2613, %dma_wait3A_2614] : memref<128x64xf32, #tpu.memory_space<vmem>> -> memref<1x64xf32, #tpu.memory_space<vmem>>
    %dma_wait3A_2616 = arith.constant 0 : i32
    %dma_wait3A_2617 = tpu.memref_slice %arg3[%squeeze3A_1281, %dma_wait3A_2616] : memref<100000x64xf32, #tpu.memory_space<hbm>> -> memref<1x64xf32, #tpu.memory_space<hbm>>
    tpu.wait_dma2 semaphore(%arg7 : memref<!tpu.dma_semaphore, #tpu.memory_space<semaphore_mem>>) src(%dma_wait3A_2617 : memref<1x64xf32, #tpu.memory_space<hbm>>) dst(%dma_wait3A_2615 : memref<1x64xf32, #tpu.memory_space<vmem>>)
    %dma_wait3A_2618 = arith.constant 106 : i32
    %dma_wait3A_2619 = arith.constant 0 : i32
    %dma_wait3A_2620 = tpu.memref_slice %arg6[%dma_wait3A_2618, %dma_wait3A_2619] : memref<128x64xf32, #tpu.memory_space<vmem>> -> memref<1x64xf32, #tpu.memory_space<vmem>>
    %dma_wait3A_2621 = arith.constant 0 : i32
    %dma_wait3A_2622 = tpu.memref_slice %arg3[%squeeze3A_1293, %dma_wait3A_2621] : memref<100000x64xf32, #tpu.memory_space<hbm>> -> memref<1x64xf32, #tpu.memory_space<hbm>>
    %dma_wait3A_2623 = arith.constant 106 : i32
    %dma_wait3A_2624 = arith.constant 0 : i32
    %dma_wait3A_2625 = tpu.memref_slice %arg6[%dma_wait3A_2623, %dma_wait3A_2624] : memref<128x64xf32, #tpu.memory_space<vmem>> -> memref<1x64xf32, #tpu.memory_space<vmem>>
    %dma_wait3A_2626 = arith.constant 0 : i32
    %dma_wait3A_2627 = tpu.memref_slice %arg3[%squeeze3A_1293, %dma_wait3A_2626] : memref<100000x64xf32, #tpu.memory_space<hbm>> -> memref<1x64xf32, #tpu.memory_space<hbm>>
    tpu.wait_dma2 semaphore(%arg7 : memref<!tpu.dma_semaphore, #tpu.memory_space<semaphore_mem>>) src(%dma_wait3A_2627 : memref<1x64xf32, #tpu.memory_space<hbm>>) dst(%dma_wait3A_2625 : memref<1x64xf32, #tpu.memory_space<vmem>>)
    %dma_wait3A_2628 = arith.constant 107 : i32
    %dma_wait3A_2629 = arith.constant 0 : i32
    %dma_wait3A_2630 = tpu.memref_slice %arg6[%dma_wait3A_2628, %dma_wait3A_2629] : memref<128x64xf32, #tpu.memory_space<vmem>> -> memref<1x64xf32, #tpu.memory_space<vmem>>
    %dma_wait3A_2631 = arith.constant 0 : i32
    %dma_wait3A_2632 = tpu.memref_slice %arg3[%squeeze3A_1305, %dma_wait3A_2631] : memref<100000x64xf32, #tpu.memory_space<hbm>> -> memref<1x64xf32, #tpu.memory_space<hbm>>
    %dma_wait3A_2633 = arith.constant 107 : i32
    %dma_wait3A_2634 = arith.constant 0 : i32
    %dma_wait3A_2635 = tpu.memref_slice %arg6[%dma_wait3A_2633, %dma_wait3A_2634] : memref<128x64xf32, #tpu.memory_space<vmem>> -> memref<1x64xf32, #tpu.memory_space<vmem>>
    %dma_wait3A_2636 = arith.constant 0 : i32
    %dma_wait3A_2637 = tpu.memref_slice %arg3[%squeeze3A_1305, %dma_wait3A_2636] : memref<100000x64xf32, #tpu.memory_space<hbm>> -> memref<1x64xf32, #tpu.memory_space<hbm>>
    tpu.wait_dma2 semaphore(%arg7 : memref<!tpu.dma_semaphore, #tpu.memory_space<semaphore_mem>>) src(%dma_wait3A_2637 : memref<1x64xf32, #tpu.memory_space<hbm>>) dst(%dma_wait3A_2635 : memref<1x64xf32, #tpu.memory_space<vmem>>)
    %dma_wait3A_2638 = arith.constant 108 : i32
    %dma_wait3A_2639 = arith.constant 0 : i32
    %dma_wait3A_2640 = tpu.memref_slice %arg6[%dma_wait3A_2638, %dma_wait3A_2639] : memref<128x64xf32, #tpu.memory_space<vmem>> -> memref<1x64xf32, #tpu.memory_space<vmem>>
    %dma_wait3A_2641 = arith.constant 0 : i32
    %dma_wait3A_2642 = tpu.memref_slice %arg3[%squeeze3A_1317, %dma_wait3A_2641] : memref<100000x64xf32, #tpu.memory_space<hbm>> -> memref<1x64xf32, #tpu.memory_space<hbm>>
    %dma_wait3A_2643 = arith.constant 108 : i32
    %dma_wait3A_2644 = arith.constant 0 : i32
    %dma_wait3A_2645 = tpu.memref_slice %arg6[%dma_wait3A_2643, %dma_wait3A_2644] : memref<128x64xf32, #tpu.memory_space<vmem>> -> memref<1x64xf32, #tpu.memory_space<vmem>>
    %dma_wait3A_2646 = arith.constant 0 : i32
    %dma_wait3A_2647 = tpu.memref_slice %arg3[%squeeze3A_1317, %dma_wait3A_2646] : memref<100000x64xf32, #tpu.memory_space<hbm>> -> memref<1x64xf32, #tpu.memory_space<hbm>>
    tpu.wait_dma2 semaphore(%arg7 : memref<!tpu.dma_semaphore, #tpu.memory_space<semaphore_mem>>) src(%dma_wait3A_2647 : memref<1x64xf32, #tpu.memory_space<hbm>>) dst(%dma_wait3A_2645 : memref<1x64xf32, #tpu.memory_space<vmem>>)
    %dma_wait3A_2648 = arith.constant 109 : i32
    %dma_wait3A_2649 = arith.constant 0 : i32
    %dma_wait3A_2650 = tpu.memref_slice %arg6[%dma_wait3A_2648, %dma_wait3A_2649] : memref<128x64xf32, #tpu.memory_space<vmem>> -> memref<1x64xf32, #tpu.memory_space<vmem>>
    %dma_wait3A_2651 = arith.constant 0 : i32
    %dma_wait3A_2652 = tpu.memref_slice %arg3[%squeeze3A_1329, %dma_wait3A_2651] : memref<100000x64xf32, #tpu.memory_space<hbm>> -> memref<1x64xf32, #tpu.memory_space<hbm>>
    %dma_wait3A_2653 = arith.constant 109 : i32
    %dma_wait3A_2654 = arith.constant 0 : i32
    %dma_wait3A_2655 = tpu.memref_slice %arg6[%dma_wait3A_2653, %dma_wait3A_2654] : memref<128x64xf32, #tpu.memory_space<vmem>> -> memref<1x64xf32, #tpu.memory_space<vmem>>
    %dma_wait3A_2656 = arith.constant 0 : i32
    %dma_wait3A_2657 = tpu.memref_slice %arg3[%squeeze3A_1329, %dma_wait3A_2656] : memref<100000x64xf32, #tpu.memory_space<hbm>> -> memref<1x64xf32, #tpu.memory_space<hbm>>
    tpu.wait_dma2 semaphore(%arg7 : memref<!tpu.dma_semaphore, #tpu.memory_space<semaphore_mem>>) src(%dma_wait3A_2657 : memref<1x64xf32, #tpu.memory_space<hbm>>) dst(%dma_wait3A_2655 : memref<1x64xf32, #tpu.memory_space<vmem>>)
    %dma_wait3A_2658 = arith.constant 110 : i32
    %dma_wait3A_2659 = arith.constant 0 : i32
    %dma_wait3A_2660 = tpu.memref_slice %arg6[%dma_wait3A_2658, %dma_wait3A_2659] : memref<128x64xf32, #tpu.memory_space<vmem>> -> memref<1x64xf32, #tpu.memory_space<vmem>>
    %dma_wait3A_2661 = arith.constant 0 : i32
    %dma_wait3A_2662 = tpu.memref_slice %arg3[%squeeze3A_1341, %dma_wait3A_2661] : memref<100000x64xf32, #tpu.memory_space<hbm>> -> memref<1x64xf32, #tpu.memory_space<hbm>>
    %dma_wait3A_2663 = arith.constant 110 : i32
    %dma_wait3A_2664 = arith.constant 0 : i32
    %dma_wait3A_2665 = tpu.memref_slice %arg6[%dma_wait3A_2663, %dma_wait3A_2664] : memref<128x64xf32, #tpu.memory_space<vmem>> -> memref<1x64xf32, #tpu.memory_space<vmem>>
    %dma_wait3A_2666 = arith.constant 0 : i32
    %dma_wait3A_2667 = tpu.memref_slice %arg3[%squeeze3A_1341, %dma_wait3A_2666] : memref<100000x64xf32, #tpu.memory_space<hbm>> -> memref<1x64xf32, #tpu.memory_space<hbm>>
    tpu.wait_dma2 semaphore(%arg7 : memref<!tpu.dma_semaphore, #tpu.memory_space<semaphore_mem>>) src(%dma_wait3A_2667 : memref<1x64xf32, #tpu.memory_space<hbm>>) dst(%dma_wait3A_2665 : memref<1x64xf32, #tpu.memory_space<vmem>>)
    %dma_wait3A_2668 = arith.constant 111 : i32
    %dma_wait3A_2669 = arith.constant 0 : i32
    %dma_wait3A_2670 = tpu.memref_slice %arg6[%dma_wait3A_2668, %dma_wait3A_2669] : memref<128x64xf32, #tpu.memory_space<vmem>> -> memref<1x64xf32, #tpu.memory_space<vmem>>
    %dma_wait3A_2671 = arith.constant 0 : i32
    %dma_wait3A_2672 = tpu.memref_slice %arg3[%squeeze3A_1353, %dma_wait3A_2671] : memref<100000x64xf32, #tpu.memory_space<hbm>> -> memref<1x64xf32, #tpu.memory_space<hbm>>
    %dma_wait3A_2673 = arith.constant 111 : i32
    %dma_wait3A_2674 = arith.constant 0 : i32
    %dma_wait3A_2675 = tpu.memref_slice %arg6[%dma_wait3A_2673, %dma_wait3A_2674] : memref<128x64xf32, #tpu.memory_space<vmem>> -> memref<1x64xf32, #tpu.memory_space<vmem>>
    %dma_wait3A_2676 = arith.constant 0 : i32
    %dma_wait3A_2677 = tpu.memref_slice %arg3[%squeeze3A_1353, %dma_wait3A_2676] : memref<100000x64xf32, #tpu.memory_space<hbm>> -> memref<1x64xf32, #tpu.memory_space<hbm>>
    tpu.wait_dma2 semaphore(%arg7 : memref<!tpu.dma_semaphore, #tpu.memory_space<semaphore_mem>>) src(%dma_wait3A_2677 : memref<1x64xf32, #tpu.memory_space<hbm>>) dst(%dma_wait3A_2675 : memref<1x64xf32, #tpu.memory_space<vmem>>)
    %dma_wait3A_2678 = arith.constant 112 : i32
    %dma_wait3A_2679 = arith.constant 0 : i32
    %dma_wait3A_2680 = tpu.memref_slice %arg6[%dma_wait3A_2678, %dma_wait3A_2679] : memref<128x64xf32, #tpu.memory_space<vmem>> -> memref<1x64xf32, #tpu.memory_space<vmem>>
    %dma_wait3A_2681 = arith.constant 0 : i32
    %dma_wait3A_2682 = tpu.memref_slice %arg3[%squeeze3A_1368, %dma_wait3A_2681] : memref<100000x64xf32, #tpu.memory_space<hbm>> -> memref<1x64xf32, #tpu.memory_space<hbm>>
    %dma_wait3A_2683 = arith.constant 112 : i32
    %dma_wait3A_2684 = arith.constant 0 : i32
    %dma_wait3A_2685 = tpu.memref_slice %arg6[%dma_wait3A_2683, %dma_wait3A_2684] : memref<128x64xf32, #tpu.memory_space<vmem>> -> memref<1x64xf32, #tpu.memory_space<vmem>>
    %dma_wait3A_2686 = arith.constant 0 : i32
    %dma_wait3A_2687 = tpu.memref_slice %arg3[%squeeze3A_1368, %dma_wait3A_2686] : memref<100000x64xf32, #tpu.memory_space<hbm>> -> memref<1x64xf32, #tpu.memory_space<hbm>>
    tpu.wait_dma2 semaphore(%arg7 : memref<!tpu.dma_semaphore, #tpu.memory_space<semaphore_mem>>) src(%dma_wait3A_2687 : memref<1x64xf32, #tpu.memory_space<hbm>>) dst(%dma_wait3A_2685 : memref<1x64xf32, #tpu.memory_space<vmem>>)
    %dma_wait3A_2688 = arith.constant 113 : i32
    %dma_wait3A_2689 = arith.constant 0 : i32
    %dma_wait3A_2690 = tpu.memref_slice %arg6[%dma_wait3A_2688, %dma_wait3A_2689] : memref<128x64xf32, #tpu.memory_space<vmem>> -> memref<1x64xf32, #tpu.memory_space<vmem>>
    %dma_wait3A_2691 = arith.constant 0 : i32
    %dma_wait3A_2692 = tpu.memref_slice %arg3[%squeeze3A_1380, %dma_wait3A_2691] : memref<100000x64xf32, #tpu.memory_space<hbm>> -> memref<1x64xf32, #tpu.memory_space<hbm>>
    %dma_wait3A_2693 = arith.constant 113 : i32
    %dma_wait3A_2694 = arith.constant 0 : i32
    %dma_wait3A_2695 = tpu.memref_slice %arg6[%dma_wait3A_2693, %dma_wait3A_2694] : memref<128x64xf32, #tpu.memory_space<vmem>> -> memref<1x64xf32, #tpu.memory_space<vmem>>
    %dma_wait3A_2696 = arith.constant 0 : i32
    %dma_wait3A_2697 = tpu.memref_slice %arg3[%squeeze3A_1380, %dma_wait3A_2696] : memref<100000x64xf32, #tpu.memory_space<hbm>> -> memref<1x64xf32, #tpu.memory_space<hbm>>
    tpu.wait_dma2 semaphore(%arg7 : memref<!tpu.dma_semaphore, #tpu.memory_space<semaphore_mem>>) src(%dma_wait3A_2697 : memref<1x64xf32, #tpu.memory_space<hbm>>) dst(%dma_wait3A_2695 : memref<1x64xf32, #tpu.memory_space<vmem>>)
    %dma_wait3A_2698 = arith.constant 114 : i32
    %dma_wait3A_2699 = arith.constant 0 : i32
    %dma_wait3A_2700 = tpu.memref_slice %arg6[%dma_wait3A_2698, %dma_wait3A_2699] : memref<128x64xf32, #tpu.memory_space<vmem>> -> memref<1x64xf32, #tpu.memory_space<vmem>>
    %dma_wait3A_2701 = arith.constant 0 : i32
    %dma_wait3A_2702 = tpu.memref_slice %arg3[%squeeze3A_1392, %dma_wait3A_2701] : memref<100000x64xf32, #tpu.memory_space<hbm>> -> memref<1x64xf32, #tpu.memory_space<hbm>>
    %dma_wait3A_2703 = arith.constant 114 : i32
    %dma_wait3A_2704 = arith.constant 0 : i32
    %dma_wait3A_2705 = tpu.memref_slice %arg6[%dma_wait3A_2703, %dma_wait3A_2704] : memref<128x64xf32, #tpu.memory_space<vmem>> -> memref<1x64xf32, #tpu.memory_space<vmem>>
    %dma_wait3A_2706 = arith.constant 0 : i32
    %dma_wait3A_2707 = tpu.memref_slice %arg3[%squeeze3A_1392, %dma_wait3A_2706] : memref<100000x64xf32, #tpu.memory_space<hbm>> -> memref<1x64xf32, #tpu.memory_space<hbm>>
    tpu.wait_dma2 semaphore(%arg7 : memref<!tpu.dma_semaphore, #tpu.memory_space<semaphore_mem>>) src(%dma_wait3A_2707 : memref<1x64xf32, #tpu.memory_space<hbm>>) dst(%dma_wait3A_2705 : memref<1x64xf32, #tpu.memory_space<vmem>>)
    %dma_wait3A_2708 = arith.constant 115 : i32
    %dma_wait3A_2709 = arith.constant 0 : i32
    %dma_wait3A_2710 = tpu.memref_slice %arg6[%dma_wait3A_2708, %dma_wait3A_2709] : memref<128x64xf32, #tpu.memory_space<vmem>> -> memref<1x64xf32, #tpu.memory_space<vmem>>
    %dma_wait3A_2711 = arith.constant 0 : i32
    %dma_wait3A_2712 = tpu.memref_slice %arg3[%squeeze3A_1404, %dma_wait3A_2711] : memref<100000x64xf32, #tpu.memory_space<hbm>> -> memref<1x64xf32, #tpu.memory_space<hbm>>
    %dma_wait3A_2713 = arith.constant 115 : i32
    %dma_wait3A_2714 = arith.constant 0 : i32
    %dma_wait3A_2715 = tpu.memref_slice %arg6[%dma_wait3A_2713, %dma_wait3A_2714] : memref<128x64xf32, #tpu.memory_space<vmem>> -> memref<1x64xf32, #tpu.memory_space<vmem>>
    %dma_wait3A_2716 = arith.constant 0 : i32
    %dma_wait3A_2717 = tpu.memref_slice %arg3[%squeeze3A_1404, %dma_wait3A_2716] : memref<100000x64xf32, #tpu.memory_space<hbm>> -> memref<1x64xf32, #tpu.memory_space<hbm>>
    tpu.wait_dma2 semaphore(%arg7 : memref<!tpu.dma_semaphore, #tpu.memory_space<semaphore_mem>>) src(%dma_wait3A_2717 : memref<1x64xf32, #tpu.memory_space<hbm>>) dst(%dma_wait3A_2715 : memref<1x64xf32, #tpu.memory_space<vmem>>)
    %dma_wait3A_2718 = arith.constant 116 : i32
    %dma_wait3A_2719 = arith.constant 0 : i32
    %dma_wait3A_2720 = tpu.memref_slice %arg6[%dma_wait3A_2718, %dma_wait3A_2719] : memref<128x64xf32, #tpu.memory_space<vmem>> -> memref<1x64xf32, #tpu.memory_space<vmem>>
    %dma_wait3A_2721 = arith.constant 0 : i32
    %dma_wait3A_2722 = tpu.memref_slice %arg3[%squeeze3A_1416, %dma_wait3A_2721] : memref<100000x64xf32, #tpu.memory_space<hbm>> -> memref<1x64xf32, #tpu.memory_space<hbm>>
    %dma_wait3A_2723 = arith.constant 116 : i32
    %dma_wait3A_2724 = arith.constant 0 : i32
    %dma_wait3A_2725 = tpu.memref_slice %arg6[%dma_wait3A_2723, %dma_wait3A_2724] : memref<128x64xf32, #tpu.memory_space<vmem>> -> memref<1x64xf32, #tpu.memory_space<vmem>>
    %dma_wait3A_2726 = arith.constant 0 : i32
    %dma_wait3A_2727 = tpu.memref_slice %arg3[%squeeze3A_1416, %dma_wait3A_2726] : memref<100000x64xf32, #tpu.memory_space<hbm>> -> memref<1x64xf32, #tpu.memory_space<hbm>>
    tpu.wait_dma2 semaphore(%arg7 : memref<!tpu.dma_semaphore, #tpu.memory_space<semaphore_mem>>) src(%dma_wait3A_2727 : memref<1x64xf32, #tpu.memory_space<hbm>>) dst(%dma_wait3A_2725 : memref<1x64xf32, #tpu.memory_space<vmem>>)
    %dma_wait3A_2728 = arith.constant 117 : i32
    %dma_wait3A_2729 = arith.constant 0 : i32
    %dma_wait3A_2730 = tpu.memref_slice %arg6[%dma_wait3A_2728, %dma_wait3A_2729] : memref<128x64xf32, #tpu.memory_space<vmem>> -> memref<1x64xf32, #tpu.memory_space<vmem>>
    %dma_wait3A_2731 = arith.constant 0 : i32
    %dma_wait3A_2732 = tpu.memref_slice %arg3[%squeeze3A_1428, %dma_wait3A_2731] : memref<100000x64xf32, #tpu.memory_space<hbm>> -> memref<1x64xf32, #tpu.memory_space<hbm>>
    %dma_wait3A_2733 = arith.constant 117 : i32
    %dma_wait3A_2734 = arith.constant 0 : i32
    %dma_wait3A_2735 = tpu.memref_slice %arg6[%dma_wait3A_2733, %dma_wait3A_2734] : memref<128x64xf32, #tpu.memory_space<vmem>> -> memref<1x64xf32, #tpu.memory_space<vmem>>
    %dma_wait3A_2736 = arith.constant 0 : i32
    %dma_wait3A_2737 = tpu.memref_slice %arg3[%squeeze3A_1428, %dma_wait3A_2736] : memref<100000x64xf32, #tpu.memory_space<hbm>> -> memref<1x64xf32, #tpu.memory_space<hbm>>
    tpu.wait_dma2 semaphore(%arg7 : memref<!tpu.dma_semaphore, #tpu.memory_space<semaphore_mem>>) src(%dma_wait3A_2737 : memref<1x64xf32, #tpu.memory_space<hbm>>) dst(%dma_wait3A_2735 : memref<1x64xf32, #tpu.memory_space<vmem>>)
    %dma_wait3A_2738 = arith.constant 118 : i32
    %dma_wait3A_2739 = arith.constant 0 : i32
    %dma_wait3A_2740 = tpu.memref_slice %arg6[%dma_wait3A_2738, %dma_wait3A_2739] : memref<128x64xf32, #tpu.memory_space<vmem>> -> memref<1x64xf32, #tpu.memory_space<vmem>>
    %dma_wait3A_2741 = arith.constant 0 : i32
    %dma_wait3A_2742 = tpu.memref_slice %arg3[%squeeze3A_1440, %dma_wait3A_2741] : memref<100000x64xf32, #tpu.memory_space<hbm>> -> memref<1x64xf32, #tpu.memory_space<hbm>>
    %dma_wait3A_2743 = arith.constant 118 : i32
    %dma_wait3A_2744 = arith.constant 0 : i32
    %dma_wait3A_2745 = tpu.memref_slice %arg6[%dma_wait3A_2743, %dma_wait3A_2744] : memref<128x64xf32, #tpu.memory_space<vmem>> -> memref<1x64xf32, #tpu.memory_space<vmem>>
    %dma_wait3A_2746 = arith.constant 0 : i32
    %dma_wait3A_2747 = tpu.memref_slice %arg3[%squeeze3A_1440, %dma_wait3A_2746] : memref<100000x64xf32, #tpu.memory_space<hbm>> -> memref<1x64xf32, #tpu.memory_space<hbm>>
    tpu.wait_dma2 semaphore(%arg7 : memref<!tpu.dma_semaphore, #tpu.memory_space<semaphore_mem>>) src(%dma_wait3A_2747 : memref<1x64xf32, #tpu.memory_space<hbm>>) dst(%dma_wait3A_2745 : memref<1x64xf32, #tpu.memory_space<vmem>>)
    %dma_wait3A_2748 = arith.constant 119 : i32
    %dma_wait3A_2749 = arith.constant 0 : i32
    %dma_wait3A_2750 = tpu.memref_slice %arg6[%dma_wait3A_2748, %dma_wait3A_2749] : memref<128x64xf32, #tpu.memory_space<vmem>> -> memref<1x64xf32, #tpu.memory_space<vmem>>
    %dma_wait3A_2751 = arith.constant 0 : i32
    %dma_wait3A_2752 = tpu.memref_slice %arg3[%squeeze3A_1452, %dma_wait3A_2751] : memref<100000x64xf32, #tpu.memory_space<hbm>> -> memref<1x64xf32, #tpu.memory_space<hbm>>
    %dma_wait3A_2753 = arith.constant 119 : i32
    %dma_wait3A_2754 = arith.constant 0 : i32
    %dma_wait3A_2755 = tpu.memref_slice %arg6[%dma_wait3A_2753, %dma_wait3A_2754] : memref<128x64xf32, #tpu.memory_space<vmem>> -> memref<1x64xf32, #tpu.memory_space<vmem>>
    %dma_wait3A_2756 = arith.constant 0 : i32
    %dma_wait3A_2757 = tpu.memref_slice %arg3[%squeeze3A_1452, %dma_wait3A_2756] : memref<100000x64xf32, #tpu.memory_space<hbm>> -> memref<1x64xf32, #tpu.memory_space<hbm>>
    tpu.wait_dma2 semaphore(%arg7 : memref<!tpu.dma_semaphore, #tpu.memory_space<semaphore_mem>>) src(%dma_wait3A_2757 : memref<1x64xf32, #tpu.memory_space<hbm>>) dst(%dma_wait3A_2755 : memref<1x64xf32, #tpu.memory_space<vmem>>)
    %dma_wait3A_2758 = arith.constant 120 : i32
    %dma_wait3A_2759 = arith.constant 0 : i32
    %dma_wait3A_2760 = tpu.memref_slice %arg6[%dma_wait3A_2758, %dma_wait3A_2759] : memref<128x64xf32, #tpu.memory_space<vmem>> -> memref<1x64xf32, #tpu.memory_space<vmem>>
    %dma_wait3A_2761 = arith.constant 0 : i32
    %dma_wait3A_2762 = tpu.memref_slice %arg3[%squeeze3A_1464, %dma_wait3A_2761] : memref<100000x64xf32, #tpu.memory_space<hbm>> -> memref<1x64xf32, #tpu.memory_space<hbm>>
    %dma_wait3A_2763 = arith.constant 120 : i32
    %dma_wait3A_2764 = arith.constant 0 : i32
    %dma_wait3A_2765 = tpu.memref_slice %arg6[%dma_wait3A_2763, %dma_wait3A_2764] : memref<128x64xf32, #tpu.memory_space<vmem>> -> memref<1x64xf32, #tpu.memory_space<vmem>>
    %dma_wait3A_2766 = arith.constant 0 : i32
    %dma_wait3A_2767 = tpu.memref_slice %arg3[%squeeze3A_1464, %dma_wait3A_2766] : memref<100000x64xf32, #tpu.memory_space<hbm>> -> memref<1x64xf32, #tpu.memory_space<hbm>>
    tpu.wait_dma2 semaphore(%arg7 : memref<!tpu.dma_semaphore, #tpu.memory_space<semaphore_mem>>) src(%dma_wait3A_2767 : memref<1x64xf32, #tpu.memory_space<hbm>>) dst(%dma_wait3A_2765 : memref<1x64xf32, #tpu.memory_space<vmem>>)
    %dma_wait3A_2768 = arith.constant 121 : i32
    %dma_wait3A_2769 = arith.constant 0 : i32
    %dma_wait3A_2770 = tpu.memref_slice %arg6[%dma_wait3A_2768, %dma_wait3A_2769] : memref<128x64xf32, #tpu.memory_space<vmem>> -> memref<1x64xf32, #tpu.memory_space<vmem>>
    %dma_wait3A_2771 = arith.constant 0 : i32
    %dma_wait3A_2772 = tpu.memref_slice %arg3[%squeeze3A_1476, %dma_wait3A_2771] : memref<100000x64xf32, #tpu.memory_space<hbm>> -> memref<1x64xf32, #tpu.memory_space<hbm>>
    %dma_wait3A_2773 = arith.constant 121 : i32
    %dma_wait3A_2774 = arith.constant 0 : i32
    %dma_wait3A_2775 = tpu.memref_slice %arg6[%dma_wait3A_2773, %dma_wait3A_2774] : memref<128x64xf32, #tpu.memory_space<vmem>> -> memref<1x64xf32, #tpu.memory_space<vmem>>
    %dma_wait3A_2776 = arith.constant 0 : i32
    %dma_wait3A_2777 = tpu.memref_slice %arg3[%squeeze3A_1476, %dma_wait3A_2776] : memref<100000x64xf32, #tpu.memory_space<hbm>> -> memref<1x64xf32, #tpu.memory_space<hbm>>
    tpu.wait_dma2 semaphore(%arg7 : memref<!tpu.dma_semaphore, #tpu.memory_space<semaphore_mem>>) src(%dma_wait3A_2777 : memref<1x64xf32, #tpu.memory_space<hbm>>) dst(%dma_wait3A_2775 : memref<1x64xf32, #tpu.memory_space<vmem>>)
    %dma_wait3A_2778 = arith.constant 122 : i32
    %dma_wait3A_2779 = arith.constant 0 : i32
    %dma_wait3A_2780 = tpu.memref_slice %arg6[%dma_wait3A_2778, %dma_wait3A_2779] : memref<128x64xf32, #tpu.memory_space<vmem>> -> memref<1x64xf32, #tpu.memory_space<vmem>>
    %dma_wait3A_2781 = arith.constant 0 : i32
    %dma_wait3A_2782 = tpu.memref_slice %arg3[%squeeze3A_1488, %dma_wait3A_2781] : memref<100000x64xf32, #tpu.memory_space<hbm>> -> memref<1x64xf32, #tpu.memory_space<hbm>>
    %dma_wait3A_2783 = arith.constant 122 : i32
    %dma_wait3A_2784 = arith.constant 0 : i32
    %dma_wait3A_2785 = tpu.memref_slice %arg6[%dma_wait3A_2783, %dma_wait3A_2784] : memref<128x64xf32, #tpu.memory_space<vmem>> -> memref<1x64xf32, #tpu.memory_space<vmem>>
    %dma_wait3A_2786 = arith.constant 0 : i32
    %dma_wait3A_2787 = tpu.memref_slice %arg3[%squeeze3A_1488, %dma_wait3A_2786] : memref<100000x64xf32, #tpu.memory_space<hbm>> -> memref<1x64xf32, #tpu.memory_space<hbm>>
    tpu.wait_dma2 semaphore(%arg7 : memref<!tpu.dma_semaphore, #tpu.memory_space<semaphore_mem>>) src(%dma_wait3A_2787 : memref<1x64xf32, #tpu.memory_space<hbm>>) dst(%dma_wait3A_2785 : memref<1x64xf32, #tpu.memory_space<vmem>>)
    %dma_wait3A_2788 = arith.constant 123 : i32
    %dma_wait3A_2789 = arith.constant 0 : i32
    %dma_wait3A_2790 = tpu.memref_slice %arg6[%dma_wait3A_2788, %dma_wait3A_2789] : memref<128x64xf32, #tpu.memory_space<vmem>> -> memref<1x64xf32, #tpu.memory_space<vmem>>
    %dma_wait3A_2791 = arith.constant 0 : i32
    %dma_wait3A_2792 = tpu.memref_slice %arg3[%squeeze3A_1500, %dma_wait3A_2791] : memref<100000x64xf32, #tpu.memory_space<hbm>> -> memref<1x64xf32, #tpu.memory_space<hbm>>
    %dma_wait3A_2793 = arith.constant 123 : i32
    %dma_wait3A_2794 = arith.constant 0 : i32
    %dma_wait3A_2795 = tpu.memref_slice %arg6[%dma_wait3A_2793, %dma_wait3A_2794] : memref<128x64xf32, #tpu.memory_space<vmem>> -> memref<1x64xf32, #tpu.memory_space<vmem>>
    %dma_wait3A_2796 = arith.constant 0 : i32
    %dma_wait3A_2797 = tpu.memref_slice %arg3[%squeeze3A_1500, %dma_wait3A_2796] : memref<100000x64xf32, #tpu.memory_space<hbm>> -> memref<1x64xf32, #tpu.memory_space<hbm>>
    tpu.wait_dma2 semaphore(%arg7 : memref<!tpu.dma_semaphore, #tpu.memory_space<semaphore_mem>>) src(%dma_wait3A_2797 : memref<1x64xf32, #tpu.memory_space<hbm>>) dst(%dma_wait3A_2795 : memref<1x64xf32, #tpu.memory_space<vmem>>)
    %dma_wait3A_2798 = arith.constant 124 : i32
    %dma_wait3A_2799 = arith.constant 0 : i32
    %dma_wait3A_2800 = tpu.memref_slice %arg6[%dma_wait3A_2798, %dma_wait3A_2799] : memref<128x64xf32, #tpu.memory_space<vmem>> -> memref<1x64xf32, #tpu.memory_space<vmem>>
    %dma_wait3A_2801 = arith.constant 0 : i32
    %dma_wait3A_2802 = tpu.memref_slice %arg3[%squeeze3A_1512, %dma_wait3A_2801] : memref<100000x64xf32, #tpu.memory_space<hbm>> -> memref<1x64xf32, #tpu.memory_space<hbm>>
    %dma_wait3A_2803 = arith.constant 124 : i32
    %dma_wait3A_2804 = arith.constant 0 : i32
    %dma_wait3A_2805 = tpu.memref_slice %arg6[%dma_wait3A_2803, %dma_wait3A_2804] : memref<128x64xf32, #tpu.memory_space<vmem>> -> memref<1x64xf32, #tpu.memory_space<vmem>>
    %dma_wait3A_2806 = arith.constant 0 : i32
    %dma_wait3A_2807 = tpu.memref_slice %arg3[%squeeze3A_1512, %dma_wait3A_2806] : memref<100000x64xf32, #tpu.memory_space<hbm>> -> memref<1x64xf32, #tpu.memory_space<hbm>>
    tpu.wait_dma2 semaphore(%arg7 : memref<!tpu.dma_semaphore, #tpu.memory_space<semaphore_mem>>) src(%dma_wait3A_2807 : memref<1x64xf32, #tpu.memory_space<hbm>>) dst(%dma_wait3A_2805 : memref<1x64xf32, #tpu.memory_space<vmem>>)
    %dma_wait3A_2808 = arith.constant 125 : i32
    %dma_wait3A_2809 = arith.constant 0 : i32
    %dma_wait3A_2810 = tpu.memref_slice %arg6[%dma_wait3A_2808, %dma_wait3A_2809] : memref<128x64xf32, #tpu.memory_space<vmem>> -> memref<1x64xf32, #tpu.memory_space<vmem>>
    %dma_wait3A_2811 = arith.constant 0 : i32
    %dma_wait3A_2812 = tpu.memref_slice %arg3[%squeeze3A_1524, %dma_wait3A_2811] : memref<100000x64xf32, #tpu.memory_space<hbm>> -> memref<1x64xf32, #tpu.memory_space<hbm>>
    %dma_wait3A_2813 = arith.constant 125 : i32
    %dma_wait3A_2814 = arith.constant 0 : i32
    %dma_wait3A_2815 = tpu.memref_slice %arg6[%dma_wait3A_2813, %dma_wait3A_2814] : memref<128x64xf32, #tpu.memory_space<vmem>> -> memref<1x64xf32, #tpu.memory_space<vmem>>
    %dma_wait3A_2816 = arith.constant 0 : i32
    %dma_wait3A_2817 = tpu.memref_slice %arg3[%squeeze3A_1524, %dma_wait3A_2816] : memref<100000x64xf32, #tpu.memory_space<hbm>> -> memref<1x64xf32, #tpu.memory_space<hbm>>
    tpu.wait_dma2 semaphore(%arg7 : memref<!tpu.dma_semaphore, #tpu.memory_space<semaphore_mem>>) src(%dma_wait3A_2817 : memref<1x64xf32, #tpu.memory_space<hbm>>) dst(%dma_wait3A_2815 : memref<1x64xf32, #tpu.memory_space<vmem>>)
    %dma_wait3A_2818 = arith.constant 126 : i32
    %dma_wait3A_2819 = arith.constant 0 : i32
    %dma_wait3A_2820 = tpu.memref_slice %arg6[%dma_wait3A_2818, %dma_wait3A_2819] : memref<128x64xf32, #tpu.memory_space<vmem>> -> memref<1x64xf32, #tpu.memory_space<vmem>>
    %dma_wait3A_2821 = arith.constant 0 : i32
    %dma_wait3A_2822 = tpu.memref_slice %arg3[%squeeze3A_1536, %dma_wait3A_2821] : memref<100000x64xf32, #tpu.memory_space<hbm>> -> memref<1x64xf32, #tpu.memory_space<hbm>>
    %dma_wait3A_2823 = arith.constant 126 : i32
    %dma_wait3A_2824 = arith.constant 0 : i32
    %dma_wait3A_2825 = tpu.memref_slice %arg6[%dma_wait3A_2823, %dma_wait3A_2824] : memref<128x64xf32, #tpu.memory_space<vmem>> -> memref<1x64xf32, #tpu.memory_space<vmem>>
    %dma_wait3A_2826 = arith.constant 0 : i32
    %dma_wait3A_2827 = tpu.memref_slice %arg3[%squeeze3A_1536, %dma_wait3A_2826] : memref<100000x64xf32, #tpu.memory_space<hbm>> -> memref<1x64xf32, #tpu.memory_space<hbm>>
    tpu.wait_dma2 semaphore(%arg7 : memref<!tpu.dma_semaphore, #tpu.memory_space<semaphore_mem>>) src(%dma_wait3A_2827 : memref<1x64xf32, #tpu.memory_space<hbm>>) dst(%dma_wait3A_2825 : memref<1x64xf32, #tpu.memory_space<vmem>>)
    %dma_wait3A_2828 = arith.constant 127 : i32
    %dma_wait3A_2829 = arith.constant 0 : i32
    %dma_wait3A_2830 = tpu.memref_slice %arg6[%dma_wait3A_2828, %dma_wait3A_2829] : memref<128x64xf32, #tpu.memory_space<vmem>> -> memref<1x64xf32, #tpu.memory_space<vmem>>
    %dma_wait3A_2831 = arith.constant 0 : i32
    %dma_wait3A_2832 = tpu.memref_slice %arg3[%squeeze3A_1548, %dma_wait3A_2831] : memref<100000x64xf32, #tpu.memory_space<hbm>> -> memref<1x64xf32, #tpu.memory_space<hbm>>
    %dma_wait3A_2833 = arith.constant 127 : i32
    %dma_wait3A_2834 = arith.constant 0 : i32
    %dma_wait3A_2835 = tpu.memref_slice %arg6[%dma_wait3A_2833, %dma_wait3A_2834] : memref<128x64xf32, #tpu.memory_space<vmem>> -> memref<1x64xf32, #tpu.memory_space<vmem>>
    %dma_wait3A_2836 = arith.constant 0 : i32
    %dma_wait3A_2837 = tpu.memref_slice %arg3[%squeeze3A_1548, %dma_wait3A_2836] : memref<100000x64xf32, #tpu.memory_space<hbm>> -> memref<1x64xf32, #tpu.memory_space<hbm>>
    tpu.wait_dma2 semaphore(%arg7 : memref<!tpu.dma_semaphore, #tpu.memory_space<semaphore_mem>>) src(%dma_wait3A_2837 : memref<1x64xf32, #tpu.memory_space<hbm>>) dst(%dma_wait3A_2835 : memref<1x64xf32, #tpu.memory_space<vmem>>)
    "tpu.region"() ({
      %run_scoped3A = tpu.sem_alloc : memref<!tpu.dma_semaphore, #tpu.memory_space<semaphore_mem>>
      %dma_start3A_2838 = arith.constant 0 : i32
      %dma_start3A_2839 = tpu.memref_slice %arg4[%mul3A_2, %dma_start3A_2838] : memref<4096x64xf32, #tpu.memory_space<hbm>> -> memref<128x64xf32, #tpu.memory_space<hbm>>
      %dma_start3A_2840 = arith.constant 0 : i32
      %dma_start3A_2841 = tpu.memref_slice %arg4[%mul3A_2, %dma_start3A_2840] : memref<4096x64xf32, #tpu.memory_space<hbm>> -> memref<128x64xf32, #tpu.memory_space<hbm>>
      tpu.enqueue_dma source(%arg6 : memref<128x64xf32, #tpu.memory_space<vmem>>) target(%dma_start3A_2841 : memref<128x64xf32, #tpu.memory_space<hbm>>) target_semaphore(%run_scoped3A : memref<!tpu.dma_semaphore, #tpu.memory_space<semaphore_mem>>)
      %dma_wait3A_2842 = arith.constant 0 : i32
      %dma_wait3A_2843 = tpu.memref_slice %arg4[%mul3A_2, %dma_wait3A_2842] : memref<4096x64xf32, #tpu.memory_space<hbm>> -> memref<128x64xf32, #tpu.memory_space<hbm>>
      %dma_wait3A_2844 = arith.constant 0 : i32
      %dma_wait3A_2845 = tpu.memref_slice %arg4[%mul3A_2, %dma_wait3A_2844] : memref<4096x64xf32, #tpu.memory_space<hbm>> -> memref<128x64xf32, #tpu.memory_space<hbm>>
      tpu.wait_dma2 semaphore(%run_scoped3A : memref<!tpu.dma_semaphore, #tpu.memory_space<semaphore_mem>>) src(%arg6 : memref<128x64xf32, #tpu.memory_space<vmem>>) dst(%dma_wait3A_2845 : memref<128x64xf32, #tpu.memory_space<hbm>>)
      tpu.yield
    }) : () -> ()
    return
  }
}

module attributes {stable_mosaic.version = 14 : i64} {
  func.func @body(%arg0: i32, %arg1: memref<1024x64xf32, #tpu.memory_space<vmem>>, %arg2: memref<1024x128xf32, #tpu.memory_space<vmem>>, %arg3: memref<120x128xf32, #tpu.memory_space<vmem>>, %arg4: memref<128xf32, #tpu.memory_space<vmem>>, %arg5: memref<1024x128xf32, #tpu.memory_space<vmem>>) attributes {dimension_semantics = [#tpu.dimension_semantics<arbitrary>], iteration_bounds = array<i64: 4>, scalar_prefetch = 0 : i64, scratch_operands = 0 : i64, tpu.core_type = #tpu.core_type<tc>, window_params = [{transform_indices = @transform_0, window_bounds = array<i64: 1024, 64>}, {transform_indices = @transform_1, window_bounds = array<i64: 1024, 128>}, {pipeline_mode = #tpu.pipeline_mode<synchronous>, transform_indices = @transform_2, window_bounds = array<i64: 120, 128>}, {pipeline_mode = #tpu.pipeline_mode<synchronous>, transform_indices = @transform_3, window_bounds = array<i64: 128>}, {transform_indices = @transform_4, window_bounds = array<i64: 1024, 128>}]} {
    %get3A = arith.constant 0 : index
    %get3A_0 = arith.constant 0 : index
    %get3A_1 = vector.load %arg1[%get3A, %get3A_0] : memref<1024x64xf32, #tpu.memory_space<vmem>>, vector<1024x64xf32>
    %get3A_2 = arith.constant 0 : index
    %get3A_3 = arith.constant 0 : index
    %get3A_4 = vector.load %arg2[%get3A_2, %get3A_3] : memref<1024x128xf32, #tpu.memory_space<vmem>>, vector<1024x128xf32>
    %slice3A = vector.extract_strided_slice %get3A_4 {offsets = [0, 0], sizes = [1024, 56], strides = [1, 1]} : vector<1024x128xf32> to vector<1024x56xf32>
    %get3A_5 = arith.constant 0 : index
    %get3A_6 = arith.constant 0 : index
    %get3A_7 = vector.load %arg3[%get3A_5, %get3A_6] : memref<120x128xf32, #tpu.memory_space<vmem>>, vector<120x128xf32>
    %slice3A_8 = vector.extract_strided_slice %get3A_7 {offsets = [0, 0], sizes = [64, 128], strides = [1, 1]} : vector<120x128xf32> to vector<64x128xf32>
    %dot_general3A = arith.constant dense<0.000000e+00> : vector<1024x128xf32>
    %dot_general3A_9 = tpu.matmul %get3A_1, %slice3A_8, %dot_general3A {dimension_numbers = #tpu.dot_dimension_numbers<[1], [0], [0], [1], [0, 0, 1, 1], [], []>, transpose_lhs_hint = false} : vector<1024x64xf32>, vector<64x128xf32>, vector<1024x128xf32> -> vector<1024x128xf32>
    %slice3A_10 = vector.extract_strided_slice %get3A_7 {offsets = [64, 0], sizes = [56, 128], strides = [1, 1]} : vector<120x128xf32> to vector<56x128xf32>
    %dot_general3A_11 = arith.constant dense<0.000000e+00> : vector<1024x128xf32>
    %dot_general3A_12 = tpu.matmul %slice3A, %slice3A_10, %dot_general3A_11 {dimension_numbers = #tpu.dot_dimension_numbers<[1], [0], [0], [1], [0, 0, 1, 1], [], []>, transpose_lhs_hint = false} : vector<1024x56xf32>, vector<56x128xf32>, vector<1024x128xf32> -> vector<1024x128xf32>
    %add3A = arith.addf %dot_general3A_9, %dot_general3A_12 : vector<1024x128xf32>
    %get3A_13 = arith.constant 0 : index
    %get3A_14 = vector.load %arg4[%get3A_13] : memref<128xf32, #tpu.memory_space<vmem>>, vector<128xf32>
    %reshape3A = vector.shape_cast %get3A_14 : vector<128xf32> to vector<1x128xf32>
    %add3A_15 = vector.broadcast %reshape3A : vector<1x128xf32> to vector<1024x128xf32>
    %add3A_16 = arith.addf %add3A, %add3A_15 : vector<1024x128xf32>
    %max3A = arith.constant 0.000000e+00 : f32
    %max3A_17 = vector.broadcast %max3A : f32 to vector<1024x128xf32>
    %max3A_18 = arith.maximumf %add3A_16, %max3A_17 : vector<1024x128xf32>
    %swap3A = arith.constant 0 : index
    %swap3A_19 = arith.constant 0 : index
    %swap3A_20 = vector.load %arg5[%swap3A, %swap3A_19] : memref<1024x128xf32, #tpu.memory_space<vmem>>, vector<1024x128xf32>
    tpu.vector_store %arg5[%swap3A, %swap3A_19], %max3A_18 {strides = array<i32>} : memref<1024x128xf32, #tpu.memory_space<vmem>>, vector<1024x128xf32>,
    return
  }
  func.func @transform_0(%arg0: i32) -> (i32, i32) {
    %c0_i32 = arith.constant 0 : i32
    %c0_i32_0 = arith.constant 0 : i32
    return %arg0, %c0_i32 : i32, i32
  }
  func.func @transform_1(%arg0: i32) -> (i32, i32) {
    %c0_i32 = arith.constant 0 : i32
    %c0_i32_0 = arith.constant 0 : i32
    return %arg0, %c0_i32 : i32, i32
  }
  func.func @transform_2(%arg0: i32) -> (i32, i32) {
    %c0_i32 = arith.constant 0 : i32
    %c0_i32_0 = arith.constant 0 : i32
    %c0_i32_1 = arith.constant 0 : i32
    return %c0_i32, %c0_i32_0 : i32, i32
  }
  func.func @transform_3(%arg0: i32) -> i32 {
    %c0_i32 = arith.constant 0 : i32
    %c0_i32_0 = arith.constant 0 : i32
    return %c0_i32 : i32
  }
  func.func @transform_4(%arg0: i32) -> (i32, i32) {
    %c0_i32 = arith.constant 0 : i32
    %c0_i32_0 = arith.constant 0 : i32
    return %arg0, %c0_i32 : i32, i32
  }
}

</mosaic_0001>

<sc_bundles>
// kernel: kernel.5.cloned.1.call-start
scs
__scs_entry_jumppad:
0x0: {  	(pc) =	sbr.rel $0x88, $3  }
0x1: {  	(tag) =	ssettag $0x0;
	lr =	simm.s32 $0x1  }
0x2: {  	[smem:$0x3F97] =	sst lr;
	_ =	strace $0xD0000000  }
0x3: {  	_ = 	snop  }
0x4: {  	_ = 	snop  }
0x5: {  	_ = 	snop  }
0x6: {  	_ = 	snop  }
0x7: {  	_ = 	snop  }
__scs_overlays_trampoline_lowered:
0x8: {  	[smem:$0x3FA6] =	sst s0  }
0x9: {  	[smem:$0x3FA7] =	sst s1  }
0xa: {  	[smem:$0x3FA8] =	sst s2  }
0xb: {  	[smem:$0x3FA9] =	sst s3  }
0xc: {  	[smem:$0x3FAA] =	sst s4  }
0xd: {  	[smem:$0x3FAB] =	sst s5  }
0xe: {  	[smem:$0x3FAC] =	sst s6  }
0xf: {  	[smem:$0x3FAD] =	sst s7  }
0x10: {  	[smem:$0x3FAE] =	sst s8  }
0x11: {  	[smem:$0x3FAF] =	sst s9;
	s0 =	simm.s32 @!p0 $0x0  }
0x12: {  	s1 =	sld [smem:$0x3F95];
	s0 =	simm.s32 @p0 $0x1  }
0x13: {  	[smem:$0x3FB0] =	sst s0;
	s0 =	simm.s32 @!p1 $0x0  }
0x14: {  	s2 =	sld [smem:$0x3F94];
	s0 =	simm.s32 @p1 $0x1  }
0x15: {  	[smem:$0x3FB1] =	sst s0;
	s0 =	simm.s32 @!p2 $0x0  }
0x16: {  	s3 =	sld [smem:$0x3FDB];
	s0 =	simm.s32 @p2 $0x1  }
0x17: {  	s4 =	simm.s32 $0x1BF5;
	[smem:$0x3FB3] =	sst s0  }
0x18: {  	s0 =	sld [smem:$0x3F96];
	_ =	swait.ge [sflag:s4], $0x0  }
0x19: {  	s7 =	sld [smem:$0x3F97]  }
0x1a: {  	s8 =	sadd.s32 $0xFFFFE003, lr  }
0x1b: {  	s9 =	sadd.s32 $0xFFFFFEF7, lr;
	s5 =	simm.s32 $0xFFFFFFFF;
	p2 =	slt.u32 s8, $0xFFFFF086  }
0x1c: {  	p1 =	slt.u32 s9, $0xF7A;
	s5 =	simm.s32 @!p2 $0x0  }
0x1d: {  	s5 =	simm.s32 @p1 $0x1;
	p0 =	seq.s32 s7, s2  }
0x1e: {  	s7 =	smul.u32 @!p0 $0xF7A, s2;
	p2 =	seq.s32 @!p0 s5, $0x0  }
0x1f: {  	s9 =	smul.u32 $0xF7A, s1;
	s8 =	simm.s32 @!p0 $0x1BF5;
	p2 =	por !p2, p0  }
0x20: {  	[sflag:s8] =	ssyncset.s32 @!p0 $0xFFFFF086;
	s6 =	sadd.s32 @!p0 s3, s7;
	s7 =	simm.s32 @!p0 $0x108  }
0x21: {  	s3 =	sadd.s32 s3, s9;
	s6 =	sadd.s32 @!p0 $0x88, s6;
	s7 =	simm.s32 @p2 $0x1082  }
0x22: {  	[simem:s7], [sflag:s8] =	dma.local @!p0 [hbm:s6], $0xF7A  }
0x23: {  	s9 =	sor.u32 $0xD0000000, s2;
	s6 =	simm.s32 $0x108;
	_ =	swait.ge @!p0 [sflag:s8], $0x0  }
0x24: {  	s3 =	sadd.s32 $0x88, s3;
	s6 =	simm.s32 @!p1 $0x1082;
	[sflag:s4] =	ssyncset.s32 $0xFFFFF086  }
0x25: {  	[simem:s6], [sflag:s4] =	dma.local [hbm:s3], $0xF7A  }
0x26: {  	[smem:$0x3F97] =	sst s1;
	(tag) =	ssettag s2;
	_ =	strace s9  }
0x27: {  	s1 =	sld [smem:$0x3FA7]  }
0x28: {  	s2 =	sld [smem:$0x3FA8]  }
0x29: {  	s4 =	sld [smem:$0x3FAA]  }
0x2a: {  	p0 =	seq.s32 s5, $0x0;
	s5 =	sld [smem:$0x3FAB]  }
0x2b: {  	s6 =	sld [smem:$0x3FAC]  }
0x2c: {  	s7 =	sld [smem:$0x3FAD]  }
0x2d: {  	s3 =	simm.s32 $0x108;
	s8 =	sld [smem:$0x3FAE]  }
0x2e: {  	s3 =	simm.s32 @!p0 $0x1082;
	s9 =	sld [smem:$0x3FAF]  }
0x2f: {  	lr =	sadd.s32 s0, s3;
	s0 =	sld [smem:$0x3FA6]  }
0x30: {  	s3 =	sld [smem:$0x3FA9]  }
0x31: {  	[smem:$0x3FB2] =	sst s10  }
0x32: {  	s10 =	sld [smem:$0x3FB0];
	_ =	sdelay $0x3  }
0x33: {  	p0 =	seq.s32 s10, $0x1;
	s10 =	sld [smem:$0x3FB2];
	_ =	sdelay $0x3  }
0x34: {  	[smem:$0x3FB2] =	sst s10  }
0x35: {  	s10 =	sld [smem:$0x3FB1];
	_ =	sdelay $0x3  }
0x36: {  	p1 =	seq.s32 s10, $0x1;
	s10 =	sld [smem:$0x3FB2];
	_ =	sdelay $0x3  }
0x37: {  	[smem:$0x3FB2] =	sst s10  }
0x38: {  	s10 =	sld [smem:$0x3FB3]  }
0x39: {  	_ = 	snop;
	(pc) =	sbr.ind lr, $3  }
0x3a: {  	_ = 	snop  }
0x3b: {  	_ = 	snop  }
0x3c: {  	p2 =	seq.s32 s10, $0x1;
	s10 =	sld [smem:$0x3FB2]  }
0x3d: {  	_ =	shalt  }
0x3e: {  	_ =	shalt  }
0x3f: {  	_ =	shalt  }
0x40: {  	_ =	shalt  }
0x41: {  	_ =	shalt  }
0x42: {  	_ =	shalt  }
0x43: {  	_ =	shalt  }
0x44: {  	_ =	shalt  }
0x45: {  	_ =	shalt  }
0x46: {  	_ =	shalt  }
0x47: {  	_ =	shalt  }
0x48: {  	_ =	shalt  }
0x49: {  	_ =	shalt  }
0x4a: {  	_ =	shalt  }
0x4b: {  	_ =	shalt  }
0x4c: {  	_ =	shalt  }
0x4d: {  	_ =	shalt  }
0x4e: {  	_ =	shalt  }
0x4f: {  	_ =	shalt  }
0x50: {  	_ =	shalt  }
0x51: {  	_ =	shalt  }
0x52: {  	_ =	shalt  }
0x53: {  	_ =	shalt  }
0x54: {  	_ =	shalt  }
0x55: {  	_ =	shalt  }
0x56: {  	_ =	shalt  }
0x57: {  	_ =	shalt  }
0x58: {  	_ =	shalt  }
0x59: {  	_ =	shalt  }
0x5a: {  	_ =	shalt  }
0x5b: {  	_ =	shalt  }
0x5c: {  	_ =	shalt  }
0x5d: {  	_ =	shalt  }
0x5e: {  	_ =	shalt  }
0x5f: {  	_ =	shalt  }
0x60: {  	_ =	shalt  }
0x61: {  	_ =	shalt  }
0x62: {  	_ =	shalt  }
0x63: {  	_ =	shalt  }
0x64: {  	_ =	shalt  }
0x65: {  	_ =	shalt  }
0x66: {  	_ =	shalt  }
0x67: {  	_ =	shalt  }
0x68: {  	_ =	shalt  }
0x69: {  	_ =	shalt  }
0x6a: {  	_ =	shalt  }
0x6b: {  	_ =	shalt  }
0x6c: {  	_ =	shalt  }
0x6d: {  	_ =	shalt  }
0x6e: {  	_ =	shalt  }
0x6f: {  	_ =	shalt  }
0x70: {  	_ =	shalt  }
0x71: {  	_ =	shalt  }
0x72: {  	_ =	shalt  }
0x73: {  	_ =	shalt  }
0x74: {  	_ =	shalt  }
0x75: {  	_ =	shalt  }
0x76: {  	_ =	shalt  }
0x77: {  	_ =	shalt  }
0x78: {  	_ =	shalt  }
0x79: {  	_ =	shalt  }
0x7a: {  	_ =	shalt  }
0x7b: {  	_ =	shalt  }
0x7c: {  	_ =	shalt  }
0x7d: {  	_ =	shalt  }
0x7e: {  	_ =	shalt  }
0x7f: {  	_ =	shalt  }
0x80: {  	_ =	shalt  }
0x81: {  	_ =	shalt  }
0x82: {  	_ =	shalt  }
0x83: {  	_ =	shalt  }
0x84: {  	_ =	shalt  }
0x85: {  	_ =	shalt  }
0x86: {  	_ =	shalt  }
0x87: {  	_ =	shalt  }
.Lfunc_end0:
.L_simem_size_0:
called_computation_lowered:
.L_overlay_start_0:
0x88: {  	s2 =	sld [smem:$0x3FD9]  }
0x89: {  	s3 =	sld [smem:$0x3FFE];
	_ =	sdelay $0x1  }
0x8a: {  	s1 =	srdreg.scid  }
0x8b: {  	s0 =	sand.u32 $0x1, s1  }
0x8c: {  	s17 =	sshll.u32 s0, $0xA;
	s2 =	sadd.s32 s3, s2  }
0x8d: {  	s2 =	sadd.s32 s2, s17  }
0x8e: {  	[smem:$0x3FBE] =	sst s2  }
0x8f: {  	_ = 	snop  }
0x90: {  	s2 =	sld [smem:$0x3FC9];
	(tm) =	ssettm $0x1  }
0x91: {  	s18 =	sld [smem:$0x3FFB];
	_ =	sdelay $0x3  }
0x92: {  	_ =	strace s18  }
0x93: {  	s3 =	sld [smem:$0x3FFC];
	_ =	sdelay $0x3  }
0x94: {  	_ =	strace s3  }
0x95: {  	s3 =	sld [smem:$0x3FFD];
	_ =	sdelay $0x3  }
0x96: {  	_ =	strace s3  }
0x97: {  	_ =	strace $0x8FFFFFFF  }
0x98: {  	s19 =	sld [smem:$0x3FDB];
	_ =	sdelay $0x1  }
0x99: {  	s4 =	simm.s32 $_scs_section_size  }
0x9a: {  	s5 =	simm.s32 $_size__tile_overlayer_lowered;
	s6 =	simm.s32 $_tile_overlayer_lowered  }
0x9b: {  	s22 =	simm.s32 $0x1BFF;
	s21 =	sshll.u32 s6, $0x1;
	s3 =	sadd.s32 s4, s19  }
0x9c: {  	s7 =	simm.s32 $0x0;
	s20 =	sshll.u32 s5, $0x1;
	s5 =	sadd.s32 s21, s3  }
0x9d: {  	[timem:s7], [sflag:s22] =	dma.local [hbm:s5], s20  }
0x9e: {  	_ =	swait.ge [sflag:s22], s20  }
0x9f: {  	s4 =	ssub.s32 $0x0, s20;
	[sflag:s22] =	ssyncset.done $0x0  }
0xa0: {  	[sflag:s22] =	ssyncadd.s32 s4;
	_ =	sdelay $0x1  }
0xa1: {  	s23 =	simm.s32 $0x1B8B  }
0xa2: {  	_ =	swait.ge [sflag:s23], $0x1  }
0xa3: {  	[sflag:s23] =	ssyncset.done $0x0  }
0xa4: {  	s25 =	simm.s32 $0x1B8E;
	s24 =	sld [smem:$0x3FFE];
	[sflag:s23] =	ssyncadd.s32 $0xFFFFFFFF  }
0xa5: {  	s26 =	simm.s32 $execute0_lowered;
	[smem:$0x3FD2] =	sst s25  }
0xa6: {  	s5 =	sshll.u32 s26, $0x1;
	_ =	strace $0x80000046;
	[dreg:$0x1] =	wrdreg $0xFFFFFFFF  }
0xa7: {  	s28 =	simm.s32 $_size_execute0_lowered;
	s3 =	sadd.s32 s3, s5;
	[dreg:$0x0] =	wrdreg $0x0  }
0xa8: {  	s5 =	sshll.u32 s28, $0x1;
	[dreg:$0x2] =	wrdreg s3  }
0xa9: {  	[dreg:$0x3] =	wrdreg s5  }
0xaa: {  	[dreg:$0x4] =	wrdreg $0xC0  }
0xab: {  	_ =	task [dreg:s7], $0x5FFFF  }
0xac: {  	[dreg:$0x1] =	wrdreg $0xFFFFFFFF  }
0xad: {  	[dreg:$0x0] =	wrdreg $0x60  }
0xae: {  	[dreg:$0x2] =	wrdreg s2  }
0xaf: {  	[dreg:$0x3] =	wrdreg s24  }
0xb0: {  	[dreg:$0x4] =	wrdreg $0x9  }
0xb1: {  	_ =	task.clear_ibuf [dreg:s7], $0x5FFFF;
	_ =	strace $0x90000046  }
0xb2: {  	s29 =	simm.s32 $0x9;
	_ =	strace $0x80000048  }
0xb3: {  	_ =	swait.ge [sflag:s29], $0x1  }
0xb4: {  	[sflag:s29] =	ssyncadd.s32 $0xFFFFFFFF  }
0xb5: {  	_ =	strace $0x90000048  }
0xb6: {  	_ =	sfence  }
0xb7: {  	s30 =	sld [smem:$0x0];
	_ =	sdelay $0x2  }
0xb8: {  	s31 =	sshll.u32 s1, $0xD;
	s1 =	sshrl.u32 s1, $0x2  }
0xb9: {  	s3 =	sand.u32 $0x4000, s31;
	s1 =	sadd.s32 s1, s30  }
0xba: {  	s0 =	sor.u32 s3, s0;
	s1 =	sshll.u32 s1, $0x11  }
0xbb: {  	s0 =	sor.u32 s1, s0  }
0xbc: {  	s0 =	sadd.s32 $0x8F2B, s0  }
0xbd: {  	[sflag:s0] =	ssyncadd.remote.s32 $0x1  }
0xbe: {  	_ =	sfence.sel $0xFFFF  }
0xbf: {  	[dreg:$0x0] =	wrdreg $0xFFFFFFFF;
	(pc) =	sbr.abs _section_cstart, $3  }
0xc0: {  	[dreg:$0x1] =	wrdreg $0xFFFFFFFF  }
0xc1: {  	_ =	task.clear_ibuf [dreg:s7], $0x2FFFF;
	_ =	strace $0x9FFFFFFF  }
0xc2: {  	(tm) =	ssettm $0x7FFFFFFF  }
0xc3: {  	_ =	shalt  }
tec
execute0_lowered:
.L_overlay_start_1:
0x0: {  	(tag) =	ssettag $0x1  }
0x1: {  	s5 =	rddreg [dreg:$0x0]  }
0x2: {  	s1 =	srdreg.scid;
	s3 =	rddreg [dreg:$0x1]  }
0x3: {  	s2 =	simm.s32 $0x0;
	s4 =	sand.u32 $0x1, s1;
	s1 =	rddreg [dreg:$0x2]  }
0x4: {  	s29 =	simm.s32 $0x100;
	[smem:$0x7FF] =	sst s2  }
0x5: {  	s30 =	simm.s32 $0x180;
	_ =	strace $0x80000047;
	[dreg:$0x5] =	wrdreg s29  }
0x6: {  	s31 =	simm.s32 $0x200;
	[dreg:$0x6] =	wrdreg s30  }
0x7: {  	s8 =	simm.s32 $0x380;
	[dreg:$0x7] =	wrdreg s31  }
0x8: {  	s9 =	simm.s32 $0x400;
	[dreg:$0xa] =	wrdreg s8  }
0x9: {  	s10 =	simm.s32 $0x480;
	[dreg:$0xb] =	wrdreg s9  }
0xa: {  	s11 =	simm.s32 $0x500;
	[dreg:$0xc] =	wrdreg s10  }
0xb: {  	s12 =	simm.s32 $0x580;
	[dreg:$0xd] =	wrdreg s11  }
0xc: {  	s13 =	simm.s32 $0x600;
	[dreg:$0xe] =	wrdreg s12  }
0xd: {  	s14 =	simm.s32 $0x680;
	[dreg:$0xf] =	wrdreg s13  }
0xe: {  	s15 =	simm.s32 $0x700;
	[dreg:$0x10] =	wrdreg s14  }
0xf: {  	s16 =	simm.s32 $0x780;
	[dreg:$0x11] =	wrdreg s15  }
0x10: {  	s17 =	simm.s32 $0x800;
	[dreg:$0x12] =	wrdreg s16  }
0x11: {  	s18 =	simm.s32 $0x880;
	[dreg:$0x13] =	wrdreg s17  }
0x12: {  	s19 =	simm.s32 $0x900;
	[dreg:$0x14] =	wrdreg s18  }
0x13: {  	s20 =	simm.s32 $0x980;
	[dreg:$0x15] =	wrdreg s19  }
0x14: {  	s21 =	simm.s32 $0xA00;
	[dreg:$0x16] =	wrdreg s20  }
0x15: {  	s22 =	simm.s32 $0xA80;
	[dreg:$0x17] =	wrdreg s21  }
0x16: {  	s23 =	simm.s32 $0xB00;
	[dreg:$0x18] =	wrdreg s22  }
0x17: {  	s24 =	simm.s32 $0xB80;
	[dreg:$0x19] =	wrdreg s23  }
0x18: {  	s25 =	simm.s32 $0xC00;
	[dreg:$0x1a] =	wrdreg s24  }
0x19: {  	s26 =	simm.s32 $0xC80;
	[dreg:$0x1b] =	wrdreg s25  }
0x1a: {  	[dreg:$0x1c] =	wrdreg s26;
	s29 =	simm.s32 $0xD80  }
0x1b: {  	s30 =	simm.s32 $0xE00;
	[dreg:$0x1e] =	wrdreg s29  }
0x1c: {  	s31 =	simm.s32 $0xE80;
	[dreg:$0x1f] =	wrdreg s30  }
0x1d: {  	s8 =	simm.s32 $0x1000;
	[smem:$0x79A] =	sst s31  }
0x1e: {  	s9 =	simm.s32 $0x1080;
	[smem:$0x79D] =	sst s8  }
0x1f: {  	s10 =	simm.s32 $0x1100;
	[smem:$0x79E] =	sst s9  }
0x20: {  	s11 =	simm.s32 $0x1180;
	[smem:$0x79F] =	sst s10  }
0x21: {  	s12 =	simm.s32 $0x1200;
	[smem:$0x7A0] =	sst s11  }
0x22: {  	s13 =	simm.s32 $0x1280;
	[smem:$0x7A1] =	sst s12  }
0x23: {  	s14 =	simm.s32 $0x1300;
	[smem:$0x7A2] =	sst s13  }
0x24: {  	s15 =	simm.s32 $0x1380;
	[smem:$0x7A3] =	sst s14  }
0x25: {  	s16 =	simm.s32 $0x1400;
	[smem:$0x7A4] =	sst s15  }
0x26: {  	s17 =	simm.s32 $0x1480;
	[smem:$0x7A5] =	sst s16  }
0x27: {  	s18 =	simm.s32 $0x1500;
	[smem:$0x7A6] =	sst s17  }
0x28: {  	s19 =	simm.s32 $0x1580;
	[smem:$0x7A7] =	sst s18  }
0x29: {  	s20 =	simm.s32 $0x1600;
	[smem:$0x7A8] =	sst s19  }
0x2a: {  	s21 =	simm.s32 $0x1680;
	[smem:$0x7A9] =	sst s20  }
0x2b: {  	s22 =	simm.s32 $0x1700;
	[smem:$0x7AA] =	sst s21  }
0x2c: {  	s23 =	simm.s32 $0x1780;
	[smem:$0x7AB] =	sst s22  }
0x2d: {  	s24 =	simm.s32 $0x1800;
	[smem:$0x7AC] =	sst s23  }
0x2e: {  	s25 =	simm.s32 $0x1880;
	[smem:$0x7AD] =	sst s24  }
0x2f: {  	s26 =	simm.s32 $0x1900;
	[smem:$0x7AE] =	sst s25  }
0x30: {  	[smem:$0x7AF] =	sst s26;
	s29 =	simm.s32 $0x1A00  }
0x31: {  	s30 =	simm.s32 $0x1A80;
	[smem:$0x7B1] =	sst s29  }
0x32: {  	s31 =	simm.s32 $0x1B00;
	[smem:$0x7B2] =	sst s30  }
0x33: {  	s8 =	simm.s32 $0x1C80;
	[smem:$0x7B3] =	sst s31  }
0x34: {  	s9 =	simm.s32 $0x1D00;
	[smem:$0x7B6] =	sst s8  }
0x35: {  	s10 =	simm.s32 $0x1D80;
	[smem:$0x7B7] =	sst s9  }
0x36: {  	s11 =	simm.s32 $0x1E00;
	[smem:$0x7B8] =	sst s10  }
0x37: {  	s12 =	simm.s32 $0x1E80;
	[smem:$0x7B9] =	sst s11  }
0x38: {  	s13 =	simm.s32 $0x1F00;
	[smem:$0x7BA] =	sst s12  }
0x39: {  	s14 =	simm.s32 $0x1F80;
	[smem:$0x7BB] =	sst s13  }
0x3a: {  	s15 =	simm.s32 $0x2000;
	[smem:$0x7BC] =	sst s14  }
0x3b: {  	s16 =	simm.s32 $0x2080;
	[smem:$0x7BD] =	sst s15  }
0x3c: {  	s17 =	simm.s32 $0x2100;
	[smem:$0x7BE] =	sst s16  }
0x3d: {  	s18 =	simm.s32 $0x2180;
	[smem:$0x7BF] =	sst s17  }
0x3e: {  	s19 =	simm.s32 $0x2200;
	[smem:$0x7C0] =	sst s18  }
0x3f: {  	s20 =	simm.s32 $0x2280;
	[smem:$0x7C1] =	sst s19  }
0x40: {  	s21 =	simm.s32 $0x2300;
	[smem:$0x7C2] =	sst s20  }
0x41: {  	s22 =	simm.s32 $0x2380;
	[smem:$0x7C3] =	sst s21  }
0x42: {  	s23 =	simm.s32 $0x2400;
	[smem:$0x7C4] =	sst s22  }
0x43: {  	s24 =	simm.s32 $0x2480;
	[smem:$0x7C5] =	sst s23  }
0x44: {  	s25 =	simm.s32 $0x2500;
	[smem:$0x7C6] =	sst s24  }
0x45: {  	s26 =	simm.s32 $0x2580;
	[smem:$0x7C7] =	sst s25  }
0x46: {  	[smem:$0x7C8] =	sst s26;
	s29 =	simm.s32 $0x2680  }
0x47: {  	s30 =	simm.s32 $0x2700;
	[smem:$0x7CA] =	sst s29  }
0x48: {  	s31 =	simm.s32 $0x2780;
	[smem:$0x7CB] =	sst s30  }
0x49: {  	s8 =	simm.s32 $0x2900;
	[smem:$0x7CC] =	sst s31  }
0x4a: {  	s9 =	simm.s32 $0x2980;
	[smem:$0x7CF] =	sst s8  }
0x4b: {  	s10 =	simm.s32 $0x2A00;
	[smem:$0x7D0] =	sst s9  }
0x4c: {  	s11 =	simm.s32 $0x2A80;
	[smem:$0x7D1] =	sst s10  }
0x4d: {  	s12 =	simm.s32 $0x2B00;
	[smem:$0x7D2] =	sst s11  }
0x4e: {  	s13 =	simm.s32 $0x2B80;
	[smem:$0x7D3] =	sst s12  }
0x4f: {  	s14 =	simm.s32 $0x2C00;
	[smem:$0x7D4] =	sst s13  }
0x50: {  	s15 =	simm.s32 $0x2C80;
	[smem:$0x7D5] =	sst s14  }
0x51: {  	s16 =	simm.s32 $0x2D00;
	[smem:$0x7D6] =	sst s15  }
0x52: {  	s17 =	simm.s32 $0x2D80;
	[smem:$0x7D7] =	sst s16  }
0x53: {  	s18 =	simm.s32 $0x2E00;
	[smem:$0x7D8] =	sst s17  }
0x54: {  	s19 =	simm.s32 $0x2E80;
	[smem:$0x7D9] =	sst s18  }
0x55: {  	s20 =	simm.s32 $0x2F00;
	[smem:$0x7DA] =	sst s19  }
0x56: {  	s0 =	stileid.u32;
	s21 =	simm.s32 $0x2F80;
	[smem:$0x7DB] =	sst s20  }
0x57: {  	s6 =	sshll.u32 s0, $0x8;
	s22 =	simm.s32 $0x3000;
	[smem:$0x7DC] =	sst s21  }
0x58: {  	s7 =	sshll.u32 s4, $0x7;
	s23 =	simm.s32 $0x3080;
	[smem:$0x7DD] =	sst s22  }
0x59: {  	s6 =	sor.u32 s7, s6;
	s24 =	simm.s32 $0x3100;
	[smem:$0x7DE] =	sst s23  }
0x5a: {  	s7 =	sshll.u32 s6, $0x4;
	s25 =	simm.s32 $0x3180;
	[smem:$0x7DF] =	sst s24  }
0x5b: {  	s6 =	sshrl.u32 s6, $0x3;
	s26 =	simm.s32 $0x3200;
	[smem:$0x7E0] =	sst s25  }
0x5c: {  	s5 =	sadd.s32 s5, s6;
	[smem:$0x7E1] =	sst s26  }
0x5d: {  	s6 =	simm.s32 $0x280;
	[dreg:$0x3] =	wrdreg s5  }
0x5e: {  	s29 =	simm.s32 $0x3300;
	[dreg:$0x8] =	wrdreg s6  }
0x5f: {  	s30 =	simm.s32 $0x3380;
	[smem:$0x7E3] =	sst s29  }
0x60: {  	s31 =	simm.s32 $0x3400;
	[smem:$0x7E4] =	sst s30  }
0x61: {  	s8 =	simm.s32 $0x3580;
	[smem:$0x7E5] =	sst s31  }
0x62: {  	s9 =	simm.s32 $0x3600;
	[smem:$0x7E8] =	sst s8  }
0x63: {  	s10 =	simm.s32 $0x3680;
	[smem:$0x7E9] =	sst s9  }
0x64: {  	s11 =	simm.s32 $0x3700;
	[smem:$0x7EA] =	sst s10  }
0x65: {  	s12 =	simm.s32 $0x3780;
	[smem:$0x7EB] =	sst s11  }
0x66: {  	s13 =	simm.s32 $0x3800;
	[smem:$0x7EC] =	sst s12  }
0x67: {  	s14 =	simm.s32 $0x3880;
	[smem:$0x7ED] =	sst s13  }
0x68: {  	s15 =	simm.s32 $0x3900;
	[smem:$0x7EE] =	sst s14  }
0x69: {  	s16 =	simm.s32 $0x3980;
	[smem:$0x7EF] =	sst s15  }
0x6a: {  	s17 =	simm.s32 $0x3A00;
	[smem:$0x7F0] =	sst s16  }
0x6b: {  	s18 =	simm.s32 $0x3A80;
	[smem:$0x7F1] =	sst s17  }
0x6c: {  	s19 =	simm.s32 $0x3B00;
	[smem:$0x7F2] =	sst s18  }
0x6d: {  	s20 =	simm.s32 $0x3B80;
	[smem:$0x7F3] =	sst s19  }
0x6e: {  	s21 =	simm.s32 $0x3C00;
	[smem:$0x7F4] =	sst s20  }
0x6f: {  	s22 =	simm.s32 $0x3C80;
	[smem:$0x7F5] =	sst s21  }
0x70: {  	s23 =	simm.s32 $0x3D00;
	[smem:$0x7F6] =	sst s22  }
0x71: {  	s24 =	simm.s32 $0x3D80;
	[smem:$0x7F7] =	sst s23  }
0x72: {  	s7 =	sadd.s32 s7, s3;
	s25 =	simm.s32 $0x3E00;
	[smem:$0x7F8] =	sst s24  }
0x73: {  	s28 =	sadd.s32 $0x188000, s7;
	[smem:$0x7F9] =	sst s25  }
0x74: {  	s7 =	simm.s32 $0x300;
	[dreg:$0x4] =	wrdreg s28  }
0x75: {  	s6 =	simm.s32 $0xF00;
	[dreg:$0x9] =	wrdreg s7  }
0x76: {  	s29 =	simm.s32 $0x3F00;
	[smem:$0x79B] =	sst s6  }
0x77: {  	s30 =	simm.s32 $0x3F80;
	[smem:$0x7FB] =	sst s29  }
0x78: {  	s31 =	simm.s32 $0x4000;
	[smem:$0x7FC] =	sst s30  }
0x79: {  	s28 =	simm.s32 $0xD00;
	[smem:$0x7FD] =	sst s31  }
0x7a: {  	s7 =	simm.s32 $0xF80;
	[dreg:$0x1d] =	wrdreg s28  }
0x7b: {  	s6 =	simm.s32 $0x1B80;
	[smem:$0x79C] =	sst s7  }
0x7c: {  	s28 =	simm.s32 $0x1980;
	[smem:$0x7B4] =	sst s6  }
0x7d: {  	s7 =	simm.s32 $0x1C00;
	[smem:$0x7B0] =	sst s28  }
0x7e: {  	s6 =	simm.s32 $0x2800;
	[smem:$0x7B5] =	sst s7  }
0x7f: {  	s4 =	ssub.s32 $0x2, s4;
	s28 =	simm.s32 $0x2600;
	[smem:$0x7CD] =	sst s6  }
0x80: {  	s3 =	sadd.s32 $0x1600, s3;
	s7 =	simm.s32 $0x2880;
	[smem:$0x7C9] =	sst s28  }
0x81: {  	s26 =	sshrl.u32 s4, $0x1;
	s6 =	simm.s32 $0x3480;
	[smem:$0x7CE] =	sst s7  }
0x82: {  	s4 =	ssub.s32 s4, s26;
	s28 =	simm.s32 $0x3280;
	[smem:$0x7E6] =	sst s6  }
0x83: {  	s5 =	simm.s32 $0x2;
	s7 =	simm.s32 $0x3500;
	[smem:$0x7E2] =	sst s28  }
0x84: {  	s4 =	smax.u32 s4, $0x1;
	[smem:$0x7E7] =	sst s7;
	s28 =	simm.s32 $0x3E80  }
0x85: {  	s6 =	simm.s32 $0x80;
	s7 =	simm.s32 $0x1;
	[smem:$0x7FA] =	sst s28  }
.LBB2_1:
0x86: {  	s8 =	rddreg [dreg:$0x3]  }
0x87: {  	[tilespmem:s2], [sflag:$0x2] =	stream.linear.gather [hbm4b:s8+s2], $0x80, $0x38;
	[tilespmem:$0x4080] =	vst v63  }
0x88: {  	_ =	swait.ge [sflag:s5], $0x80  }
0x89: {  	[sflag:s5] =	ssyncset.done $0x0  }
0x8a: {  	[sflag:s5] =	ssyncadd.s32 $0xFFFFFF80  }
0x8b: {  	v0 =	vld [tilespmem:$0x0];
	_ =	sdelay $0x4  }
0x8c: {  	v0 =	vshll.u32 v0, $0x4  }
0x8d: {  	(v2sf) =	vpush v0, $0x0;
	_ =	sdelay $0x1  }
0x8e: {  	(v2sf) =	vpush v0, $0x1;
	_ =	sdelay $0x1  }
0x8f: {  	(v2sf) =	vpush v0, $0x2;
	_ =	sdelay $0x2  }
0x90: {  	(v2sf) =	vpush v0, $0x3;
	_ =	sdelay $0x7  }
0x91: {  	s19 =	spop (v2sf);
	(v2sf) =	vpush v0, $0x4;
	_ =	sdelay $0x1  }
0x92: {  	s20 =	spop (v2sf);
	(v2sf) =	vpush v0, $0x5;
	_ =	sdelay $0x1  }
0x93: {  	s21 =	spop (v2sf);
	(v2sf) =	vpush v0, $0x6;
	_ =	sdelay $0x1  }
0x94: {  	s8 =	sand.u32 $0x1FFFFFF0, s19  }
0x95: {  	s8 =	sadd.s32 s3, s8;
	s23 =	spop (v2sf);
	(v2sf) =	vpush v0, $0x7  }
0x96: {  	[tilespmem:s6], [sflag:$0x1] =	stream.linear.gather [hbm4b:s8+s2], $0x80, $0x38;
	[tilespmem:$0x4080] =	vst v63  }
0x97: {  	s8 =	sand.u32 $0x1FFFFFF0, s20  }
0x98: {  	s9 =	rddreg [dreg:$0x5];
	s8 =	sadd.s32 s3, s8  }
0x99: {  	[tilespmem:s9], [sflag:$0x1] =	stream.linear.gather [hbm4b:s8+s2], $0x80, $0x38;
	[tilespmem:$0x4080] =	vst v63  }
0x9a: {  	s8 =	sand.u32 $0x1FFFFFF0, s21  }
0x9b: {  	s22 =	rddreg [dreg:$0x6];
	s8 =	sadd.s32 s3, s8  }
0x9c: {  	[tilespmem:s22], [sflag:$0x1] =	stream.linear.gather [hbm4b:s8+s2], $0x80, $0x38;
	[tilespmem:$0x4080] =	vst v63  }
0x9d: {  	s25 =	spop (v2sf);
	(v2sf) =	vpush v0, $0x8  }
0x9e: {  	s8 =	sand.u32 $0x1FFFFFF0, s23  }
0x9f: {  	s24 =	rddreg [dreg:$0x7];
	s8 =	sadd.s32 s3, s8;
	s28 =	spop (v2sf);
	(v2sf) =	vpush v0, $0x9  }
0xa0: {  	[tilespmem:s24], [sflag:$0x1] =	stream.linear.gather [hbm4b:s8+s2], $0x80, $0x38;
	[tilespmem:$0x4080] =	vst v63  }
0xa1: {  	s8 =	sand.u32 $0x1FFFFFF0, s25;
	s30 =	spop (v2sf);
	(v2sf) =	vpush v0, $0xA  }
0xa2: {  	s26 =	rddreg [dreg:$0x8];
	s8 =	sadd.s32 s3, s8  }
0xa3: {  	[tilespmem:s26], [sflag:$0x1] =	stream.linear.gather [hbm4b:s8+s2], $0x80, $0x38;
	[tilespmem:$0x4080] =	vst v63  }
0xa4: {  	s9 =	spop (v2sf);
	(v2sf) =	vpush v0, $0xB  }
0xa5: {  	s8 =	sand.u32 $0x1FFFFFF0, s28  }
0xa6: {  	s29 =	rddreg [dreg:$0x9];
	s8 =	sadd.s32 s3, s8  }
0xa7: {  	[tilespmem:s29], [sflag:$0x1] =	stream.linear.gather [hbm4b:s8+s2], $0x80, $0x38;
	[tilespmem:$0x4080] =	vst v63  }
0xa8: {  	s8 =	sand.u32 $0x1FFFFFF0, s30  }
0xa9: {  	s31 =	rddreg [dreg:$0xa];
	s8 =	sadd.s32 s3, s8  }
0xaa: {  	[tilespmem:s31], [sflag:$0x1] =	stream.linear.gather [hbm4b:s8+s2], $0x80, $0x38;
	[tilespmem:$0x4080] =	vst v63  }
0xab: {  	s8 =	sand.u32 $0x1FFFFFF0, s9  }
0xac: {  	s10 =	rddreg [dreg:$0xb];
	s8 =	sadd.s32 s3, s8;
	s11 =	spop (v2sf);
	(v2sf) =	vpush v0, $0xC  }
0xad: {  	[tilespmem:s10], [sflag:$0x1] =	stream.linear.gather [hbm4b:s8+s2], $0x80, $0x38;
	[tilespmem:$0x4080] =	vst v63  }
0xae: {  	s13 =	spop (v2sf);
	(v2sf) =	vpush v0, $0xD  }
0xaf: {  	s8 =	sand.u32 $0x1FFFFFF0, s11  }
0xb0: {  	s12 =	rddreg [dreg:$0xc];
	s8 =	sadd.s32 s3, s8;
	s15 =	spop (v2sf)  }
0xb1: {  	(v2sf) =	vpush v0, $0xE;
	[tilespmem:s12], [sflag:$0x1] =	stream.linear.gather [hbm4b:s8+s2], $0x80, $0x38;
	[tilespmem:$0x4080] =	vst v63  }
0xb2: {  	s8 =	sand.u32 $0x1FFFFFF0, s13  }
0xb3: {  	s14 =	rddreg [dreg:$0xd];
	s17 =	spop (v2sf);
	s8 =	sadd.s32 s3, s8  }
0xb4: {  	(v2sf) =	vpush v0, $0xF;
	[tilespmem:s14], [sflag:$0x1] =	stream.linear.gather [hbm4b:s8+s2], $0x80, $0x38;
	[tilespmem:$0x4080] =	vst v63  }
0xb5: {  	s8 =	sand.u32 $0x1FFFFFF0, s15  }
0xb6: {  	s16 =	rddreg [dreg:$0xe];
	s8 =	sadd.s32 s3, s8  }
0xb7: {  	[tilespmem:s16], [sflag:$0x1] =	stream.linear.gather [hbm4b:s8+s2], $0x80, $0x38;
	[tilespmem:$0x4080] =	vst v63  }
0xb8: {  	s8 =	sand.u32 $0x1FFFFFF0, s17  }
0xb9: {  	s18 =	rddreg [dreg:$0xf];
	s8 =	sadd.s32 s3, s8  }
0xba: {  	[tilespmem:s18], [sflag:$0x1] =	stream.linear.gather [hbm4b:s8+s2], $0x80, $0x38;
	[tilespmem:$0x4080] =	vst v63  }
0xbb: {  	s19 =	spop (v2sf)  }
0xbc: {  	s8 =	sand.u32 $0x1FFFFFF0, s19  }
0xbd: {  	s20 =	rddreg [dreg:$0x10];
	s21 =	spop (v2sf);
	s8 =	sadd.s32 s3, s8  }
0xbe: {  	[tilespmem:s20], [sflag:$0x1] =	stream.linear.gather [hbm4b:s8+s2], $0x80, $0x38;
	[tilespmem:$0x4080] =	vst v63  }
0xbf: {  	s8 =	sand.u32 $0x1FFFFFF0, s21  }
0xc0: {  	s22 =	rddreg [dreg:$0x11];
	s23 =	spop (v2sf);
	s8 =	sadd.s32 s3, s8  }
0xc1: {  	[tilespmem:s22], [sflag:$0x1] =	stream.linear.gather [hbm4b:s8+s2], $0x80, $0x38;
	[tilespmem:$0x4080] =	vst v63  }
0xc2: {  	s8 =	sand.u32 $0x1FFFFFF0, s23  }
0xc3: {  	s24 =	rddreg [dreg:$0x12];
	s25 =	spop (v2sf);
	s8 =	sadd.s32 s3, s8  }
0xc4: {  	[tilespmem:s24], [sflag:$0x1] =	stream.linear.gather [hbm4b:s8+s2], $0x80, $0x38;
	[tilespmem:$0x4080] =	vst v63  }
0xc5: {  	s8 =	sand.u32 $0x1FFFFFF0, s25  }
0xc6: {  	s26 =	rddreg [dreg:$0x13];
	s8 =	sadd.s32 s3, s8  }
0xc7: {  	[tilespmem:s26], [sflag:$0x1] =	stream.linear.gather [hbm4b:s8+s2], $0x80, $0x38;
	[tilespmem:$0x4080] =	vst v63  }
0xc8: {  	v57 =	vld [tilespmem:$0x10];
	_ =	sdelay $0x4  }
0xc9: {  	v0 =	vshll.u32 v57, $0x4  }
0xca: {  	(v2sf) =	vpush v0, $0x0;
	_ =	sdelay $0x1  }
0xcb: {  	(v2sf) =	vpush v0, $0x1;
	_ =	sdelay $0x1  }
0xcc: {  	(v2sf) =	vpush v0, $0x2;
	_ =	sdelay $0x2  }
0xcd: {  	(v2sf) =	vpush v0, $0x3;
	_ =	sdelay $0x7  }
0xce: {  	s28 =	spop (v2sf);
	(v2sf) =	vpush v0, $0x4;
	_ =	sdelay $0x1  }
0xcf: {  	s30 =	spop (v2sf);
	(v2sf) =	vpush v0, $0x5;
	_ =	sdelay $0x1  }
0xd0: {  	s9 =	spop (v2sf);
	(v2sf) =	vpush v0, $0x6;
	_ =	sdelay $0x1  }
0xd1: {  	s8 =	sand.u32 $0x1FFFFFF0, s28  }
0xd2: {  	s29 =	rddreg [dreg:$0x14];
	s8 =	sadd.s32 s3, s8;
	s11 =	spop (v2sf);
	(v2sf) =	vpush v0, $0x7  }
0xd3: {  	[tilespmem:s29], [sflag:$0x1] =	stream.linear.gather [hbm4b:s8+s2], $0x80, $0x38;
	[tilespmem:$0x4080] =	vst v63  }
0xd4: {  	s8 =	sand.u32 $0x1FFFFFF0, s30  }
0xd5: {  	s31 =	rddreg [dreg:$0x15];
	s8 =	sadd.s32 s3, s8  }
0xd6: {  	[tilespmem:s31], [sflag:$0x1] =	stream.linear.gather [hbm4b:s8+s2], $0x80, $0x38;
	[tilespmem:$0x4080] =	vst v63  }
0xd7: {  	s8 =	sand.u32 $0x1FFFFFF0, s9  }
0xd8: {  	s10 =	rddreg [dreg:$0x16];
	s8 =	sadd.s32 s3, s8  }
0xd9: {  	[tilespmem:s10], [sflag:$0x1] =	stream.linear.gather [hbm4b:s8+s2], $0x80, $0x38;
	[tilespmem:$0x4080] =	vst v63  }
0xda: {  	s13 =	spop (v2sf);
	(v2sf) =	vpush v0, $0x8  }
0xdb: {  	s8 =	sand.u32 $0x1FFFFFF0, s11  }
0xdc: {  	s12 =	rddreg [dreg:$0x17];
	s8 =	sadd.s32 s3, s8;
	s15 =	spop (v2sf);
	(v2sf) =	vpush v0, $0x9  }
0xdd: {  	[tilespmem:s12], [sflag:$0x1] =	stream.linear.gather [hbm4b:s8+s2], $0x80, $0x38;
	[tilespmem:$0x4080] =	vst v63  }
0xde: {  	s8 =	sand.u32 $0x1FFFFFF0, s13;
	s17 =	spop (v2sf);
	(v2sf) =	vpush v0, $0xA  }
0xdf: {  	s14 =	rddreg [dreg:$0x18];
	s8 =	sadd.s32 s3, s8  }
0xe0: {  	[tilespmem:s14], [sflag:$0x1] =	stream.linear.gather [hbm4b:s8+s2], $0x80, $0x38;
	[tilespmem:$0x4080] =	vst v63  }
0xe1: {  	s19 =	spop (v2sf);
	(v2sf) =	vpush v0, $0xB  }
0xe2: {  	s8 =	sand.u32 $0x1FFFFFF0, s15  }
0xe3: {  	s16 =	rddreg [dreg:$0x19];
	s8 =	sadd.s32 s3, s8  }
0xe4: {  	[tilespmem:s16], [sflag:$0x1] =	stream.linear.gather [hbm4b:s8+s2], $0x80, $0x38;
	[tilespmem:$0x4080] =	vst v63  }
0xe5: {  	s8 =	sand.u32 $0x1FFFFFF0, s17  }
0xe6: {  	s18 =	rddreg [dreg:$0x1a];
	s8 =	sadd.s32 s3, s8  }
0xe7: {  	[tilespmem:s18], [sflag:$0x1] =	stream.linear.gather [hbm4b:s8+s2], $0x80, $0x38;
	[tilespmem:$0x4080] =	vst v63  }
0xe8: {  	s8 =	sand.u32 $0x1FFFFFF0, s19  }
0xe9: {  	s20 =	rddreg [dreg:$0x1b];
	s8 =	sadd.s32 s3, s8;
	s21 =	spop (v2sf);
	(v2sf) =	vpush v0, $0xC  }
0xea: {  	[tilespmem:s20], [sflag:$0x1] =	stream.linear.gather [hbm4b:s8+s2], $0x80, $0x38;
	[tilespmem:$0x4080] =	vst v63  }
0xeb: {  	s23 =	spop (v2sf);
	(v2sf) =	vpush v0, $0xD  }
0xec: {  	s8 =	sand.u32 $0x1FFFFFF0, s21  }
0xed: {  	s22 =	rddreg [dreg:$0x1c];
	s8 =	sadd.s32 s3, s8;
	s25 =	spop (v2sf)  }
0xee: {  	(v2sf) =	vpush v0, $0xE;
	[tilespmem:s22], [sflag:$0x1] =	stream.linear.gather [hbm4b:s8+s2], $0x80, $0x38;
	[tilespmem:$0x4080] =	vst v63  }
0xef: {  	s8 =	sand.u32 $0x1FFFFFF0, s23  }
0xf0: {  	s24 =	rddreg [dreg:$0x1d];
	s28 =	spop (v2sf);
	s8 =	sadd.s32 s3, s8  }
0xf1: {  	(v2sf) =	vpush v0, $0xF;
	[tilespmem:s24], [sflag:$0x1] =	stream.linear.gather [hbm4b:s8+s2], $0x80, $0x38;
	[tilespmem:$0x4080] =	vst v63  }
0xf2: {  	s8 =	sand.u32 $0x1FFFFFF0, s25  }
0xf3: {  	s26 =	rddreg [dreg:$0x1e];
	s8 =	sadd.s32 s3, s8  }
0xf4: {  	[tilespmem:s26], [sflag:$0x1] =	stream.linear.gather [hbm4b:s8+s2], $0x80, $0x38;
	[tilespmem:$0x4080] =	vst v63  }
0xf5: {  	s8 =	sand.u32 $0x1FFFFFF0, s28  }
0xf6: {  	s29 =	rddreg [dreg:$0x1f];
	s8 =	sadd.s32 s3, s8  }
0xf7: {  	[tilespmem:s29], [sflag:$0x1] =	stream.linear.gather [hbm4b:s8+s2], $0x80, $0x38;
	[tilespmem:$0x4080] =	vst v63  }
0xf8: {  	s31 =	sld [smem:$0x79A];
	s30 =	spop (v2sf)  }
0xf9: {  	s8 =	sand.u32 $0x1FFFFFF0, s30  }
0xfa: {  	s10 =	sld [smem:$0x79B];
	s9 =	spop (v2sf);
	s8 =	sadd.s32 s3, s8  }
0xfb: {  	[tilespmem:s31], [sflag:$0x1] =	stream.linear.gather [hbm4b:s8+s2], $0x80, $0x38;
	[tilespmem:$0x4080] =	vst v63  }
0xfc: {  	s8 =	sand.u32 $0x1FFFFFF0, s9  }
0xfd: {  	s12 =	sld [smem:$0x79C];
	s11 =	spop (v2sf);
	s8 =	sadd.s32 s3, s8  }
0xfe: {  	[tilespmem:s10], [sflag:$0x1] =	stream.linear.gather [hbm4b:s8+s2], $0x80, $0x38;
	[tilespmem:$0x4080] =	vst v63  }
0xff: {  	s8 =	sand.u32 $0x1FFFFFF0, s11  }
0x100: {  	s14 =	sld [smem:$0x79D];
	s13 =	spop (v2sf);
	s8 =	sadd.s32 s3, s8  }
0x101: {  	[tilespmem:s12], [sflag:$0x1] =	stream.linear.gather [hbm4b:s8+s2], $0x80, $0x38;
	[tilespmem:$0x4080] =	vst v63  }
0x102: {  	s8 =	sand.u32 $0x1FFFFFF0, s13  }
0x103: {  	s8 =	sadd.s32 s3, s8  }
0x104: {  	[tilespmem:s14], [sflag:$0x1] =	stream.linear.gather [hbm4b:s8+s2], $0x80, $0x38;
	[tilespmem:$0x4080] =	vst v63  }
0x105: {  	v58 =	vld [tilespmem:$0x20];
	_ =	sdelay $0x4  }
0x106: {  	v0 =	vshll.u32 v58, $0x4  }
0x107: {  	(v2sf) =	vpush v0, $0x0;
	_ =	sdelay $0x1  }
0x108: {  	(v2sf) =	vpush v0, $0x1;
	_ =	sdelay $0x1  }
0x109: {  	(v2sf) =	vpush v0, $0x2;
	_ =	sdelay $0x2  }
0x10a: {  	(v2sf) =	vpush v0, $0x3;
	_ =	sdelay $0x7  }
0x10b: {  	s15 =	spop (v2sf);
	(v2sf) =	vpush v0, $0x4;
	_ =	sdelay $0x1  }
0x10c: {  	s17 =	spop (v2sf);
	(v2sf) =	vpush v0, $0x5;
	_ =	sdelay $0x1  }
0x10d: {  	s19 =	spop (v2sf);
	(v2sf) =	vpush v0, $0x6  }
0x10e: {  	s16 =	sld [smem:$0x79E]  }
0x10f: {  	s8 =	sand.u32 $0x1FFFFFF0, s15  }
0x110: {  	s18 =	sld [smem:$0x79F];
	s8 =	sadd.s32 s3, s8;
	s21 =	spop (v2sf);
	(v2sf) =	vpush v0, $0x7  }
0x111: {  	[tilespmem:s16], [sflag:$0x1] =	stream.linear.gather [hbm4b:s8+s2], $0x80, $0x38;
	[tilespmem:$0x4080] =	vst v63  }
0x112: {  	s8 =	sand.u32 $0x1FFFFFF0, s17  }
0x113: {  	s20 =	sld [smem:$0x7A0];
	s8 =	sadd.s32 s3, s8  }
0x114: {  	[tilespmem:s18], [sflag:$0x1] =	stream.linear.gather [hbm4b:s8+s2], $0x80, $0x38;
	[tilespmem:$0x4080] =	vst v63  }
0x115: {  	s8 =	sand.u32 $0x1FFFFFF0, s19  }
0x116: {  	s8 =	sadd.s32 s3, s8  }
0x117: {  	[tilespmem:s20], [sflag:$0x1] =	stream.linear.gather [hbm4b:s8+s2], $0x80, $0x38;
	[tilespmem:$0x4080] =	vst v63  }
0x118: {  	s22 =	sld [smem:$0x7A1];
	s23 =	spop (v2sf);
	(v2sf) =	vpush v0, $0x8  }
0x119: {  	s8 =	sand.u32 $0x1FFFFFF0, s21  }
0x11a: {  	s24 =	sld [smem:$0x7A2];
	s8 =	sadd.s32 s3, s8;
	s25 =	spop (v2sf);
	(v2sf) =	vpush v0, $0x9  }
0x11b: {  	[tilespmem:s22], [sflag:$0x1] =	stream.linear.gather [hbm4b:s8+s2], $0x80, $0x38;
	[tilespmem:$0x4080] =	vst v63  }
0x11c: {  	s8 =	sand.u32 $0x1FFFFFF0, s23;
	s28 =	spop (v2sf);
	(v2sf) =	vpush v0, $0xA  }
0x11d: {  	s8 =	sadd.s32 s3, s8  }
0x11e: {  	[tilespmem:s24], [sflag:$0x1] =	stream.linear.gather [hbm4b:s8+s2], $0x80, $0x38;
	[tilespmem:$0x4080] =	vst v63  }
0x11f: {  	s26 =	sld [smem:$0x7A3];
	s30 =	spop (v2sf);
	(v2sf) =	vpush v0, $0xB  }
0x120: {  	s8 =	sand.u32 $0x1FFFFFF0, s25  }
0x121: {  	s29 =	sld [smem:$0x7A4];
	s8 =	sadd.s32 s3, s8  }
0x122: {  	[tilespmem:s26], [sflag:$0x1] =	stream.linear.gather [hbm4b:s8+s2], $0x80, $0x38;
	[tilespmem:$0x4080] =	vst v63  }
0x123: {  	s8 =	sand.u32 $0x1FFFFFF0, s28  }
0x124: {  	s31 =	sld [smem:$0x7A5];
	s8 =	sadd.s32 s3, s8  }
0x125: {  	[tilespmem:s29], [sflag:$0x1] =	stream.linear.gather [hbm4b:s8+s2], $0x80, $0x38;
	[tilespmem:$0x4080] =	vst v63  }
0x126: {  	s8 =	sand.u32 $0x1FFFFFF0, s30  }
0x127: {  	s8 =	sadd.s32 s3, s8;
	s9 =	spop (v2sf);
	(v2sf) =	vpush v0, $0xC  }
0x128: {  	[tilespmem:s31], [sflag:$0x1] =	stream.linear.gather [hbm4b:s8+s2], $0x80, $0x38;
	[tilespmem:$0x4080] =	vst v63  }
0x129: {  	s10 =	sld [smem:$0x7A6];
	s11 =	spop (v2sf);
	(v2sf) =	vpush v0, $0xD  }
0x12a: {  	s8 =	sand.u32 $0x1FFFFFF0, s9  }
0x12b: {  	s12 =	sld [smem:$0x7A7];
	s8 =	sadd.s32 s3, s8;
	s13 =	spop (v2sf)  }
0x12c: {  	(v2sf) =	vpush v0, $0xE;
	[tilespmem:s10], [sflag:$0x1] =	stream.linear.gather [hbm4b:s8+s2], $0x80, $0x38;
	[tilespmem:$0x4080] =	vst v63  }
0x12d: {  	s8 =	sand.u32 $0x1FFFFFF0, s11  }
0x12e: {  	s14 =	sld [smem:$0x7A8];
	s15 =	spop (v2sf);
	s8 =	sadd.s32 s3, s8  }
0x12f: {  	(v2sf) =	vpush v0, $0xF;
	[tilespmem:s12], [sflag:$0x1] =	stream.linear.gather [hbm4b:s8+s2], $0x80, $0x38;
	[tilespmem:$0x4080] =	vst v63  }
0x130: {  	s8 =	sand.u32 $0x1FFFFFF0, s13  }
0x131: {  	s16 =	sld [smem:$0x7A9];
	s8 =	sadd.s32 s3, s8  }
0x132: {  	[tilespmem:s14], [sflag:$0x1] =	stream.linear.gather [hbm4b:s8+s2], $0x80, $0x38;
	[tilespmem:$0x4080] =	vst v63  }
0x133: {  	s8 =	sand.u32 $0x1FFFFFF0, s15  }
0x134: {  	s8 =	sadd.s32 s3, s8  }
0x135: {  	[tilespmem:s16], [sflag:$0x1] =	stream.linear.gather [hbm4b:s8+s2], $0x80, $0x38;
	[tilespmem:$0x4080] =	vst v63  }
0x136: {  	s18 =	sld [smem:$0x7AA];
	s17 =	spop (v2sf)  }
0x137: {  	s8 =	sand.u32 $0x1FFFFFF0, s17  }
0x138: {  	s20 =	sld [smem:$0x7AB];
	s19 =	spop (v2sf);
	s8 =	sadd.s32 s3, s8  }
0x139: {  	[tilespmem:s18], [sflag:$0x1] =	stream.linear.gather [hbm4b:s8+s2], $0x80, $0x38;
	[tilespmem:$0x4080] =	vst v63  }
0x13a: {  	s8 =	sand.u32 $0x1FFFFFF0, s19  }
0x13b: {  	s22 =	sld [smem:$0x7AC];
	s21 =	spop (v2sf);
	s8 =	sadd.s32 s3, s8  }
0x13c: {  	[tilespmem:s20], [sflag:$0x1] =	stream.linear.gather [hbm4b:s8+s2], $0x80, $0x38;
	[tilespmem:$0x4080] =	vst v63  }
0x13d: {  	s8 =	sand.u32 $0x1FFFFFF0, s21  }
0x13e: {  	s24 =	sld [smem:$0x7AD];
	s23 =	spop (v2sf);
	s8 =	sadd.s32 s3, s8  }
0x13f: {  	[tilespmem:s22], [sflag:$0x1] =	stream.linear.gather [hbm4b:s8+s2], $0x80, $0x38;
	[tilespmem:$0x4080] =	vst v63  }
0x140: {  	s8 =	sand.u32 $0x1FFFFFF0, s23  }
0x141: {  	s8 =	sadd.s32 s3, s8  }
0x142: {  	[tilespmem:s24], [sflag:$0x1] =	stream.linear.gather [hbm4b:s8+s2], $0x80, $0x38;
	[tilespmem:$0x4080] =	vst v63  }
0x143: {  	v59 =	vld [tilespmem:$0x30];
	_ =	sdelay $0x4  }
0x144: {  	v0 =	vshll.u32 v59, $0x4  }
0x145: {  	(v2sf) =	vpush v0, $0x0;
	_ =	sdelay $0x1  }
0x146: {  	(v2sf) =	vpush v0, $0x1;
	_ =	sdelay $0x1  }
0x147: {  	(v2sf) =	vpush v0, $0x2;
	_ =	sdelay $0x2  }
0x148: {  	(v2sf) =	vpush v0, $0x3;
	_ =	sdelay $0x7  }
0x149: {  	s25 =	spop (v2sf);
	(v2sf) =	vpush v0, $0x4;
	_ =	sdelay $0x1  }
0x14a: {  	s28 =	spop (v2sf);
	(v2sf) =	vpush v0, $0x5;
	_ =	sdelay $0x1  }
0x14b: {  	s30 =	spop (v2sf);
	(v2sf) =	vpush v0, $0x6  }
0x14c: {  	s26 =	sld [smem:$0x7AE]  }
0x14d: {  	s8 =	sand.u32 $0x1FFFFFF0, s25  }
0x14e: {  	s29 =	sld [smem:$0x7AF];
	s8 =	sadd.s32 s3, s8;
	s9 =	spop (v2sf);
	(v2sf) =	vpush v0, $0x7  }
0x14f: {  	[tilespmem:s26], [sflag:$0x1] =	stream.linear.gather [hbm4b:s8+s2], $0x80, $0x38;
	[tilespmem:$0x4080] =	vst v63  }
0x150: {  	s8 =	sand.u32 $0x1FFFFFF0, s28  }
0x151: {  	s31 =	sld [smem:$0x7B0];
	s8 =	sadd.s32 s3, s8  }
0x152: {  	[tilespmem:s29], [sflag:$0x1] =	stream.linear.gather [hbm4b:s8+s2], $0x80, $0x38;
	[tilespmem:$0x4080] =	vst v63  }
0x153: {  	s8 =	sand.u32 $0x1FFFFFF0, s30  }
0x154: {  	s8 =	sadd.s32 s3, s8  }
0x155: {  	[tilespmem:s31], [sflag:$0x1] =	stream.linear.gather [hbm4b:s8+s2], $0x80, $0x38;
	[tilespmem:$0x4080] =	vst v63  }
0x156: {  	s10 =	sld [smem:$0x7B1];
	s11 =	spop (v2sf);
	(v2sf) =	vpush v0, $0x8  }
0x157: {  	s8 =	sand.u32 $0x1FFFFFF0, s9  }
0x158: {  	s12 =	sld [smem:$0x7B2];
	s8 =	sadd.s32 s3, s8;
	s13 =	spop (v2sf);
	(v2sf) =	vpush v0, $0x9  }
0x159: {  	[tilespmem:s10], [sflag:$0x1] =	stream.linear.gather [hbm4b:s8+s2], $0x80, $0x38;
	[tilespmem:$0x4080] =	vst v63  }
0x15a: {  	s8 =	sand.u32 $0x1FFFFFF0, s11;
	s15 =	spop (v2sf);
	(v2sf) =	vpush v0, $0xA  }
0x15b: {  	s8 =	sadd.s32 s3, s8  }
0x15c: {  	[tilespmem:s12], [sflag:$0x1] =	stream.linear.gather [hbm4b:s8+s2], $0x80, $0x38;
	[tilespmem:$0x4080] =	vst v63  }
0x15d: {  	s14 =	sld [smem:$0x7B3];
	s17 =	spop (v2sf);
	(v2sf) =	vpush v0, $0xB  }
0x15e: {  	s8 =	sand.u32 $0x1FFFFFF0, s13  }
0x15f: {  	s16 =	sld [smem:$0x7B4];
	s8 =	sadd.s32 s3, s8  }
0x160: {  	[tilespmem:s14], [sflag:$0x1] =	stream.linear.gather [hbm4b:s8+s2], $0x80, $0x38;
	[tilespmem:$0x4080] =	vst v63  }
0x161: {  	s8 =	sand.u32 $0x1FFFFFF0, s15  }
0x162: {  	s18 =	sld [smem:$0x7B5];
	s8 =	sadd.s32 s3, s8  }
0x163: {  	[tilespmem:s16], [sflag:$0x1] =	stream.linear.gather [hbm4b:s8+s2], $0x80, $0x38;
	[tilespmem:$0x4080] =	vst v63  }
0x164: {  	s8 =	sand.u32 $0x1FFFFFF0, s17  }
0x165: {  	s8 =	sadd.s32 s3, s8;
	s19 =	spop (v2sf);
	(v2sf) =	vpush v0, $0xC  }
0x166: {  	[tilespmem:s18], [sflag:$0x1] =	stream.linear.gather [hbm4b:s8+s2], $0x80, $0x38;
	[tilespmem:$0x4080] =	vst v63  }
0x167: {  	s20 =	sld [smem:$0x7B6];
	s21 =	spop (v2sf);
	(v2sf) =	vpush v0, $0xD  }
0x168: {  	s8 =	sand.u32 $0x1FFFFFF0, s19  }
0x169: {  	s22 =	sld [smem:$0x7B7];
	s8 =	sadd.s32 s3, s8;
	s23 =	spop (v2sf)  }
0x16a: {  	(v2sf) =	vpush v0, $0xE;
	[tilespmem:s20], [sflag:$0x1] =	stream.linear.gather [hbm4b:s8+s2], $0x80, $0x38;
	[tilespmem:$0x4080] =	vst v63  }
0x16b: {  	s8 =	sand.u32 $0x1FFFFFF0, s21  }
0x16c: {  	s24 =	sld [smem:$0x7B8];
	s25 =	spop (v2sf);
	s8 =	sadd.s32 s3, s8  }
0x16d: {  	(v2sf) =	vpush v0, $0xF;
	[tilespmem:s22], [sflag:$0x1] =	stream.linear.gather [hbm4b:s8+s2], $0x80, $0x38;
	[tilespmem:$0x4080] =	vst v63  }
0x16e: {  	s8 =	sand.u32 $0x1FFFFFF0, s23  }
0x16f: {  	s26 =	sld [smem:$0x7B9];
	s8 =	sadd.s32 s3, s8  }
0x170: {  	[tilespmem:s24], [sflag:$0x1] =	stream.linear.gather [hbm4b:s8+s2], $0x80, $0x38;
	[tilespmem:$0x4080] =	vst v63  }
0x171: {  	s8 =	sand.u32 $0x1FFFFFF0, s25  }
0x172: {  	s8 =	sadd.s32 s3, s8  }
0x173: {  	[tilespmem:s26], [sflag:$0x1] =	stream.linear.gather [hbm4b:s8+s2], $0x80, $0x38;
	[tilespmem:$0x4080] =	vst v63  }
0x174: {  	s29 =	sld [smem:$0x7BA];
	s28 =	spop (v2sf)  }
0x175: {  	s8 =	sand.u32 $0x1FFFFFF0, s28  }
0x176: {  	s31 =	sld [smem:$0x7BB];
	s30 =	spop (v2sf);
	s8 =	sadd.s32 s3, s8  }
0x177: {  	[tilespmem:s29], [sflag:$0x1] =	stream.linear.gather [hbm4b:s8+s2], $0x80, $0x38;
	[tilespmem:$0x4080] =	vst v63  }
0x178: {  	s8 =	sand.u32 $0x1FFFFFF0, s30  }
0x179: {  	s10 =	sld [smem:$0x7BC];
	s9 =	spop (v2sf);
	s8 =	sadd.s32 s3, s8  }
0x17a: {  	[tilespmem:s31], [sflag:$0x1] =	stream.linear.gather [hbm4b:s8+s2], $0x80, $0x38;
	[tilespmem:$0x4080] =	vst v63  }
0x17b: {  	s8 =	sand.u32 $0x1FFFFFF0, s9  }
0x17c: {  	s12 =	sld [smem:$0x7BD];
	s11 =	spop (v2sf);
	s8 =	sadd.s32 s3, s8  }
0x17d: {  	[tilespmem:s10], [sflag:$0x1] =	stream.linear.gather [hbm4b:s8+s2], $0x80, $0x38;
	[tilespmem:$0x4080] =	vst v63  }
0x17e: {  	s8 =	sand.u32 $0x1FFFFFF0, s11  }
0x17f: {  	s8 =	sadd.s32 s3, s8  }
0x180: {  	[tilespmem:s12], [sflag:$0x1] =	stream.linear.gather [hbm4b:s8+s2], $0x80, $0x38;
	[tilespmem:$0x4080] =	vst v63  }
0x181: {  	v60 =	vld [tilespmem:$0x40];
	_ =	sdelay $0x4  }
0x182: {  	v0 =	vshll.u32 v60, $0x4  }
0x183: {  	(v2sf) =	vpush v0, $0x0;
	_ =	sdelay $0x3  }
0x184: {  	(v2sf) =	vpush v0, $0x1;
	_ =	sdelay $0x2  }
0x185: {  	(v2sf) =	vpush v0, $0x2;
	_ =	sdelay $0x2  }
0x186: {  	(v2sf) =	vpush v0, $0x3;
	_ =	sdelay $0x4  }
0x187: {  	s13 =	spop (v2sf);
	(v2sf) =	vpush v0, $0x4;
	_ =	sdelay $0x1  }
0x188: {  	s14 =	sld [smem:$0x7BE]  }
0x189: {  	s8 =	sand.u32 $0x1FFFFFF0, s13  }
0x18a: {  	s16 =	sld [smem:$0x7BF];
	s15 =	spop (v2sf);
	s8 =	sadd.s32 s3, s8  }
0x18b: {  	[tilespmem:s14], [sflag:$0x1] =	stream.linear.gather [hbm4b:s8+s2], $0x80, $0x38;
	[tilespmem:$0x4080] =	vst v63  }
0x18c: {  	s8 =	sand.u32 $0x1FFFFFF0, s15  }
0x18d: {  	s18 =	sld [smem:$0x7C0];
	s17 =	spop (v2sf);
	s8 =	sadd.s32 s3, s8  }
0x18e: {  	[tilespmem:s16], [sflag:$0x1] =	stream.linear.gather [hbm4b:s8+s2], $0x80, $0x38;
	[tilespmem:$0x4080] =	vst v63  }
0x18f: {  	s8 =	sand.u32 $0x1FFFFFF0, s17  }
0x190: {  	s20 =	sld [smem:$0x7C1];
	s19 =	spop (v2sf);
	s8 =	sadd.s32 s3, s8  }
0x191: {  	[tilespmem:s18], [sflag:$0x1] =	stream.linear.gather [hbm4b:s8+s2], $0x80, $0x38;
	[tilespmem:$0x4080] =	vst v63  }
0x192: {  	s8 =	sand.u32 $0x1FFFFFF0, s19  }
0x193: {  	s8 =	sadd.s32 s3, s8  }
0x194: {  	[tilespmem:s20], [sflag:$0x1] =	stream.linear.gather [hbm4b:s8+s2], $0x80, $0x38;
	[tilespmem:$0x4080] =	vst v63  }
0x195: {  	s22 =	sld [smem:$0x7C2];
	s21 =	spop (v2sf)  }
0x196: {  	s8 =	sand.u32 $0x1FFFFFF0, s21  }
0x197: {  	s8 =	sadd.s32 s3, s8  }
0x198: {  	[tilespmem:s22], [sflag:$0x1] =	stream.linear.gather [hbm4b:s8+s2], $0x80, $0x38;
	[tilespmem:$0x4080] =	vst v63  }
0x199: {  	(v2sf) =	vpush v0, $0x5;
	_ =	sdelay $0x1  }
0x19a: {  	(v2sf) =	vpush v0, $0x6;
	_ =	sdelay $0x1  }
0x19b: {  	(v2sf) =	vpush v0, $0x7;
	_ =	sdelay $0x4  }
0x19c: {  	(v2sf) =	vpush v0, $0x8;
	_ =	sdelay $0x5  }
0x19d: {  	s8 =	spop (v2sf);
	(v2sf) =	vpush v0, $0x9;
	_ =	sdelay $0x1  }
0x19e: {  	s23 =	spop (v2sf);
	(v2sf) =	vpush v0, $0xA;
	_ =	sdelay $0x1  }
0x19f: {  	s9 =	sld [smem:$0x7C3];
	s25 =	spop (v2sf);
	(v2sf) =	vpush v0, $0xB  }
0x1a0: {  	s8 =	sand.u32 $0x1FFFFFF0, s8  }
0x1a1: {  	s24 =	sld [smem:$0x7C4];
	s8 =	sadd.s32 s3, s8  }
0x1a2: {  	[tilespmem:s9], [sflag:$0x1] =	stream.linear.gather [hbm4b:s8+s2], $0x80, $0x38;
	[tilespmem:$0x4080] =	vst v63  }
0x1a3: {  	s8 =	sand.u32 $0x1FFFFFF0, s23  }
0x1a4: {  	s26 =	sld [smem:$0x7C5];
	s28 =	spop (v2sf);
	s8 =	sadd.s32 s3, s8  }
0x1a5: {  	(v2sf) =	vpush v0, $0xC;
	[tilespmem:s24], [sflag:$0x1] =	stream.linear.gather [hbm4b:s8+s2], $0x80, $0x38;
	[tilespmem:$0x4080] =	vst v63  }
0x1a6: {  	s8 =	sand.u32 $0x1FFFFFF0, s25  }
0x1a7: {  	s29 =	sld [smem:$0x7C6];
	s8 =	sadd.s32 s3, s8  }
0x1a8: {  	[tilespmem:s26], [sflag:$0x1] =	stream.linear.gather [hbm4b:s8+s2], $0x80, $0x38;
	[tilespmem:$0x4080] =	vst v63  }
0x1a9: {  	s8 =	sand.u32 $0x1FFFFFF0, s28  }
0x1aa: {  	s8 =	sadd.s32 s3, s8;
	s30 =	spop (v2sf);
	(v2sf) =	vpush v0, $0xD  }
0x1ab: {  	[tilespmem:s29], [sflag:$0x1] =	stream.linear.gather [hbm4b:s8+s2], $0x80, $0x38;
	[tilespmem:$0x4080] =	vst v63  }
0x1ac: {  	s31 =	sld [smem:$0x7C7];
	s9 =	spop (v2sf);
	(v2sf) =	vpush v0, $0xE  }
0x1ad: {  	s8 =	sand.u32 $0x1FFFFFF0, s30  }
0x1ae: {  	s10 =	sld [smem:$0x7C8];
	s8 =	sadd.s32 s3, s8;
	s11 =	spop (v2sf)  }
0x1af: {  	(v2sf) =	vpush v0, $0xF;
	[tilespmem:s31], [sflag:$0x1] =	stream.linear.gather [hbm4b:s8+s2], $0x80, $0x38;
	[tilespmem:$0x4080] =	vst v63  }
0x1b0: {  	s8 =	sand.u32 $0x1FFFFFF0, s9  }
0x1b1: {  	s12 =	sld [smem:$0x7C9];
	s8 =	sadd.s32 s3, s8  }
0x1b2: {  	[tilespmem:s10], [sflag:$0x1] =	stream.linear.gather [hbm4b:s8+s2], $0x80, $0x38;
	[tilespmem:$0x4080] =	vst v63  }
0x1b3: {  	s8 =	sand.u32 $0x1FFFFFF0, s11  }
0x1b4: {  	s14 =	sld [smem:$0x7CA];
	s13 =	spop (v2sf);
	s8 =	sadd.s32 s3, s8  }
0x1b5: {  	[tilespmem:s12], [sflag:$0x1] =	stream.linear.gather [hbm4b:s8+s2], $0x80, $0x38;
	[tilespmem:$0x4080] =	vst v63  }
0x1b6: {  	s8 =	sand.u32 $0x1FFFFFF0, s13  }
0x1b7: {  	s8 =	sadd.s32 s3, s8  }
0x1b8: {  	[tilespmem:s14], [sflag:$0x1] =	stream.linear.gather [hbm4b:s8+s2], $0x80, $0x38;
	[tilespmem:$0x4080] =	vst v63  }
0x1b9: {  	s16 =	sld [smem:$0x7CB];
	s15 =	spop (v2sf)  }
0x1ba: {  	s8 =	sand.u32 $0x1FFFFFF0, s15  }
0x1bb: {  	s18 =	sld [smem:$0x7CC];
	s17 =	spop (v2sf);
	s8 =	sadd.s32 s3, s8  }
0x1bc: {  	[tilespmem:s16], [sflag:$0x1] =	stream.linear.gather [hbm4b:s8+s2], $0x80, $0x38;
	[tilespmem:$0x4080] =	vst v63  }
0x1bd: {  	s8 =	sand.u32 $0x1FFFFFF0, s17  }
0x1be: {  	s20 =	sld [smem:$0x7CD];
	s19 =	spop (v2sf);
	s8 =	sadd.s32 s3, s8  }
0x1bf: {  	[tilespmem:s18], [sflag:$0x1] =	stream.linear.gather [hbm4b:s8+s2], $0x80, $0x38;
	[tilespmem:$0x4080] =	vst v63  }
0x1c0: {  	s8 =	sand.u32 $0x1FFFFFF0, s19  }
0x1c1: {  	s8 =	sadd.s32 s3, s8  }
0x1c2: {  	[tilespmem:s20], [sflag:$0x1] =	stream.linear.gather [hbm4b:s8+s2], $0x80, $0x38;
	[tilespmem:$0x4080] =	vst v63  }
0x1c3: {  	v61 =	vld [tilespmem:$0x50];
	_ =	sdelay $0x4  }
0x1c4: {  	v0 =	vshll.u32 v61, $0x4  }
0x1c5: {  	(v2sf) =	vpush v0, $0x0;
	_ =	sdelay $0x1  }
0x1c6: {  	(v2sf) =	vpush v0, $0x1;
	_ =	sdelay $0x1  }
0x1c7: {  	(v2sf) =	vpush v0, $0x2;
	_ =	sdelay $0x2  }
0x1c8: {  	(v2sf) =	vpush v0, $0x3;
	_ =	sdelay $0x7  }
0x1c9: {  	s21 =	spop (v2sf);
	(v2sf) =	vpush v0, $0x4;
	_ =	sdelay $0x1  }
0x1ca: {  	s23 =	spop (v2sf);
	(v2sf) =	vpush v0, $0x5;
	_ =	sdelay $0x1  }
0x1cb: {  	s25 =	spop (v2sf);
	(v2sf) =	vpush v0, $0x6  }
0x1cc: {  	s22 =	sld [smem:$0x7CE]  }
0x1cd: {  	s8 =	sand.u32 $0x1FFFFFF0, s21  }
0x1ce: {  	s24 =	sld [smem:$0x7CF];
	s8 =	sadd.s32 s3, s8;
	s28 =	spop (v2sf);
	(v2sf) =	vpush v0, $0x7  }
0x1cf: {  	[tilespmem:s22], [sflag:$0x1] =	stream.linear.gather [hbm4b:s8+s2], $0x80, $0x38;
	[tilespmem:$0x4080] =	vst v63  }
0x1d0: {  	s8 =	sand.u32 $0x1FFFFFF0, s23  }
0x1d1: {  	s26 =	sld [smem:$0x7D0];
	s8 =	sadd.s32 s3, s8  }
0x1d2: {  	[tilespmem:s24], [sflag:$0x1] =	stream.linear.gather [hbm4b:s8+s2], $0x80, $0x38;
	[tilespmem:$0x4080] =	vst v63  }
0x1d3: {  	s8 =	sand.u32 $0x1FFFFFF0, s25  }
0x1d4: {  	s8 =	sadd.s32 s3, s8  }
0x1d5: {  	[tilespmem:s26], [sflag:$0x1] =	stream.linear.gather [hbm4b:s8+s2], $0x80, $0x38;
	[tilespmem:$0x4080] =	vst v63  }
0x1d6: {  	s29 =	sld [smem:$0x7D1];
	s30 =	spop (v2sf);
	(v2sf) =	vpush v0, $0x8  }
0x1d7: {  	s8 =	sand.u32 $0x1FFFFFF0, s28  }
0x1d8: {  	s31 =	sld [smem:$0x7D2];
	s8 =	sadd.s32 s3, s8;
	s9 =	spop (v2sf);
	(v2sf) =	vpush v0, $0x9  }
0x1d9: {  	[tilespmem:s29], [sflag:$0x1] =	stream.linear.gather [hbm4b:s8+s2], $0x80, $0x38;
	[tilespmem:$0x4080] =	vst v63  }
0x1da: {  	s8 =	sand.u32 $0x1FFFFFF0, s30;
	s11 =	spop (v2sf);
	(v2sf) =	vpush v0, $0xA  }
0x1db: {  	s8 =	sadd.s32 s3, s8  }
0x1dc: {  	[tilespmem:s31], [sflag:$0x1] =	stream.linear.gather [hbm4b:s8+s2], $0x80, $0x38;
	[tilespmem:$0x4080] =	vst v63  }
0x1dd: {  	s10 =	sld [smem:$0x7D3];
	s13 =	spop (v2sf);
	(v2sf) =	vpush v0, $0xB  }
0x1de: {  	s8 =	sand.u32 $0x1FFFFFF0, s9  }
0x1df: {  	s12 =	sld [smem:$0x7D4];
	s8 =	sadd.s32 s3, s8  }
0x1e0: {  	[tilespmem:s10], [sflag:$0x1] =	stream.linear.gather [hbm4b:s8+s2], $0x80, $0x38;
	[tilespmem:$0x4080] =	vst v63  }
0x1e1: {  	s8 =	sand.u32 $0x1FFFFFF0, s11  }
0x1e2: {  	s14 =	sld [smem:$0x7D5];
	s8 =	sadd.s32 s3, s8  }
0x1e3: {  	[tilespmem:s12], [sflag:$0x1] =	stream.linear.gather [hbm4b:s8+s2], $0x80, $0x38;
	[tilespmem:$0x4080] =	vst v63  }
0x1e4: {  	s8 =	sand.u32 $0x1FFFFFF0, s13  }
0x1e5: {  	s8 =	sadd.s32 s3, s8;
	s15 =	spop (v2sf);
	(v2sf) =	vpush v0, $0xC  }
0x1e6: {  	[tilespmem:s14], [sflag:$0x1] =	stream.linear.gather [hbm4b:s8+s2], $0x80, $0x38;
	[tilespmem:$0x4080] =	vst v63  }
0x1e7: {  	s16 =	sld [smem:$0x7D6];
	s17 =	spop (v2sf);
	(v2sf) =	vpush v0, $0xD  }
0x1e8: {  	s8 =	sand.u32 $0x1FFFFFF0, s15  }
0x1e9: {  	s18 =	sld [smem:$0x7D7];
	s8 =	sadd.s32 s3, s8;
	s19 =	spop (v2sf)  }
0x1ea: {  	(v2sf) =	vpush v0, $0xE;
	[tilespmem:s16], [sflag:$0x1] =	stream.linear.gather [hbm4b:s8+s2], $0x80, $0x38;
	[tilespmem:$0x4080] =	vst v63  }
0x1eb: {  	s8 =	sand.u32 $0x1FFFFFF0, s17  }
0x1ec: {  	s20 =	sld [smem:$0x7D8];
	s21 =	spop (v2sf);
	s8 =	sadd.s32 s3, s8  }
0x1ed: {  	(v2sf) =	vpush v0, $0xF;
	[tilespmem:s18], [sflag:$0x1] =	stream.linear.gather [hbm4b:s8+s2], $0x80, $0x38;
	[tilespmem:$0x4080] =	vst v63  }
0x1ee: {  	s8 =	sand.u32 $0x1FFFFFF0, s19  }
0x1ef: {  	s22 =	sld [smem:$0x7D9];
	s8 =	sadd.s32 s3, s8  }
0x1f0: {  	[tilespmem:s20], [sflag:$0x1] =	stream.linear.gather [hbm4b:s8+s2], $0x80, $0x38;
	[tilespmem:$0x4080] =	vst v63  }
0x1f1: {  	s8 =	sand.u32 $0x1FFFFFF0, s21  }
0x1f2: {  	s8 =	sadd.s32 s3, s8  }
0x1f3: {  	[tilespmem:s22], [sflag:$0x1] =	stream.linear.gather [hbm4b:s8+s2], $0x80, $0x38;
	[tilespmem:$0x4080] =	vst v63  }
0x1f4: {  	s24 =	sld [smem:$0x7DA];
	s23 =	spop (v2sf)  }
0x1f5: {  	s8 =	sand.u32 $0x1FFFFFF0, s23  }
0x1f6: {  	s26 =	sld [smem:$0x7DB];
	s25 =	spop (v2sf);
	s8 =	sadd.s32 s3, s8  }
0x1f7: {  	[tilespmem:s24], [sflag:$0x1] =	stream.linear.gather [hbm4b:s8+s2], $0x80, $0x38;
	[tilespmem:$0x4080] =	vst v63  }
0x1f8: {  	s8 =	sand.u32 $0x1FFFFFF0, s25  }
0x1f9: {  	s29 =	sld [smem:$0x7DC];
	s28 =	spop (v2sf);
	s8 =	sadd.s32 s3, s8  }
0x1fa: {  	[tilespmem:s26], [sflag:$0x1] =	stream.linear.gather [hbm4b:s8+s2], $0x80, $0x38;
	[tilespmem:$0x4080] =	vst v63  }
0x1fb: {  	s8 =	sand.u32 $0x1FFFFFF0, s28  }
0x1fc: {  	s31 =	sld [smem:$0x7DD];
	s30 =	spop (v2sf);
	s8 =	sadd.s32 s3, s8  }
0x1fd: {  	[tilespmem:s29], [sflag:$0x1] =	stream.linear.gather [hbm4b:s8+s2], $0x80, $0x38;
	[tilespmem:$0x4080] =	vst v63  }
0x1fe: {  	s8 =	sand.u32 $0x1FFFFFF0, s30  }
0x1ff: {  	s8 =	sadd.s32 s3, s8  }
0x200: {  	[tilespmem:s31], [sflag:$0x1] =	stream.linear.gather [hbm4b:s8+s2], $0x80, $0x38;
	[tilespmem:$0x4080] =	vst v63  }
0x201: {  	v62 =	vld [tilespmem:$0x60];
	_ =	sdelay $0x4  }
0x202: {  	v0 =	vshll.u32 v62, $0x4  }
0x203: {  	(v2sf) =	vpush v0, $0x0;
	_ =	sdelay $0x1  }
0x204: {  	(v2sf) =	vpush v0, $0x1;
	_ =	sdelay $0x1  }
0x205: {  	(v2sf) =	vpush v0, $0x2;
	_ =	sdelay $0x2  }
0x206: {  	(v2sf) =	vpush v0, $0x3;
	_ =	sdelay $0x7  }
0x207: {  	s9 =	spop (v2sf);
	(v2sf) =	vpush v0, $0x4;
	_ =	sdelay $0x1  }
0x208: {  	s11 =	spop (v2sf);
	(v2sf) =	vpush v0, $0x5;
	_ =	sdelay $0x1  }
0x209: {  	s13 =	spop (v2sf);
	(v2sf) =	vpush v0, $0x6  }
0x20a: {  	s10 =	sld [smem:$0x7DE]  }
0x20b: {  	s8 =	sand.u32 $0x1FFFFFF0, s9  }
0x20c: {  	s12 =	sld [smem:$0x7DF];
	s8 =	sadd.s32 s3, s8;
	s15 =	spop (v2sf);
	(v2sf) =	vpush v0, $0x7  }
0x20d: {  	[tilespmem:s10], [sflag:$0x1] =	stream.linear.gather [hbm4b:s8+s2], $0x80, $0x38;
	[tilespmem:$0x4080] =	vst v63  }
0x20e: {  	s8 =	sand.u32 $0x1FFFFFF0, s11  }
0x20f: {  	s14 =	sld [smem:$0x7E0];
	s8 =	sadd.s32 s3, s8  }
0x210: {  	[tilespmem:s12], [sflag:$0x1] =	stream.linear.gather [hbm4b:s8+s2], $0x80, $0x38;
	[tilespmem:$0x4080] =	vst v63  }
0x211: {  	s8 =	sand.u32 $0x1FFFFFF0, s13  }
0x212: {  	s8 =	sadd.s32 s3, s8  }
0x213: {  	[tilespmem:s14], [sflag:$0x1] =	stream.linear.gather [hbm4b:s8+s2], $0x80, $0x38;
	[tilespmem:$0x4080] =	vst v63  }
0x214: {  	s16 =	sld [smem:$0x7E1];
	s17 =	spop (v2sf);
	(v2sf) =	vpush v0, $0x8  }
0x215: {  	s8 =	sand.u32 $0x1FFFFFF0, s15  }
0x216: {  	s18 =	sld [smem:$0x7E2];
	s8 =	sadd.s32 s3, s8;
	s19 =	spop (v2sf);
	(v2sf) =	vpush v0, $0x9  }
0x217: {  	[tilespmem:s16], [sflag:$0x1] =	stream.linear.gather [hbm4b:s8+s2], $0x80, $0x38;
	[tilespmem:$0x4080] =	vst v63  }
0x218: {  	s8 =	sand.u32 $0x1FFFFFF0, s17;
	s21 =	spop (v2sf);
	(v2sf) =	vpush v0, $0xA  }
0x219: {  	s8 =	sadd.s32 s3, s8  }
0x21a: {  	[tilespmem:s18], [sflag:$0x1] =	stream.linear.gather [hbm4b:s8+s2], $0x80, $0x38;
	[tilespmem:$0x4080] =	vst v63  }
0x21b: {  	s20 =	sld [smem:$0x7E3];
	s23 =	spop (v2sf);
	(v2sf) =	vpush v0, $0xB  }
0x21c: {  	s8 =	sand.u32 $0x1FFFFFF0, s19  }
0x21d: {  	s22 =	sld [smem:$0x7E4];
	s8 =	sadd.s32 s3, s8  }
0x21e: {  	[tilespmem:s20], [sflag:$0x1] =	stream.linear.gather [hbm4b:s8+s2], $0x80, $0x38;
	[tilespmem:$0x4080] =	vst v63  }
0x21f: {  	s8 =	sand.u32 $0x1FFFFFF0, s21  }
0x220: {  	s24 =	sld [smem:$0x7E5];
	s8 =	sadd.s32 s3, s8  }
0x221: {  	[tilespmem:s22], [sflag:$0x1] =	stream.linear.gather [hbm4b:s8+s2], $0x80, $0x38;
	[tilespmem:$0x4080] =	vst v63  }
0x222: {  	s8 =	sand.u32 $0x1FFFFFF0, s23  }
0x223: {  	s8 =	sadd.s32 s3, s8;
	s25 =	spop (v2sf);
	(v2sf) =	vpush v0, $0xC  }
0x224: {  	[tilespmem:s24], [sflag:$0x1] =	stream.linear.gather [hbm4b:s8+s2], $0x80, $0x38;
	[tilespmem:$0x4080] =	vst v63  }
0x225: {  	s26 =	sld [smem:$0x7E6];
	s28 =	spop (v2sf);
	(v2sf) =	vpush v0, $0xD  }
0x226: {  	s8 =	sand.u32 $0x1FFFFFF0, s25  }
0x227: {  	s29 =	sld [smem:$0x7E7];
	s8 =	sadd.s32 s3, s8;
	s30 =	spop (v2sf)  }
0x228: {  	(v2sf) =	vpush v0, $0xE;
	[tilespmem:s26], [sflag:$0x1] =	stream.linear.gather [hbm4b:s8+s2], $0x80, $0x38;
	[tilespmem:$0x4080] =	vst v63  }
0x229: {  	s8 =	sand.u32 $0x1FFFFFF0, s28  }
0x22a: {  	s31 =	sld [smem:$0x7E8];
	s9 =	spop (v2sf);
	s8 =	sadd.s32 s3, s8  }
0x22b: {  	(v2sf) =	vpush v0, $0xF;
	[tilespmem:s29], [sflag:$0x1] =	stream.linear.gather [hbm4b:s8+s2], $0x80, $0x38;
	[tilespmem:$0x4080] =	vst v63  }
0x22c: {  	s8 =	sand.u32 $0x1FFFFFF0, s30  }
0x22d: {  	s10 =	sld [smem:$0x7E9];
	s8 =	sadd.s32 s3, s8  }
0x22e: {  	[tilespmem:s31], [sflag:$0x1] =	stream.linear.gather [hbm4b:s8+s2], $0x80, $0x38;
	[tilespmem:$0x4080] =	vst v63  }
0x22f: {  	s8 =	sand.u32 $0x1FFFFFF0, s9  }
0x230: {  	s8 =	sadd.s32 s3, s8  }
0x231: {  	[tilespmem:s10], [sflag:$0x1] =	stream.linear.gather [hbm4b:s8+s2], $0x80, $0x38;
	[tilespmem:$0x4080] =	vst v63  }
0x232: {  	s12 =	sld [smem:$0x7EA];
	s11 =	spop (v2sf)  }
0x233: {  	s8 =	sand.u32 $0x1FFFFFF0, s11  }
0x234: {  	s14 =	sld [smem:$0x7EB];
	s13 =	spop (v2sf);
	s8 =	sadd.s32 s3, s8  }
0x235: {  	[tilespmem:s12], [sflag:$0x1] =	stream.linear.gather [hbm4b:s8+s2], $0x80, $0x38;
	[tilespmem:$0x4080] =	vst v63  }
0x236: {  	s8 =	sand.u32 $0x1FFFFFF0, s13  }
0x237: {  	s16 =	sld [smem:$0x7EC];
	s15 =	spop (v2sf);
	s8 =	sadd.s32 s3, s8  }
0x238: {  	[tilespmem:s14], [sflag:$0x1] =	stream.linear.gather [hbm4b:s8+s2], $0x80, $0x38;
	[tilespmem:$0x4080] =	vst v63  }
0x239: {  	s8 =	sand.u32 $0x1FFFFFF0, s15  }
0x23a: {  	s18 =	sld [smem:$0x7ED];
	s17 =	spop (v2sf);
	s8 =	sadd.s32 s3, s8  }
0x23b: {  	[tilespmem:s16], [sflag:$0x1] =	stream.linear.gather [hbm4b:s8+s2], $0x80, $0x38;
	[tilespmem:$0x4080] =	vst v63  }
0x23c: {  	s8 =	sand.u32 $0x1FFFFFF0, s17  }
0x23d: {  	s8 =	sadd.s32 s3, s8  }
0x23e: {  	[tilespmem:s18], [sflag:$0x1] =	stream.linear.gather [hbm4b:s8+s2], $0x80, $0x38;
	[tilespmem:$0x4080] =	vst v63  }
0x23f: {  	v63 =	vld [tilespmem:$0x70];
	_ =	sdelay $0x4  }
0x240: {  	v0 =	vshll.u32 v63, $0x4  }
0x241: {  	(v2sf) =	vpush v0, $0x0;
	_ =	sdelay $0x1  }
0x242: {  	(v2sf) =	vpush v0, $0x1;
	_ =	sdelay $0x1  }
0x243: {  	(v2sf) =	vpush v0, $0x2;
	_ =	sdelay $0x2  }
0x244: {  	(v2sf) =	vpush v0, $0x3;
	_ =	sdelay $0x7  }
0x245: {  	s19 =	spop (v2sf);
	(v2sf) =	vpush v0, $0x4;
	_ =	sdelay $0x1  }
0x246: {  	s21 =	spop (v2sf);
	(v2sf) =	vpush v0, $0x5;
	_ =	sdelay $0x1  }
0x247: {  	s23 =	spop (v2sf);
	(v2sf) =	vpush v0, $0x6  }
0x248: {  	s20 =	sld [smem:$0x7EE]  }
0x249: {  	s8 =	sand.u32 $0x1FFFFFF0, s19  }
0x24a: {  	s22 =	sld [smem:$0x7EF];
	s8 =	sadd.s32 s3, s8;
	s25 =	spop (v2sf);
	(v2sf) =	vpush v0, $0x7  }
0x24b: {  	[tilespmem:s20], [sflag:$0x1] =	stream.linear.gather [hbm4b:s8+s2], $0x80, $0x38;
	[tilespmem:$0x4080] =	vst v63  }
0x24c: {  	s8 =	sand.u32 $0x1FFFFFF0, s21  }
0x24d: {  	s24 =	sld [smem:$0x7F0];
	s8 =	sadd.s32 s3, s8  }
0x24e: {  	[tilespmem:s22], [sflag:$0x1] =	stream.linear.gather [hbm4b:s8+s2], $0x80, $0x38;
	[tilespmem:$0x4080] =	vst v63  }
0x24f: {  	s8 =	sand.u32 $0x1FFFFFF0, s23  }
0x250: {  	s8 =	sadd.s32 s3, s8  }
0x251: {  	[tilespmem:s24], [sflag:$0x1] =	stream.linear.gather [hbm4b:s8+s2], $0x80, $0x38;
	[tilespmem:$0x4080] =	vst v63  }
0x252: {  	s26 =	sld [smem:$0x7F1];
	s28 =	spop (v2sf);
	(v2sf) =	vpush v0, $0x8  }
0x253: {  	s8 =	sand.u32 $0x1FFFFFF0, s25  }
0x254: {  	s29 =	sld [smem:$0x7F2];
	s8 =	sadd.s32 s3, s8;
	s30 =	spop (v2sf);
	(v2sf) =	vpush v0, $0x9  }
0x255: {  	[tilespmem:s26], [sflag:$0x1] =	stream.linear.gather [hbm4b:s8+s2], $0x80, $0x38;
	[tilespmem:$0x4080] =	vst v63  }
0x256: {  	s8 =	sand.u32 $0x1FFFFFF0, s28;
	s10 =	spop (v2sf);
	(v2sf) =	vpush v0, $0xA  }
0x257: {  	s8 =	sadd.s32 s3, s8  }
0x258: {  	[tilespmem:s29], [sflag:$0x1] =	stream.linear.gather [hbm4b:s8+s2], $0x80, $0x38;
	[tilespmem:$0x4080] =	vst v63  }
0x259: {  	s31 =	sld [smem:$0x7F3];
	s12 =	spop (v2sf);
	(v2sf) =	vpush v0, $0xB  }
0x25a: {  	s8 =	sand.u32 $0x1FFFFFF0, s30  }
0x25b: {  	s11 =	sld [smem:$0x7F4];
	s8 =	sadd.s32 s3, s8  }
0x25c: {  	[tilespmem:s31], [sflag:$0x1] =	stream.linear.gather [hbm4b:s8+s2], $0x80, $0x38;
	[tilespmem:$0x4080] =	vst v63  }
0x25d: {  	s8 =	sand.u32 $0x1FFFFFF0, s10  }
0x25e: {  	s13 =	sld [smem:$0x7F5];
	s8 =	sadd.s32 s3, s8  }
0x25f: {  	[tilespmem:s11], [sflag:$0x1] =	stream.linear.gather [hbm4b:s8+s2], $0x80, $0x38;
	[tilespmem:$0x4080] =	vst v63  }
0x260: {  	s8 =	sand.u32 $0x1FFFFFF0, s12  }
0x261: {  	s8 =	sadd.s32 s3, s8;
	s14 =	spop (v2sf);
	(v2sf) =	vpush v0, $0xC  }
0x262: {  	[tilespmem:s13], [sflag:$0x1] =	stream.linear.gather [hbm4b:s8+s2], $0x80, $0x38;
	[tilespmem:$0x4080] =	vst v63  }
0x263: {  	s15 =	sld [smem:$0x7F6];
	s16 =	spop (v2sf);
	(v2sf) =	vpush v0, $0xD  }
0x264: {  	s8 =	sand.u32 $0x1FFFFFF0, s14  }
0x265: {  	s17 =	sld [smem:$0x7F7];
	s8 =	sadd.s32 s3, s8;
	s18 =	spop (v2sf)  }
0x266: {  	(v2sf) =	vpush v0, $0xE;
	[tilespmem:s15], [sflag:$0x1] =	stream.linear.gather [hbm4b:s8+s2], $0x80, $0x38;
	[tilespmem:$0x4080] =	vst v63  }
0x267: {  	s8 =	sand.u32 $0x1FFFFFF0, s16  }
0x268: {  	s19 =	sld [smem:$0x7F8];
	s20 =	spop (v2sf);
	s8 =	sadd.s32 s3, s8  }
0x269: {  	(v2sf) =	vpush v0, $0xF;
	[tilespmem:s17], [sflag:$0x1] =	stream.linear.gather [hbm4b:s8+s2], $0x80, $0x38;
	[tilespmem:$0x4080] =	vst v63  }
0x26a: {  	s8 =	sand.u32 $0x1FFFFFF0, s18  }
0x26b: {  	s21 =	sld [smem:$0x7F9];
	s8 =	sadd.s32 s3, s8  }
0x26c: {  	[tilespmem:s19], [sflag:$0x1] =	stream.linear.gather [hbm4b:s8+s2], $0x80, $0x38;
	[tilespmem:$0x4080] =	vst v63  }
0x26d: {  	s8 =	sand.u32 $0x1FFFFFF0, s20  }
0x26e: {  	s8 =	sadd.s32 s3, s8  }
0x26f: {  	[tilespmem:s21], [sflag:$0x1] =	stream.linear.gather [hbm4b:s8+s2], $0x80, $0x38;
	[tilespmem:$0x4080] =	vst v63  }
0x270: {  	s23 =	sld [smem:$0x7FA];
	s22 =	spop (v2sf)  }
0x271: {  	s8 =	sand.u32 $0x1FFFFFF0, s22  }
0x272: {  	s25 =	sld [smem:$0x7FB];
	s24 =	spop (v2sf);
	s8 =	sadd.s32 s3, s8  }
0x273: {  	[tilespmem:s23], [sflag:$0x1] =	stream.linear.gather [hbm4b:s8+s2], $0x80, $0x38;
	[tilespmem:$0x4080] =	vst v63  }
0x274: {  	s8 =	sand.u32 $0x1FFFFFF0, s24  }
0x275: {  	s28 =	sld [smem:$0x7FC];
	s26 =	spop (v2sf);
	s8 =	sadd.s32 s3, s8  }
0x276: {  	[tilespmem:s25], [sflag:$0x1] =	stream.linear.gather [hbm4b:s8+s2], $0x80, $0x38;
	[tilespmem:$0x4080] =	vst v63  }
0x277: {  	s8 =	sand.u32 $0x1FFFFFF0, s26  }
0x278: {  	s30 =	sld [smem:$0x7FD];
	s29 =	spop (v2sf);
	s8 =	sadd.s32 s3, s8  }
0x279: {  	[tilespmem:s28], [sflag:$0x1] =	stream.linear.gather [hbm4b:s8+s2], $0x80, $0x38;
	[tilespmem:$0x4080] =	vst v63  }
0x27a: {  	s8 =	sand.u32 $0x1FFFFFF0, s29  }
0x27b: {  	s8 =	sadd.s32 s3, s8  }
0x27c: {  	[tilespmem:s30], [sflag:$0x1] =	stream.linear.gather [hbm4b:s8+s2], $0x80, $0x38;
	[tilespmem:$0x4080] =	vst v63  }
0x27d: {  	_ =	swait.ge [sflag:s7], $0x80  }
0x27e: {  	[sflag:s7] =	ssyncset.done $0x0  }
0x27f: {  	[sflag:s7] =	ssyncadd.s32 $0xFFFFFF80  }
0x280: {  	_ =	swait.ge [sflag:s7], $0x80  }
0x281: {  	[sflag:s7] =	ssyncset.done $0x0  }
0x282: {  	[sflag:s7] =	ssyncadd.s32 $0xFFFFFF80  }
0x283: {  	_ =	swait.ge [sflag:s7], $0x80  }
0x284: {  	[sflag:s7] =	ssyncset.done $0x0  }
0x285: {  	[sflag:s7] =	ssyncadd.s32 $0xFFFFFF80  }
0x286: {  	_ =	swait.ge [sflag:s7], $0x80  }
0x287: {  	[sflag:s7] =	ssyncset.done $0x0  }
0x288: {  	[sflag:s7] =	ssyncadd.s32 $0xFFFFFF80  }
0x289: {  	_ =	swait.ge [sflag:s7], $0x80  }
0x28a: {  	[sflag:s7] =	ssyncset.done $0x0  }
0x28b: {  	[sflag:s7] =	ssyncadd.s32 $0xFFFFFF80  }
0x28c: {  	_ =	swait.ge [sflag:s7], $0x80  }
0x28d: {  	[sflag:s7] =	ssyncset.done $0x0  }
0x28e: {  	[sflag:s7] =	ssyncadd.s32 $0xFFFFFF80  }
0x28f: {  	_ =	swait.ge [sflag:s7], $0x80  }
0x290: {  	[sflag:s7] =	ssyncset.done $0x0  }
0x291: {  	[sflag:s7] =	ssyncadd.s32 $0xFFFFFF80  }
0x292: {  	_ =	swait.ge [sflag:s7], $0x80  }
0x293: {  	[sflag:s7] =	ssyncset.done $0x0  }
0x294: {  	[sflag:s7] =	ssyncadd.s32 $0xFFFFFF80  }
0x295: {  	_ =	swait.ge [sflag:s7], $0x80  }
0x296: {  	[sflag:s7] =	ssyncset.done $0x0  }
0x297: {  	[sflag:s7] =	ssyncadd.s32 $0xFFFFFF80  }
0x298: {  	_ =	swait.ge [sflag:s7], $0x80  }
0x299: {  	[sflag:s7] =	ssyncset.done $0x0  }
0x29a: {  	[sflag:s7] =	ssyncadd.s32 $0xFFFFFF80  }
0x29b: {  	_ =	swait.ge [sflag:s7], $0x80  }
0x29c: {  	[sflag:s7] =	ssyncset.done $0x0  }
0x29d: {  	[sflag:s7] =	ssyncadd.s32 $0xFFFFFF80  }
0x29e: {  	_ =	swait.ge [sflag:s7], $0x80  }
0x29f: {  	[sflag:s7] =	ssyncset.done $0x0  }
0x2a0: {  	[sflag:s7] =	ssyncadd.s32 $0xFFFFFF80  }
0x2a1: {  	_ =	swait.ge [sflag:s7], $0x80  }
0x2a2: {  	[sflag:s7] =	ssyncset.done $0x0  }
0x2a3: {  	[sflag:s7] =	ssyncadd.s32 $0xFFFFFF80  }
0x2a4: {  	_ =	swait.ge [sflag:s7], $0x80  }
0x2a5: {  	[sflag:s7] =	ssyncset.done $0x0  }
0x2a6: {  	[sflag:s7] =	ssyncadd.s32 $0xFFFFFF80  }
0x2a7: {  	_ =	swait.ge [sflag:s7], $0x80  }
0x2a8: {  	[sflag:s7] =	ssyncset.done $0x0  }
0x2a9: {  	[sflag:s7] =	ssyncadd.s32 $0xFFFFFF80  }
0x2aa: {  	_ =	swait.ge [sflag:s7], $0x80  }
0x2ab: {  	[sflag:s7] =	ssyncset.done $0x0  }
0x2ac: {  	[sflag:s7] =	ssyncadd.s32 $0xFFFFFF80  }
0x2ad: {  	_ =	swait.ge [sflag:s7], $0x80  }
0x2ae: {  	[sflag:s7] =	ssyncset.done $0x0  }
0x2af: {  	[sflag:s7] =	ssyncadd.s32 $0xFFFFFF80  }
0x2b0: {  	_ =	swait.ge [sflag:s7], $0x80  }
0x2b1: {  	[sflag:s7] =	ssyncset.done $0x0  }
0x2b2: {  	[sflag:s7] =	ssyncadd.s32 $0xFFFFFF80  }
0x2b3: {  	_ =	swait.ge [sflag:s7], $0x80  }
0x2b4: {  	[sflag:s7] =	ssyncset.done $0x0  }
0x2b5: {  	[sflag:s7] =	ssyncadd.s32 $0xFFFFFF80  }
0x2b6: {  	_ =	swait.ge [sflag:s7], $0x80  }
0x2b7: {  	[sflag:s7] =	ssyncset.done $0x0  }
0x2b8: {  	[sflag:s7] =	ssyncadd.s32 $0xFFFFFF80  }
0x2b9: {  	_ =	swait.ge [sflag:s7], $0x80  }
0x2ba: {  	[sflag:s7] =	ssyncset.done $0x0  }
0x2bb: {  	[sflag:s7] =	ssyncadd.s32 $0xFFFFFF80  }
0x2bc: {  	_ =	swait.ge [sflag:s7], $0x80  }
0x2bd: {  	[sflag:s7] =	ssyncset.done $0x0  }
0x2be: {  	[sflag:s7] =	ssyncadd.s32 $0xFFFFFF80  }
0x2bf: {  	_ =	swait.ge [sflag:s7], $0x80  }
0x2c0: {  	[sflag:s7] =	ssyncset.done $0x0  }
0x2c1: {  	[sflag:s7] =	ssyncadd.s32 $0xFFFFFF80  }
0x2c2: {  	_ =	swait.ge [sflag:s7], $0x80  }
0x2c3: {  	[sflag:s7] =	ssyncset.done $0x0  }
0x2c4: {  	[sflag:s7] =	ssyncadd.s32 $0xFFFFFF80  }
0x2c5: {  	_ =	swait.ge [sflag:s7], $0x80  }
0x2c6: {  	[sflag:s7] =	ssyncset.done $0x0  }
0x2c7: {  	[sflag:s7] =	ssyncadd.s32 $0xFFFFFF80  }
0x2c8: {  	_ =	swait.ge [sflag:s7], $0x80  }
0x2c9: {  	[sflag:s7] =	ssyncset.done $0x0  }
0x2ca: {  	[sflag:s7] =	ssyncadd.s32 $0xFFFFFF80  }
0x2cb: {  	_ =	swait.ge [sflag:s7], $0x80  }
0x2cc: {  	[sflag:s7] =	ssyncset.done $0x0  }
0x2cd: {  	[sflag:s7] =	ssyncadd.s32 $0xFFFFFF80  }
0x2ce: {  	_ =	swait.ge [sflag:s7], $0x80  }
0x2cf: {  	[sflag:s7] =	ssyncset.done $0x0  }
0x2d0: {  	[sflag:s7] =	ssyncadd.s32 $0xFFFFFF80  }
0x2d1: {  	_ =	swait.ge [sflag:s7], $0x80  }
0x2d2: {  	[sflag:s7] =	ssyncset.done $0x0  }
0x2d3: {  	[sflag:s7] =	ssyncadd.s32 $0xFFFFFF80  }
0x2d4: {  	_ =	swait.ge [sflag:s7], $0x80  }
0x2d5: {  	[sflag:s7] =	ssyncset.done $0x0  }
0x2d6: {  	[sflag:s7] =	ssyncadd.s32 $0xFFFFFF80  }
0x2d7: {  	_ =	swait.ge [sflag:s7], $0x80  }
0x2d8: {  	[sflag:s7] =	ssyncset.done $0x0  }
0x2d9: {  	[sflag:s7] =	ssyncadd.s32 $0xFFFFFF80  }
0x2da: {  	_ =	swait.ge [sflag:s7], $0x80  }
0x2db: {  	[sflag:s7] =	ssyncset.done $0x0  }
0x2dc: {  	[sflag:s7] =	ssyncadd.s32 $0xFFFFFF80  }
0x2dd: {  	_ =	swait.ge [sflag:s7], $0x80  }
0x2de: {  	[sflag:s7] =	ssyncset.done $0x0  }
0x2df: {  	[sflag:s7] =	ssyncadd.s32 $0xFFFFFF80  }
0x2e0: {  	_ =	swait.ge [sflag:s7], $0x80  }
0x2e1: {  	[sflag:s7] =	ssyncset.done $0x0  }
0x2e2: {  	[sflag:s7] =	ssyncadd.s32 $0xFFFFFF80  }
0x2e3: {  	_ =	swait.ge [sflag:s7], $0x80  }
0x2e4: {  	[sflag:s7] =	ssyncset.done $0x0  }
0x2e5: {  	[sflag:s7] =	ssyncadd.s32 $0xFFFFFF80  }
0x2e6: {  	_ =	swait.ge [sflag:s7], $0x80  }
0x2e7: {  	[sflag:s7] =	ssyncset.done $0x0  }
0x2e8: {  	[sflag:s7] =	ssyncadd.s32 $0xFFFFFF80  }
0x2e9: {  	_ =	swait.ge [sflag:s7], $0x80  }
0x2ea: {  	[sflag:s7] =	ssyncset.done $0x0  }
0x2eb: {  	[sflag:s7] =	ssyncadd.s32 $0xFFFFFF80  }
0x2ec: {  	_ =	swait.ge [sflag:s7], $0x80  }
0x2ed: {  	[sflag:s7] =	ssyncset.done $0x0  }
0x2ee: {  	[sflag:s7] =	ssyncadd.s32 $0xFFFFFF80  }
0x2ef: {  	_ =	swait.ge [sflag:s7], $0x80  }
0x2f0: {  	[sflag:s7] =	ssyncset.done $0x0  }
0x2f1: {  	[sflag:s7] =	ssyncadd.s32 $0xFFFFFF80  }
0x2f2: {  	_ =	swait.ge [sflag:s7], $0x80  }
0x2f3: {  	[sflag:s7] =	ssyncset.done $0x0  }
0x2f4: {  	[sflag:s7] =	ssyncadd.s32 $0xFFFFFF80  }
0x2f5: {  	_ =	swait.ge [sflag:s7], $0x80  }
0x2f6: {  	[sflag:s7] =	ssyncset.done $0x0  }
0x2f7: {  	[sflag:s7] =	ssyncadd.s32 $0xFFFFFF80  }
0x2f8: {  	_ =	swait.ge [sflag:s7], $0x80  }
0x2f9: {  	[sflag:s7] =	ssyncset.done $0x0  }
0x2fa: {  	[sflag:s7] =	ssyncadd.s32 $0xFFFFFF80  }
0x2fb: {  	_ =	swait.ge [sflag:s7], $0x80  }
0x2fc: {  	[sflag:s7] =	ssyncset.done $0x0  }
0x2fd: {  	[sflag:s7] =	ssyncadd.s32 $0xFFFFFF80  }
0x2fe: {  	_ =	swait.ge [sflag:s7], $0x80  }
0x2ff: {  	[sflag:s7] =	ssyncset.done $0x0  }
0x300: {  	[sflag:s7] =	ssyncadd.s32 $0xFFFFFF80  }
0x301: {  	_ =	swait.ge [sflag:s7], $0x80  }
0x302: {  	[sflag:s7] =	ssyncset.done $0x0  }
0x303: {  	[sflag:s7] =	ssyncadd.s32 $0xFFFFFF80  }
0x304: {  	_ =	swait.ge [sflag:s7], $0x80  }
0x305: {  	[sflag:s7] =	ssyncset.done $0x0  }
0x306: {  	[sflag:s7] =	ssyncadd.s32 $0xFFFFFF80  }
0x307: {  	_ =	swait.ge [sflag:s7], $0x80  }
0x308: {  	[sflag:s7] =	ssyncset.done $0x0  }
0x309: {  	[sflag:s7] =	ssyncadd.s32 $0xFFFFFF80  }
0x30a: {  	_ =	swait.ge [sflag:s7], $0x80  }
0x30b: {  	[sflag:s7] =	ssyncset.done $0x0  }
0x30c: {  	[sflag:s7] =	ssyncadd.s32 $0xFFFFFF80  }
0x30d: {  	_ =	swait.ge [sflag:s7], $0x80  }
0x30e: {  	[sflag:s7] =	ssyncset.done $0x0  }
0x30f: {  	[sflag:s7] =	ssyncadd.s32 $0xFFFFFF80  }
0x310: {  	_ =	swait.ge [sflag:s7], $0x80  }
0x311: {  	[sflag:s7] =	ssyncset.done $0x0  }
0x312: {  	[sflag:s7] =	ssyncadd.s32 $0xFFFFFF80  }
0x313: {  	_ =	swait.ge [sflag:s7], $0x80  }
0x314: {  	[sflag:s7] =	ssyncset.done $0x0  }
0x315: {  	[sflag:s7] =	ssyncadd.s32 $0xFFFFFF80  }
0x316: {  	_ =	swait.ge [sflag:s7], $0x80  }
0x317: {  	[sflag:s7] =	ssyncset.done $0x0  }
0x318: {  	[sflag:s7] =	ssyncadd.s32 $0xFFFFFF80  }
0x319: {  	_ =	swait.ge [sflag:s7], $0x80  }
0x31a: {  	[sflag:s7] =	ssyncset.done $0x0  }
0x31b: {  	[sflag:s7] =	ssyncadd.s32 $0xFFFFFF80  }
0x31c: {  	_ =	swait.ge [sflag:s7], $0x80  }
0x31d: {  	[sflag:s7] =	ssyncset.done $0x0  }
0x31e: {  	[sflag:s7] =	ssyncadd.s32 $0xFFFFFF80  }
0x31f: {  	_ =	swait.ge [sflag:s7], $0x80  }
0x320: {  	[sflag:s7] =	ssyncset.done $0x0  }
0x321: {  	[sflag:s7] =	ssyncadd.s32 $0xFFFFFF80  }
0x322: {  	_ =	swait.ge [sflag:s7], $0x80  }
0x323: {  	[sflag:s7] =	ssyncset.done $0x0  }
0x324: {  	[sflag:s7] =	ssyncadd.s32 $0xFFFFFF80  }
0x325: {  	_ =	swait.ge [sflag:s7], $0x80  }
0x326: {  	[sflag:s7] =	ssyncset.done $0x0  }
0x327: {  	[sflag:s7] =	ssyncadd.s32 $0xFFFFFF80  }
0x328: {  	_ =	swait.ge [sflag:s7], $0x80  }
0x329: {  	[sflag:s7] =	ssyncset.done $0x0  }
0x32a: {  	[sflag:s7] =	ssyncadd.s32 $0xFFFFFF80  }
0x32b: {  	_ =	swait.ge [sflag:s7], $0x80  }
0x32c: {  	[sflag:s7] =	ssyncset.done $0x0  }
0x32d: {  	[sflag:s7] =	ssyncadd.s32 $0xFFFFFF80  }
0x32e: {  	_ =	swait.ge [sflag:s7], $0x80  }
0x32f: {  	[sflag:s7] =	ssyncset.done $0x0  }
0x330: {  	[sflag:s7] =	ssyncadd.s32 $0xFFFFFF80  }
0x331: {  	_ =	swait.ge [sflag:s7], $0x80  }
0x332: {  	[sflag:s7] =	ssyncset.done $0x0  }
0x333: {  	[sflag:s7] =	ssyncadd.s32 $0xFFFFFF80  }
0x334: {  	_ =	swait.ge [sflag:s7], $0x80  }
0x335: {  	[sflag:s7] =	ssyncset.done $0x0  }
0x336: {  	[sflag:s7] =	ssyncadd.s32 $0xFFFFFF80  }
0x337: {  	_ =	swait.ge [sflag:s7], $0x80  }
0x338: {  	[sflag:s7] =	ssyncset.done $0x0  }
0x339: {  	[sflag:s7] =	ssyncadd.s32 $0xFFFFFF80  }
0x33a: {  	_ =	swait.ge [sflag:s7], $0x80  }
0x33b: {  	[sflag:s7] =	ssyncset.done $0x0  }
0x33c: {  	[sflag:s7] =	ssyncadd.s32 $0xFFFFFF80  }
0x33d: {  	_ =	swait.ge [sflag:s7], $0x80  }
0x33e: {  	[sflag:s7] =	ssyncset.done $0x0  }
0x33f: {  	[sflag:s7] =	ssyncadd.s32 $0xFFFFFF80  }
0x340: {  	_ =	swait.ge [sflag:s7], $0x80  }
0x341: {  	[sflag:s7] =	ssyncset.done $0x0  }
0x342: {  	[sflag:s7] =	ssyncadd.s32 $0xFFFFFF80  }
0x343: {  	_ =	swait.ge [sflag:s7], $0x80  }
0x344: {  	[sflag:s7] =	ssyncset.done $0x0  }
0x345: {  	[sflag:s7] =	ssyncadd.s32 $0xFFFFFF80  }
0x346: {  	_ =	swait.ge [sflag:s7], $0x80  }
0x347: {  	[sflag:s7] =	ssyncset.done $0x0  }
0x348: {  	[sflag:s7] =	ssyncadd.s32 $0xFFFFFF80  }
0x349: {  	_ =	swait.ge [sflag:s7], $0x80  }
0x34a: {  	[sflag:s7] =	ssyncset.done $0x0  }
0x34b: {  	[sflag:s7] =	ssyncadd.s32 $0xFFFFFF80  }
0x34c: {  	_ =	swait.ge [sflag:s7], $0x80  }
0x34d: {  	[sflag:s7] =	ssyncset.done $0x0  }
0x34e: {  	[sflag:s7] =	ssyncadd.s32 $0xFFFFFF80  }
0x34f: {  	_ =	swait.ge [sflag:s7], $0x80  }
0x350: {  	[sflag:s7] =	ssyncset.done $0x0  }
0x351: {  	[sflag:s7] =	ssyncadd.s32 $0xFFFFFF80  }
0x352: {  	_ =	swait.ge [sflag:s7], $0x80  }
0x353: {  	[sflag:s7] =	ssyncset.done $0x0  }
0x354: {  	[sflag:s7] =	ssyncadd.s32 $0xFFFFFF80  }
0x355: {  	_ =	swait.ge [sflag:s7], $0x80  }
0x356: {  	[sflag:s7] =	ssyncset.done $0x0  }
0x357: {  	[sflag:s7] =	ssyncadd.s32 $0xFFFFFF80  }
0x358: {  	_ =	swait.ge [sflag:s7], $0x80  }
0x359: {  	[sflag:s7] =	ssyncset.done $0x0  }
0x35a: {  	[sflag:s7] =	ssyncadd.s32 $0xFFFFFF80  }
0x35b: {  	_ =	swait.ge [sflag:s7], $0x80  }
0x35c: {  	[sflag:s7] =	ssyncset.done $0x0  }
0x35d: {  	[sflag:s7] =	ssyncadd.s32 $0xFFFFFF80  }
0x35e: {  	_ =	swait.ge [sflag:s7], $0x80  }
0x35f: {  	[sflag:s7] =	ssyncset.done $0x0  }
0x360: {  	[sflag:s7] =	ssyncadd.s32 $0xFFFFFF80  }
0x361: {  	_ =	swait.ge [sflag:s7], $0x80  }
0x362: {  	[sflag:s7] =	ssyncset.done $0x0  }
0x363: {  	[sflag:s7] =	ssyncadd.s32 $0xFFFFFF80  }
0x364: {  	_ =	swait.ge [sflag:s7], $0x80  }
0x365: {  	[sflag:s7] =	ssyncset.done $0x0  }
0x366: {  	[sflag:s7] =	ssyncadd.s32 $0xFFFFFF80  }
0x367: {  	_ =	swait.ge [sflag:s7], $0x80  }
0x368: {  	[sflag:s7] =	ssyncset.done $0x0  }
0x369: {  	[sflag:s7] =	ssyncadd.s32 $0xFFFFFF80  }
0x36a: {  	_ =	swait.ge [sflag:s7], $0x80  }
0x36b: {  	[sflag:s7] =	ssyncset.done $0x0  }
0x36c: {  	[sflag:s7] =	ssyncadd.s32 $0xFFFFFF80  }
0x36d: {  	_ =	swait.ge [sflag:s7], $0x80  }
0x36e: {  	[sflag:s7] =	ssyncset.done $0x0  }
0x36f: {  	[sflag:s7] =	ssyncadd.s32 $0xFFFFFF80  }
0x370: {  	_ =	swait.ge [sflag:s7], $0x80  }
0x371: {  	[sflag:s7] =	ssyncset.done $0x0  }
0x372: {  	[sflag:s7] =	ssyncadd.s32 $0xFFFFFF80  }
0x373: {  	_ =	swait.ge [sflag:s7], $0x80  }
0x374: {  	[sflag:s7] =	ssyncset.done $0x0  }
0x375: {  	[sflag:s7] =	ssyncadd.s32 $0xFFFFFF80  }
0x376: {  	_ =	swait.ge [sflag:s7], $0x80  }
0x377: {  	[sflag:s7] =	ssyncset.done $0x0  }
0x378: {  	[sflag:s7] =	ssyncadd.s32 $0xFFFFFF80  }
0x379: {  	_ =	swait.ge [sflag:s7], $0x80  }
0x37a: {  	[sflag:s7] =	ssyncset.done $0x0  }
0x37b: {  	[sflag:s7] =	ssyncadd.s32 $0xFFFFFF80  }
0x37c: {  	_ =	swait.ge [sflag:s7], $0x80  }
0x37d: {  	[sflag:s7] =	ssyncset.done $0x0  }
0x37e: {  	[sflag:s7] =	ssyncadd.s32 $0xFFFFFF80  }
0x37f: {  	_ =	swait.ge [sflag:s7], $0x80  }
0x380: {  	[sflag:s7] =	ssyncset.done $0x0  }
0x381: {  	[sflag:s7] =	ssyncadd.s32 $0xFFFFFF80  }
0x382: {  	_ =	swait.ge [sflag:s7], $0x80  }
0x383: {  	[sflag:s7] =	ssyncset.done $0x0  }
0x384: {  	[sflag:s7] =	ssyncadd.s32 $0xFFFFFF80  }
0x385: {  	_ =	swait.ge [sflag:s7], $0x80  }
0x386: {  	[sflag:s7] =	ssyncset.done $0x0  }
0x387: {  	[sflag:s7] =	ssyncadd.s32 $0xFFFFFF80  }
0x388: {  	_ =	swait.ge [sflag:s7], $0x80  }
0x389: {  	[sflag:s7] =	ssyncset.done $0x0  }
0x38a: {  	[sflag:s7] =	ssyncadd.s32 $0xFFFFFF80  }
0x38b: {  	_ =	swait.ge [sflag:s7], $0x80  }
0x38c: {  	[sflag:s7] =	ssyncset.done $0x0  }
0x38d: {  	[sflag:s7] =	ssyncadd.s32 $0xFFFFFF80  }
0x38e: {  	_ =	swait.ge [sflag:s7], $0x80  }
0x38f: {  	[sflag:s7] =	ssyncset.done $0x0  }
0x390: {  	[sflag:s7] =	ssyncadd.s32 $0xFFFFFF80  }
0x391: {  	_ =	swait.ge [sflag:s7], $0x80  }
0x392: {  	[sflag:s7] =	ssyncset.done $0x0  }
0x393: {  	[sflag:s7] =	ssyncadd.s32 $0xFFFFFF80  }
0x394: {  	_ =	swait.ge [sflag:s7], $0x80  }
0x395: {  	[sflag:s7] =	ssyncset.done $0x0  }
0x396: {  	[sflag:s7] =	ssyncadd.s32 $0xFFFFFF80  }
0x397: {  	_ =	swait.ge [sflag:s7], $0x80  }
0x398: {  	[sflag:s7] =	ssyncset.done $0x0  }
0x399: {  	[sflag:s7] =	ssyncadd.s32 $0xFFFFFF80  }
0x39a: {  	_ =	swait.ge [sflag:s7], $0x80  }
0x39b: {  	[sflag:s7] =	ssyncset.done $0x0  }
0x39c: {  	[sflag:s7] =	ssyncadd.s32 $0xFFFFFF80  }
0x39d: {  	_ =	swait.ge [sflag:s7], $0x80  }
0x39e: {  	[sflag:s7] =	ssyncset.done $0x0  }
0x39f: {  	[sflag:s7] =	ssyncadd.s32 $0xFFFFFF80  }
0x3a0: {  	_ =	swait.ge [sflag:s7], $0x80  }
0x3a1: {  	[sflag:s7] =	ssyncset.done $0x0  }
0x3a2: {  	[sflag:s7] =	ssyncadd.s32 $0xFFFFFF80  }
0x3a3: {  	_ =	swait.ge [sflag:s7], $0x80  }
0x3a4: {  	[sflag:s7] =	ssyncset.done $0x0  }
0x3a5: {  	[sflag:s7] =	ssyncadd.s32 $0xFFFFFF80  }
0x3a6: {  	_ =	swait.ge [sflag:s7], $0x80  }
0x3a7: {  	[sflag:s7] =	ssyncset.done $0x0  }
0x3a8: {  	[sflag:s7] =	ssyncadd.s32 $0xFFFFFF80  }
0x3a9: {  	_ =	swait.ge [sflag:s7], $0x80  }
0x3aa: {  	[sflag:s7] =	ssyncset.done $0x0  }
0x3ab: {  	[sflag:s7] =	ssyncadd.s32 $0xFFFFFF80  }
0x3ac: {  	_ =	swait.ge [sflag:s7], $0x80  }
0x3ad: {  	[sflag:s7] =	ssyncset.done $0x0  }
0x3ae: {  	[sflag:s7] =	ssyncadd.s32 $0xFFFFFF80  }
0x3af: {  	_ =	swait.ge [sflag:s7], $0x80  }
0x3b0: {  	[sflag:s7] =	ssyncset.done $0x0  }
0x3b1: {  	[sflag:s7] =	ssyncadd.s32 $0xFFFFFF80  }
0x3b2: {  	_ =	swait.ge [sflag:s7], $0x80  }
0x3b3: {  	[sflag:s7] =	ssyncset.done $0x0  }
0x3b4: {  	[sflag:s7] =	ssyncadd.s32 $0xFFFFFF80  }
0x3b5: {  	_ =	swait.ge [sflag:s7], $0x80  }
0x3b6: {  	[sflag:s7] =	ssyncset.done $0x0  }
0x3b7: {  	[sflag:s7] =	ssyncadd.s32 $0xFFFFFF80  }
0x3b8: {  	_ =	swait.ge [sflag:s7], $0x80  }
0x3b9: {  	[sflag:s7] =	ssyncset.done $0x0  }
0x3ba: {  	[sflag:s7] =	ssyncadd.s32 $0xFFFFFF80  }
0x3bb: {  	_ =	swait.ge [sflag:s7], $0x80  }
0x3bc: {  	[sflag:s7] =	ssyncset.done $0x0  }
0x3bd: {  	[sflag:s7] =	ssyncadd.s32 $0xFFFFFF80  }
0x3be: {  	_ =	swait.ge [sflag:s7], $0x80  }
0x3bf: {  	[sflag:s7] =	ssyncset.done $0x0  }
0x3c0: {  	[sflag:s7] =	ssyncadd.s32 $0xFFFFFF80  }
0x3c1: {  	_ =	swait.ge [sflag:s7], $0x80  }
0x3c2: {  	[sflag:s7] =	ssyncset.done $0x0  }
0x3c3: {  	[sflag:s7] =	ssyncadd.s32 $0xFFFFFF80  }
0x3c4: {  	_ =	swait.ge [sflag:s7], $0x80  }
0x3c5: {  	[sflag:s7] =	ssyncset.done $0x0  }
0x3c6: {  	[sflag:s7] =	ssyncadd.s32 $0xFFFFFF80  }
0x3c7: {  	_ =	swait.ge [sflag:s7], $0x80  }
0x3c8: {  	[sflag:s7] =	ssyncset.done $0x0  }
0x3c9: {  	[sflag:s7] =	ssyncadd.s32 $0xFFFFFF80  }
0x3ca: {  	_ =	swait.ge [sflag:s7], $0x80  }
0x3cb: {  	[sflag:s7] =	ssyncset.done $0x0  }
0x3cc: {  	[sflag:s7] =	ssyncadd.s32 $0xFFFFFF80  }
0x3cd: {  	_ =	swait.ge [sflag:s7], $0x80  }
0x3ce: {  	[sflag:s7] =	ssyncset.done $0x0  }
0x3cf: {  	[sflag:s7] =	ssyncadd.s32 $0xFFFFFF80  }
0x3d0: {  	_ =	swait.ge [sflag:s7], $0x80  }
0x3d1: {  	[sflag:s7] =	ssyncset.done $0x0  }
0x3d2: {  	[sflag:s7] =	ssyncadd.s32 $0xFFFFFF80  }
0x3d3: {  	_ =	swait.ge [sflag:s7], $0x80  }
0x3d4: {  	[sflag:s7] =	ssyncset.done $0x0  }
0x3d5: {  	[sflag:s7] =	ssyncadd.s32 $0xFFFFFF80  }
0x3d6: {  	_ =	swait.ge [sflag:s7], $0x80  }
0x3d7: {  	[sflag:s7] =	ssyncset.done $0x0  }
0x3d8: {  	[sflag:s7] =	ssyncadd.s32 $0xFFFFFF80  }
0x3d9: {  	_ =	swait.ge [sflag:s7], $0x80  }
0x3da: {  	[sflag:s7] =	ssyncset.done $0x0  }
0x3db: {  	[sflag:s7] =	ssyncadd.s32 $0xFFFFFF80  }
0x3dc: {  	_ =	swait.ge [sflag:s7], $0x80  }
0x3dd: {  	[sflag:s7] =	ssyncset.done $0x0  }
0x3de: {  	[sflag:s7] =	ssyncadd.s32 $0xFFFFFF80  }
0x3df: {  	_ =	swait.ge [sflag:s7], $0x80  }
0x3e0: {  	[sflag:s7] =	ssyncset.done $0x0  }
0x3e1: {  	[sflag:s7] =	ssyncadd.s32 $0xFFFFFF80  }
0x3e2: {  	_ =	swait.ge [sflag:s7], $0x80  }
0x3e3: {  	[sflag:s7] =	ssyncset.done $0x0  }
0x3e4: {  	[sflag:s7] =	ssyncadd.s32 $0xFFFFFF80  }
0x3e5: {  	_ =	swait.ge [sflag:s7], $0x80  }
0x3e6: {  	[sflag:s7] =	ssyncset.done $0x0  }
0x3e7: {  	[sflag:s7] =	ssyncadd.s32 $0xFFFFFF80  }
0x3e8: {  	_ =	swait.ge [sflag:s7], $0x80  }
0x3e9: {  	[sflag:s7] =	ssyncset.done $0x0  }
0x3ea: {  	[sflag:s7] =	ssyncadd.s32 $0xFFFFFF80  }
0x3eb: {  	_ =	swait.ge [sflag:s7], $0x80  }
0x3ec: {  	[sflag:s7] =	ssyncset.done $0x0  }
0x3ed: {  	[sflag:s7] =	ssyncadd.s32 $0xFFFFFF80  }
0x3ee: {  	_ =	swait.ge [sflag:s7], $0x80  }
0x3ef: {  	[sflag:s7] =	ssyncset.done $0x0  }
0x3f0: {  	[sflag:s7] =	ssyncadd.s32 $0xFFFFFF80  }
0x3f1: {  	_ =	swait.ge [sflag:s7], $0x80  }
0x3f2: {  	[sflag:s7] =	ssyncset.done $0x0  }
0x3f3: {  	[sflag:s7] =	ssyncadd.s32 $0xFFFFFF80  }
0x3f4: {  	_ =	swait.ge [sflag:s7], $0x80  }
0x3f5: {  	[sflag:s7] =	ssyncset.done $0x0  }
0x3f6: {  	[sflag:s7] =	ssyncadd.s32 $0xFFFFFF80  }
0x3f7: {  	_ =	swait.ge [sflag:s7], $0x80  }
0x3f8: {  	[sflag:s7] =	ssyncset.done $0x0  }
0x3f9: {  	[sflag:s7] =	ssyncadd.s32 $0xFFFFFF80  }
0x3fa: {  	_ =	swait.ge [sflag:s7], $0x80  }
0x3fb: {  	p0 =	sne.s32 s4, $0x1;
	[sflag:s7] =	ssyncset.done $0x0  }
.Ltmp0:
0x3fc: {  	s31 =	rddreg [dreg:$0x4];
	[sflag:s7] =	ssyncadd.s32 $0xFFFFFF80;
	(pc) =	sbr.rel @p0 .LBB2_1-.Ltmp0, $4  }
0x3fd: {  	[hbm4b:s31+s2] =	stream.linear.scatter [tilespmem:s6], [sflag:$0x2], $0x4000, $0x38;
	[tilespmem:$0x4080] =	vst v63  }
0x3fe: {  	_ =	swait.ge [sflag:s5], $0x4000  }
0x3ff: {  	[sflag:s5] =	ssyncset.done $0x0  }
0x400: {  	s4 =	sadd.s32 $0xFFFFFFFF, s4;
	[sflag:s5] =	ssyncadd.s32 $0xFFFFC000  }
0x401: {  	_ =	sfence.sel $0x180000  }
0x402: {  	[bflag:$0x0] =	sbarrier.arrive $0xFFFF  }
0x403: {  	p0 =	sne.s32 s0, $0x0;
	_ =	strace $0x90000047  }
0x404: {  	s0 =	sadd.s32 @!p0 $0x100000, s1;
	[bflag:$0x2] =	sbarrier.arrive $0xFFFF  }
0x405: {  	[sflag:s0] =	ssyncadd.tile.s32 @!p0 $0x1;
	_ =	shalt  }
.Lfunc_end2:
_tile_overlayer_lowered:
.L_overlay_start_2:
0x406: {  	(tag) =	ssettag $0x2  }
0x407: {  	s0 =	rddreg [dreg:$0x0];
	s2 =	stileid.u32  }
0x408: {  	s1 =	rddreg [dreg:$0x1];
	p0 =	sne.s32 s2, $0x0  }
0x409: {  	s3 =	rddreg [dreg:$0x2];
	[bflag:$0x3] =	sbarrier.arrive $0xFFFF;
	s2 =	simm.s32 @!p0 $0x1C02  }
0x40a: {  	[timem:s3], [sflag:s2] =	dma.local @!p0 [hbm:s0], s1  }
0x40b: {  	s0 =	simm.s32 @!p0 $0x2  }
0x40c: {  	_ =	swait.ge @!p0 [sflag:s0], s1  }
0x40d: {  	s1 =	ssub.s32 @!p0 $0x0, s1;
	[sflag:s0] =	ssyncset.done @!p0 $0x0  }
0x40e: {  	[sflag:s0] =	ssyncadd.s32 @!p0 s1  }
0x40f: {  	[bflag:$0x3] =	sbarrier.arrive $0xFFFF  }
0x410: {  	_ =	shalt  }

// kernel: kernel.8.cloned.1.call-start
scs
__scs_entry_jumppad:
0x0: {  	(pc) =	sbr.rel $0x88, $3  }
0x1: {  	(tag) =	ssettag $0x0;
	lr =	simm.s32 $0x1  }
0x2: {  	[smem:$0x3F97] =	sst lr;
	_ =	strace $0xD0000000  }
0x3: {  	_ = 	snop  }
0x4: {  	_ = 	snop  }
0x5: {  	_ = 	snop  }
0x6: {  	_ = 	snop  }
0x7: {  	_ = 	snop  }
__scs_overlays_trampoline_lowered:
0x8: {  	[smem:$0x3FA6] =	sst s0  }
0x9: {  	[smem:$0x3FA7] =	sst s1  }
0xa: {  	[smem:$0x3FA8] =	sst s2  }
0xb: {  	[smem:$0x3FA9] =	sst s3  }
0xc: {  	[smem:$0x3FAA] =	sst s4  }
0xd: {  	[smem:$0x3FAB] =	sst s5  }
0xe: {  	[smem:$0x3FAC] =	sst s6  }
0xf: {  	[smem:$0x3FAD] =	sst s7  }
0x10: {  	[smem:$0x3FAE] =	sst s8  }
0x11: {  	[smem:$0x3FAF] =	sst s9;
	s0 =	simm.s32 @!p0 $0x0  }
0x12: {  	s1 =	sld [smem:$0x3F95];
	s0 =	simm.s32 @p0 $0x1  }
0x13: {  	[smem:$0x3FB0] =	sst s0;
	s0 =	simm.s32 @!p1 $0x0  }
0x14: {  	s2 =	sld [smem:$0x3F94];
	s0 =	simm.s32 @p1 $0x1  }
0x15: {  	[smem:$0x3FB1] =	sst s0;
	s0 =	simm.s32 @!p2 $0x0  }
0x16: {  	s3 =	sld [smem:$0x3FDB];
	s0 =	simm.s32 @p2 $0x1  }
0x17: {  	s4 =	simm.s32 $0x1BF5;
	[smem:$0x3FB3] =	sst s0  }
0x18: {  	s0 =	sld [smem:$0x3F96];
	_ =	swait.ge [sflag:s4], $0x0  }
0x19: {  	s7 =	sld [smem:$0x3F97]  }
0x1a: {  	s8 =	sadd.s32 $0xFFFFE003, lr  }
0x1b: {  	s9 =	sadd.s32 $0xFFFFFEF7, lr;
	s5 =	simm.s32 $0xFFFFFFFF;
	p2 =	slt.u32 s8, $0xFFFFF086  }
0x1c: {  	p1 =	slt.u32 s9, $0xF7A;
	s5 =	simm.s32 @!p2 $0x0  }
0x1d: {  	s5 =	simm.s32 @p1 $0x1;
	p0 =	seq.s32 s7, s2  }
0x1e: {  	s7 =	smul.u32 @!p0 $0xF7A, s2;
	p2 =	seq.s32 @!p0 s5, $0x0  }
0x1f: {  	s9 =	smul.u32 $0xF7A, s1;
	s8 =	simm.s32 @!p0 $0x1BF5;
	p2 =	por !p2, p0  }
0x20: {  	[sflag:s8] =	ssyncset.s32 @!p0 $0xFFFFF086;
	s6 =	sadd.s32 @!p0 s3, s7;
	s7 =	simm.s32 @!p0 $0x108  }
0x21: {  	s3 =	sadd.s32 s3, s9;
	s6 =	sadd.s32 @!p0 $0x88, s6;
	s7 =	simm.s32 @p2 $0x1082  }
0x22: {  	[simem:s7], [sflag:s8] =	dma.local @!p0 [hbm:s6], $0xF7A  }
0x23: {  	s9 =	sor.u32 $0xD0000000, s2;
	s6 =	simm.s32 $0x108;
	_ =	swait.ge @!p0 [sflag:s8], $0x0  }
0x24: {  	s3 =	sadd.s32 $0x88, s3;
	s6 =	simm.s32 @!p1 $0x1082;
	[sflag:s4] =	ssyncset.s32 $0xFFFFF086  }
0x25: {  	[simem:s6], [sflag:s4] =	dma.local [hbm:s3], $0xF7A  }
0x26: {  	[smem:$0x3F97] =	sst s1;
	(tag) =	ssettag s2;
	_ =	strace s9  }
0x27: {  	s1 =	sld [smem:$0x3FA7]  }
0x28: {  	s2 =	sld [smem:$0x3FA8]  }
0x29: {  	s4 =	sld [smem:$0x3FAA]  }
0x2a: {  	p0 =	seq.s32 s5, $0x0;
	s5 =	sld [smem:$0x3FAB]  }
0x2b: {  	s6 =	sld [smem:$0x3FAC]  }
0x2c: {  	s7 =	sld [smem:$0x3FAD]  }
0x2d: {  	s3 =	simm.s32 $0x108;
	s8 =	sld [smem:$0x3FAE]  }
0x2e: {  	s3 =	simm.s32 @!p0 $0x1082;
	s9 =	sld [smem:$0x3FAF]  }
0x2f: {  	lr =	sadd.s32 s0, s3;
	s0 =	sld [smem:$0x3FA6]  }
0x30: {  	s3 =	sld [smem:$0x3FA9]  }
0x31: {  	[smem:$0x3FB2] =	sst s10  }
0x32: {  	s10 =	sld [smem:$0x3FB0];
	_ =	sdelay $0x3  }
0x33: {  	p0 =	seq.s32 s10, $0x1;
	s10 =	sld [smem:$0x3FB2];
	_ =	sdelay $0x3  }
0x34: {  	[smem:$0x3FB2] =	sst s10  }
0x35: {  	s10 =	sld [smem:$0x3FB1];
	_ =	sdelay $0x3  }
0x36: {  	p1 =	seq.s32 s10, $0x1;
	s10 =	sld [smem:$0x3FB2];
	_ =	sdelay $0x3  }
0x37: {  	[smem:$0x3FB2] =	sst s10  }
0x38: {  	s10 =	sld [smem:$0x3FB3]  }
0x39: {  	_ = 	snop;
	(pc) =	sbr.ind lr, $3  }
0x3a: {  	_ = 	snop  }
0x3b: {  	_ = 	snop  }
0x3c: {  	p2 =	seq.s32 s10, $0x1;
	s10 =	sld [smem:$0x3FB2]  }
0x3d: {  	_ =	shalt  }
0x3e: {  	_ =	shalt  }
0x3f: {  	_ =	shalt  }
0x40: {  	_ =	shalt  }
0x41: {  	_ =	shalt  }
0x42: {  	_ =	shalt  }
0x43: {  	_ =	shalt  }
0x44: {  	_ =	shalt  }
0x45: {  	_ =	shalt  }
0x46: {  	_ =	shalt  }
0x47: {  	_ =	shalt  }
0x48: {  	_ =	shalt  }
0x49: {  	_ =	shalt  }
0x4a: {  	_ =	shalt  }
0x4b: {  	_ =	shalt  }
0x4c: {  	_ =	shalt  }
0x4d: {  	_ =	shalt  }
0x4e: {  	_ =	shalt  }
0x4f: {  	_ =	shalt  }
0x50: {  	_ =	shalt  }
0x51: {  	_ =	shalt  }
0x52: {  	_ =	shalt  }
0x53: {  	_ =	shalt  }
0x54: {  	_ =	shalt  }
0x55: {  	_ =	shalt  }
0x56: {  	_ =	shalt  }
0x57: {  	_ =	shalt  }
0x58: {  	_ =	shalt  }
0x59: {  	_ =	shalt  }
0x5a: {  	_ =	shalt  }
0x5b: {  	_ =	shalt  }
0x5c: {  	_ =	shalt  }
0x5d: {  	_ =	shalt  }
0x5e: {  	_ =	shalt  }
0x5f: {  	_ =	shalt  }
0x60: {  	_ =	shalt  }
0x61: {  	_ =	shalt  }
0x62: {  	_ =	shalt  }
0x63: {  	_ =	shalt  }
0x64: {  	_ =	shalt  }
0x65: {  	_ =	shalt  }
0x66: {  	_ =	shalt  }
0x67: {  	_ =	shalt  }
0x68: {  	_ =	shalt  }
0x69: {  	_ =	shalt  }
0x6a: {  	_ =	shalt  }
0x6b: {  	_ =	shalt  }
0x6c: {  	_ =	shalt  }
0x6d: {  	_ =	shalt  }
0x6e: {  	_ =	shalt  }
0x6f: {  	_ =	shalt  }
0x70: {  	_ =	shalt  }
0x71: {  	_ =	shalt  }
0x72: {  	_ =	shalt  }
0x73: {  	_ =	shalt  }
0x74: {  	_ =	shalt  }
0x75: {  	_ =	shalt  }
0x76: {  	_ =	shalt  }
0x77: {  	_ =	shalt  }
0x78: {  	_ =	shalt  }
0x79: {  	_ =	shalt  }
0x7a: {  	_ =	shalt  }
0x7b: {  	_ =	shalt  }
0x7c: {  	_ =	shalt  }
0x7d: {  	_ =	shalt  }
0x7e: {  	_ =	shalt  }
0x7f: {  	_ =	shalt  }
0x80: {  	_ =	shalt  }
0x81: {  	_ =	shalt  }
0x82: {  	_ =	shalt  }
0x83: {  	_ =	shalt  }
0x84: {  	_ =	shalt  }
0x85: {  	_ =	shalt  }
0x86: {  	_ =	shalt  }
0x87: {  	_ =	shalt  }
.Lfunc_end0:
.L_simem_size_0:
called_computation.1_lowered:
.L_overlay_start_0:
0x88: {  	s2 =	sld [smem:$0x3FD9]  }
0x89: {  	s3 =	sld [smem:$0x3FFE];
	_ =	sdelay $0x1  }
0x8a: {  	s1 =	srdreg.scid  }
0x8b: {  	s0 =	sand.u32 $0x1, s1  }
0x8c: {  	s17 =	sshll.u32 s0, $0xA;
	s2 =	sadd.s32 s3, s2  }
0x8d: {  	s2 =	sadd.s32 s2, s17  }
0x8e: {  	[smem:$0x3FBE] =	sst s2  }
0x8f: {  	_ = 	snop  }
0x90: {  	s4 =	sld [smem:$0x3FC9]  }
0x91: {  	s5 =	sld [smem:$0x3FC8]  }
0x92: {  	s6 =	sld [smem:$0x3FC7]  }
0x93: {  	s7 =	sld [smem:$0x3FC6]  }
0x94: {  	s18 =	sld [smem:$0x3FD0];
	(tm) =	ssettm $0x1  }
0x95: {  	s19 =	sld [smem:$0x3FFB];
	_ =	sdelay $0x3  }
0x96: {  	_ =	strace s19  }
0x97: {  	s2 =	sld [smem:$0x3FFC];
	_ =	sdelay $0x3  }
0x98: {  	_ =	strace s2  }
0x99: {  	s2 =	sld [smem:$0x3FFD];
	_ =	sdelay $0x3  }
0x9a: {  	_ =	strace s2  }
0x9b: {  	_ =	strace $0x8FFFFFFF  }
0x9c: {  	s20 =	sld [smem:$0x3FDB];
	_ =	sdelay $0x1  }
0x9d: {  	s8 =	simm.s32 $_scs_section_size  }
0x9e: {  	s9 =	simm.s32 $_size__tile_overlayer_lowered;
	s10 =	simm.s32 $_tile_overlayer_lowered  }
0x9f: {  	s11 =	simm.s32 $0x1BFF;
	s21 =	sshll.u32 s10, $0x1;
	s8 =	sadd.s32 s8, s20  }
0xa0: {  	s22 =	simm.s32 $0x0;
	s9 =	sshll.u32 s9, $0x1;
	s10 =	sadd.s32 s21, s8  }
0xa1: {  	[timem:s22], [sflag:s11] =	dma.local [hbm:s10], s9  }
0xa2: {  	_ =	swait.ge [sflag:s11], s9  }
0xa3: {  	s9 =	ssub.s32 $0x0, s9;
	[sflag:s11] =	ssyncset.done $0x0  }
0xa4: {  	[sflag:s11] =	ssyncadd.s32 s9;
	_ =	sdelay $0x1  }
0xa5: {  	s23 =	simm.s32 $0x1B8B  }
0xa6: {  	_ =	swait.ge [sflag:s23], $0x1  }
0xa7: {  	[sflag:s23] =	ssyncset.done $0x0  }
0xa8: {  	[sflag:s23] =	ssyncadd.s32 $0xFFFFFFFF  }
0xa9: {  	s9 =	sld [smem:$0x0]  }
0xaa: {  	s10 =	sand.u32 $0xFFFFFFFE, s1  }
0xab: {  	p0 =	sne.s32 s1, s10  }
0xac: {  	s10 =	sshll.u32 @p0 s10, $0xE  }
0xad: {  	s10 =	sadd.s32 @p0 $0x11B8D, s10;
	s11 =	sshll.u32 @p0 s9, $0x11  }
0xae: {  	s10 =	sor.u32 @p0 s11, s10  }
0xaf: {  	[sflag:s10] =	ssyncadd.remote.s32 @p0 $0x1;
	_ =	sdelay $0x1  }
0xb0: {  	s10 =	simm.s32 @p0 $0x1B8D  }
0xb1: {  	_ =	swait.eq @p0 [sflag:s10], $0x1  }
0xb2: {  	[sflag:s10] =	ssyncadd.s32 @p0 $0xFFFFFFFF  }
0xb3: {  	s11 =	sshll.u32 @!p0 s1, $0xE  }
0xb4: {  	s11 =	sor.u32 @!p0 $0x4000, s11;
	s10 =	simm.s32 @!p0 $0x1B8D  }
0xb5: {  	s9 =	sshll.u32 @!p0 s9, $0x11;
	s11 =	sadd.s32 @!p0 $0x11B8D, s11;
	_ =	swait.eq @!p0 [sflag:s10], $0x1  }
0xb6: {  	s9 =	sor.u32 @!p0 s9, s11;
	[sflag:s10] =	ssyncadd.s32 @!p0 $0xFFFFFFFF  }
0xb7: {  	s25 =	simm.s32 $0x1B8E;
	s24 =	sld [smem:$0x3FFE];
	[sflag:s9] =	ssyncadd.remote.s32 @!p0 $0x1  }
0xb8: {  	s26 =	simm.s32 $execute0_lowered;
	[smem:$0x3FD2] =	sst s25  }
0xb9: {  	s10 =	sshll.u32 s26, $0x1;
	_ =	strace $0x80000049;
	[dreg:$0x1] =	wrdreg $0xFFFFFFFF  }
0xba: {  	s28 =	simm.s32 $_size_execute0_lowered;
	s8 =	sadd.s32 s8, s10;
	[dreg:$0x0] =	wrdreg $0x0  }
0xbb: {  	s10 =	sshll.u32 s28, $0x1;
	[dreg:$0x2] =	wrdreg s8  }
0xbc: {  	[dreg:$0x3] =	wrdreg s10  }
0xbd: {  	[dreg:$0x4] =	wrdreg $0xC0  }
0xbe: {  	_ =	task [dreg:s22], $0x5FFFF  }
0xbf: {  	[dreg:$0x1] =	wrdreg $0xFFFFFFFF  }
0xc0: {  	[dreg:$0x0] =	wrdreg $0x60  }
0xc1: {  	[dreg:$0x2] =	wrdreg s4  }
0xc2: {  	[dreg:$0x3] =	wrdreg s5  }
0xc3: {  	[dreg:$0x4] =	wrdreg s6  }
0xc4: {  	[dreg:$0x5] =	wrdreg s7  }
0xc5: {  	[dreg:$0x6] =	wrdreg s24  }
0xc6: {  	[dreg:$0x7] =	wrdreg s18  }
0xc7: {  	[dreg:$0x8] =	wrdreg $0xA  }
0xc8: {  	_ =	task.clear_ibuf [dreg:s22], $0x9FFFF;
	_ =	strace $0x90000049  }
0xc9: {  	s29 =	simm.s32 $0xA;
	_ =	strace $0x8000004B  }
0xca: {  	_ =	swait.ge [sflag:s29], $0x1  }
0xcb: {  	[sflag:s29] =	ssyncadd.s32 $0xFFFFFFFF  }
0xcc: {  	_ =	strace $0x9000004B  }
0xcd: {  	_ =	sfence  }
0xce: {  	s30 =	sld [smem:$0x0];
	_ =	sdelay $0x2  }
0xcf: {  	s31 =	sshll.u32 s1, $0xD;
	s1 =	sshrl.u32 s1, $0x2  }
0xd0: {  	s4 =	sand.u32 $0x4000, s31;
	s1 =	sadd.s32 s1, s30  }
0xd1: {  	s0 =	sor.u32 s4, s0;
	s1 =	sshll.u32 s1, $0x11  }
0xd2: {  	s0 =	sor.u32 s1, s0  }
0xd3: {  	s0 =	sadd.s32 $0x8F2B, s0  }
0xd4: {  	[sflag:s0] =	ssyncadd.remote.s32 $0x1  }
0xd5: {  	_ =	sfence.sel $0xFFFF  }
0xd6: {  	[dreg:$0x0] =	wrdreg $0xFFFFFFFF;
	(pc) =	sbr.abs _section_cstart, $3  }
0xd7: {  	[dreg:$0x1] =	wrdreg $0xFFFFFFFF  }
0xd8: {  	_ =	task.clear_ibuf [dreg:s22], $0x2FFFF;
	_ =	strace $0x9FFFFFFF  }
0xd9: {  	(tm) =	ssettm $0x7FFFFFFF  }
tec
execute0_lowered:
.L_overlay_start_1:
0x0: {  	(tag) =	ssettag $0x1  }
0x1: {  	s6 =	rddreg [dreg:$0x0]  }
0x2: {  	s1 =	rddreg [dreg:$0x1]  }
0x3: {  	s2 =	rddreg [dreg:$0x2]  }
0x4: {  	s3 =	rddreg [dreg:$0x3];
	s4 =	srdreg.scid  }
0x5: {  	s18 =	rddreg [dreg:$0x4];
	s0 =	stileid.u32;
	s26 =	sand.u32 $0x1, s4  }
0x6: {  	s20 =	rddreg [dreg:$0x5];
	s7 =	sshll.u32 s0, $0x8;
	s8 =	sshll.u32 s26, $0x7  }
0x7: {  	s5 =	simm.s32 $0x0;
	s4 =	rddreg [dreg:$0x6];
	s21 =	sor.u32 s8, s7  }
0x8: {  	[smem:$0x7FF] =	sst s5;
	s7 =	sshrl.u32 s21, $0x3  }
0x9: {  	_ =	strace $0x8000004A;
	s6 =	sadd.s32 s6, s7;
	s7 =	simm.s32 $0x4  }
0xa: {  	[tilespmem:s5], [sflag:$0x4] =	stream.linear.gather [hbm4b:s6+s5], $0x80, $0x38;
	[tilespmem:$0x1E00] =	vst v63  }
0xb: {  	_ =	swait.ge [sflag:s7], $0x80  }
0xc: {  	[sflag:s7] =	ssyncset.done $0x0  }
0xd: {  	s8 =	simm.s32 $0x80;
	[sflag:s7] =	ssyncadd.s32 $0xFFFFFF80  }
0xe: {  	[tilespmem:s8], [sflag:$0x1] =	stream.indirect.gather [hbm4b:s1+s8], $0x1, s5, s8, $0xb8;
	[tilespmem:$0x1E00] =	vst v63  }
0xf: {  	s9 =	simm.s32 $0x100  }
0x10: {  	[tilespmem:s9], [sflag:$0x2] =	stream.indirect.gather [hbm4b:s2+s8], $0x1, s5, s8, $0xb8;
	[tilespmem:$0x1E00] =	vst v63  }
0x11: {  	s10 =	simm.s32 $0x180;
	s11 =	simm.s32 $0x1  }
0x12: {  	[tilespmem:s10], [sflag:$0x3] =	stream.indirect.gather [hbm4b:s3+s8], $0x1, s5, s8, $0xb8;
	[tilespmem:$0x1E00] =	vst v63  }
0x13: {  	_ =	swait.ge [sflag:s11], $0x80  }
0x14: {  	s13 =	simm.s32 $0x200;
	[sflag:s11] =	ssyncset.done $0x0  }
0x15: {  	s14 =	simm.s32 $0x2;
	s12 =	sadd.s32 $0x199200, s18;
	[sflag:s11] =	ssyncadd.s32 $0xFFFFFF80  }
0x16: {  	[tilespmem:s13], [sflag:$0x1] =	stream.indirect.gather [hbm4b:s12+s8], $0x8, s8, s8, $0xb8;
	[tilespmem:$0x1E00] =	vst v63  }
0x17: {  	_ =	swait.ge [sflag:s14], $0x80  }
0x18: {  	s17 =	simm.s32 $0x600;
	[sflag:s14] =	ssyncset.done $0x0  }
0x19: {  	s16 =	simm.s32 $0x3;
	s15 =	sadd.s32 $0x199000, s18;
	[sflag:s14] =	ssyncadd.s32 $0xFFFFFF80  }
0x1a: {  	[tilespmem:s17], [sflag:$0x2] =	stream.indirect.gather [hbm4b:s15+s8], $0x10, s9, s8, $0xb8;
	[tilespmem:$0x1E00] =	vst v63  }
0x1b: {  	_ =	swait.ge [sflag:s16], $0x80  }
0x1c: {  	[sflag:s16] =	ssyncset.done $0x0  }
0x1d: {  	s19 =	simm.s32 $0xE00;
	s18 =	sadd.s32 $0x198000, s18;
	[sflag:s16] =	ssyncadd.s32 $0xFFFFFF80  }
0x1e: {  	[tilespmem:s19], [sflag:$0x3] =	stream.indirect.gather [hbm4b:s18+s8], $0x20, s10, s8, $0xb8;
	[tilespmem:$0x1E00] =	vst v63  }
0x1f: {  	_ =	swait.ge [sflag:s11], $0x400  }
0x20: {  	s21 =	sshll.u32 s21, $0x4;
	[sflag:s11] =	ssyncset.done $0x0  }
0x21: {  	s20 =	sadd.s32 s20, s21;
	s21 =	simm.s32 $0x8;
	[sflag:s11] =	ssyncadd.s32 $0xFFFFFC00  }
0x22: {  	[hbm4b:s20+s21] =	stream.strided.scatter [tilespmem:s13], [sflag:$0x1], $0x400, s8, s21, $0x38;
	[tilespmem:$0x1E00] =	vst v63  }
0x23: {  	_ =	swait.ge [sflag:s14], $0x800  }
0x24: {  	[sflag:s14] =	ssyncset.done $0x0  }
0x25: {  	s23 =	simm.s32 $0x10;
	s22 =	sadd.s32 $0x1, s20;
	[sflag:s14] =	ssyncadd.s32 $0xFFFFF800  }
0x26: {  	[hbm4b:s22+s23] =	stream.strided.scatter [tilespmem:s17], [sflag:$0x2], $0x800, s8, s23, $0x38;
	[tilespmem:$0x1E00] =	vst v63  }
0x27: {  	_ =	swait.ge [sflag:s16], $0x1000  }
0x28: {  	s25 =	simm.s32 $0x20;
	s26 =	ssub.s32 $0x2, s26;
	[sflag:s16] =	ssyncset.done $0x0  }
0x29: {  	s28 =	sshrl.u32 s26, $0x1;
	s24 =	sadd.s32 $0x3, s20;
	[sflag:s16] =	ssyncadd.s32 $0xFFFFF000  }
0x2a: {  	[hbm4b:s24+s25] =	stream.strided.scatter [tilespmem:s19], [sflag:$0x3], $0x1000, s8, s25, $0x38;
	[tilespmem:$0x1E00] =	vst v63  }
0x2b: {  	s26 =	ssub.s32 s26, s28;
	_ =	swait.ge [sflag:s11], $0x400  }
0x2c: {  	s26 =	smax.u32 s26, $0x1;
	[sflag:s11] =	ssyncset.done $0x0  }
0x2d: {  	p0 =	sne.s32 s26, $0x1;
	[sflag:s11] =	ssyncadd.s32 $0xFFFFFC00  }
.Ltmp0:
0x2e: {  	_ =	swait.ge [sflag:s14], $0x800;
	(pc) =	sbr.rel @!p0 .LBB2_2-.Ltmp0, $4  }
0x2f: {  	[sflag:s14] =	ssyncset.done $0x0  }
0x30: {  	[sflag:s14] =	ssyncadd.s32 $0xFFFFF800  }
0x31: {  	_ =	swait.ge [sflag:s16], $0x1000  }
0x32: {  	s26 =	sadd.s32 $0xFFFFFFFF, s26;
	[sflag:s16] =	ssyncset.done $0x0  }
.LBB2_1:
0x33: {  	p0 =	sne.s32 s26, $0x1;
	s26 =	sadd.s32 $0xFFFFFFFF, s26;
	[sflag:s16] =	ssyncadd.s32 $0xFFFFF000  }
0x34: {  	[tilespmem:s5], [sflag:$0x4] =	stream.linear.gather [hbm4b:s6+s5], $0x80, $0x38;
	[tilespmem:$0x1E00] =	vst v63  }
0x35: {  	_ =	swait.ge [sflag:s7], $0x80  }
0x36: {  	[sflag:s7] =	ssyncset.done $0x0  }
0x37: {  	[sflag:s7] =	ssyncadd.s32 $0xFFFFFF80  }
0x38: {  	[tilespmem:s8], [sflag:$0x1] =	stream.indirect.gather [hbm4b:s1+s8], $0x1, s5, s8, $0xb8;
	[tilespmem:$0x1E00] =	vst v63  }
0x39: {  	_ = 	snop  }
0x3a: {  	[tilespmem:s9], [sflag:$0x2] =	stream.indirect.gather [hbm4b:s2+s8], $0x1, s5, s8, $0xb8;
	[tilespmem:$0x1E00] =	vst v63  }
0x3b: {  	_ = 	snop  }
0x3c: {  	[tilespmem:s10], [sflag:$0x3] =	stream.indirect.gather [hbm4b:s3+s8], $0x1, s5, s8, $0xb8;
	[tilespmem:$0x1E00] =	vst v63  }
0x3d: {  	_ =	swait.ge [sflag:s11], $0x80  }
0x3e: {  	[sflag:s11] =	ssyncset.done $0x0  }
0x3f: {  	[sflag:s11] =	ssyncadd.s32 $0xFFFFFF80  }
0x40: {  	[tilespmem:s13], [sflag:$0x1] =	stream.indirect.gather [hbm4b:s12+s8], $0x8, s8, s8, $0xb8;
	[tilespmem:$0x1E00] =	vst v63  }
0x41: {  	_ =	swait.ge [sflag:s14], $0x80  }
0x42: {  	[sflag:s14] =	ssyncset.done $0x0  }
0x43: {  	[sflag:s14] =	ssyncadd.s32 $0xFFFFFF80  }
0x44: {  	[tilespmem:s17], [sflag:$0x2] =	stream.indirect.gather [hbm4b:s15+s8], $0x10, s9, s8, $0xb8;
	[tilespmem:$0x1E00] =	vst v63  }
0x45: {  	_ =	swait.ge [sflag:s16], $0x80  }
0x46: {  	[sflag:s16] =	ssyncset.done $0x0  }
0x47: {  	[sflag:s16] =	ssyncadd.s32 $0xFFFFFF80  }
0x48: {  	[tilespmem:s19], [sflag:$0x3] =	stream.indirect.gather [hbm4b:s18+s8], $0x20, s10, s8, $0xb8;
	[tilespmem:$0x1E00] =	vst v63  }
0x49: {  	_ =	swait.ge [sflag:s11], $0x400  }
0x4a: {  	[sflag:s11] =	ssyncset.done $0x0  }
0x4b: {  	[sflag:s11] =	ssyncadd.s32 $0xFFFFFC00  }
0x4c: {  	[hbm4b:s20+s21] =	stream.strided.scatter [tilespmem:s13], [sflag:$0x1], $0x400, s8, s21, $0x38;
	[tilespmem:$0x1E00] =	vst v63  }
0x4d: {  	_ =	swait.ge [sflag:s14], $0x800  }
0x4e: {  	[sflag:s14] =	ssyncset.done $0x0  }
0x4f: {  	[sflag:s14] =	ssyncadd.s32 $0xFFFFF800  }
0x50: {  	[hbm4b:s22+s23] =	stream.strided.scatter [tilespmem:s17], [sflag:$0x2], $0x800, s8, s23, $0x38;
	[tilespmem:$0x1E00] =	vst v63  }
0x51: {  	_ =	swait.ge [sflag:s16], $0x1000  }
0x52: {  	[sflag:s16] =	ssyncset.done $0x0  }
0x53: {  	[sflag:s16] =	ssyncadd.s32 $0xFFFFF000  }
0x54: {  	[hbm4b:s24+s25] =	stream.strided.scatter [tilespmem:s19], [sflag:$0x3], $0x1000, s8, s25, $0x38;
	[tilespmem:$0x1E00] =	vst v63  }
0x55: {  	_ =	swait.ge [sflag:s11], $0x400  }
0x56: {  	[sflag:s11] =	ssyncset.done $0x0  }
0x57: {  	[sflag:s11] =	ssyncadd.s32 $0xFFFFFC00  }
.Ltmp1:
0x58: {  	_ =	swait.ge [sflag:s14], $0x800;
	(pc) =	sbr.rel @p0 .LBB2_1-.Ltmp1, $4  }
0x59: {  	[sflag:s14] =	ssyncset.done $0x0  }
0x5a: {  	[sflag:s14] =	ssyncadd.s32 $0xFFFFF800  }
0x5b: {  	_ =	swait.ge [sflag:s16], $0x1000  }
0x5c: {  	[sflag:s16] =	ssyncset.done $0x0  }
.LBB2_2:
0x5d: {  	[sflag:s16] =	ssyncadd.s32 $0xFFFFF000  }
0x5e: {  	_ =	sfence.sel $0x180000  }
0x5f: {  	[bflag:$0x0] =	sbarrier.arrive $0xFFFF  }
0x60: {  	p0 =	sne.s32 s0, $0x0;
	_ =	strace $0x9000004A  }
0x61: {  	s0 =	sadd.s32 @!p0 $0x100000, s4;
	[bflag:$0x2] =	sbarrier.arrive $0xFFFF  }
0x62: {  	[sflag:s0] =	ssyncadd.tile.s32 @!p0 $0x1;
	_ =	shalt  }
.Lfunc_end2:
_tile_overlayer_lowered:
.L_overlay_start_2:
0x63: {  	(tag) =	ssettag $0x2  }
0x64: {  	s0 =	rddreg [dreg:$0x0];
	s2 =	stileid.u32  }
0x65: {  	s1 =	rddreg [dreg:$0x1];
	p0 =	sne.s32 s2, $0x0  }
0x66: {  	s3 =	rddreg [dreg:$0x2];
	[bflag:$0x3] =	sbarrier.arrive $0xFFFF;
	s2 =	simm.s32 @!p0 $0x1C04  }
0x67: {  	[timem:s3], [sflag:s2] =	dma.local @!p0 [hbm:s0], s1  }
0x68: {  	s0 =	simm.s32 @!p0 $0x4  }
0x69: {  	_ =	swait.ge @!p0 [sflag:s0], s1  }
0x6a: {  	s1 =	ssub.s32 @!p0 $0x0, s1;
	[sflag:s0] =	ssyncset.done @!p0 $0x0  }
0x6b: {  	[sflag:s0] =	ssyncadd.s32 @!p0 s1  }
0x6c: {  	[bflag:$0x3] =	sbarrier.arrive $0xFFFF  }
0x6d: {  	_ =	shalt  }

</sc_bundles>
